<compile_context>
chip_gen: v7x
topology: tpu7x:2x2x1
jax: 0.10.2.dev20260603
libtpu: 0.0.44.dev20260713+nightly
codegen_flags: <defaults>
</compile_context>

<pallas_src>
import jax
import jax.numpy as jnp
from jax import lax
from jax.experimental import pallas as pl
from jax.experimental.pallas import tpu as pltpu
from jax.experimental.pallas import tpu_sc as plsc

N = 10000
E = 320000
D = 128
D_E = 16
NC, NS = 2, 16
NW = NC * NS
CH = 128
NCHUNK = 80
SCH = 64
NSTREAM = NCHUNK * (CH // SCH)
NGRP = NSTREAM // 4
RPT = 624
RPT_LAST = N - RPT * (NS - 1)
RB = 2000
TEXTRA = 400
TROWS = N + TEXTRA
RB2 = TROWS // 5


def _prep_body(vfeat_ref, w_ref, b_ref, dv2_ref, out_ref):
    i = pl.program_id(0)
    wh = jnp.dot(vfeat_ref[...], w_ref[...], preferred_element_type=jnp.float32)
    rows = i * RB2 + lax.broadcasted_iota(jnp.int32, (RB2, 1), 0)
    out_ref[...] = jnp.where(rows < N, (wh + b_ref[...]) * dv2_ref[...], 0.0)


_prep = pl.pallas_call(
    _prep_body,
    grid=(5,),
    in_specs=[
        pl.BlockSpec((RB2, D), lambda i: (i, 0)),
        pl.BlockSpec((D, D), lambda i: (0, 0)),
        pl.BlockSpec((1, D), lambda i: (0, 0)),
        pl.BlockSpec((RB2, 1), lambda i: (i, 0)),
    ],
    out_specs=pl.BlockSpec((RB2, D), lambda i: (i, 0)),
    out_shape=jax.ShapeDtypeStruct((TROWS, D), jnp.float32),
)


def _mid_body(p_ref, inv_ref, e2_ref):
    i = pl.program_id(0)
    en = p_ref[0] + p_ref[1]
    rows = i * RB2 + lax.broadcasted_iota(jnp.int32, (RB2, 1), 0)
    e2_ref[...] = jnp.where(rows < N, en * inv_ref[...], 0.0)


_mid = pl.pallas_call(
    _mid_body,
    grid=(5,),
    in_specs=[
        pl.BlockSpec((2, RB2, D), lambda i: (0, i, 0)),
        pl.BlockSpec((RB2, 1), lambda i: (i, 0)),
    ],
    out_specs=pl.BlockSpec((RB2, D), lambda i: (i, 0)),
    out_shape=jax.ShapeDtypeStruct((TROWS, D), jnp.float32),
)


def _eout_body(p_ref, we_ref, be_ref, eout_ref):
    en = p_ref[0] + p_ref[1]
    eout_ref[...] = (
        jnp.dot(en, we_ref[...], preferred_element_type=jnp.float32) + be_ref[...]
    )


_eout = pl.pallas_call(
    _eout_body,
    grid=(N // RB,),
    in_specs=[
        pl.BlockSpec((2, RB, D), lambda i: (0, i, 0)),
        pl.BlockSpec((D, D_E), lambda i: (0, 0)),
        pl.BlockSpec((1, D_E), lambda i: (0, 0)),
    ],
    out_specs=pl.BlockSpec((RB, D_E), lambda i: (i, 0)),
    out_shape=jax.ShapeDtypeStruct((N, D_E), jnp.float32),
)


def _final_body(s_ref, dv2_ref, out_ref):
    out_ref[...] = jnp.maximum((s_ref[0] + s_ref[1]) * dv2_ref[...], 0.0)


_final = pl.pallas_call(
    _final_body,
    grid=(N // RB,),
    in_specs=[
        pl.BlockSpec((2, RB, D), lambda i: (0, i, 0)),
        pl.BlockSpec((RB, 1), lambda i: (i, 0)),
    ],
    out_specs=pl.BlockSpec((RB, D), lambda i: (i, 0)),
    out_shape=jax.ShapeDtypeStruct((N, D), jnp.float32),
)


EPN = E // NW
EPT = NCHUNK * CH - EPN
TPW = NCHUNK * CH


def _pad_block():
    cols = lax.broadcasted_iota(jnp.int32, (NW, EPT), 1)
    wv = lax.broadcasted_iota(jnp.int32, (NW, EPT), 0)
    return (N + cols) | (((cols + wv * EPT) % N) << 16)


def _pack1_body(ei_ref, pk_ref):
    pk_ref[:, :EPN] = ei_ref[0] | (ei_ref[1] << 16)
    pk_ref[:, EPN:] = _pad_block()


def _pack2_body(ei_ref, pk_ref):
    pk_ref[:, :EPN] = ei_ref[1] | (ei_ref[0] << 16)
    pk_ref[:, EPN:] = _pad_block()


_pack1 = pl.pallas_call(
    _pack1_body, out_shape=jax.ShapeDtypeStruct((NW, TPW), jnp.int32)
)
_pack2 = pl.pallas_call(
    _pack2_body, out_shape=jax.ShapeDtypeStruct((NW, TPW), jnp.int32)
)


def _sc_body(
    table, pidx, out,
    pk_v, g0, g1, g2, g3, s0, s1, s2, s3, b0, b1, b2, b3, acc,
    gm0, gm1, gm2, gm3, sm0, sm1, sm2, sm3,
):
    gs = (g0, g1, g2, g3)
    ss = (s0, s1, s2, s3)
    bs = (b0, b1, b2, b3)
    gms = (gm0, gm1, gm2, gm3)
    sms = (sm0, sm1, sm2, sm3)
    cid = lax.axis_index("c")
    sid = lax.axis_index("s")
    w = sid * NC + cid
    start = pl.multiple_of(sid * RPT, 8)
    pltpu.sync_copy(pidx.at[w], pk_v)

    def unpack(i, gbuf, sbuf):
        base = pl.multiple_of(i * SCH, 8)
        for j in range(SCH // 16):
            v = pk_v[pl.ds(base + j * 16, 16)]
            gbuf[pl.ds(j * 16, 16)] = v & 0xFFFF
            sbuf[pl.ds(j * 16, 16)] = lax.shift_right_logical(v, 16)

    def zrow(i, carry):
        for j in range(D // 16):
            b0[i, pl.ds(j * 16, 16)] = jnp.zeros((16,), jnp.float32)
        return carry

    lax.fori_loop(0, SCH, zrow, 0)

    @pl.when(sid < NS - 1)
    def _():
        for k in range(RPT // SCH):
            pltpu.sync_copy(b0, acc.at[pl.ds(start + k * SCH, SCH), :])
        pltpu.sync_copy(
            b0.at[pl.ds(0, RPT % SCH)],
            acc.at[pl.ds(start + (RPT // SCH) * SCH, RPT % SCH), :],
        )

    @pl.when(sid == NS - 1)
    def _():
        for k in range(RPT_LAST // SCH):
            pltpu.sync_copy(b0, acc.at[pl.ds(start + k * SCH, SCH), :])

    plsc.subcore_barrier()

    for k in range(4):
        unpack(k, gs[k], ss[k])
        pltpu.async_copy(table.at[gs[k]], bs[k], gms[k])
        if k >= 1:
            pltpu.make_async_copy(table.at[gs[k - 1]], bs[k - 1], gms[k - 1]).wait()
            pltpu.async_copy(bs[k - 1], acc.at[ss[k - 1]], sms[k - 1], add=True)

    def group(g, carry):
        for k in range(4):
            km1 = (k - 1) % 4
            pltpu.make_async_copy(bs[k], acc.at[ss[k]], sms[k]).wait()
            unpack(4 * g + k, gs[k], ss[k])
            pltpu.async_copy(table.at[gs[k]], bs[k], gms[k])
            pltpu.make_async_copy(table.at[gs[km1]], bs[km1], gms[km1]).wait()
            pltpu.async_copy(bs[km1], acc.at[ss[km1]], sms[km1], add=True)
        return carry

    lax.fori_loop(1, NGRP, group, 0)
    pltpu.make_async_copy(table.at[gs[3]], bs[3], gms[3]).wait()
    pltpu.async_copy(bs[3], acc.at[ss[3]], sms[3], add=True)
    for k in range(4):
        pltpu.make_async_copy(bs[k], acc.at[ss[k]], sms[k]).wait()
    plsc.subcore_barrier()

    @pl.when(sid < NS - 1)
    def _():
        pltpu.sync_copy(
            acc.at[pl.ds(start, RPT), :], out.at[cid, pl.ds(start, RPT), :]
        )

    @pl.when(sid == NS - 1)
    def _():
        pltpu.sync_copy(
            acc.at[pl.ds(start, RPT_LAST), :],
            out.at[cid, pl.ds(start, RPT_LAST), :],
        )


_sc_scatter = pl.kernel(
    _sc_body,
    out_type=jax.ShapeDtypeStruct((NC, N, D), jnp.float32),
    mesh=plsc.VectorSubcoreMesh(
        core_axis_name="c", subcore_axis_name="s", num_cores=NC, num_subcores=NS
    ),
    scratch_types=(
        [pltpu.VMEM((TPW,), jnp.int32)]
        + [pltpu.VMEM((SCH,), jnp.int32)] * 8
        + [pltpu.VMEM((SCH, D), jnp.float32)] * 4
        + [pltpu.VMEM_SHARED((N, D), jnp.float32)]
        + [pltpu.SemaphoreType.DMA] * 8
    ),
)


def kernel(vfeat, efeat, DV2, invDE, edge_index, W_v, b_v, W_e, b_e):
    ei = edge_index.reshape(2, NW, EPN)
    pk1 = _pack1(ei)
    pk2 = _pack2(ei)
    dv2c = DV2.reshape(N, 1)
    t1 = _prep(vfeat, W_v, b_v.reshape(1, D), dv2c)
    p = _sc_scatter(t1, pk1)
    e2 = _mid(p, invDE.reshape(N, 1))
    s = _sc_scatter(e2, pk2)
    efeat_out = _eout(p, W_e, b_e.reshape(1, D_E))
    vfeat_out = _final(s, dv2c)
    return (vfeat_out, efeat_out)

# --- scband reference (transcript-rebuilt; emitter-appended) ---
"""Pipeline reference for scband-hgnnlayer-2576980378141 (READ-ONLY COPY).

The authoritative reference and input builder live on the scoring server;
editing this copy changes nothing except your own understanding.
"""

import jax, jax.numpy as jnp
import numpy as np

N_NODES = 10000
N_HEDGES = 10000
N_INC = 320000
D_IN = 128
D_V = 128
D_E = 16

def setup_inputs(seed: int = 0) -> dict:
    key = jax.random.key(seed)
    ks = jax.random.split(key, 10)
    vfeat = jax.random.normal(ks[0], (N_NODES, D_IN), dtype=jnp.float32)
    efeat = jax.random.normal(ks[1], (N_HEDGES, D_V), dtype=jnp.float32)
    DV2 = jax.random.uniform(ks[2], (N_NODES,), dtype=jnp.float32)
    invDE = jax.random.uniform(ks[3], (N_HEDGES,), dtype=jnp.float32)
    edge_index = jax.random.randint(ks[4], (2, N_INC), 0, N_NODES, dtype=jnp.int32)
    # learned parameters (lin_v: input_dim->vertex_dim, lin_e: vertex_dim->edge_dim)
    W_v = jax.random.normal(ks[5], (D_IN, D_V), dtype=jnp.float32) * 0.05
    b_v = jnp.zeros((D_V,), dtype=jnp.float32)
    W_e = jax.random.normal(ks[6], (D_V, D_E), dtype=jnp.float32) * 0.05
    b_e = jnp.zeros((D_E,), dtype=jnp.float32)
    return {"vfeat": vfeat, "efeat": efeat, "DV2": DV2, "invDE": invDE,
            "edge_index": edge_index, "W_v": W_v, "b_v": b_v, "W_e": W_e, "b_e": b_e}

def reference(vfeat, efeat, DV2, invDE, edge_index, W_v, b_v, W_e, b_e):
    # edge_index row 0: node ids (src of 'in' etype, dst of 'con' etype)
    # edge_index row 1: hyperedge ids (dst of 'in' etype, src of 'con' etype)
    src = edge_index[0]
    dst = edge_index[1]
    # g1 phase: node -> hyperedge. Wh = lin_v(vfeat); reduce: sum(DV2[src] * Wh[src])
    Wh = vfeat @ W_v + b_v
    msg1 = DV2[src][:, None] * Wh[src]
    efeat_new = jax.ops.segment_sum(msg1, dst, num_segments=N_HEDGES)
    # g2 phase: hyperedge -> node. weight_mul = invDE[hedge] * DV2[node]
    weight_mul = invDE[dst] * DV2[src]
    msg2 = weight_mul[:, None] * efeat_new[dst]
    vfeat_out = jax.ops.segment_sum(msg2, src, num_segments=N_NODES)
    vfeat_out = jax.nn.relu(vfeat_out)
    # dropout omitted for deterministic reference (eval mode)
    # edge_dim > 0: efeat = lin_e(efeat)
    efeat_out = efeat_new @ W_e + b_e
    return (vfeat_out, efeat_out)

if __name__ == "__main__":
    import jax
    _d = setup_inputs()
    print(jax.jit(kernel)(*tuple(_d.values())))

</pallas_src>

<mosaic_0001>
#map = affine_map<(d0, d1) -> (0, 0)>
#map1 = affine_map<(d0, d1) -> (0, 0, 0)>
module attributes {stable_mosaic.version = 14 : i64} {
  func.func @_sc_body(%arg0: i32, %arg1: i32, %arg2: memref<10400x128xf32, #tpu.memory_space<hbm>>, %arg3: memref<32x10240xi32, #tpu.memory_space<hbm>>, %arg4: memref<2x10000x128xf32, #tpu.memory_space<hbm>>, %arg5: memref<10240xi32, #tpu.memory_space<vmem>>, %arg6: memref<64xi32, #tpu.memory_space<vmem>>, %arg7: memref<64xi32, #tpu.memory_space<vmem>>, %arg8: memref<64xi32, #tpu.memory_space<vmem>>, %arg9: memref<64xi32, #tpu.memory_space<vmem>>, %arg10: memref<64xi32, #tpu.memory_space<vmem>>, %arg11: memref<64xi32, #tpu.memory_space<vmem>>, %arg12: memref<64xi32, #tpu.memory_space<vmem>>, %arg13: memref<64xi32, #tpu.memory_space<vmem>>, %arg14: memref<64x128xf32, #tpu.memory_space<vmem>>, %arg15: memref<64x128xf32, #tpu.memory_space<vmem>>, %arg16: memref<64x128xf32, #tpu.memory_space<vmem>>, %arg17: memref<64x128xf32, #tpu.memory_space<vmem>>, %arg18: memref<10000x128xf32, #tpu.memory_space<vmem_shared>>, %arg19: memref<!tpu.dma_semaphore, #tpu.memory_space<semaphore_mem>>, %arg20: memref<!tpu.dma_semaphore, #tpu.memory_space<semaphore_mem>>, %arg21: memref<!tpu.dma_semaphore, #tpu.memory_space<semaphore_mem>>, %arg22: memref<!tpu.dma_semaphore, #tpu.memory_space<semaphore_mem>>, %arg23: memref<!tpu.dma_semaphore, #tpu.memory_space<semaphore_mem>>, %arg24: memref<!tpu.dma_semaphore, #tpu.memory_space<semaphore_mem>>, %arg25: memref<!tpu.dma_semaphore, #tpu.memory_space<semaphore_mem>>, %arg26: memref<!tpu.dma_semaphore, #tpu.memory_space<semaphore_mem>>) attributes {dimension_semantics = [#tpu.dimension_semantics<core_parallel>, #tpu.dimension_semantics<subcore_parallel>], iteration_bounds = array<i64: 2, 16>, scalar_prefetch = 0 : i64, scratch_operands = 22 : i64, tpu.core_type = #tpu.core_type<sc_vector_subcore>, window_params = [{transform_indices = #map}, {transform_indices = #map}, {transform_indices = #map1}]} {
    %mul3A = arith.constant 2 : i32
    %mul3A_0 = arith.muli %arg1, %mul3A : i32
    %add3A = arith.addi %mul3A_0, %arg0 : i32
    %mul3A_1 = arith.constant 624 : i32
    %mul3A_2 = arith.muli %arg1, %mul3A_1 : i32
    %multiple_of3A = tpu.assume_multiple %mul3A_2, 8 : i32
    "tpu.region"() ({
      %run_scoped3A = tpu.sem_alloc : memref<!tpu.dma_semaphore, #tpu.memory_space<semaphore_mem>>
      %dma_start3A_385 = arith.constant 0 : i32
      %dma_start3A_386 = tpu.memref_slice %arg3[%add3A, %dma_start3A_385] : memref<32x10240xi32, #tpu.memory_space<hbm>> -> memref<1x10240xi32, #tpu.memory_space<hbm>>
      %dma_start3A_387 = tpu.memref_squeeze %dma_start3A_386 : memref<1x10240xi32, #tpu.memory_space<hbm>> -> memref<10240xi32, #tpu.memory_space<hbm>>
      %dma_start3A_388 = arith.constant 0 : i32
      %dma_start3A_389 = tpu.memref_slice %arg3[%add3A, %dma_start3A_388] : memref<32x10240xi32, #tpu.memory_space<hbm>> -> memref<1x10240xi32, #tpu.memory_space<hbm>>
      %dma_start3A_390 = tpu.memref_squeeze %dma_start3A_389 : memref<1x10240xi32, #tpu.memory_space<hbm>> -> memref<10240xi32, #tpu.memory_space<hbm>>
      tpu.enqueue_dma source(%dma_start3A_390 : memref<10240xi32, #tpu.memory_space<hbm>>) target(%arg5 : memref<10240xi32, #tpu.memory_space<vmem>>) target_semaphore(%run_scoped3A : memref<!tpu.dma_semaphore, #tpu.memory_space<semaphore_mem>>)
      %dma_wait3A_391 = arith.constant 0 : i32
      %dma_wait3A_392 = tpu.memref_slice %arg3[%add3A, %dma_wait3A_391] : memref<32x10240xi32, #tpu.memory_space<hbm>> -> memref<1x10240xi32, #tpu.memory_space<hbm>>
      %dma_wait3A_393 = tpu.memref_squeeze %dma_wait3A_392 : memref<1x10240xi32, #tpu.memory_space<hbm>> -> memref<10240xi32, #tpu.memory_space<hbm>>
      %dma_wait3A_394 = arith.constant 0 : i32
      %dma_wait3A_395 = tpu.memref_slice %arg3[%add3A, %dma_wait3A_394] : memref<32x10240xi32, #tpu.memory_space<hbm>> -> memref<1x10240xi32, #tpu.memory_space<hbm>>
      %dma_wait3A_396 = tpu.memref_squeeze %dma_wait3A_395 : memref<1x10240xi32, #tpu.memory_space<hbm>> -> memref<10240xi32, #tpu.memory_space<hbm>>
      tpu.wait_dma2 semaphore(%run_scoped3A : memref<!tpu.dma_semaphore, #tpu.memory_space<semaphore_mem>>) src(%dma_wait3A_396 : memref<10240xi32, #tpu.memory_space<hbm>>) dst(%arg5 : memref<10240xi32, #tpu.memory_space<vmem>>)
      tpu.yield
    }) : () -> ()
    %scan3A = arith.constant 0 : i32
    %scan3A_3 = arith.constant 0 : i32
    %scan3A_4 = arith.constant 64 : i32
    %scan3A_5 = arith.addi %scan3A_3, %scan3A_4 : i32
    %scan3A_6 = arith.constant 1 : i32
    scf.for %scan3A_385 = %scan3A_3 to %scan3A_5 step %scan3A_6  : i32 {
      %broadcast_in_dim3A = arith.constant 0.000000e+00 : f32
      %broadcast_in_dim3A_386 = vector.broadcast %broadcast_in_dim3A : f32 to vector<16xf32>
      %swap3A_387 = arith.index_cast %scan3A_385 : i32 to index
      %swap3A_388 = arith.constant 0 : index
      %swap3A_389 = tpu.vector_load %arg14[%swap3A_387, %swap3A_388] {strides = array<i32>} : memref<64x128xf32, #tpu.memory_space<vmem>>, vector<1x16xf32>,
      %swap3A_390 = vector.shape_cast %swap3A_389 : vector<1x16xf32> to vector<16xf32>
      %swap3A_391 = vector.shape_cast %broadcast_in_dim3A_386 : vector<16xf32> to vector<1x16xf32>
      tpu.vector_store %arg14[%swap3A_387, %swap3A_388], %swap3A_391 {strides = array<i32>} : memref<64x128xf32, #tpu.memory_space<vmem>>, vector<1x16xf32>,
      %broadcast_in_dim3A_392 = arith.constant 0.000000e+00 : f32
      %broadcast_in_dim3A_393 = vector.broadcast %broadcast_in_dim3A_392 : f32 to vector<16xf32>
      %swap3A_394 = arith.index_cast %scan3A_385 : i32 to index
      %swap3A_395 = arith.constant 16 : index
      %swap3A_396 = tpu.vector_load %arg14[%swap3A_394, %swap3A_395] {strides = array<i32>} : memref<64x128xf32, #tpu.memory_space<vmem>>, vector<1x16xf32>,
      %swap3A_397 = vector.shape_cast %swap3A_396 : vector<1x16xf32> to vector<16xf32>
      %swap3A_398 = vector.shape_cast %broadcast_in_dim3A_393 : vector<16xf32> to vector<1x16xf32>
      tpu.vector_store %arg14[%swap3A_394, %swap3A_395], %swap3A_398 {strides = array<i32>} : memref<64x128xf32, #tpu.memory_space<vmem>>, vector<1x16xf32>,
      %broadcast_in_dim3A_399 = arith.constant 0.000000e+00 : f32
      %broadcast_in_dim3A_400 = vector.broadcast %broadcast_in_dim3A_399 : f32 to vector<16xf32>
      %swap3A_401 = arith.index_cast %scan3A_385 : i32 to index
      %swap3A_402 = arith.constant 32 : index
      %swap3A_403 = tpu.vector_load %arg14[%swap3A_401, %swap3A_402] {strides = array<i32>} : memref<64x128xf32, #tpu.memory_space<vmem>>, vector<1x16xf32>,
      %swap3A_404 = vector.shape_cast %swap3A_403 : vector<1x16xf32> to vector<16xf32>
      %swap3A_405 = vector.shape_cast %broadcast_in_dim3A_400 : vector<16xf32> to vector<1x16xf32>
      tpu.vector_store %arg14[%swap3A_401, %swap3A_402], %swap3A_405 {strides = array<i32>} : memref<64x128xf32, #tpu.memory_space<vmem>>, vector<1x16xf32>,
      %broadcast_in_dim3A_406 = arith.constant 0.000000e+00 : f32
      %broadcast_in_dim3A_407 = vector.broadcast %broadcast_in_dim3A_406 : f32 to vector<16xf32>
      %swap3A_408 = arith.index_cast %scan3A_385 : i32 to index
      %swap3A_409 = arith.constant 48 : index
      %swap3A_410 = tpu.vector_load %arg14[%swap3A_408, %swap3A_409] {strides = array<i32>} : memref<64x128xf32, #tpu.memory_space<vmem>>, vector<1x16xf32>,
      %swap3A_411 = vector.shape_cast %swap3A_410 : vector<1x16xf32> to vector<16xf32>
      %swap3A_412 = vector.shape_cast %broadcast_in_dim3A_407 : vector<16xf32> to vector<1x16xf32>
      tpu.vector_store %arg14[%swap3A_408, %swap3A_409], %swap3A_412 {strides = array<i32>} : memref<64x128xf32, #tpu.memory_space<vmem>>, vector<1x16xf32>,
      %broadcast_in_dim3A_413 = arith.constant 0.000000e+00 : f32
      %broadcast_in_dim3A_414 = vector.broadcast %broadcast_in_dim3A_413 : f32 to vector<16xf32>
      %swap3A_415 = arith.index_cast %scan3A_385 : i32 to index
      %swap3A_416 = arith.constant 64 : index
      %swap3A_417 = tpu.vector_load %arg14[%swap3A_415, %swap3A_416] {strides = array<i32>} : memref<64x128xf32, #tpu.memory_space<vmem>>, vector<1x16xf32>,
      %swap3A_418 = vector.shape_cast %swap3A_417 : vector<1x16xf32> to vector<16xf32>
      %swap3A_419 = vector.shape_cast %broadcast_in_dim3A_414 : vector<16xf32> to vector<1x16xf32>
      tpu.vector_store %arg14[%swap3A_415, %swap3A_416], %swap3A_419 {strides = array<i32>} : memref<64x128xf32, #tpu.memory_space<vmem>>, vector<1x16xf32>,
      %broadcast_in_dim3A_420 = arith.constant 0.000000e+00 : f32
      %broadcast_in_dim3A_421 = vector.broadcast %broadcast_in_dim3A_420 : f32 to vector<16xf32>
      %swap3A_422 = arith.index_cast %scan3A_385 : i32 to index
      %swap3A_423 = arith.constant 80 : index
      %swap3A_424 = tpu.vector_load %arg14[%swap3A_422, %swap3A_423] {strides = array<i32>} : memref<64x128xf32, #tpu.memory_space<vmem>>, vector<1x16xf32>,
      %swap3A_425 = vector.shape_cast %swap3A_424 : vector<1x16xf32> to vector<16xf32>
      %swap3A_426 = vector.shape_cast %broadcast_in_dim3A_421 : vector<16xf32> to vector<1x16xf32>
      tpu.vector_store %arg14[%swap3A_422, %swap3A_423], %swap3A_426 {strides = array<i32>} : memref<64x128xf32, #tpu.memory_space<vmem>>, vector<1x16xf32>,
      %broadcast_in_dim3A_427 = arith.constant 0.000000e+00 : f32
      %broadcast_in_dim3A_428 = vector.broadcast %broadcast_in_dim3A_427 : f32 to vector<16xf32>
      %swap3A_429 = arith.index_cast %scan3A_385 : i32 to index
      %swap3A_430 = arith.constant 96 : index
      %swap3A_431 = tpu.vector_load %arg14[%swap3A_429, %swap3A_430] {strides = array<i32>} : memref<64x128xf32, #tpu.memory_space<vmem>>, vector<1x16xf32>,
      %swap3A_432 = vector.shape_cast %swap3A_431 : vector<1x16xf32> to vector<16xf32>
      %swap3A_433 = vector.shape_cast %broadcast_in_dim3A_428 : vector<16xf32> to vector<1x16xf32>
      tpu.vector_store %arg14[%swap3A_429, %swap3A_430], %swap3A_433 {strides = array<i32>} : memref<64x128xf32, #tpu.memory_space<vmem>>, vector<1x16xf32>,
      %broadcast_in_dim3A_434 = arith.constant 0.000000e+00 : f32
      %broadcast_in_dim3A_435 = vector.broadcast %broadcast_in_dim3A_434 : f32 to vector<16xf32>
      %swap3A_436 = arith.index_cast %scan3A_385 : i32 to index
      %swap3A_437 = arith.constant 112 : index
      %swap3A_438 = tpu.vector_load %arg14[%swap3A_436, %swap3A_437] {strides = array<i32>} : memref<64x128xf32, #tpu.memory_space<vmem>>, vector<1x16xf32>,
      %swap3A_439 = vector.shape_cast %swap3A_438 : vector<1x16xf32> to vector<16xf32>
      %swap3A_440 = vector.shape_cast %broadcast_in_dim3A_435 : vector<16xf32> to vector<1x16xf32>
      tpu.vector_store %arg14[%swap3A_436, %swap3A_437], %swap3A_440 {strides = array<i32>} : memref<64x128xf32, #tpu.memory_space<vmem>>, vector<1x16xf32>,
    }
    %scan3A_7 = arith.constant 64 : i32
    %lt3A = arith.constant 15 : i32
    %lt3A_8 = arith.cmpi slt, %arg1, %lt3A : i32
    %convert_element_type3A = arith.extui %lt3A_8 : i1 to i32
    %cond3A = arith.constant 0 : i32
    %cond3A_9 = arith.cmpi ne, %convert_element_type3A, %cond3A : i32
    scf.if %cond3A_9 {
      %add3A_385 = arith.constant 0 : i32
      %add3A_386 = arith.addi %multiple_of3A, %add3A_385 : i32
      "tpu.region"() ({
        %run_scoped3A = tpu.sem_alloc : memref<!tpu.dma_semaphore, #tpu.memory_space<semaphore_mem>>
        %dma_start3A_405 = arith.constant 0 : i32
        %dma_start3A_406 = tpu.memref_slice %arg18[%add3A_386, %dma_start3A_405] : memref<10000x128xf32, #tpu.memory_space<vmem_shared>> -> memref<64x128xf32, #tpu.memory_space<vmem_shared>>
        %dma_start3A_407 = arith.constant 0 : i32
        %dma_start3A_408 = tpu.memref_slice %arg18[%add3A_386, %dma_start3A_407] : memref<10000x128xf32, #tpu.memory_space<vmem_shared>> -> memref<64x128xf32, #tpu.memory_space<vmem_shared>>
        tpu.enqueue_dma source(%arg14 : memref<64x128xf32, #tpu.memory_space<vmem>>) target(%dma_start3A_408 : memref<64x128xf32, #tpu.memory_space<vmem_shared>>) target_semaphore(%run_scoped3A : memref<!tpu.dma_semaphore, #tpu.memory_space<semaphore_mem>>)
        %dma_wait3A_409 = arith.constant 0 : i32
        %dma_wait3A_410 = tpu.memref_slice %arg18[%add3A_386, %dma_wait3A_409] : memref<10000x128xf32, #tpu.memory_space<vmem_shared>> -> memref<64x128xf32, #tpu.memory_space<vmem_shared>>
        %dma_wait3A_411 = arith.constant 0 : i32
        %dma_wait3A_412 = tpu.memref_slice %arg18[%add3A_386, %dma_wait3A_411] : memref<10000x128xf32, #tpu.memory_space<vmem_shared>> -> memref<64x128xf32, #tpu.memory_space<vmem_shared>>
        tpu.wait_dma2 semaphore(%run_scoped3A : memref<!tpu.dma_semaphore, #tpu.memory_space<semaphore_mem>>) src(%arg14 : memref<64x128xf32, #tpu.memory_space<vmem>>) dst(%dma_wait3A_412 : memref<64x128xf32, #tpu.memory_space<vmem_shared>>)
        tpu.yield
      }) : () -> ()
      %add3A_387 = arith.constant 64 : i32
      %add3A_388 = arith.addi %multiple_of3A, %add3A_387 : i32
      "tpu.region"() ({
        %run_scoped3A = tpu.sem_alloc : memref<!tpu.dma_semaphore, #tpu.memory_space<semaphore_mem>>
        %dma_start3A_405 = arith.constant 0 : i32
        %dma_start3A_406 = tpu.memref_slice %arg18[%add3A_388, %dma_start3A_405] : memref<10000x128xf32, #tpu.memory_space<vmem_shared>> -> memref<64x128xf32, #tpu.memory_space<vmem_shared>>
        %dma_start3A_407 = arith.constant 0 : i32
        %dma_start3A_408 = tpu.memref_slice %arg18[%add3A_388, %dma_start3A_407] : memref<10000x128xf32, #tpu.memory_space<vmem_shared>> -> memref<64x128xf32, #tpu.memory_space<vmem_shared>>
        tpu.enqueue_dma source(%arg14 : memref<64x128xf32, #tpu.memory_space<vmem>>) target(%dma_start3A_408 : memref<64x128xf32, #tpu.memory_space<vmem_shared>>) target_semaphore(%run_scoped3A : memref<!tpu.dma_semaphore, #tpu.memory_space<semaphore_mem>>)
        %dma_wait3A_409 = arith.constant 0 : i32
        %dma_wait3A_410 = tpu.memref_slice %arg18[%add3A_388, %dma_wait3A_409] : memref<10000x128xf32, #tpu.memory_space<vmem_shared>> -> memref<64x128xf32, #tpu.memory_space<vmem_shared>>
        %dma_wait3A_411 = arith.constant 0 : i32
        %dma_wait3A_412 = tpu.memref_slice %arg18[%add3A_388, %dma_wait3A_411] : memref<10000x128xf32, #tpu.memory_space<vmem_shared>> -> memref<64x128xf32, #tpu.memory_space<vmem_shared>>
        tpu.wait_dma2 semaphore(%run_scoped3A : memref<!tpu.dma_semaphore, #tpu.memory_space<semaphore_mem>>) src(%arg14 : memref<64x128xf32, #tpu.memory_space<vmem>>) dst(%dma_wait3A_412 : memref<64x128xf32, #tpu.memory_space<vmem_shared>>)
        tpu.yield
      }) : () -> ()
      %add3A_389 = arith.constant 128 : i32
      %add3A_390 = arith.addi %multiple_of3A, %add3A_389 : i32
      "tpu.region"() ({
        %run_scoped3A = tpu.sem_alloc : memref<!tpu.dma_semaphore, #tpu.memory_space<semaphore_mem>>
        %dma_start3A_405 = arith.constant 0 : i32
        %dma_start3A_406 = tpu.memref_slice %arg18[%add3A_390, %dma_start3A_405] : memref<10000x128xf32, #tpu.memory_space<vmem_shared>> -> memref<64x128xf32, #tpu.memory_space<vmem_shared>>
        %dma_start3A_407 = arith.constant 0 : i32
        %dma_start3A_408 = tpu.memref_slice %arg18[%add3A_390, %dma_start3A_407] : memref<10000x128xf32, #tpu.memory_space<vmem_shared>> -> memref<64x128xf32, #tpu.memory_space<vmem_shared>>
        tpu.enqueue_dma source(%arg14 : memref<64x128xf32, #tpu.memory_space<vmem>>) target(%dma_start3A_408 : memref<64x128xf32, #tpu.memory_space<vmem_shared>>) target_semaphore(%run_scoped3A : memref<!tpu.dma_semaphore, #tpu.memory_space<semaphore_mem>>)
        %dma_wait3A_409 = arith.constant 0 : i32
        %dma_wait3A_410 = tpu.memref_slice %arg18[%add3A_390, %dma_wait3A_409] : memref<10000x128xf32, #tpu.memory_space<vmem_shared>> -> memref<64x128xf32, #tpu.memory_space<vmem_shared>>
        %dma_wait3A_411 = arith.constant 0 : i32
        %dma_wait3A_412 = tpu.memref_slice %arg18[%add3A_390, %dma_wait3A_411] : memref<10000x128xf32, #tpu.memory_space<vmem_shared>> -> memref<64x128xf32, #tpu.memory_space<vmem_shared>>
        tpu.wait_dma2 semaphore(%run_scoped3A : memref<!tpu.dma_semaphore, #tpu.memory_space<semaphore_mem>>) src(%arg14 : memref<64x128xf32, #tpu.memory_space<vmem>>) dst(%dma_wait3A_412 : memref<64x128xf32, #tpu.memory_space<vmem_shared>>)
        tpu.yield
      }) : () -> ()
      %add3A_391 = arith.constant 192 : i32
      %add3A_392 = arith.addi %multiple_of3A, %add3A_391 : i32
      "tpu.region"() ({
        %run_scoped3A = tpu.sem_alloc : memref<!tpu.dma_semaphore, #tpu.memory_space<semaphore_mem>>
        %dma_start3A_405 = arith.constant 0 : i32
        %dma_start3A_406 = tpu.memref_slice %arg18[%add3A_392, %dma_start3A_405] : memref<10000x128xf32, #tpu.memory_space<vmem_shared>> -> memref<64x128xf32, #tpu.memory_space<vmem_shared>>
        %dma_start3A_407 = arith.constant 0 : i32
        %dma_start3A_408 = tpu.memref_slice %arg18[%add3A_392, %dma_start3A_407] : memref<10000x128xf32, #tpu.memory_space<vmem_shared>> -> memref<64x128xf32, #tpu.memory_space<vmem_shared>>
        tpu.enqueue_dma source(%arg14 : memref<64x128xf32, #tpu.memory_space<vmem>>) target(%dma_start3A_408 : memref<64x128xf32, #tpu.memory_space<vmem_shared>>) target_semaphore(%run_scoped3A : memref<!tpu.dma_semaphore, #tpu.memory_space<semaphore_mem>>)
        %dma_wait3A_409 = arith.constant 0 : i32
        %dma_wait3A_410 = tpu.memref_slice %arg18[%add3A_392, %dma_wait3A_409] : memref<10000x128xf32, #tpu.memory_space<vmem_shared>> -> memref<64x128xf32, #tpu.memory_space<vmem_shared>>
        %dma_wait3A_411 = arith.constant 0 : i32
        %dma_wait3A_412 = tpu.memref_slice %arg18[%add3A_392, %dma_wait3A_411] : memref<10000x128xf32, #tpu.memory_space<vmem_shared>> -> memref<64x128xf32, #tpu.memory_space<vmem_shared>>
        tpu.wait_dma2 semaphore(%run_scoped3A : memref<!tpu.dma_semaphore, #tpu.memory_space<semaphore_mem>>) src(%arg14 : memref<64x128xf32, #tpu.memory_space<vmem>>) dst(%dma_wait3A_412 : memref<64x128xf32, #tpu.memory_space<vmem_shared>>)
        tpu.yield
      }) : () -> ()
      %add3A_393 = arith.constant 256 : i32
      %add3A_394 = arith.addi %multiple_of3A, %add3A_393 : i32
      "tpu.region"() ({
        %run_scoped3A = tpu.sem_alloc : memref<!tpu.dma_semaphore, #tpu.memory_space<semaphore_mem>>
        %dma_start3A_405 = arith.constant 0 : i32
        %dma_start3A_406 = tpu.memref_slice %arg18[%add3A_394, %dma_start3A_405] : memref<10000x128xf32, #tpu.memory_space<vmem_shared>> -> memref<64x128xf32, #tpu.memory_space<vmem_shared>>
        %dma_start3A_407 = arith.constant 0 : i32
        %dma_start3A_408 = tpu.memref_slice %arg18[%add3A_394, %dma_start3A_407] : memref<10000x128xf32, #tpu.memory_space<vmem_shared>> -> memref<64x128xf32, #tpu.memory_space<vmem_shared>>
        tpu.enqueue_dma source(%arg14 : memref<64x128xf32, #tpu.memory_space<vmem>>) target(%dma_start3A_408 : memref<64x128xf32, #tpu.memory_space<vmem_shared>>) target_semaphore(%run_scoped3A : memref<!tpu.dma_semaphore, #tpu.memory_space<semaphore_mem>>)
        %dma_wait3A_409 = arith.constant 0 : i32
        %dma_wait3A_410 = tpu.memref_slice %arg18[%add3A_394, %dma_wait3A_409] : memref<10000x128xf32, #tpu.memory_space<vmem_shared>> -> memref<64x128xf32, #tpu.memory_space<vmem_shared>>
        %dma_wait3A_411 = arith.constant 0 : i32
        %dma_wait3A_412 = tpu.memref_slice %arg18[%add3A_394, %dma_wait3A_411] : memref<10000x128xf32, #tpu.memory_space<vmem_shared>> -> memref<64x128xf32, #tpu.memory_space<vmem_shared>>
        tpu.wait_dma2 semaphore(%run_scoped3A : memref<!tpu.dma_semaphore, #tpu.memory_space<semaphore_mem>>) src(%arg14 : memref<64x128xf32, #tpu.memory_space<vmem>>) dst(%dma_wait3A_412 : memref<64x128xf32, #tpu.memory_space<vmem_shared>>)
        tpu.yield
      }) : () -> ()
      %add3A_395 = arith.constant 320 : i32
      %add3A_396 = arith.addi %multiple_of3A, %add3A_395 : i32
      "tpu.region"() ({
        %run_scoped3A = tpu.sem_alloc : memref<!tpu.dma_semaphore, #tpu.memory_space<semaphore_mem>>
        %dma_start3A_405 = arith.constant 0 : i32
        %dma_start3A_406 = tpu.memref_slice %arg18[%add3A_396, %dma_start3A_405] : memref<10000x128xf32, #tpu.memory_space<vmem_shared>> -> memref<64x128xf32, #tpu.memory_space<vmem_shared>>
        %dma_start3A_407 = arith.constant 0 : i32
        %dma_start3A_408 = tpu.memref_slice %arg18[%add3A_396, %dma_start3A_407] : memref<10000x128xf32, #tpu.memory_space<vmem_shared>> -> memref<64x128xf32, #tpu.memory_space<vmem_shared>>
        tpu.enqueue_dma source(%arg14 : memref<64x128xf32, #tpu.memory_space<vmem>>) target(%dma_start3A_408 : memref<64x128xf32, #tpu.memory_space<vmem_shared>>) target_semaphore(%run_scoped3A : memref<!tpu.dma_semaphore, #tpu.memory_space<semaphore_mem>>)
        %dma_wait3A_409 = arith.constant 0 : i32
        %dma_wait3A_410 = tpu.memref_slice %arg18[%add3A_396, %dma_wait3A_409] : memref<10000x128xf32, #tpu.memory_space<vmem_shared>> -> memref<64x128xf32, #tpu.memory_space<vmem_shared>>
        %dma_wait3A_411 = arith.constant 0 : i32
        %dma_wait3A_412 = tpu.memref_slice %arg18[%add3A_396, %dma_wait3A_411] : memref<10000x128xf32, #tpu.memory_space<vmem_shared>> -> memref<64x128xf32, #tpu.memory_space<vmem_shared>>
        tpu.wait_dma2 semaphore(%run_scoped3A : memref<!tpu.dma_semaphore, #tpu.memory_space<semaphore_mem>>) src(%arg14 : memref<64x128xf32, #tpu.memory_space<vmem>>) dst(%dma_wait3A_412 : memref<64x128xf32, #tpu.memory_space<vmem_shared>>)
        tpu.yield
      }) : () -> ()
      %add3A_397 = arith.constant 384 : i32
      %add3A_398 = arith.addi %multiple_of3A, %add3A_397 : i32
      "tpu.region"() ({
        %run_scoped3A = tpu.sem_alloc : memref<!tpu.dma_semaphore, #tpu.memory_space<semaphore_mem>>
        %dma_start3A_405 = arith.constant 0 : i32
        %dma_start3A_406 = tpu.memref_slice %arg18[%add3A_398, %dma_start3A_405] : memref<10000x128xf32, #tpu.memory_space<vmem_shared>> -> memref<64x128xf32, #tpu.memory_space<vmem_shared>>
        %dma_start3A_407 = arith.constant 0 : i32
        %dma_start3A_408 = tpu.memref_slice %arg18[%add3A_398, %dma_start3A_407] : memref<10000x128xf32, #tpu.memory_space<vmem_shared>> -> memref<64x128xf32, #tpu.memory_space<vmem_shared>>
        tpu.enqueue_dma source(%arg14 : memref<64x128xf32, #tpu.memory_space<vmem>>) target(%dma_start3A_408 : memref<64x128xf32, #tpu.memory_space<vmem_shared>>) target_semaphore(%run_scoped3A : memref<!tpu.dma_semaphore, #tpu.memory_space<semaphore_mem>>)
        %dma_wait3A_409 = arith.constant 0 : i32
        %dma_wait3A_410 = tpu.memref_slice %arg18[%add3A_398, %dma_wait3A_409] : memref<10000x128xf32, #tpu.memory_space<vmem_shared>> -> memref<64x128xf32, #tpu.memory_space<vmem_shared>>
        %dma_wait3A_411 = arith.constant 0 : i32
        %dma_wait3A_412 = tpu.memref_slice %arg18[%add3A_398, %dma_wait3A_411] : memref<10000x128xf32, #tpu.memory_space<vmem_shared>> -> memref<64x128xf32, #tpu.memory_space<vmem_shared>>
        tpu.wait_dma2 semaphore(%run_scoped3A : memref<!tpu.dma_semaphore, #tpu.memory_space<semaphore_mem>>) src(%arg14 : memref<64x128xf32, #tpu.memory_space<vmem>>) dst(%dma_wait3A_412 : memref<64x128xf32, #tpu.memory_space<vmem_shared>>)
        tpu.yield
      }) : () -> ()
      %add3A_399 = arith.constant 448 : i32
      %add3A_400 = arith.addi %multiple_of3A, %add3A_399 : i32
      "tpu.region"() ({
        %run_scoped3A = tpu.sem_alloc : memref<!tpu.dma_semaphore, #tpu.memory_space<semaphore_mem>>
        %dma_start3A_405 = arith.constant 0 : i32
        %dma_start3A_406 = tpu.memref_slice %arg18[%add3A_400, %dma_start3A_405] : memref<10000x128xf32, #tpu.memory_space<vmem_shared>> -> memref<64x128xf32, #tpu.memory_space<vmem_shared>>
        %dma_start3A_407 = arith.constant 0 : i32
        %dma_start3A_408 = tpu.memref_slice %arg18[%add3A_400, %dma_start3A_407] : memref<10000x128xf32, #tpu.memory_space<vmem_shared>> -> memref<64x128xf32, #tpu.memory_space<vmem_shared>>
        tpu.enqueue_dma source(%arg14 : memref<64x128xf32, #tpu.memory_space<vmem>>) target(%dma_start3A_408 : memref<64x128xf32, #tpu.memory_space<vmem_shared>>) target_semaphore(%run_scoped3A : memref<!tpu.dma_semaphore, #tpu.memory_space<semaphore_mem>>)
        %dma_wait3A_409 = arith.constant 0 : i32
        %dma_wait3A_410 = tpu.memref_slice %arg18[%add3A_400, %dma_wait3A_409] : memref<10000x128xf32, #tpu.memory_space<vmem_shared>> -> memref<64x128xf32, #tpu.memory_space<vmem_shared>>
        %dma_wait3A_411 = arith.constant 0 : i32
        %dma_wait3A_412 = tpu.memref_slice %arg18[%add3A_400, %dma_wait3A_411] : memref<10000x128xf32, #tpu.memory_space<vmem_shared>> -> memref<64x128xf32, #tpu.memory_space<vmem_shared>>
        tpu.wait_dma2 semaphore(%run_scoped3A : memref<!tpu.dma_semaphore, #tpu.memory_space<semaphore_mem>>) src(%arg14 : memref<64x128xf32, #tpu.memory_space<vmem>>) dst(%dma_wait3A_412 : memref<64x128xf32, #tpu.memory_space<vmem_shared>>)
        tpu.yield
      }) : () -> ()
      %add3A_401 = arith.constant 512 : i32
      %add3A_402 = arith.addi %multiple_of3A, %add3A_401 : i32
      "tpu.region"() ({
        %run_scoped3A = tpu.sem_alloc : memref<!tpu.dma_semaphore, #tpu.memory_space<semaphore_mem>>
        %dma_start3A_405 = arith.constant 0 : i32
        %dma_start3A_406 = tpu.memref_slice %arg18[%add3A_402, %dma_start3A_405] : memref<10000x128xf32, #tpu.memory_space<vmem_shared>> -> memref<64x128xf32, #tpu.memory_space<vmem_shared>>
        %dma_start3A_407 = arith.constant 0 : i32
        %dma_start3A_408 = tpu.memref_slice %arg18[%add3A_402, %dma_start3A_407] : memref<10000x128xf32, #tpu.memory_space<vmem_shared>> -> memref<64x128xf32, #tpu.memory_space<vmem_shared>>
        tpu.enqueue_dma source(%arg14 : memref<64x128xf32, #tpu.memory_space<vmem>>) target(%dma_start3A_408 : memref<64x128xf32, #tpu.memory_space<vmem_shared>>) target_semaphore(%run_scoped3A : memref<!tpu.dma_semaphore, #tpu.memory_space<semaphore_mem>>)
        %dma_wait3A_409 = arith.constant 0 : i32
        %dma_wait3A_410 = tpu.memref_slice %arg18[%add3A_402, %dma_wait3A_409] : memref<10000x128xf32, #tpu.memory_space<vmem_shared>> -> memref<64x128xf32, #tpu.memory_space<vmem_shared>>
        %dma_wait3A_411 = arith.constant 0 : i32
        %dma_wait3A_412 = tpu.memref_slice %arg18[%add3A_402, %dma_wait3A_411] : memref<10000x128xf32, #tpu.memory_space<vmem_shared>> -> memref<64x128xf32, #tpu.memory_space<vmem_shared>>
        tpu.wait_dma2 semaphore(%run_scoped3A : memref<!tpu.dma_semaphore, #tpu.memory_space<semaphore_mem>>) src(%arg14 : memref<64x128xf32, #tpu.memory_space<vmem>>) dst(%dma_wait3A_412 : memref<64x128xf32, #tpu.memory_space<vmem_shared>>)
        tpu.yield
      }) : () -> ()
      %add3A_403 = arith.constant 576 : i32
      %add3A_404 = arith.addi %multiple_of3A, %add3A_403 : i32
      "tpu.region"() ({
        %run_scoped3A = tpu.sem_alloc : memref<!tpu.dma_semaphore, #tpu.memory_space<semaphore_mem>>
        %dma_start3A_405 = arith.constant 0 : i32
        %dma_start3A_406 = arith.constant 0 : i32
        %dma_start3A_407 = tpu.memref_slice %arg14[%dma_start3A_405, %dma_start3A_406] : memref<64x128xf32, #tpu.memory_space<vmem>> -> memref<48x128xf32, #tpu.memory_space<vmem>>
        %dma_start3A_408 = arith.constant 0 : i32
        %dma_start3A_409 = tpu.memref_slice %arg18[%add3A_404, %dma_start3A_408] : memref<10000x128xf32, #tpu.memory_space<vmem_shared>> -> memref<48x128xf32, #tpu.memory_space<vmem_shared>>
        %dma_start3A_410 = arith.constant 0 : i32
        %dma_start3A_411 = tpu.memref_slice %arg18[%add3A_404, %dma_start3A_410] : memref<10000x128xf32, #tpu.memory_space<vmem_shared>> -> memref<48x128xf32, #tpu.memory_space<vmem_shared>>
        %dma_start3A_412 = arith.constant 0 : i32
        %dma_start3A_413 = arith.constant 0 : i32
        %dma_start3A_414 = tpu.memref_slice %arg14[%dma_start3A_412, %dma_start3A_413] : memref<64x128xf32, #tpu.memory_space<vmem>> -> memref<48x128xf32, #tpu.memory_space<vmem>>
        tpu.enqueue_dma source(%dma_start3A_414 : memref<48x128xf32, #tpu.memory_space<vmem>>) target(%dma_start3A_411 : memref<48x128xf32, #tpu.memory_space<vmem_shared>>) target_semaphore(%run_scoped3A : memref<!tpu.dma_semaphore, #tpu.memory_space<semaphore_mem>>)
        %dma_wait3A_415 = arith.constant 0 : i32
        %dma_wait3A_416 = arith.constant 0 : i32
        %dma_wait3A_417 = tpu.memref_slice %arg14[%dma_wait3A_415, %dma_wait3A_416] : memref<64x128xf32, #tpu.memory_space<vmem>> -> memref<48x128xf32, #tpu.memory_space<vmem>>
        %dma_wait3A_418 = arith.constant 0 : i32
        %dma_wait3A_419 = tpu.memref_slice %arg18[%add3A_404, %dma_wait3A_418] : memref<10000x128xf32, #tpu.memory_space<vmem_shared>> -> memref<48x128xf32, #tpu.memory_space<vmem_shared>>
        %dma_wait3A_420 = arith.constant 0 : i32
        %dma_wait3A_421 = tpu.memref_slice %arg18[%add3A_404, %dma_wait3A_420] : memref<10000x128xf32, #tpu.memory_space<vmem_shared>> -> memref<48x128xf32, #tpu.memory_space<vmem_shared>>
        %dma_wait3A_422 = arith.constant 0 : i32
        %dma_wait3A_423 = arith.constant 0 : i32
        %dma_wait3A_424 = tpu.memref_slice %arg14[%dma_wait3A_422, %dma_wait3A_423] : memref<64x128xf32, #tpu.memory_space<vmem>> -> memref<48x128xf32, #tpu.memory_space<vmem>>
        tpu.wait_dma2 semaphore(%run_scoped3A : memref<!tpu.dma_semaphore, #tpu.memory_space<semaphore_mem>>) src(%dma_wait3A_424 : memref<48x128xf32, #tpu.memory_space<vmem>>) dst(%dma_wait3A_421 : memref<48x128xf32, #tpu.memory_space<vmem_shared>>)
        tpu.yield
      }) : () -> ()
    } else {
    }
    %eq3A = arith.constant 15 : i32
    %eq3A_10 = arith.cmpi eq, %arg1, %eq3A : i32
    %convert_element_type3A_11 = arith.extui %eq3A_10 : i1 to i32
    %cond3A_12 = arith.constant 0 : i32
    %cond3A_13 = arith.cmpi ne, %convert_element_type3A_11, %cond3A_12 : i32
    scf.if %cond3A_13 {
      %add3A_385 = arith.constant 0 : i32
      %add3A_386 = arith.addi %multiple_of3A, %add3A_385 : i32
      "tpu.region"() ({
        %run_scoped3A = tpu.sem_alloc : memref<!tpu.dma_semaphore, #tpu.memory_space<semaphore_mem>>
        %dma_start3A_405 = arith.constant 0 : i32
        %dma_start3A_406 = tpu.memref_slice %arg18[%add3A_386, %dma_start3A_405] : memref<10000x128xf32, #tpu.memory_space<vmem_shared>> -> memref<64x128xf32, #tpu.memory_space<vmem_shared>>
        %dma_start3A_407 = arith.constant 0 : i32
        %dma_start3A_408 = tpu.memref_slice %arg18[%add3A_386, %dma_start3A_407] : memref<10000x128xf32, #tpu.memory_space<vmem_shared>> -> memref<64x128xf32, #tpu.memory_space<vmem_shared>>
        tpu.enqueue_dma source(%arg14 : memref<64x128xf32, #tpu.memory_space<vmem>>) target(%dma_start3A_408 : memref<64x128xf32, #tpu.memory_space<vmem_shared>>) target_semaphore(%run_scoped3A : memref<!tpu.dma_semaphore, #tpu.memory_space<semaphore_mem>>)
        %dma_wait3A_409 = arith.constant 0 : i32
        %dma_wait3A_410 = tpu.memref_slice %arg18[%add3A_386, %dma_wait3A_409] : memref<10000x128xf32, #tpu.memory_space<vmem_shared>> -> memref<64x128xf32, #tpu.memory_space<vmem_shared>>
        %dma_wait3A_411 = arith.constant 0 : i32
        %dma_wait3A_412 = tpu.memref_slice %arg18[%add3A_386, %dma_wait3A_411] : memref<10000x128xf32, #tpu.memory_space<vmem_shared>> -> memref<64x128xf32, #tpu.memory_space<vmem_shared>>
        tpu.wait_dma2 semaphore(%run_scoped3A : memref<!tpu.dma_semaphore, #tpu.memory_space<semaphore_mem>>) src(%arg14 : memref<64x128xf32, #tpu.memory_space<vmem>>) dst(%dma_wait3A_412 : memref<64x128xf32, #tpu.memory_space<vmem_shared>>)
        tpu.yield
      }) : () -> ()
      %add3A_387 = arith.constant 64 : i32
      %add3A_388 = arith.addi %multiple_of3A, %add3A_387 : i32
      "tpu.region"() ({
        %run_scoped3A = tpu.sem_alloc : memref<!tpu.dma_semaphore, #tpu.memory_space<semaphore_mem>>
        %dma_start3A_405 = arith.constant 0 : i32
        %dma_start3A_406 = tpu.memref_slice %arg18[%add3A_388, %dma_start3A_405] : memref<10000x128xf32, #tpu.memory_space<vmem_shared>> -> memref<64x128xf32, #tpu.memory_space<vmem_shared>>
        %dma_start3A_407 = arith.constant 0 : i32
        %dma_start3A_408 = tpu.memref_slice %arg18[%add3A_388, %dma_start3A_407] : memref<10000x128xf32, #tpu.memory_space<vmem_shared>> -> memref<64x128xf32, #tpu.memory_space<vmem_shared>>
        tpu.enqueue_dma source(%arg14 : memref<64x128xf32, #tpu.memory_space<vmem>>) target(%dma_start3A_408 : memref<64x128xf32, #tpu.memory_space<vmem_shared>>) target_semaphore(%run_scoped3A : memref<!tpu.dma_semaphore, #tpu.memory_space<semaphore_mem>>)
        %dma_wait3A_409 = arith.constant 0 : i32
        %dma_wait3A_410 = tpu.memref_slice %arg18[%add3A_388, %dma_wait3A_409] : memref<10000x128xf32, #tpu.memory_space<vmem_shared>> -> memref<64x128xf32, #tpu.memory_space<vmem_shared>>
        %dma_wait3A_411 = arith.constant 0 : i32
        %dma_wait3A_412 = tpu.memref_slice %arg18[%add3A_388, %dma_wait3A_411] : memref<10000x128xf32, #tpu.memory_space<vmem_shared>> -> memref<64x128xf32, #tpu.memory_space<vmem_shared>>
        tpu.wait_dma2 semaphore(%run_scoped3A : memref<!tpu.dma_semaphore, #tpu.memory_space<semaphore_mem>>) src(%arg14 : memref<64x128xf32, #tpu.memory_space<vmem>>) dst(%dma_wait3A_412 : memref<64x128xf32, #tpu.memory_space<vmem_shared>>)
        tpu.yield
      }) : () -> ()
      %add3A_389 = arith.constant 128 : i32
      %add3A_390 = arith.addi %multiple_of3A, %add3A_389 : i32
      "tpu.region"() ({
        %run_scoped3A = tpu.sem_alloc : memref<!tpu.dma_semaphore, #tpu.memory_space<semaphore_mem>>
        %dma_start3A_405 = arith.constant 0 : i32
        %dma_start3A_406 = tpu.memref_slice %arg18[%add3A_390, %dma_start3A_405] : memref<10000x128xf32, #tpu.memory_space<vmem_shared>> -> memref<64x128xf32, #tpu.memory_space<vmem_shared>>
        %dma_start3A_407 = arith.constant 0 : i32
        %dma_start3A_408 = tpu.memref_slice %arg18[%add3A_390, %dma_start3A_407] : memref<10000x128xf32, #tpu.memory_space<vmem_shared>> -> memref<64x128xf32, #tpu.memory_space<vmem_shared>>
        tpu.enqueue_dma source(%arg14 : memref<64x128xf32, #tpu.memory_space<vmem>>) target(%dma_start3A_408 : memref<64x128xf32, #tpu.memory_space<vmem_shared>>) target_semaphore(%run_scoped3A : memref<!tpu.dma_semaphore, #tpu.memory_space<semaphore_mem>>)
        %dma_wait3A_409 = arith.constant 0 : i32
        %dma_wait3A_410 = tpu.memref_slice %arg18[%add3A_390, %dma_wait3A_409] : memref<10000x128xf32, #tpu.memory_space<vmem_shared>> -> memref<64x128xf32, #tpu.memory_space<vmem_shared>>
        %dma_wait3A_411 = arith.constant 0 : i32
        %dma_wait3A_412 = tpu.memref_slice %arg18[%add3A_390, %dma_wait3A_411] : memref<10000x128xf32, #tpu.memory_space<vmem_shared>> -> memref<64x128xf32, #tpu.memory_space<vmem_shared>>
        tpu.wait_dma2 semaphore(%run_scoped3A : memref<!tpu.dma_semaphore, #tpu.memory_space<semaphore_mem>>) src(%arg14 : memref<64x128xf32, #tpu.memory_space<vmem>>) dst(%dma_wait3A_412 : memref<64x128xf32, #tpu.memory_space<vmem_shared>>)
        tpu.yield
      }) : () -> ()
      %add3A_391 = arith.constant 192 : i32
      %add3A_392 = arith.addi %multiple_of3A, %add3A_391 : i32
      "tpu.region"() ({
        %run_scoped3A = tpu.sem_alloc : memref<!tpu.dma_semaphore, #tpu.memory_space<semaphore_mem>>
        %dma_start3A_405 = arith.constant 0 : i32
        %dma_start3A_406 = tpu.memref_slice %arg18[%add3A_392, %dma_start3A_405] : memref<10000x128xf32, #tpu.memory_space<vmem_shared>> -> memref<64x128xf32, #tpu.memory_space<vmem_shared>>
        %dma_start3A_407 = arith.constant 0 : i32
        %dma_start3A_408 = tpu.memref_slice %arg18[%add3A_392, %dma_start3A_407] : memref<10000x128xf32, #tpu.memory_space<vmem_shared>> -> memref<64x128xf32, #tpu.memory_space<vmem_shared>>
        tpu.enqueue_dma source(%arg14 : memref<64x128xf32, #tpu.memory_space<vmem>>) target(%dma_start3A_408 : memref<64x128xf32, #tpu.memory_space<vmem_shared>>) target_semaphore(%run_scoped3A : memref<!tpu.dma_semaphore, #tpu.memory_space<semaphore_mem>>)
        %dma_wait3A_409 = arith.constant 0 : i32
        %dma_wait3A_410 = tpu.memref_slice %arg18[%add3A_392, %dma_wait3A_409] : memref<10000x128xf32, #tpu.memory_space<vmem_shared>> -> memref<64x128xf32, #tpu.memory_space<vmem_shared>>
        %dma_wait3A_411 = arith.constant 0 : i32
        %dma_wait3A_412 = tpu.memref_slice %arg18[%add3A_392, %dma_wait3A_411] : memref<10000x128xf32, #tpu.memory_space<vmem_shared>> -> memref<64x128xf32, #tpu.memory_space<vmem_shared>>
        tpu.wait_dma2 semaphore(%run_scoped3A : memref<!tpu.dma_semaphore, #tpu.memory_space<semaphore_mem>>) src(%arg14 : memref<64x128xf32, #tpu.memory_space<vmem>>) dst(%dma_wait3A_412 : memref<64x128xf32, #tpu.memory_space<vmem_shared>>)
        tpu.yield
      }) : () -> ()
      %add3A_393 = arith.constant 256 : i32
      %add3A_394 = arith.addi %multiple_of3A, %add3A_393 : i32
      "tpu.region"() ({
        %run_scoped3A = tpu.sem_alloc : memref<!tpu.dma_semaphore, #tpu.memory_space<semaphore_mem>>
        %dma_start3A_405 = arith.constant 0 : i32
        %dma_start3A_406 = tpu.memref_slice %arg18[%add3A_394, %dma_start3A_405] : memref<10000x128xf32, #tpu.memory_space<vmem_shared>> -> memref<64x128xf32, #tpu.memory_space<vmem_shared>>
        %dma_start3A_407 = arith.constant 0 : i32
        %dma_start3A_408 = tpu.memref_slice %arg18[%add3A_394, %dma_start3A_407] : memref<10000x128xf32, #tpu.memory_space<vmem_shared>> -> memref<64x128xf32, #tpu.memory_space<vmem_shared>>
        tpu.enqueue_dma source(%arg14 : memref<64x128xf32, #tpu.memory_space<vmem>>) target(%dma_start3A_408 : memref<64x128xf32, #tpu.memory_space<vmem_shared>>) target_semaphore(%run_scoped3A : memref<!tpu.dma_semaphore, #tpu.memory_space<semaphore_mem>>)
        %dma_wait3A_409 = arith.constant 0 : i32
        %dma_wait3A_410 = tpu.memref_slice %arg18[%add3A_394, %dma_wait3A_409] : memref<10000x128xf32, #tpu.memory_space<vmem_shared>> -> memref<64x128xf32, #tpu.memory_space<vmem_shared>>
        %dma_wait3A_411 = arith.constant 0 : i32
        %dma_wait3A_412 = tpu.memref_slice %arg18[%add3A_394, %dma_wait3A_411] : memref<10000x128xf32, #tpu.memory_space<vmem_shared>> -> memref<64x128xf32, #tpu.memory_space<vmem_shared>>
        tpu.wait_dma2 semaphore(%run_scoped3A : memref<!tpu.dma_semaphore, #tpu.memory_space<semaphore_mem>>) src(%arg14 : memref<64x128xf32, #tpu.memory_space<vmem>>) dst(%dma_wait3A_412 : memref<64x128xf32, #tpu.memory_space<vmem_shared>>)
        tpu.yield
      }) : () -> ()
      %add3A_395 = arith.constant 320 : i32
      %add3A_396 = arith.addi %multiple_of3A, %add3A_395 : i32
      "tpu.region"() ({
        %run_scoped3A = tpu.sem_alloc : memref<!tpu.dma_semaphore, #tpu.memory_space<semaphore_mem>>
        %dma_start3A_405 = arith.constant 0 : i32
        %dma_start3A_406 = tpu.memref_slice %arg18[%add3A_396, %dma_start3A_405] : memref<10000x128xf32, #tpu.memory_space<vmem_shared>> -> memref<64x128xf32, #tpu.memory_space<vmem_shared>>
        %dma_start3A_407 = arith.constant 0 : i32
        %dma_start3A_408 = tpu.memref_slice %arg18[%add3A_396, %dma_start3A_407] : memref<10000x128xf32, #tpu.memory_space<vmem_shared>> -> memref<64x128xf32, #tpu.memory_space<vmem_shared>>
        tpu.enqueue_dma source(%arg14 : memref<64x128xf32, #tpu.memory_space<vmem>>) target(%dma_start3A_408 : memref<64x128xf32, #tpu.memory_space<vmem_shared>>) target_semaphore(%run_scoped3A : memref<!tpu.dma_semaphore, #tpu.memory_space<semaphore_mem>>)
        %dma_wait3A_409 = arith.constant 0 : i32
        %dma_wait3A_410 = tpu.memref_slice %arg18[%add3A_396, %dma_wait3A_409] : memref<10000x128xf32, #tpu.memory_space<vmem_shared>> -> memref<64x128xf32, #tpu.memory_space<vmem_shared>>
        %dma_wait3A_411 = arith.constant 0 : i32
        %dma_wait3A_412 = tpu.memref_slice %arg18[%add3A_396, %dma_wait3A_411] : memref<10000x128xf32, #tpu.memory_space<vmem_shared>> -> memref<64x128xf32, #tpu.memory_space<vmem_shared>>
        tpu.wait_dma2 semaphore(%run_scoped3A : memref<!tpu.dma_semaphore, #tpu.memory_space<semaphore_mem>>) src(%arg14 : memref<64x128xf32, #tpu.memory_space<vmem>>) dst(%dma_wait3A_412 : memref<64x128xf32, #tpu.memory_space<vmem_shared>>)
        tpu.yield
      }) : () -> ()
      %add3A_397 = arith.constant 384 : i32
      %add3A_398 = arith.addi %multiple_of3A, %add3A_397 : i32
      "tpu.region"() ({
        %run_scoped3A = tpu.sem_alloc : memref<!tpu.dma_semaphore, #tpu.memory_space<semaphore_mem>>
        %dma_start3A_405 = arith.constant 0 : i32
        %dma_start3A_406 = tpu.memref_slice %arg18[%add3A_398, %dma_start3A_405] : memref<10000x128xf32, #tpu.memory_space<vmem_shared>> -> memref<64x128xf32, #tpu.memory_space<vmem_shared>>
        %dma_start3A_407 = arith.constant 0 : i32
        %dma_start3A_408 = tpu.memref_slice %arg18[%add3A_398, %dma_start3A_407] : memref<10000x128xf32, #tpu.memory_space<vmem_shared>> -> memref<64x128xf32, #tpu.memory_space<vmem_shared>>
        tpu.enqueue_dma source(%arg14 : memref<64x128xf32, #tpu.memory_space<vmem>>) target(%dma_start3A_408 : memref<64x128xf32, #tpu.memory_space<vmem_shared>>) target_semaphore(%run_scoped3A : memref<!tpu.dma_semaphore, #tpu.memory_space<semaphore_mem>>)
        %dma_wait3A_409 = arith.constant 0 : i32
        %dma_wait3A_410 = tpu.memref_slice %arg18[%add3A_398, %dma_wait3A_409] : memref<10000x128xf32, #tpu.memory_space<vmem_shared>> -> memref<64x128xf32, #tpu.memory_space<vmem_shared>>
        %dma_wait3A_411 = arith.constant 0 : i32
        %dma_wait3A_412 = tpu.memref_slice %arg18[%add3A_398, %dma_wait3A_411] : memref<10000x128xf32, #tpu.memory_space<vmem_shared>> -> memref<64x128xf32, #tpu.memory_space<vmem_shared>>
        tpu.wait_dma2 semaphore(%run_scoped3A : memref<!tpu.dma_semaphore, #tpu.memory_space<semaphore_mem>>) src(%arg14 : memref<64x128xf32, #tpu.memory_space<vmem>>) dst(%dma_wait3A_412 : memref<64x128xf32, #tpu.memory_space<vmem_shared>>)
        tpu.yield
      }) : () -> ()
      %add3A_399 = arith.constant 448 : i32
      %add3A_400 = arith.addi %multiple_of3A, %add3A_399 : i32
      "tpu.region"() ({
        %run_scoped3A = tpu.sem_alloc : memref<!tpu.dma_semaphore, #tpu.memory_space<semaphore_mem>>
        %dma_start3A_405 = arith.constant 0 : i32
        %dma_start3A_406 = tpu.memref_slice %arg18[%add3A_400, %dma_start3A_405] : memref<10000x128xf32, #tpu.memory_space<vmem_shared>> -> memref<64x128xf32, #tpu.memory_space<vmem_shared>>
        %dma_start3A_407 = arith.constant 0 : i32
        %dma_start3A_408 = tpu.memref_slice %arg18[%add3A_400, %dma_start3A_407] : memref<10000x128xf32, #tpu.memory_space<vmem_shared>> -> memref<64x128xf32, #tpu.memory_space<vmem_shared>>
        tpu.enqueue_dma source(%arg14 : memref<64x128xf32, #tpu.memory_space<vmem>>) target(%dma_start3A_408 : memref<64x128xf32, #tpu.memory_space<vmem_shared>>) target_semaphore(%run_scoped3A : memref<!tpu.dma_semaphore, #tpu.memory_space<semaphore_mem>>)
        %dma_wait3A_409 = arith.constant 0 : i32
        %dma_wait3A_410 = tpu.memref_slice %arg18[%add3A_400, %dma_wait3A_409] : memref<10000x128xf32, #tpu.memory_space<vmem_shared>> -> memref<64x128xf32, #tpu.memory_space<vmem_shared>>
        %dma_wait3A_411 = arith.constant 0 : i32
        %dma_wait3A_412 = tpu.memref_slice %arg18[%add3A_400, %dma_wait3A_411] : memref<10000x128xf32, #tpu.memory_space<vmem_shared>> -> memref<64x128xf32, #tpu.memory_space<vmem_shared>>
        tpu.wait_dma2 semaphore(%run_scoped3A : memref<!tpu.dma_semaphore, #tpu.memory_space<semaphore_mem>>) src(%arg14 : memref<64x128xf32, #tpu.memory_space<vmem>>) dst(%dma_wait3A_412 : memref<64x128xf32, #tpu.memory_space<vmem_shared>>)
        tpu.yield
      }) : () -> ()
      %add3A_401 = arith.constant 512 : i32
      %add3A_402 = arith.addi %multiple_of3A, %add3A_401 : i32
      "tpu.region"() ({
        %run_scoped3A = tpu.sem_alloc : memref<!tpu.dma_semaphore, #tpu.memory_space<semaphore_mem>>
        %dma_start3A_405 = arith.constant 0 : i32
        %dma_start3A_406 = tpu.memref_slice %arg18[%add3A_402, %dma_start3A_405] : memref<10000x128xf32, #tpu.memory_space<vmem_shared>> -> memref<64x128xf32, #tpu.memory_space<vmem_shared>>
        %dma_start3A_407 = arith.constant 0 : i32
        %dma_start3A_408 = tpu.memref_slice %arg18[%add3A_402, %dma_start3A_407] : memref<10000x128xf32, #tpu.memory_space<vmem_shared>> -> memref<64x128xf32, #tpu.memory_space<vmem_shared>>
        tpu.enqueue_dma source(%arg14 : memref<64x128xf32, #tpu.memory_space<vmem>>) target(%dma_start3A_408 : memref<64x128xf32, #tpu.memory_space<vmem_shared>>) target_semaphore(%run_scoped3A : memref<!tpu.dma_semaphore, #tpu.memory_space<semaphore_mem>>)
        %dma_wait3A_409 = arith.constant 0 : i32
        %dma_wait3A_410 = tpu.memref_slice %arg18[%add3A_402, %dma_wait3A_409] : memref<10000x128xf32, #tpu.memory_space<vmem_shared>> -> memref<64x128xf32, #tpu.memory_space<vmem_shared>>
        %dma_wait3A_411 = arith.constant 0 : i32
        %dma_wait3A_412 = tpu.memref_slice %arg18[%add3A_402, %dma_wait3A_411] : memref<10000x128xf32, #tpu.memory_space<vmem_shared>> -> memref<64x128xf32, #tpu.memory_space<vmem_shared>>
        tpu.wait_dma2 semaphore(%run_scoped3A : memref<!tpu.dma_semaphore, #tpu.memory_space<semaphore_mem>>) src(%arg14 : memref<64x128xf32, #tpu.memory_space<vmem>>) dst(%dma_wait3A_412 : memref<64x128xf32, #tpu.memory_space<vmem_shared>>)
        tpu.yield
      }) : () -> ()
      %add3A_403 = arith.constant 576 : i32
      %add3A_404 = arith.addi %multiple_of3A, %add3A_403 : i32
      "tpu.region"() ({
        %run_scoped3A = tpu.sem_alloc : memref<!tpu.dma_semaphore, #tpu.memory_space<semaphore_mem>>
        %dma_start3A_405 = arith.constant 0 : i32
        %dma_start3A_406 = tpu.memref_slice %arg18[%add3A_404, %dma_start3A_405] : memref<10000x128xf32, #tpu.memory_space<vmem_shared>> -> memref<64x128xf32, #tpu.memory_space<vmem_shared>>
        %dma_start3A_407 = arith.constant 0 : i32
        %dma_start3A_408 = tpu.memref_slice %arg18[%add3A_404, %dma_start3A_407] : memref<10000x128xf32, #tpu.memory_space<vmem_shared>> -> memref<64x128xf32, #tpu.memory_space<vmem_shared>>
        tpu.enqueue_dma source(%arg14 : memref<64x128xf32, #tpu.memory_space<vmem>>) target(%dma_start3A_408 : memref<64x128xf32, #tpu.memory_space<vmem_shared>>) target_semaphore(%run_scoped3A : memref<!tpu.dma_semaphore, #tpu.memory_space<semaphore_mem>>)
        %dma_wait3A_409 = arith.constant 0 : i32
        %dma_wait3A_410 = tpu.memref_slice %arg18[%add3A_404, %dma_wait3A_409] : memref<10000x128xf32, #tpu.memory_space<vmem_shared>> -> memref<64x128xf32, #tpu.memory_space<vmem_shared>>
        %dma_wait3A_411 = arith.constant 0 : i32
        %dma_wait3A_412 = tpu.memref_slice %arg18[%add3A_404, %dma_wait3A_411] : memref<10000x128xf32, #tpu.memory_space<vmem_shared>> -> memref<64x128xf32, #tpu.memory_space<vmem_shared>>
        tpu.wait_dma2 semaphore(%run_scoped3A : memref<!tpu.dma_semaphore, #tpu.memory_space<semaphore_mem>>) src(%arg14 : memref<64x128xf32, #tpu.memory_space<vmem>>) dst(%dma_wait3A_412 : memref<64x128xf32, #tpu.memory_space<vmem_shared>>)
        tpu.yield
      }) : () -> ()
    } else {
    }
    %barrier3A = arith.constant 0 : index
    tpu.barrier barrier_id(%barrier3A)
    %multiple_of3A_14 = arith.constant 0 : i32
    %multiple_of3A_15 = tpu.assume_multiple %multiple_of3A_14, 8 : i32
    %add3A_16 = arith.constant 0 : i32
    %add3A_17 = arith.addi %multiple_of3A_15, %add3A_16 : i32
    %get3A = arith.index_cast %add3A_17 : i32 to index
    %get3A_18 = tpu.vector_load %arg5[%get3A] {strides = array<i32>} : memref<10240xi32, #tpu.memory_space<vmem>>, vector<16xi32>,
    %get3A_19 = vector.shape_cast %get3A_18 : vector<16xi32> to vector<16xi32>
    %and3A = arith.constant 65535 : i32
    %and3A_20 = vector.broadcast %and3A : i32 to vector<16xi32>
    %and3A_21 = arith.andi %get3A_19, %and3A_20 : vector<16xi32>
    %swap3A = arith.constant 0 : index
    %swap3A_22 = tpu.vector_load %arg6[%swap3A] {strides = array<i32>} : memref<64xi32, #tpu.memory_space<vmem>>, vector<16xi32>,
    %swap3A_23 = vector.shape_cast %swap3A_22 : vector<16xi32> to vector<16xi32>
    %swap3A_24 = vector.shape_cast %and3A_21 : vector<16xi32> to vector<16xi32>
    tpu.vector_store %arg6[%swap3A], %swap3A_24 {strides = array<i32>} : memref<64xi32, #tpu.memory_space<vmem>>, vector<16xi32>,
    %shift_right_logical3A = arith.constant 16 : i32
    %shift_right_logical3A_25 = vector.broadcast %shift_right_logical3A : i32 to vector<16xi32>
    %shift_right_logical3A_26 = arith.shrui %get3A_19, %shift_right_logical3A_25 : vector<16xi32>
    %swap3A_27 = arith.constant 0 : index
    %swap3A_28 = tpu.vector_load %arg10[%swap3A_27] {strides = array<i32>} : memref<64xi32, #tpu.memory_space<vmem>>, vector<16xi32>,
    %swap3A_29 = vector.shape_cast %swap3A_28 : vector<16xi32> to vector<16xi32>
    %swap3A_30 = vector.shape_cast %shift_right_logical3A_26 : vector<16xi32> to vector<16xi32>
    tpu.vector_store %arg10[%swap3A_27], %swap3A_30 {strides = array<i32>} : memref<64xi32, #tpu.memory_space<vmem>>, vector<16xi32>,
    %add3A_31 = arith.constant 16 : i32
    %add3A_32 = arith.addi %multiple_of3A_15, %add3A_31 : i32
    %get3A_33 = arith.index_cast %add3A_32 : i32 to index
    %get3A_34 = tpu.vector_load %arg5[%get3A_33] {strides = array<i32>} : memref<10240xi32, #tpu.memory_space<vmem>>, vector<16xi32>,
    %get3A_35 = vector.shape_cast %get3A_34 : vector<16xi32> to vector<16xi32>
    %and3A_36 = arith.constant 65535 : i32
    %and3A_37 = vector.broadcast %and3A_36 : i32 to vector<16xi32>
    %and3A_38 = arith.andi %get3A_35, %and3A_37 : vector<16xi32>
    %swap3A_39 = arith.constant 16 : index
    %swap3A_40 = tpu.vector_load %arg6[%swap3A_39] {strides = array<i32>} : memref<64xi32, #tpu.memory_space<vmem>>, vector<16xi32>,
    %swap3A_41 = vector.shape_cast %swap3A_40 : vector<16xi32> to vector<16xi32>
    %swap3A_42 = vector.shape_cast %and3A_38 : vector<16xi32> to vector<16xi32>
    tpu.vector_store %arg6[%swap3A_39], %swap3A_42 {strides = array<i32>} : memref<64xi32, #tpu.memory_space<vmem>>, vector<16xi32>,
    %shift_right_logical3A_43 = arith.constant 16 : i32
    %shift_right_logical3A_44 = vector.broadcast %shift_right_logical3A_43 : i32 to vector<16xi32>
    %shift_right_logical3A_45 = arith.shrui %get3A_35, %shift_right_logical3A_44 : vector<16xi32>
    %swap3A_46 = arith.constant 16 : index
    %swap3A_47 = tpu.vector_load %arg10[%swap3A_46] {strides = array<i32>} : memref<64xi32, #tpu.memory_space<vmem>>, vector<16xi32>,
    %swap3A_48 = vector.shape_cast %swap3A_47 : vector<16xi32> to vector<16xi32>
    %swap3A_49 = vector.shape_cast %shift_right_logical3A_45 : vector<16xi32> to vector<16xi32>
    tpu.vector_store %arg10[%swap3A_46], %swap3A_49 {strides = array<i32>} : memref<64xi32, #tpu.memory_space<vmem>>, vector<16xi32>,
    %add3A_50 = arith.constant 32 : i32
    %add3A_51 = arith.addi %multiple_of3A_15, %add3A_50 : i32
    %get3A_52 = arith.index_cast %add3A_51 : i32 to index
    %get3A_53 = tpu.vector_load %arg5[%get3A_52] {strides = array<i32>} : memref<10240xi32, #tpu.memory_space<vmem>>, vector<16xi32>,
    %get3A_54 = vector.shape_cast %get3A_53 : vector<16xi32> to vector<16xi32>
    %and3A_55 = arith.constant 65535 : i32
    %and3A_56 = vector.broadcast %and3A_55 : i32 to vector<16xi32>
    %and3A_57 = arith.andi %get3A_54, %and3A_56 : vector<16xi32>
    %swap3A_58 = arith.constant 32 : index
    %swap3A_59 = tpu.vector_load %arg6[%swap3A_58] {strides = array<i32>} : memref<64xi32, #tpu.memory_space<vmem>>, vector<16xi32>,
    %swap3A_60 = vector.shape_cast %swap3A_59 : vector<16xi32> to vector<16xi32>
    %swap3A_61 = vector.shape_cast %and3A_57 : vector<16xi32> to vector<16xi32>
    tpu.vector_store %arg6[%swap3A_58], %swap3A_61 {strides = array<i32>} : memref<64xi32, #tpu.memory_space<vmem>>, vector<16xi32>,
    %shift_right_logical3A_62 = arith.constant 16 : i32
    %shift_right_logical3A_63 = vector.broadcast %shift_right_logical3A_62 : i32 to vector<16xi32>
    %shift_right_logical3A_64 = arith.shrui %get3A_54, %shift_right_logical3A_63 : vector<16xi32>
    %swap3A_65 = arith.constant 32 : index
    %swap3A_66 = tpu.vector_load %arg10[%swap3A_65] {strides = array<i32>} : memref<64xi32, #tpu.memory_space<vmem>>, vector<16xi32>,
    %swap3A_67 = vector.shape_cast %swap3A_66 : vector<16xi32> to vector<16xi32>
    %swap3A_68 = vector.shape_cast %shift_right_logical3A_64 : vector<16xi32> to vector<16xi32>
    tpu.vector_store %arg10[%swap3A_65], %swap3A_68 {strides = array<i32>} : memref<64xi32, #tpu.memory_space<vmem>>, vector<16xi32>,
    %add3A_69 = arith.constant 48 : i32
    %add3A_70 = arith.addi %multiple_of3A_15, %add3A_69 : i32
    %get3A_71 = arith.index_cast %add3A_70 : i32 to index
    %get3A_72 = tpu.vector_load %arg5[%get3A_71] {strides = array<i32>} : memref<10240xi32, #tpu.memory_space<vmem>>, vector<16xi32>,
    %get3A_73 = vector.shape_cast %get3A_72 : vector<16xi32> to vector<16xi32>
    %and3A_74 = arith.constant 65535 : i32
    %and3A_75 = vector.broadcast %and3A_74 : i32 to vector<16xi32>
    %and3A_76 = arith.andi %get3A_73, %and3A_75 : vector<16xi32>
    %swap3A_77 = arith.constant 48 : index
    %swap3A_78 = tpu.vector_load %arg6[%swap3A_77] {strides = array<i32>} : memref<64xi32, #tpu.memory_space<vmem>>, vector<16xi32>,
    %swap3A_79 = vector.shape_cast %swap3A_78 : vector<16xi32> to vector<16xi32>
    %swap3A_80 = vector.shape_cast %and3A_76 : vector<16xi32> to vector<16xi32>
    tpu.vector_store %arg6[%swap3A_77], %swap3A_80 {strides = array<i32>} : memref<64xi32, #tpu.memory_space<vmem>>, vector<16xi32>,
    %shift_right_logical3A_81 = arith.constant 16 : i32
    %shift_right_logical3A_82 = vector.broadcast %shift_right_logical3A_81 : i32 to vector<16xi32>
    %shift_right_logical3A_83 = arith.shrui %get3A_73, %shift_right_logical3A_82 : vector<16xi32>
    %swap3A_84 = arith.constant 48 : index
    %swap3A_85 = tpu.vector_load %arg10[%swap3A_84] {strides = array<i32>} : memref<64xi32, #tpu.memory_space<vmem>>, vector<16xi32>,
    %swap3A_86 = vector.shape_cast %swap3A_85 : vector<16xi32> to vector<16xi32>
    %swap3A_87 = vector.shape_cast %shift_right_logical3A_83 : vector<16xi32> to vector<16xi32>
    tpu.vector_store %arg10[%swap3A_84], %swap3A_87 {strides = array<i32>} : memref<64xi32, #tpu.memory_space<vmem>>, vector<16xi32>,
    %dma_start3A = arith.constant 0 : i32
    %dma_start3A_88 = arith.constant 0 : i32
    %dma_start3A_89 = tpu.memref_slice %arg2[%dma_start3A, %dma_start3A_88] : memref<10400x128xf32, #tpu.memory_space<hbm>> -> memref<10400x128xf32, #tpu.memory_space<hbm>>
    tpu.enqueue_indirect_dma source(%dma_start3A_89 : memref<10400x128xf32, #tpu.memory_space<hbm>>) target(%arg14 : memref<64x128xf32, #tpu.memory_space<vmem>>) offsets(%arg6 : memref<64xi32, #tpu.memory_space<vmem>>) semaphore(%arg19 : memref<!tpu.dma_semaphore, #tpu.memory_space<semaphore_mem>>)
    %multiple_of3A_90 = arith.constant 64 : i32
    %multiple_of3A_91 = tpu.assume_multiple %multiple_of3A_90, 8 : i32
    %add3A_92 = arith.constant 0 : i32
    %add3A_93 = arith.addi %multiple_of3A_91, %add3A_92 : i32
    %get3A_94 = arith.index_cast %add3A_93 : i32 to index
    %get3A_95 = tpu.vector_load %arg5[%get3A_94] {strides = array<i32>} : memref<10240xi32, #tpu.memory_space<vmem>>, vector<16xi32>,
    %get3A_96 = vector.shape_cast %get3A_95 : vector<16xi32> to vector<16xi32>
    %and3A_97 = arith.constant 65535 : i32
    %and3A_98 = vector.broadcast %and3A_97 : i32 to vector<16xi32>
    %and3A_99 = arith.andi %get3A_96, %and3A_98 : vector<16xi32>
    %swap3A_100 = arith.constant 0 : index
    %swap3A_101 = tpu.vector_load %arg7[%swap3A_100] {strides = array<i32>} : memref<64xi32, #tpu.memory_space<vmem>>, vector<16xi32>,
    %swap3A_102 = vector.shape_cast %swap3A_101 : vector<16xi32> to vector<16xi32>
    %swap3A_103 = vector.shape_cast %and3A_99 : vector<16xi32> to vector<16xi32>
    tpu.vector_store %arg7[%swap3A_100], %swap3A_103 {strides = array<i32>} : memref<64xi32, #tpu.memory_space<vmem>>, vector<16xi32>,
    %shift_right_logical3A_104 = arith.constant 16 : i32
    %shift_right_logical3A_105 = vector.broadcast %shift_right_logical3A_104 : i32 to vector<16xi32>
    %shift_right_logical3A_106 = arith.shrui %get3A_96, %shift_right_logical3A_105 : vector<16xi32>
    %swap3A_107 = arith.constant 0 : index
    %swap3A_108 = tpu.vector_load %arg11[%swap3A_107] {strides = array<i32>} : memref<64xi32, #tpu.memory_space<vmem>>, vector<16xi32>,
    %swap3A_109 = vector.shape_cast %swap3A_108 : vector<16xi32> to vector<16xi32>
    %swap3A_110 = vector.shape_cast %shift_right_logical3A_106 : vector<16xi32> to vector<16xi32>
    tpu.vector_store %arg11[%swap3A_107], %swap3A_110 {strides = array<i32>} : memref<64xi32, #tpu.memory_space<vmem>>, vector<16xi32>,
    %add3A_111 = arith.constant 16 : i32
    %add3A_112 = arith.addi %multiple_of3A_91, %add3A_111 : i32
    %get3A_113 = arith.index_cast %add3A_112 : i32 to index
    %get3A_114 = tpu.vector_load %arg5[%get3A_113] {strides = array<i32>} : memref<10240xi32, #tpu.memory_space<vmem>>, vector<16xi32>,
    %get3A_115 = vector.shape_cast %get3A_114 : vector<16xi32> to vector<16xi32>
    %and3A_116 = arith.constant 65535 : i32
    %and3A_117 = vector.broadcast %and3A_116 : i32 to vector<16xi32>
    %and3A_118 = arith.andi %get3A_115, %and3A_117 : vector<16xi32>
    %swap3A_119 = arith.constant 16 : index
    %swap3A_120 = tpu.vector_load %arg7[%swap3A_119] {strides = array<i32>} : memref<64xi32, #tpu.memory_space<vmem>>, vector<16xi32>,
    %swap3A_121 = vector.shape_cast %swap3A_120 : vector<16xi32> to vector<16xi32>
    %swap3A_122 = vector.shape_cast %and3A_118 : vector<16xi32> to vector<16xi32>
    tpu.vector_store %arg7[%swap3A_119], %swap3A_122 {strides = array<i32>} : memref<64xi32, #tpu.memory_space<vmem>>, vector<16xi32>,
    %shift_right_logical3A_123 = arith.constant 16 : i32
    %shift_right_logical3A_124 = vector.broadcast %shift_right_logical3A_123 : i32 to vector<16xi32>
    %shift_right_logical3A_125 = arith.shrui %get3A_115, %shift_right_logical3A_124 : vector<16xi32>
    %swap3A_126 = arith.constant 16 : index
    %swap3A_127 = tpu.vector_load %arg11[%swap3A_126] {strides = array<i32>} : memref<64xi32, #tpu.memory_space<vmem>>, vector<16xi32>,
    %swap3A_128 = vector.shape_cast %swap3A_127 : vector<16xi32> to vector<16xi32>
    %swap3A_129 = vector.shape_cast %shift_right_logical3A_125 : vector<16xi32> to vector<16xi32>
    tpu.vector_store %arg11[%swap3A_126], %swap3A_129 {strides = array<i32>} : memref<64xi32, #tpu.memory_space<vmem>>, vector<16xi32>,
    %add3A_130 = arith.constant 32 : i32
    %add3A_131 = arith.addi %multiple_of3A_91, %add3A_130 : i32
    %get3A_132 = arith.index_cast %add3A_131 : i32 to index
    %get3A_133 = tpu.vector_load %arg5[%get3A_132] {strides = array<i32>} : memref<10240xi32, #tpu.memory_space<vmem>>, vector<16xi32>,
    %get3A_134 = vector.shape_cast %get3A_133 : vector<16xi32> to vector<16xi32>
    %and3A_135 = arith.constant 65535 : i32
    %and3A_136 = vector.broadcast %and3A_135 : i32 to vector<16xi32>
    %and3A_137 = arith.andi %get3A_134, %and3A_136 : vector<16xi32>
    %swap3A_138 = arith.constant 32 : index
    %swap3A_139 = tpu.vector_load %arg7[%swap3A_138] {strides = array<i32>} : memref<64xi32, #tpu.memory_space<vmem>>, vector<16xi32>,
    %swap3A_140 = vector.shape_cast %swap3A_139 : vector<16xi32> to vector<16xi32>
    %swap3A_141 = vector.shape_cast %and3A_137 : vector<16xi32> to vector<16xi32>
    tpu.vector_store %arg7[%swap3A_138], %swap3A_141 {strides = array<i32>} : memref<64xi32, #tpu.memory_space<vmem>>, vector<16xi32>,
    %shift_right_logical3A_142 = arith.constant 16 : i32
    %shift_right_logical3A_143 = vector.broadcast %shift_right_logical3A_142 : i32 to vector<16xi32>
    %shift_right_logical3A_144 = arith.shrui %get3A_134, %shift_right_logical3A_143 : vector<16xi32>
    %swap3A_145 = arith.constant 32 : index
    %swap3A_146 = tpu.vector_load %arg11[%swap3A_145] {strides = array<i32>} : memref<64xi32, #tpu.memory_space<vmem>>, vector<16xi32>,
    %swap3A_147 = vector.shape_cast %swap3A_146 : vector<16xi32> to vector<16xi32>
    %swap3A_148 = vector.shape_cast %shift_right_logical3A_144 : vector<16xi32> to vector<16xi32>
    tpu.vector_store %arg11[%swap3A_145], %swap3A_148 {strides = array<i32>} : memref<64xi32, #tpu.memory_space<vmem>>, vector<16xi32>,
    %add3A_149 = arith.constant 48 : i32
    %add3A_150 = arith.addi %multiple_of3A_91, %add3A_149 : i32
    %get3A_151 = arith.index_cast %add3A_150 : i32 to index
    %get3A_152 = tpu.vector_load %arg5[%get3A_151] {strides = array<i32>} : memref<10240xi32, #tpu.memory_space<vmem>>, vector<16xi32>,
    %get3A_153 = vector.shape_cast %get3A_152 : vector<16xi32> to vector<16xi32>
    %and3A_154 = arith.constant 65535 : i32
    %and3A_155 = vector.broadcast %and3A_154 : i32 to vector<16xi32>
    %and3A_156 = arith.andi %get3A_153, %and3A_155 : vector<16xi32>
    %swap3A_157 = arith.constant 48 : index
    %swap3A_158 = tpu.vector_load %arg7[%swap3A_157] {strides = array<i32>} : memref<64xi32, #tpu.memory_space<vmem>>, vector<16xi32>,
    %swap3A_159 = vector.shape_cast %swap3A_158 : vector<16xi32> to vector<16xi32>
    %swap3A_160 = vector.shape_cast %and3A_156 : vector<16xi32> to vector<16xi32>
    tpu.vector_store %arg7[%swap3A_157], %swap3A_160 {strides = array<i32>} : memref<64xi32, #tpu.memory_space<vmem>>, vector<16xi32>,
    %shift_right_logical3A_161 = arith.constant 16 : i32
    %shift_right_logical3A_162 = vector.broadcast %shift_right_logical3A_161 : i32 to vector<16xi32>
    %shift_right_logical3A_163 = arith.shrui %get3A_153, %shift_right_logical3A_162 : vector<16xi32>
    %swap3A_164 = arith.constant 48 : index
    %swap3A_165 = tpu.vector_load %arg11[%swap3A_164] {strides = array<i32>} : memref<64xi32, #tpu.memory_space<vmem>>, vector<16xi32>,
    %swap3A_166 = vector.shape_cast %swap3A_165 : vector<16xi32> to vector<16xi32>
    %swap3A_167 = vector.shape_cast %shift_right_logical3A_163 : vector<16xi32> to vector<16xi32>
    tpu.vector_store %arg11[%swap3A_164], %swap3A_167 {strides = array<i32>} : memref<64xi32, #tpu.memory_space<vmem>>, vector<16xi32>,
    %dma_start3A_168 = arith.constant 0 : i32
    %dma_start3A_169 = arith.constant 0 : i32
    %dma_start3A_170 = tpu.memref_slice %arg2[%dma_start3A_168, %dma_start3A_169] : memref<10400x128xf32, #tpu.memory_space<hbm>> -> memref<10400x128xf32, #tpu.memory_space<hbm>>
    tpu.enqueue_indirect_dma source(%dma_start3A_170 : memref<10400x128xf32, #tpu.memory_space<hbm>>) target(%arg15 : memref<64x128xf32, #tpu.memory_space<vmem>>) offsets(%arg7 : memref<64xi32, #tpu.memory_space<vmem>>) semaphore(%arg20 : memref<!tpu.dma_semaphore, #tpu.memory_space<semaphore_mem>>)
    %dma_wait3A = arith.constant 0 : i32
    %dma_wait3A_171 = arith.constant 0 : i32
    %dma_wait3A_172 = tpu.memref_slice %arg2[%dma_wait3A, %dma_wait3A_171] : memref<10400x128xf32, #tpu.memory_space<hbm>> -> memref<10400x128xf32, #tpu.memory_space<hbm>>
    tpu.wait_indirect_dma semaphore(%arg19 : memref<!tpu.dma_semaphore, #tpu.memory_space<semaphore_mem>>) src(%dma_wait3A_172 : memref<10400x128xf32, #tpu.memory_space<hbm>>) dst(%arg14 : memref<64x128xf32, #tpu.memory_space<vmem>>)
    %dma_start3A_173 = arith.constant 0 : i32
    %dma_start3A_174 = arith.constant 0 : i32
    %dma_start3A_175 = tpu.memref_slice %arg18[%dma_start3A_173, %dma_start3A_174] : memref<10000x128xf32, #tpu.memory_space<vmem_shared>> -> memref<10000x128xf32, #tpu.memory_space<vmem_shared>>
    tpu.enqueue_indirect_dma source(%arg14 : memref<64x128xf32, #tpu.memory_space<vmem>>) target(%dma_start3A_175 : memref<10000x128xf32, #tpu.memory_space<vmem_shared>>) offsets(%arg10 : memref<64xi32, #tpu.memory_space<vmem>>) semaphore(%arg23 : memref<!tpu.dma_semaphore, #tpu.memory_space<semaphore_mem>>) {add = true}
    %multiple_of3A_176 = arith.constant 128 : i32
    %multiple_of3A_177 = tpu.assume_multiple %multiple_of3A_176, 8 : i32
    %add3A_178 = arith.constant 0 : i32
    %add3A_179 = arith.addi %multiple_of3A_177, %add3A_178 : i32
    %get3A_180 = arith.index_cast %add3A_179 : i32 to index
    %get3A_181 = tpu.vector_load %arg5[%get3A_180] {strides = array<i32>} : memref<10240xi32, #tpu.memory_space<vmem>>, vector<16xi32>,
    %get3A_182 = vector.shape_cast %get3A_181 : vector<16xi32> to vector<16xi32>
    %and3A_183 = arith.constant 65535 : i32
    %and3A_184 = vector.broadcast %and3A_183 : i32 to vector<16xi32>
    %and3A_185 = arith.andi %get3A_182, %and3A_184 : vector<16xi32>
    %swap3A_186 = arith.constant 0 : index
    %swap3A_187 = tpu.vector_load %arg8[%swap3A_186] {strides = array<i32>} : memref<64xi32, #tpu.memory_space<vmem>>, vector<16xi32>,
    %swap3A_188 = vector.shape_cast %swap3A_187 : vector<16xi32> to vector<16xi32>
    %swap3A_189 = vector.shape_cast %and3A_185 : vector<16xi32> to vector<16xi32>
    tpu.vector_store %arg8[%swap3A_186], %swap3A_189 {strides = array<i32>} : memref<64xi32, #tpu.memory_space<vmem>>, vector<16xi32>,
    %shift_right_logical3A_190 = arith.constant 16 : i32
    %shift_right_logical3A_191 = vector.broadcast %shift_right_logical3A_190 : i32 to vector<16xi32>
    %shift_right_logical3A_192 = arith.shrui %get3A_182, %shift_right_logical3A_191 : vector<16xi32>
    %swap3A_193 = arith.constant 0 : index
    %swap3A_194 = tpu.vector_load %arg12[%swap3A_193] {strides = array<i32>} : memref<64xi32, #tpu.memory_space<vmem>>, vector<16xi32>,
    %swap3A_195 = vector.shape_cast %swap3A_194 : vector<16xi32> to vector<16xi32>
    %swap3A_196 = vector.shape_cast %shift_right_logical3A_192 : vector<16xi32> to vector<16xi32>
    tpu.vector_store %arg12[%swap3A_193], %swap3A_196 {strides = array<i32>} : memref<64xi32, #tpu.memory_space<vmem>>, vector<16xi32>,
    %add3A_197 = arith.constant 16 : i32
    %add3A_198 = arith.addi %multiple_of3A_177, %add3A_197 : i32
    %get3A_199 = arith.index_cast %add3A_198 : i32 to index
    %get3A_200 = tpu.vector_load %arg5[%get3A_199] {strides = array<i32>} : memref<10240xi32, #tpu.memory_space<vmem>>, vector<16xi32>,
    %get3A_201 = vector.shape_cast %get3A_200 : vector<16xi32> to vector<16xi32>
    %and3A_202 = arith.constant 65535 : i32
    %and3A_203 = vector.broadcast %and3A_202 : i32 to vector<16xi32>
    %and3A_204 = arith.andi %get3A_201, %and3A_203 : vector<16xi32>
    %swap3A_205 = arith.constant 16 : index
    %swap3A_206 = tpu.vector_load %arg8[%swap3A_205] {strides = array<i32>} : memref<64xi32, #tpu.memory_space<vmem>>, vector<16xi32>,
    %swap3A_207 = vector.shape_cast %swap3A_206 : vector<16xi32> to vector<16xi32>
    %swap3A_208 = vector.shape_cast %and3A_204 : vector<16xi32> to vector<16xi32>
    tpu.vector_store %arg8[%swap3A_205], %swap3A_208 {strides = array<i32>} : memref<64xi32, #tpu.memory_space<vmem>>, vector<16xi32>,
    %shift_right_logical3A_209 = arith.constant 16 : i32
    %shift_right_logical3A_210 = vector.broadcast %shift_right_logical3A_209 : i32 to vector<16xi32>
    %shift_right_logical3A_211 = arith.shrui %get3A_201, %shift_right_logical3A_210 : vector<16xi32>
    %swap3A_212 = arith.constant 16 : index
    %swap3A_213 = tpu.vector_load %arg12[%swap3A_212] {strides = array<i32>} : memref<64xi32, #tpu.memory_space<vmem>>, vector<16xi32>,
    %swap3A_214 = vector.shape_cast %swap3A_213 : vector<16xi32> to vector<16xi32>
    %swap3A_215 = vector.shape_cast %shift_right_logical3A_211 : vector<16xi32> to vector<16xi32>
    tpu.vector_store %arg12[%swap3A_212], %swap3A_215 {strides = array<i32>} : memref<64xi32, #tpu.memory_space<vmem>>, vector<16xi32>,
    %add3A_216 = arith.constant 32 : i32
    %add3A_217 = arith.addi %multiple_of3A_177, %add3A_216 : i32
    %get3A_218 = arith.index_cast %add3A_217 : i32 to index
    %get3A_219 = tpu.vector_load %arg5[%get3A_218] {strides = array<i32>} : memref<10240xi32, #tpu.memory_space<vmem>>, vector<16xi32>,
    %get3A_220 = vector.shape_cast %get3A_219 : vector<16xi32> to vector<16xi32>
    %and3A_221 = arith.constant 65535 : i32
    %and3A_222 = vector.broadcast %and3A_221 : i32 to vector<16xi32>
    %and3A_223 = arith.andi %get3A_220, %and3A_222 : vector<16xi32>
    %swap3A_224 = arith.constant 32 : index
    %swap3A_225 = tpu.vector_load %arg8[%swap3A_224] {strides = array<i32>} : memref<64xi32, #tpu.memory_space<vmem>>, vector<16xi32>,
    %swap3A_226 = vector.shape_cast %swap3A_225 : vector<16xi32> to vector<16xi32>
    %swap3A_227 = vector.shape_cast %and3A_223 : vector<16xi32> to vector<16xi32>
    tpu.vector_store %arg8[%swap3A_224], %swap3A_227 {strides = array<i32>} : memref<64xi32, #tpu.memory_space<vmem>>, vector<16xi32>,
    %shift_right_logical3A_228 = arith.constant 16 : i32
    %shift_right_logical3A_229 = vector.broadcast %shift_right_logical3A_228 : i32 to vector<16xi32>
    %shift_right_logical3A_230 = arith.shrui %get3A_220, %shift_right_logical3A_229 : vector<16xi32>
    %swap3A_231 = arith.constant 32 : index
    %swap3A_232 = tpu.vector_load %arg12[%swap3A_231] {strides = array<i32>} : memref<64xi32, #tpu.memory_space<vmem>>, vector<16xi32>,
    %swap3A_233 = vector.shape_cast %swap3A_232 : vector<16xi32> to vector<16xi32>
    %swap3A_234 = vector.shape_cast %shift_right_logical3A_230 : vector<16xi32> to vector<16xi32>
    tpu.vector_store %arg12[%swap3A_231], %swap3A_234 {strides = array<i32>} : memref<64xi32, #tpu.memory_space<vmem>>, vector<16xi32>,
    %add3A_235 = arith.constant 48 : i32
    %add3A_236 = arith.addi %multiple_of3A_177, %add3A_235 : i32
    %get3A_237 = arith.index_cast %add3A_236 : i32 to index
    %get3A_238 = tpu.vector_load %arg5[%get3A_237] {strides = array<i32>} : memref<10240xi32, #tpu.memory_space<vmem>>, vector<16xi32>,
    %get3A_239 = vector.shape_cast %get3A_238 : vector<16xi32> to vector<16xi32>
    %and3A_240 = arith.constant 65535 : i32
    %and3A_241 = vector.broadcast %and3A_240 : i32 to vector<16xi32>
    %and3A_242 = arith.andi %get3A_239, %and3A_241 : vector<16xi32>
    %swap3A_243 = arith.constant 48 : index
    %swap3A_244 = tpu.vector_load %arg8[%swap3A_243] {strides = array<i32>} : memref<64xi32, #tpu.memory_space<vmem>>, vector<16xi32>,
    %swap3A_245 = vector.shape_cast %swap3A_244 : vector<16xi32> to vector<16xi32>
    %swap3A_246 = vector.shape_cast %and3A_242 : vector<16xi32> to vector<16xi32>
    tpu.vector_store %arg8[%swap3A_243], %swap3A_246 {strides = array<i32>} : memref<64xi32, #tpu.memory_space<vmem>>, vector<16xi32>,
    %shift_right_logical3A_247 = arith.constant 16 : i32
    %shift_right_logical3A_248 = vector.broadcast %shift_right_logical3A_247 : i32 to vector<16xi32>
    %shift_right_logical3A_249 = arith.shrui %get3A_239, %shift_right_logical3A_248 : vector<16xi32>
    %swap3A_250 = arith.constant 48 : index
    %swap3A_251 = tpu.vector_load %arg12[%swap3A_250] {strides = array<i32>} : memref<64xi32, #tpu.memory_space<vmem>>, vector<16xi32>,
    %swap3A_252 = vector.shape_cast %swap3A_251 : vector<16xi32> to vector<16xi32>
    %swap3A_253 = vector.shape_cast %shift_right_logical3A_249 : vector<16xi32> to vector<16xi32>
    tpu.vector_store %arg12[%swap3A_250], %swap3A_253 {strides = array<i32>} : memref<64xi32, #tpu.memory_space<vmem>>, vector<16xi32>,
    %dma_start3A_254 = arith.constant 0 : i32
    %dma_start3A_255 = arith.constant 0 : i32
    %dma_start3A_256 = tpu.memref_slice %arg2[%dma_start3A_254, %dma_start3A_255] : memref<10400x128xf32, #tpu.memory_space<hbm>> -> memref<10400x128xf32, #tpu.memory_space<hbm>>
    tpu.enqueue_indirect_dma source(%dma_start3A_256 : memref<10400x128xf32, #tpu.memory_space<hbm>>) target(%arg16 : memref<64x128xf32, #tpu.memory_space<vmem>>) offsets(%arg8 : memref<64xi32, #tpu.memory_space<vmem>>) semaphore(%arg21 : memref<!tpu.dma_semaphore, #tpu.memory_space<semaphore_mem>>)
    %dma_wait3A_257 = arith.constant 0 : i32
    %dma_wait3A_258 = arith.constant 0 : i32
    %dma_wait3A_259 = tpu.memref_slice %arg2[%dma_wait3A_257, %dma_wait3A_258] : memref<10400x128xf32, #tpu.memory_space<hbm>> -> memref<10400x128xf32, #tpu.memory_space<hbm>>
    tpu.wait_indirect_dma semaphore(%arg20 : memref<!tpu.dma_semaphore, #tpu.memory_space<semaphore_mem>>) src(%dma_wait3A_259 : memref<10400x128xf32, #tpu.memory_space<hbm>>) dst(%arg15 : memref<64x128xf32, #tpu.memory_space<vmem>>)
    %dma_start3A_260 = arith.constant 0 : i32
    %dma_start3A_261 = arith.constant 0 : i32
    %dma_start3A_262 = tpu.memref_slice %arg18[%dma_start3A_260, %dma_start3A_261] : memref<10000x128xf32, #tpu.memory_space<vmem_shared>> -> memref<10000x128xf32, #tpu.memory_space<vmem_shared>>
    tpu.enqueue_indirect_dma source(%arg15 : memref<64x128xf32, #tpu.memory_space<vmem>>) target(%dma_start3A_262 : memref<10000x128xf32, #tpu.memory_space<vmem_shared>>) offsets(%arg11 : memref<64xi32, #tpu.memory_space<vmem>>) semaphore(%arg24 : memref<!tpu.dma_semaphore, #tpu.memory_space<semaphore_mem>>) {add = true}
    %multiple_of3A_263 = arith.constant 192 : i32
    %multiple_of3A_264 = tpu.assume_multiple %multiple_of3A_263, 8 : i32
    %add3A_265 = arith.constant 0 : i32
    %add3A_266 = arith.addi %multiple_of3A_264, %add3A_265 : i32
    %get3A_267 = arith.index_cast %add3A_266 : i32 to index
    %get3A_268 = tpu.vector_load %arg5[%get3A_267] {strides = array<i32>} : memref<10240xi32, #tpu.memory_space<vmem>>, vector<16xi32>,
    %get3A_269 = vector.shape_cast %get3A_268 : vector<16xi32> to vector<16xi32>
    %and3A_270 = arith.constant 65535 : i32
    %and3A_271 = vector.broadcast %and3A_270 : i32 to vector<16xi32>
    %and3A_272 = arith.andi %get3A_269, %and3A_271 : vector<16xi32>
    %swap3A_273 = arith.constant 0 : index
    %swap3A_274 = tpu.vector_load %arg9[%swap3A_273] {strides = array<i32>} : memref<64xi32, #tpu.memory_space<vmem>>, vector<16xi32>,
    %swap3A_275 = vector.shape_cast %swap3A_274 : vector<16xi32> to vector<16xi32>
    %swap3A_276 = vector.shape_cast %and3A_272 : vector<16xi32> to vector<16xi32>
    tpu.vector_store %arg9[%swap3A_273], %swap3A_276 {strides = array<i32>} : memref<64xi32, #tpu.memory_space<vmem>>, vector<16xi32>,
    %shift_right_logical3A_277 = arith.constant 16 : i32
    %shift_right_logical3A_278 = vector.broadcast %shift_right_logical3A_277 : i32 to vector<16xi32>
    %shift_right_logical3A_279 = arith.shrui %get3A_269, %shift_right_logical3A_278 : vector<16xi32>
    %swap3A_280 = arith.constant 0 : index
    %swap3A_281 = tpu.vector_load %arg13[%swap3A_280] {strides = array<i32>} : memref<64xi32, #tpu.memory_space<vmem>>, vector<16xi32>,
    %swap3A_282 = vector.shape_cast %swap3A_281 : vector<16xi32> to vector<16xi32>
    %swap3A_283 = vector.shape_cast %shift_right_logical3A_279 : vector<16xi32> to vector<16xi32>
    tpu.vector_store %arg13[%swap3A_280], %swap3A_283 {strides = array<i32>} : memref<64xi32, #tpu.memory_space<vmem>>, vector<16xi32>,
    %add3A_284 = arith.constant 16 : i32
    %add3A_285 = arith.addi %multiple_of3A_264, %add3A_284 : i32
    %get3A_286 = arith.index_cast %add3A_285 : i32 to index
    %get3A_287 = tpu.vector_load %arg5[%get3A_286] {strides = array<i32>} : memref<10240xi32, #tpu.memory_space<vmem>>, vector<16xi32>,
    %get3A_288 = vector.shape_cast %get3A_287 : vector<16xi32> to vector<16xi32>
    %and3A_289 = arith.constant 65535 : i32
    %and3A_290 = vector.broadcast %and3A_289 : i32 to vector<16xi32>
    %and3A_291 = arith.andi %get3A_288, %and3A_290 : vector<16xi32>
    %swap3A_292 = arith.constant 16 : index
    %swap3A_293 = tpu.vector_load %arg9[%swap3A_292] {strides = array<i32>} : memref<64xi32, #tpu.memory_space<vmem>>, vector<16xi32>,
    %swap3A_294 = vector.shape_cast %swap3A_293 : vector<16xi32> to vector<16xi32>
    %swap3A_295 = vector.shape_cast %and3A_291 : vector<16xi32> to vector<16xi32>
    tpu.vector_store %arg9[%swap3A_292], %swap3A_295 {strides = array<i32>} : memref<64xi32, #tpu.memory_space<vmem>>, vector<16xi32>,
    %shift_right_logical3A_296 = arith.constant 16 : i32
    %shift_right_logical3A_297 = vector.broadcast %shift_right_logical3A_296 : i32 to vector<16xi32>
    %shift_right_logical3A_298 = arith.shrui %get3A_288, %shift_right_logical3A_297 : vector<16xi32>
    %swap3A_299 = arith.constant 16 : index
    %swap3A_300 = tpu.vector_load %arg13[%swap3A_299] {strides = array<i32>} : memref<64xi32, #tpu.memory_space<vmem>>, vector<16xi32>,
    %swap3A_301 = vector.shape_cast %swap3A_300 : vector<16xi32> to vector<16xi32>
    %swap3A_302 = vector.shape_cast %shift_right_logical3A_298 : vector<16xi32> to vector<16xi32>
    tpu.vector_store %arg13[%swap3A_299], %swap3A_302 {strides = array<i32>} : memref<64xi32, #tpu.memory_space<vmem>>, vector<16xi32>,
    %add3A_303 = arith.constant 32 : i32
    %add3A_304 = arith.addi %multiple_of3A_264, %add3A_303 : i32
    %get3A_305 = arith.index_cast %add3A_304 : i32 to index
    %get3A_306 = tpu.vector_load %arg5[%get3A_305] {strides = array<i32>} : memref<10240xi32, #tpu.memory_space<vmem>>, vector<16xi32>,
    %get3A_307 = vector.shape_cast %get3A_306 : vector<16xi32> to vector<16xi32>
    %and3A_308 = arith.constant 65535 : i32
    %and3A_309 = vector.broadcast %and3A_308 : i32 to vector<16xi32>
    %and3A_310 = arith.andi %get3A_307, %and3A_309 : vector<16xi32>
    %swap3A_311 = arith.constant 32 : index
    %swap3A_312 = tpu.vector_load %arg9[%swap3A_311] {strides = array<i32>} : memref<64xi32, #tpu.memory_space<vmem>>, vector<16xi32>,
    %swap3A_313 = vector.shape_cast %swap3A_312 : vector<16xi32> to vector<16xi32>
    %swap3A_314 = vector.shape_cast %and3A_310 : vector<16xi32> to vector<16xi32>
    tpu.vector_store %arg9[%swap3A_311], %swap3A_314 {strides = array<i32>} : memref<64xi32, #tpu.memory_space<vmem>>, vector<16xi32>,
    %shift_right_logical3A_315 = arith.constant 16 : i32
    %shift_right_logical3A_316 = vector.broadcast %shift_right_logical3A_315 : i32 to vector<16xi32>
    %shift_right_logical3A_317 = arith.shrui %get3A_307, %shift_right_logical3A_316 : vector<16xi32>
    %swap3A_318 = arith.constant 32 : index
    %swap3A_319 = tpu.vector_load %arg13[%swap3A_318] {strides = array<i32>} : memref<64xi32, #tpu.memory_space<vmem>>, vector<16xi32>,
    %swap3A_320 = vector.shape_cast %swap3A_319 : vector<16xi32> to vector<16xi32>
    %swap3A_321 = vector.shape_cast %shift_right_logical3A_317 : vector<16xi32> to vector<16xi32>
    tpu.vector_store %arg13[%swap3A_318], %swap3A_321 {strides = array<i32>} : memref<64xi32, #tpu.memory_space<vmem>>, vector<16xi32>,
    %add3A_322 = arith.constant 48 : i32
    %add3A_323 = arith.addi %multiple_of3A_264, %add3A_322 : i32
    %get3A_324 = arith.index_cast %add3A_323 : i32 to index
    %get3A_325 = tpu.vector_load %arg5[%get3A_324] {strides = array<i32>} : memref<10240xi32, #tpu.memory_space<vmem>>, vector<16xi32>,
    %get3A_326 = vector.shape_cast %get3A_325 : vector<16xi32> to vector<16xi32>
    %and3A_327 = arith.constant 65535 : i32
    %and3A_328 = vector.broadcast %and3A_327 : i32 to vector<16xi32>
    %and3A_329 = arith.andi %get3A_326, %and3A_328 : vector<16xi32>
    %swap3A_330 = arith.constant 48 : index
    %swap3A_331 = tpu.vector_load %arg9[%swap3A_330] {strides = array<i32>} : memref<64xi32, #tpu.memory_space<vmem>>, vector<16xi32>,
    %swap3A_332 = vector.shape_cast %swap3A_331 : vector<16xi32> to vector<16xi32>
    %swap3A_333 = vector.shape_cast %and3A_329 : vector<16xi32> to vector<16xi32>
    tpu.vector_store %arg9[%swap3A_330], %swap3A_333 {strides = array<i32>} : memref<64xi32, #tpu.memory_space<vmem>>, vector<16xi32>,
    %shift_right_logical3A_334 = arith.constant 16 : i32
    %shift_right_logical3A_335 = vector.broadcast %shift_right_logical3A_334 : i32 to vector<16xi32>
    %shift_right_logical3A_336 = arith.shrui %get3A_326, %shift_right_logical3A_335 : vector<16xi32>
    %swap3A_337 = arith.constant 48 : index
    %swap3A_338 = tpu.vector_load %arg13[%swap3A_337] {strides = array<i32>} : memref<64xi32, #tpu.memory_space<vmem>>, vector<16xi32>,
    %swap3A_339 = vector.shape_cast %swap3A_338 : vector<16xi32> to vector<16xi32>
    %swap3A_340 = vector.shape_cast %shift_right_logical3A_336 : vector<16xi32> to vector<16xi32>
    tpu.vector_store %arg13[%swap3A_337], %swap3A_340 {strides = array<i32>} : memref<64xi32, #tpu.memory_space<vmem>>, vector<16xi32>,
    %dma_start3A_341 = arith.constant 0 : i32
    %dma_start3A_342 = arith.constant 0 : i32
    %dma_start3A_343 = tpu.memref_slice %arg2[%dma_start3A_341, %dma_start3A_342] : memref<10400x128xf32, #tpu.memory_space<hbm>> -> memref<10400x128xf32, #tpu.memory_space<hbm>>
    tpu.enqueue_indirect_dma source(%dma_start3A_343 : memref<10400x128xf32, #tpu.memory_space<hbm>>) target(%arg17 : memref<64x128xf32, #tpu.memory_space<vmem>>) offsets(%arg9 : memref<64xi32, #tpu.memory_space<vmem>>) semaphore(%arg22 : memref<!tpu.dma_semaphore, #tpu.memory_space<semaphore_mem>>)
    %dma_wait3A_344 = arith.constant 0 : i32
    %dma_wait3A_345 = arith.constant 0 : i32
    %dma_wait3A_346 = tpu.memref_slice %arg2[%dma_wait3A_344, %dma_wait3A_345] : memref<10400x128xf32, #tpu.memory_space<hbm>> -> memref<10400x128xf32, #tpu.memory_space<hbm>>
    tpu.wait_indirect_dma semaphore(%arg21 : memref<!tpu.dma_semaphore, #tpu.memory_space<semaphore_mem>>) src(%dma_wait3A_346 : memref<10400x128xf32, #tpu.memory_space<hbm>>) dst(%arg16 : memref<64x128xf32, #tpu.memory_space<vmem>>)
    %dma_start3A_347 = arith.constant 0 : i32
    %dma_start3A_348 = arith.constant 0 : i32
    %dma_start3A_349 = tpu.memref_slice %arg18[%dma_start3A_347, %dma_start3A_348] : memref<10000x128xf32, #tpu.memory_space<vmem_shared>> -> memref<10000x128xf32, #tpu.memory_space<vmem_shared>>
    tpu.enqueue_indirect_dma source(%arg16 : memref<64x128xf32, #tpu.memory_space<vmem>>) target(%dma_start3A_349 : memref<10000x128xf32, #tpu.memory_space<vmem_shared>>) offsets(%arg12 : memref<64xi32, #tpu.memory_space<vmem>>) semaphore(%arg25 : memref<!tpu.dma_semaphore, #tpu.memory_space<semaphore_mem>>) {add = true}
    %scan3A_350 = arith.constant 0 : i32
    %scan3A_351 = arith.constant 1 : i32
    %scan3A_352 = arith.constant 39 : i32
    %scan3A_353 = arith.addi %scan3A_351, %scan3A_352 : i32
    %scan3A_354 = arith.constant 1 : i32
    scf.for %scan3A_385 = %scan3A_351 to %scan3A_353 step %scan3A_354  : i32 {
      %dma_wait3A_386 = arith.constant 0 : i32
      %dma_wait3A_387 = arith.constant 0 : i32
      %dma_wait3A_388 = tpu.memref_slice %arg18[%dma_wait3A_386, %dma_wait3A_387] : memref<10000x128xf32, #tpu.memory_space<vmem_shared>> -> memref<10000x128xf32, #tpu.memory_space<vmem_shared>>
      tpu.wait_indirect_dma semaphore(%arg23 : memref<!tpu.dma_semaphore, #tpu.memory_space<semaphore_mem>>) src(%arg14 : memref<64x128xf32, #tpu.memory_space<vmem>>) dst(%dma_wait3A_388 : memref<10000x128xf32, #tpu.memory_space<vmem_shared>>)
      %mul3A_389 = arith.constant 4 : i32
      %mul3A_390 = arith.muli %mul3A_389, %scan3A_385 : i32
      %add3A_391 = arith.constant 0 : i32
      %add3A_392 = arith.addi %mul3A_390, %add3A_391 : i32
      %mul3A_393 = arith.constant 64 : i32
      %mul3A_394 = arith.muli %add3A_392, %mul3A_393 : i32
      %multiple_of3A_395 = tpu.assume_multiple %mul3A_394, 8 : i32
      %add3A_396 = arith.constant 0 : i32
      %add3A_397 = arith.addi %multiple_of3A_395, %add3A_396 : i32
      %get3A_398 = arith.index_cast %add3A_397 : i32 to index
      %get3A_399 = tpu.vector_load %arg5[%get3A_398] {strides = array<i32>} : memref<10240xi32, #tpu.memory_space<vmem>>, vector<16xi32>,
      %get3A_400 = vector.shape_cast %get3A_399 : vector<16xi32> to vector<16xi32>
      %and3A_401 = arith.constant 65535 : i32
      %and3A_402 = vector.broadcast %and3A_401 : i32 to vector<16xi32>
      %and3A_403 = arith.andi %get3A_400, %and3A_402 : vector<16xi32>
      %swap3A_404 = arith.constant 0 : index
      %swap3A_405 = tpu.vector_load %arg6[%swap3A_404] {strides = array<i32>} : memref<64xi32, #tpu.memory_space<vmem>>, vector<16xi32>,
      %swap3A_406 = vector.shape_cast %swap3A_405 : vector<16xi32> to vector<16xi32>
      %swap3A_407 = vector.shape_cast %and3A_403 : vector<16xi32> to vector<16xi32>
      tpu.vector_store %arg6[%swap3A_404], %swap3A_407 {strides = array<i32>} : memref<64xi32, #tpu.memory_space<vmem>>, vector<16xi32>,
      %shift_right_logical3A_408 = arith.constant 16 : i32
      %shift_right_logical3A_409 = vector.broadcast %shift_right_logical3A_408 : i32 to vector<16xi32>
      %shift_right_logical3A_410 = arith.shrui %get3A_400, %shift_right_logical3A_409 : vector<16xi32>
      %swap3A_411 = arith.constant 0 : index
      %swap3A_412 = tpu.vector_load %arg10[%swap3A_411] {strides = array<i32>} : memref<64xi32, #tpu.memory_space<vmem>>, vector<16xi32>,
      %swap3A_413 = vector.shape_cast %swap3A_412 : vector<16xi32> to vector<16xi32>
      %swap3A_414 = vector.shape_cast %shift_right_logical3A_410 : vector<16xi32> to vector<16xi32>
      tpu.vector_store %arg10[%swap3A_411], %swap3A_414 {strides = array<i32>} : memref<64xi32, #tpu.memory_space<vmem>>, vector<16xi32>,
      %add3A_415 = arith.constant 16 : i32
      %add3A_416 = arith.addi %multiple_of3A_395, %add3A_415 : i32
      %get3A_417 = arith.index_cast %add3A_416 : i32 to index
      %get3A_418 = tpu.vector_load %arg5[%get3A_417] {strides = array<i32>} : memref<10240xi32, #tpu.memory_space<vmem>>, vector<16xi32>,
      %get3A_419 = vector.shape_cast %get3A_418 : vector<16xi32> to vector<16xi32>
      %and3A_420 = arith.constant 65535 : i32
      %and3A_421 = vector.broadcast %and3A_420 : i32 to vector<16xi32>
      %and3A_422 = arith.andi %get3A_419, %and3A_421 : vector<16xi32>
      %swap3A_423 = arith.constant 16 : index
      %swap3A_424 = tpu.vector_load %arg6[%swap3A_423] {strides = array<i32>} : memref<64xi32, #tpu.memory_space<vmem>>, vector<16xi32>,
      %swap3A_425 = vector.shape_cast %swap3A_424 : vector<16xi32> to vector<16xi32>
      %swap3A_426 = vector.shape_cast %and3A_422 : vector<16xi32> to vector<16xi32>
      tpu.vector_store %arg6[%swap3A_423], %swap3A_426 {strides = array<i32>} : memref<64xi32, #tpu.memory_space<vmem>>, vector<16xi32>,
      %shift_right_logical3A_427 = arith.constant 16 : i32
      %shift_right_logical3A_428 = vector.broadcast %shift_right_logical3A_427 : i32 to vector<16xi32>
      %shift_right_logical3A_429 = arith.shrui %get3A_419, %shift_right_logical3A_428 : vector<16xi32>
      %swap3A_430 = arith.constant 16 : index
      %swap3A_431 = tpu.vector_load %arg10[%swap3A_430] {strides = array<i32>} : memref<64xi32, #tpu.memory_space<vmem>>, vector<16xi32>,
      %swap3A_432 = vector.shape_cast %swap3A_431 : vector<16xi32> to vector<16xi32>
      %swap3A_433 = vector.shape_cast %shift_right_logical3A_429 : vector<16xi32> to vector<16xi32>
      tpu.vector_store %arg10[%swap3A_430], %swap3A_433 {strides = array<i32>} : memref<64xi32, #tpu.memory_space<vmem>>, vector<16xi32>,
      %add3A_434 = arith.constant 32 : i32
      %add3A_435 = arith.addi %multiple_of3A_395, %add3A_434 : i32
      %get3A_436 = arith.index_cast %add3A_435 : i32 to index
      %get3A_437 = tpu.vector_load %arg5[%get3A_436] {strides = array<i32>} : memref<10240xi32, #tpu.memory_space<vmem>>, vector<16xi32>,
      %get3A_438 = vector.shape_cast %get3A_437 : vector<16xi32> to vector<16xi32>
      %and3A_439 = arith.constant 65535 : i32
      %and3A_440 = vector.broadcast %and3A_439 : i32 to vector<16xi32>
      %and3A_441 = arith.andi %get3A_438, %and3A_440 : vector<16xi32>
      %swap3A_442 = arith.constant 32 : index
      %swap3A_443 = tpu.vector_load %arg6[%swap3A_442] {strides = array<i32>} : memref<64xi32, #tpu.memory_space<vmem>>, vector<16xi32>,
      %swap3A_444 = vector.shape_cast %swap3A_443 : vector<16xi32> to vector<16xi32>
      %swap3A_445 = vector.shape_cast %and3A_441 : vector<16xi32> to vector<16xi32>
      tpu.vector_store %arg6[%swap3A_442], %swap3A_445 {strides = array<i32>} : memref<64xi32, #tpu.memory_space<vmem>>, vector<16xi32>,
      %shift_right_logical3A_446 = arith.constant 16 : i32
      %shift_right_logical3A_447 = vector.broadcast %shift_right_logical3A_446 : i32 to vector<16xi32>
      %shift_right_logical3A_448 = arith.shrui %get3A_438, %shift_right_logical3A_447 : vector<16xi32>
      %swap3A_449 = arith.constant 32 : index
      %swap3A_450 = tpu.vector_load %arg10[%swap3A_449] {strides = array<i32>} : memref<64xi32, #tpu.memory_space<vmem>>, vector<16xi32>,
      %swap3A_451 = vector.shape_cast %swap3A_450 : vector<16xi32> to vector<16xi32>
      %swap3A_452 = vector.shape_cast %shift_right_logical3A_448 : vector<16xi32> to vector<16xi32>
      tpu.vector_store %arg10[%swap3A_449], %swap3A_452 {strides = array<i32>} : memref<64xi32, #tpu.memory_space<vmem>>, vector<16xi32>,
      %add3A_453 = arith.constant 48 : i32
      %add3A_454 = arith.addi %multiple_of3A_395, %add3A_453 : i32
      %get3A_455 = arith.index_cast %add3A_454 : i32 to index
      %get3A_456 = tpu.vector_load %arg5[%get3A_455] {strides = array<i32>} : memref<10240xi32, #tpu.memory_space<vmem>>, vector<16xi32>,
      %get3A_457 = vector.shape_cast %get3A_456 : vector<16xi32> to vector<16xi32>
      %and3A_458 = arith.constant 65535 : i32
      %and3A_459 = vector.broadcast %and3A_458 : i32 to vector<16xi32>
      %and3A_460 = arith.andi %get3A_457, %and3A_459 : vector<16xi32>
      %swap3A_461 = arith.constant 48 : index
      %swap3A_462 = tpu.vector_load %arg6[%swap3A_461] {strides = array<i32>} : memref<64xi32, #tpu.memory_space<vmem>>, vector<16xi32>,
      %swap3A_463 = vector.shape_cast %swap3A_462 : vector<16xi32> to vector<16xi32>
      %swap3A_464 = vector.shape_cast %and3A_460 : vector<16xi32> to vector<16xi32>
      tpu.vector_store %arg6[%swap3A_461], %swap3A_464 {strides = array<i32>} : memref<64xi32, #tpu.memory_space<vmem>>, vector<16xi32>,
      %shift_right_logical3A_465 = arith.constant 16 : i32
      %shift_right_logical3A_466 = vector.broadcast %shift_right_logical3A_465 : i32 to vector<16xi32>
      %shift_right_logical3A_467 = arith.shrui %get3A_457, %shift_right_logical3A_466 : vector<16xi32>
      %swap3A_468 = arith.constant 48 : index
      %swap3A_469 = tpu.vector_load %arg10[%swap3A_468] {strides = array<i32>} : memref<64xi32, #tpu.memory_space<vmem>>, vector<16xi32>,
      %swap3A_470 = vector.shape_cast %swap3A_469 : vector<16xi32> to vector<16xi32>
      %swap3A_471 = vector.shape_cast %shift_right_logical3A_467 : vector<16xi32> to vector<16xi32>
      tpu.vector_store %arg10[%swap3A_468], %swap3A_471 {strides = array<i32>} : memref<64xi32, #tpu.memory_space<vmem>>, vector<16xi32>,
      %dma_start3A_472 = arith.constant 0 : i32
      %dma_start3A_473 = arith.constant 0 : i32
      %dma_start3A_474 = tpu.memref_slice %arg2[%dma_start3A_472, %dma_start3A_473] : memref<10400x128xf32, #tpu.memory_space<hbm>> -> memref<10400x128xf32, #tpu.memory_space<hbm>>
      tpu.enqueue_indirect_dma source(%dma_start3A_474 : memref<10400x128xf32, #tpu.memory_space<hbm>>) target(%arg14 : memref<64x128xf32, #tpu.memory_space<vmem>>) offsets(%arg6 : memref<64xi32, #tpu.memory_space<vmem>>) semaphore(%arg19 : memref<!tpu.dma_semaphore, #tpu.memory_space<semaphore_mem>>)
      %dma_wait3A_475 = arith.constant 0 : i32
      %dma_wait3A_476 = arith.constant 0 : i32
      %dma_wait3A_477 = tpu.memref_slice %arg2[%dma_wait3A_475, %dma_wait3A_476] : memref<10400x128xf32, #tpu.memory_space<hbm>> -> memref<10400x128xf32, #tpu.memory_space<hbm>>
      tpu.wait_indirect_dma semaphore(%arg22 : memref<!tpu.dma_semaphore, #tpu.memory_space<semaphore_mem>>) src(%dma_wait3A_477 : memref<10400x128xf32, #tpu.memory_space<hbm>>) dst(%arg17 : memref<64x128xf32, #tpu.memory_space<vmem>>)
      %dma_start3A_478 = arith.constant 0 : i32
      %dma_start3A_479 = arith.constant 0 : i32
      %dma_start3A_480 = tpu.memref_slice %arg18[%dma_start3A_478, %dma_start3A_479] : memref<10000x128xf32, #tpu.memory_space<vmem_shared>> -> memref<10000x128xf32, #tpu.memory_space<vmem_shared>>
      tpu.enqueue_indirect_dma source(%arg17 : memref<64x128xf32, #tpu.memory_space<vmem>>) target(%dma_start3A_480 : memref<10000x128xf32, #tpu.memory_space<vmem_shared>>) offsets(%arg13 : memref<64xi32, #tpu.memory_space<vmem>>) semaphore(%arg26 : memref<!tpu.dma_semaphore, #tpu.memory_space<semaphore_mem>>) {add = true}
      %dma_wait3A_481 = arith.constant 0 : i32
      %dma_wait3A_482 = arith.constant 0 : i32
      %dma_wait3A_483 = tpu.memref_slice %arg18[%dma_wait3A_481, %dma_wait3A_482] : memref<10000x128xf32, #tpu.memory_space<vmem_shared>> -> memref<10000x128xf32, #tpu.memory_space<vmem_shared>>
      tpu.wait_indirect_dma semaphore(%arg24 : memref<!tpu.dma_semaphore, #tpu.memory_space<semaphore_mem>>) src(%arg15 : memref<64x128xf32, #tpu.memory_space<vmem>>) dst(%dma_wait3A_483 : memref<10000x128xf32, #tpu.memory_space<vmem_shared>>)
      %mul3A_484 = arith.constant 4 : i32
      %mul3A_485 = arith.muli %mul3A_484, %scan3A_385 : i32
      %add3A_486 = arith.constant 1 : i32
      %add3A_487 = arith.addi %mul3A_485, %add3A_486 : i32
      %mul3A_488 = arith.constant 64 : i32
      %mul3A_489 = arith.muli %add3A_487, %mul3A_488 : i32
      %multiple_of3A_490 = tpu.assume_multiple %mul3A_489, 8 : i32
      %add3A_491 = arith.constant 0 : i32
      %add3A_492 = arith.addi %multiple_of3A_490, %add3A_491 : i32
      %get3A_493 = arith.index_cast %add3A_492 : i32 to index
      %get3A_494 = tpu.vector_load %arg5[%get3A_493] {strides = array<i32>} : memref<10240xi32, #tpu.memory_space<vmem>>, vector<16xi32>,
      %get3A_495 = vector.shape_cast %get3A_494 : vector<16xi32> to vector<16xi32>
      %and3A_496 = arith.constant 65535 : i32
      %and3A_497 = vector.broadcast %and3A_496 : i32 to vector<16xi32>
      %and3A_498 = arith.andi %get3A_495, %and3A_497 : vector<16xi32>
      %swap3A_499 = arith.constant 0 : index
      %swap3A_500 = tpu.vector_load %arg7[%swap3A_499] {strides = array<i32>} : memref<64xi32, #tpu.memory_space<vmem>>, vector<16xi32>,
      %swap3A_501 = vector.shape_cast %swap3A_500 : vector<16xi32> to vector<16xi32>
      %swap3A_502 = vector.shape_cast %and3A_498 : vector<16xi32> to vector<16xi32>
      tpu.vector_store %arg7[%swap3A_499], %swap3A_502 {strides = array<i32>} : memref<64xi32, #tpu.memory_space<vmem>>, vector<16xi32>,
      %shift_right_logical3A_503 = arith.constant 16 : i32
      %shift_right_logical3A_504 = vector.broadcast %shift_right_logical3A_503 : i32 to vector<16xi32>
      %shift_right_logical3A_505 = arith.shrui %get3A_495, %shift_right_logical3A_504 : vector<16xi32>
      %swap3A_506 = arith.constant 0 : index
      %swap3A_507 = tpu.vector_load %arg11[%swap3A_506] {strides = array<i32>} : memref<64xi32, #tpu.memory_space<vmem>>, vector<16xi32>,
      %swap3A_508 = vector.shape_cast %swap3A_507 : vector<16xi32> to vector<16xi32>
      %swap3A_509 = vector.shape_cast %shift_right_logical3A_505 : vector<16xi32> to vector<16xi32>
      tpu.vector_store %arg11[%swap3A_506], %swap3A_509 {strides = array<i32>} : memref<64xi32, #tpu.memory_space<vmem>>, vector<16xi32>,
      %add3A_510 = arith.constant 16 : i32
      %add3A_511 = arith.addi %multiple_of3A_490, %add3A_510 : i32
      %get3A_512 = arith.index_cast %add3A_511 : i32 to index
      %get3A_513 = tpu.vector_load %arg5[%get3A_512] {strides = array<i32>} : memref<10240xi32, #tpu.memory_space<vmem>>, vector<16xi32>,
      %get3A_514 = vector.shape_cast %get3A_513 : vector<16xi32> to vector<16xi32>
      %and3A_515 = arith.constant 65535 : i32
      %and3A_516 = vector.broadcast %and3A_515 : i32 to vector<16xi32>
      %and3A_517 = arith.andi %get3A_514, %and3A_516 : vector<16xi32>
      %swap3A_518 = arith.constant 16 : index
      %swap3A_519 = tpu.vector_load %arg7[%swap3A_518] {strides = array<i32>} : memref<64xi32, #tpu.memory_space<vmem>>, vector<16xi32>,
      %swap3A_520 = vector.shape_cast %swap3A_519 : vector<16xi32> to vector<16xi32>
      %swap3A_521 = vector.shape_cast %and3A_517 : vector<16xi32> to vector<16xi32>
      tpu.vector_store %arg7[%swap3A_518], %swap3A_521 {strides = array<i32>} : memref<64xi32, #tpu.memory_space<vmem>>, vector<16xi32>,
      %shift_right_logical3A_522 = arith.constant 16 : i32
      %shift_right_logical3A_523 = vector.broadcast %shift_right_logical3A_522 : i32 to vector<16xi32>
      %shift_right_logical3A_524 = arith.shrui %get3A_514, %shift_right_logical3A_523 : vector<16xi32>
      %swap3A_525 = arith.constant 16 : index
      %swap3A_526 = tpu.vector_load %arg11[%swap3A_525] {strides = array<i32>} : memref<64xi32, #tpu.memory_space<vmem>>, vector<16xi32>,
      %swap3A_527 = vector.shape_cast %swap3A_526 : vector<16xi32> to vector<16xi32>
      %swap3A_528 = vector.shape_cast %shift_right_logical3A_524 : vector<16xi32> to vector<16xi32>
      tpu.vector_store %arg11[%swap3A_525], %swap3A_528 {strides = array<i32>} : memref<64xi32, #tpu.memory_space<vmem>>, vector<16xi32>,
      %add3A_529 = arith.constant 32 : i32
      %add3A_530 = arith.addi %multiple_of3A_490, %add3A_529 : i32
      %get3A_531 = arith.index_cast %add3A_530 : i32 to index
      %get3A_532 = tpu.vector_load %arg5[%get3A_531] {strides = array<i32>} : memref<10240xi32, #tpu.memory_space<vmem>>, vector<16xi32>,
      %get3A_533 = vector.shape_cast %get3A_532 : vector<16xi32> to vector<16xi32>
      %and3A_534 = arith.constant 65535 : i32
      %and3A_535 = vector.broadcast %and3A_534 : i32 to vector<16xi32>
      %and3A_536 = arith.andi %get3A_533, %and3A_535 : vector<16xi32>
      %swap3A_537 = arith.constant 32 : index
      %swap3A_538 = tpu.vector_load %arg7[%swap3A_537] {strides = array<i32>} : memref<64xi32, #tpu.memory_space<vmem>>, vector<16xi32>,
      %swap3A_539 = vector.shape_cast %swap3A_538 : vector<16xi32> to vector<16xi32>
      %swap3A_540 = vector.shape_cast %and3A_536 : vector<16xi32> to vector<16xi32>
      tpu.vector_store %arg7[%swap3A_537], %swap3A_540 {strides = array<i32>} : memref<64xi32, #tpu.memory_space<vmem>>, vector<16xi32>,
      %shift_right_logical3A_541 = arith.constant 16 : i32
      %shift_right_logical3A_542 = vector.broadcast %shift_right_logical3A_541 : i32 to vector<16xi32>
      %shift_right_logical3A_543 = arith.shrui %get3A_533, %shift_right_logical3A_542 : vector<16xi32>
      %swap3A_544 = arith.constant 32 : index
      %swap3A_545 = tpu.vector_load %arg11[%swap3A_544] {strides = array<i32>} : memref<64xi32, #tpu.memory_space<vmem>>, vector<16xi32>,
      %swap3A_546 = vector.shape_cast %swap3A_545 : vector<16xi32> to vector<16xi32>
      %swap3A_547 = vector.shape_cast %shift_right_logical3A_543 : vector<16xi32> to vector<16xi32>
      tpu.vector_store %arg11[%swap3A_544], %swap3A_547 {strides = array<i32>} : memref<64xi32, #tpu.memory_space<vmem>>, vector<16xi32>,
      %add3A_548 = arith.constant 48 : i32
      %add3A_549 = arith.addi %multiple_of3A_490, %add3A_548 : i32
      %get3A_550 = arith.index_cast %add3A_549 : i32 to index
      %get3A_551 = tpu.vector_load %arg5[%get3A_550] {strides = array<i32>} : memref<10240xi32, #tpu.memory_space<vmem>>, vector<16xi32>,
      %get3A_552 = vector.shape_cast %get3A_551 : vector<16xi32> to vector<16xi32>
      %and3A_553 = arith.constant 65535 : i32
      %and3A_554 = vector.broadcast %and3A_553 : i32 to vector<16xi32>
      %and3A_555 = arith.andi %get3A_552, %and3A_554 : vector<16xi32>
      %swap3A_556 = arith.constant 48 : index
      %swap3A_557 = tpu.vector_load %arg7[%swap3A_556] {strides = array<i32>} : memref<64xi32, #tpu.memory_space<vmem>>, vector<16xi32>,
      %swap3A_558 = vector.shape_cast %swap3A_557 : vector<16xi32> to vector<16xi32>
      %swap3A_559 = vector.shape_cast %and3A_555 : vector<16xi32> to vector<16xi32>
      tpu.vector_store %arg7[%swap3A_556], %swap3A_559 {strides = array<i32>} : memref<64xi32, #tpu.memory_space<vmem>>, vector<16xi32>,
      %shift_right_logical3A_560 = arith.constant 16 : i32
      %shift_right_logical3A_561 = vector.broadcast %shift_right_logical3A_560 : i32 to vector<16xi32>
      %shift_right_logical3A_562 = arith.shrui %get3A_552, %shift_right_logical3A_561 : vector<16xi32>
      %swap3A_563 = arith.constant 48 : index
      %swap3A_564 = tpu.vector_load %arg11[%swap3A_563] {strides = array<i32>} : memref<64xi32, #tpu.memory_space<vmem>>, vector<16xi32>,
      %swap3A_565 = vector.shape_cast %swap3A_564 : vector<16xi32> to vector<16xi32>
      %swap3A_566 = vector.shape_cast %shift_right_logical3A_562 : vector<16xi32> to vector<16xi32>
      tpu.vector_store %arg11[%swap3A_563], %swap3A_566 {strides = array<i32>} : memref<64xi32, #tpu.memory_space<vmem>>, vector<16xi32>,
      %dma_start3A_567 = arith.constant 0 : i32
      %dma_start3A_568 = arith.constant 0 : i32
      %dma_start3A_569 = tpu.memref_slice %arg2[%dma_start3A_567, %dma_start3A_568] : memref<10400x128xf32, #tpu.memory_space<hbm>> -> memref<10400x128xf32, #tpu.memory_space<hbm>>
      tpu.enqueue_indirect_dma source(%dma_start3A_569 : memref<10400x128xf32, #tpu.memory_space<hbm>>) target(%arg15 : memref<64x128xf32, #tpu.memory_space<vmem>>) offsets(%arg7 : memref<64xi32, #tpu.memory_space<vmem>>) semaphore(%arg20 : memref<!tpu.dma_semaphore, #tpu.memory_space<semaphore_mem>>)
      %dma_wait3A_570 = arith.constant 0 : i32
      %dma_wait3A_571 = arith.constant 0 : i32
      %dma_wait3A_572 = tpu.memref_slice %arg2[%dma_wait3A_570, %dma_wait3A_571] : memref<10400x128xf32, #tpu.memory_space<hbm>> -> memref<10400x128xf32, #tpu.memory_space<hbm>>
      tpu.wait_indirect_dma semaphore(%arg19 : memref<!tpu.dma_semaphore, #tpu.memory_space<semaphore_mem>>) src(%dma_wait3A_572 : memref<10400x128xf32, #tpu.memory_space<hbm>>) dst(%arg14 : memref<64x128xf32, #tpu.memory_space<vmem>>)
      %dma_start3A_573 = arith.constant 0 : i32
      %dma_start3A_574 = arith.constant 0 : i32
      %dma_start3A_575 = tpu.memref_slice %arg18[%dma_start3A_573, %dma_start3A_574] : memref<10000x128xf32, #tpu.memory_space<vmem_shared>> -> memref<10000x128xf32, #tpu.memory_space<vmem_shared>>
      tpu.enqueue_indirect_dma source(%arg14 : memref<64x128xf32, #tpu.memory_space<vmem>>) target(%dma_start3A_575 : memref<10000x128xf32, #tpu.memory_space<vmem_shared>>) offsets(%arg10 : memref<64xi32, #tpu.memory_space<vmem>>) semaphore(%arg23 : memref<!tpu.dma_semaphore, #tpu.memory_space<semaphore_mem>>) {add = true}
      %dma_wait3A_576 = arith.constant 0 : i32
      %dma_wait3A_577 = arith.constant 0 : i32
      %dma_wait3A_578 = tpu.memref_slice %arg18[%dma_wait3A_576, %dma_wait3A_577] : memref<10000x128xf32, #tpu.memory_space<vmem_shared>> -> memref<10000x128xf32, #tpu.memory_space<vmem_shared>>
      tpu.wait_indirect_dma semaphore(%arg25 : memref<!tpu.dma_semaphore, #tpu.memory_space<semaphore_mem>>) src(%arg16 : memref<64x128xf32, #tpu.memory_space<vmem>>) dst(%dma_wait3A_578 : memref<10000x128xf32, #tpu.memory_space<vmem_shared>>)
      %mul3A_579 = arith.constant 4 : i32
      %mul3A_580 = arith.muli %mul3A_579, %scan3A_385 : i32
      %add3A_581 = arith.constant 2 : i32
      %add3A_582 = arith.addi %mul3A_580, %add3A_581 : i32
      %mul3A_583 = arith.constant 64 : i32
      %mul3A_584 = arith.muli %add3A_582, %mul3A_583 : i32
      %multiple_of3A_585 = tpu.assume_multiple %mul3A_584, 8 : i32
      %add3A_586 = arith.constant 0 : i32
      %add3A_587 = arith.addi %multiple_of3A_585, %add3A_586 : i32
      %get3A_588 = arith.index_cast %add3A_587 : i32 to index
      %get3A_589 = tpu.vector_load %arg5[%get3A_588] {strides = array<i32>} : memref<10240xi32, #tpu.memory_space<vmem>>, vector<16xi32>,
      %get3A_590 = vector.shape_cast %get3A_589 : vector<16xi32> to vector<16xi32>
      %and3A_591 = arith.constant 65535 : i32
      %and3A_592 = vector.broadcast %and3A_591 : i32 to vector<16xi32>
      %and3A_593 = arith.andi %get3A_590, %and3A_592 : vector<16xi32>
      %swap3A_594 = arith.constant 0 : index
      %swap3A_595 = tpu.vector_load %arg8[%swap3A_594] {strides = array<i32>} : memref<64xi32, #tpu.memory_space<vmem>>, vector<16xi32>,
      %swap3A_596 = vector.shape_cast %swap3A_595 : vector<16xi32> to vector<16xi32>
      %swap3A_597 = vector.shape_cast %and3A_593 : vector<16xi32> to vector<16xi32>
      tpu.vector_store %arg8[%swap3A_594], %swap3A_597 {strides = array<i32>} : memref<64xi32, #tpu.memory_space<vmem>>, vector<16xi32>,
      %shift_right_logical3A_598 = arith.constant 16 : i32
      %shift_right_logical3A_599 = vector.broadcast %shift_right_logical3A_598 : i32 to vector<16xi32>
      %shift_right_logical3A_600 = arith.shrui %get3A_590, %shift_right_logical3A_599 : vector<16xi32>
      %swap3A_601 = arith.constant 0 : index
      %swap3A_602 = tpu.vector_load %arg12[%swap3A_601] {strides = array<i32>} : memref<64xi32, #tpu.memory_space<vmem>>, vector<16xi32>,
      %swap3A_603 = vector.shape_cast %swap3A_602 : vector<16xi32> to vector<16xi32>
      %swap3A_604 = vector.shape_cast %shift_right_logical3A_600 : vector<16xi32> to vector<16xi32>
      tpu.vector_store %arg12[%swap3A_601], %swap3A_604 {strides = array<i32>} : memref<64xi32, #tpu.memory_space<vmem>>, vector<16xi32>,
      %add3A_605 = arith.constant 16 : i32
      %add3A_606 = arith.addi %multiple_of3A_585, %add3A_605 : i32
      %get3A_607 = arith.index_cast %add3A_606 : i32 to index
      %get3A_608 = tpu.vector_load %arg5[%get3A_607] {strides = array<i32>} : memref<10240xi32, #tpu.memory_space<vmem>>, vector<16xi32>,
      %get3A_609 = vector.shape_cast %get3A_608 : vector<16xi32> to vector<16xi32>
      %and3A_610 = arith.constant 65535 : i32
      %and3A_611 = vector.broadcast %and3A_610 : i32 to vector<16xi32>
      %and3A_612 = arith.andi %get3A_609, %and3A_611 : vector<16xi32>
      %swap3A_613 = arith.constant 16 : index
      %swap3A_614 = tpu.vector_load %arg8[%swap3A_613] {strides = array<i32>} : memref<64xi32, #tpu.memory_space<vmem>>, vector<16xi32>,
      %swap3A_615 = vector.shape_cast %swap3A_614 : vector<16xi32> to vector<16xi32>
      %swap3A_616 = vector.shape_cast %and3A_612 : vector<16xi32> to vector<16xi32>
      tpu.vector_store %arg8[%swap3A_613], %swap3A_616 {strides = array<i32>} : memref<64xi32, #tpu.memory_space<vmem>>, vector<16xi32>,
      %shift_right_logical3A_617 = arith.constant 16 : i32
      %shift_right_logical3A_618 = vector.broadcast %shift_right_logical3A_617 : i32 to vector<16xi32>
      %shift_right_logical3A_619 = arith.shrui %get3A_609, %shift_right_logical3A_618 : vector<16xi32>
      %swap3A_620 = arith.constant 16 : index
      %swap3A_621 = tpu.vector_load %arg12[%swap3A_620] {strides = array<i32>} : memref<64xi32, #tpu.memory_space<vmem>>, vector<16xi32>,
      %swap3A_622 = vector.shape_cast %swap3A_621 : vector<16xi32> to vector<16xi32>
      %swap3A_623 = vector.shape_cast %shift_right_logical3A_619 : vector<16xi32> to vector<16xi32>
      tpu.vector_store %arg12[%swap3A_620], %swap3A_623 {strides = array<i32>} : memref<64xi32, #tpu.memory_space<vmem>>, vector<16xi32>,
      %add3A_624 = arith.constant 32 : i32
      %add3A_625 = arith.addi %multiple_of3A_585, %add3A_624 : i32
      %get3A_626 = arith.index_cast %add3A_625 : i32 to index
      %get3A_627 = tpu.vector_load %arg5[%get3A_626] {strides = array<i32>} : memref<10240xi32, #tpu.memory_space<vmem>>, vector<16xi32>,
      %get3A_628 = vector.shape_cast %get3A_627 : vector<16xi32> to vector<16xi32>
      %and3A_629 = arith.constant 65535 : i32
      %and3A_630 = vector.broadcast %and3A_629 : i32 to vector<16xi32>
      %and3A_631 = arith.andi %get3A_628, %and3A_630 : vector<16xi32>
      %swap3A_632 = arith.constant 32 : index
      %swap3A_633 = tpu.vector_load %arg8[%swap3A_632] {strides = array<i32>} : memref<64xi32, #tpu.memory_space<vmem>>, vector<16xi32>,
      %swap3A_634 = vector.shape_cast %swap3A_633 : vector<16xi32> to vector<16xi32>
      %swap3A_635 = vector.shape_cast %and3A_631 : vector<16xi32> to vector<16xi32>
      tpu.vector_store %arg8[%swap3A_632], %swap3A_635 {strides = array<i32>} : memref<64xi32, #tpu.memory_space<vmem>>, vector<16xi32>,
      %shift_right_logical3A_636 = arith.constant 16 : i32
      %shift_right_logical3A_637 = vector.broadcast %shift_right_logical3A_636 : i32 to vector<16xi32>
      %shift_right_logical3A_638 = arith.shrui %get3A_628, %shift_right_logical3A_637 : vector<16xi32>
      %swap3A_639 = arith.constant 32 : index
      %swap3A_640 = tpu.vector_load %arg12[%swap3A_639] {strides = array<i32>} : memref<64xi32, #tpu.memory_space<vmem>>, vector<16xi32>,
      %swap3A_641 = vector.shape_cast %swap3A_640 : vector<16xi32> to vector<16xi32>
      %swap3A_642 = vector.shape_cast %shift_right_logical3A_638 : vector<16xi32> to vector<16xi32>
      tpu.vector_store %arg12[%swap3A_639], %swap3A_642 {strides = array<i32>} : memref<64xi32, #tpu.memory_space<vmem>>, vector<16xi32>,
      %add3A_643 = arith.constant 48 : i32
      %add3A_644 = arith.addi %multiple_of3A_585, %add3A_643 : i32
      %get3A_645 = arith.index_cast %add3A_644 : i32 to index
      %get3A_646 = tpu.vector_load %arg5[%get3A_645] {strides = array<i32>} : memref<10240xi32, #tpu.memory_space<vmem>>, vector<16xi32>,
      %get3A_647 = vector.shape_cast %get3A_646 : vector<16xi32> to vector<16xi32>
      %and3A_648 = arith.constant 65535 : i32
      %and3A_649 = vector.broadcast %and3A_648 : i32 to vector<16xi32>
      %and3A_650 = arith.andi %get3A_647, %and3A_649 : vector<16xi32>
      %swap3A_651 = arith.constant 48 : index
      %swap3A_652 = tpu.vector_load %arg8[%swap3A_651] {strides = array<i32>} : memref<64xi32, #tpu.memory_space<vmem>>, vector<16xi32>,
      %swap3A_653 = vector.shape_cast %swap3A_652 : vector<16xi32> to vector<16xi32>
      %swap3A_654 = vector.shape_cast %and3A_650 : vector<16xi32> to vector<16xi32>
      tpu.vector_store %arg8[%swap3A_651], %swap3A_654 {strides = array<i32>} : memref<64xi32, #tpu.memory_space<vmem>>, vector<16xi32>,
      %shift_right_logical3A_655 = arith.constant 16 : i32
      %shift_right_logical3A_656 = vector.broadcast %shift_right_logical3A_655 : i32 to vector<16xi32>
      %shift_right_logical3A_657 = arith.shrui %get3A_647, %shift_right_logical3A_656 : vector<16xi32>
      %swap3A_658 = arith.constant 48 : index
      %swap3A_659 = tpu.vector_load %arg12[%swap3A_658] {strides = array<i32>} : memref<64xi32, #tpu.memory_space<vmem>>, vector<16xi32>,
      %swap3A_660 = vector.shape_cast %swap3A_659 : vector<16xi32> to vector<16xi32>
      %swap3A_661 = vector.shape_cast %shift_right_logical3A_657 : vector<16xi32> to vector<16xi32>
      tpu.vector_store %arg12[%swap3A_658], %swap3A_661 {strides = array<i32>} : memref<64xi32, #tpu.memory_space<vmem>>, vector<16xi32>,
      %dma_start3A_662 = arith.constant 0 : i32
      %dma_start3A_663 = arith.constant 0 : i32
      %dma_start3A_664 = tpu.memref_slice %arg2[%dma_start3A_662, %dma_start3A_663] : memref<10400x128xf32, #tpu.memory_space<hbm>> -> memref<10400x128xf32, #tpu.memory_space<hbm>>
      tpu.enqueue_indirect_dma source(%dma_start3A_664 : memref<10400x128xf32, #tpu.memory_space<hbm>>) target(%arg16 : memref<64x128xf32, #tpu.memory_space<vmem>>) offsets(%arg8 : memref<64xi32, #tpu.memory_space<vmem>>) semaphore(%arg21 : memref<!tpu.dma_semaphore, #tpu.memory_space<semaphore_mem>>)
      %dma_wait3A_665 = arith.constant 0 : i32
      %dma_wait3A_666 = arith.constant 0 : i32
      %dma_wait3A_667 = tpu.memref_slice %arg2[%dma_wait3A_665, %dma_wait3A_666] : memref<10400x128xf32, #tpu.memory_space<hbm>> -> memref<10400x128xf32, #tpu.memory_space<hbm>>
      tpu.wait_indirect_dma semaphore(%arg20 : memref<!tpu.dma_semaphore, #tpu.memory_space<semaphore_mem>>) src(%dma_wait3A_667 : memref<10400x128xf32, #tpu.memory_space<hbm>>) dst(%arg15 : memref<64x128xf32, #tpu.memory_space<vmem>>)
      %dma_start3A_668 = arith.constant 0 : i32
      %dma_start3A_669 = arith.constant 0 : i32
      %dma_start3A_670 = tpu.memref_slice %arg18[%dma_start3A_668, %dma_start3A_669] : memref<10000x128xf32, #tpu.memory_space<vmem_shared>> -> memref<10000x128xf32, #tpu.memory_space<vmem_shared>>
      tpu.enqueue_indirect_dma source(%arg15 : memref<64x128xf32, #tpu.memory_space<vmem>>) target(%dma_start3A_670 : memref<10000x128xf32, #tpu.memory_space<vmem_shared>>) offsets(%arg11 : memref<64xi32, #tpu.memory_space<vmem>>) semaphore(%arg24 : memref<!tpu.dma_semaphore, #tpu.memory_space<semaphore_mem>>) {add = true}
      %dma_wait3A_671 = arith.constant 0 : i32
      %dma_wait3A_672 = arith.constant 0 : i32
      %dma_wait3A_673 = tpu.memref_slice %arg18[%dma_wait3A_671, %dma_wait3A_672] : memref<10000x128xf32, #tpu.memory_space<vmem_shared>> -> memref<10000x128xf32, #tpu.memory_space<vmem_shared>>
      tpu.wait_indirect_dma semaphore(%arg26 : memref<!tpu.dma_semaphore, #tpu.memory_space<semaphore_mem>>) src(%arg17 : memref<64x128xf32, #tpu.memory_space<vmem>>) dst(%dma_wait3A_673 : memref<10000x128xf32, #tpu.memory_space<vmem_shared>>)
      %mul3A_674 = arith.constant 4 : i32
      %mul3A_675 = arith.muli %mul3A_674, %scan3A_385 : i32
      %add3A_676 = arith.constant 3 : i32
      %add3A_677 = arith.addi %mul3A_675, %add3A_676 : i32
      %mul3A_678 = arith.constant 64 : i32
      %mul3A_679 = arith.muli %add3A_677, %mul3A_678 : i32
      %multiple_of3A_680 = tpu.assume_multiple %mul3A_679, 8 : i32
      %add3A_681 = arith.constant 0 : i32
      %add3A_682 = arith.addi %multiple_of3A_680, %add3A_681 : i32
      %get3A_683 = arith.index_cast %add3A_682 : i32 to index
      %get3A_684 = tpu.vector_load %arg5[%get3A_683] {strides = array<i32>} : memref<10240xi32, #tpu.memory_space<vmem>>, vector<16xi32>,
      %get3A_685 = vector.shape_cast %get3A_684 : vector<16xi32> to vector<16xi32>
      %and3A_686 = arith.constant 65535 : i32
      %and3A_687 = vector.broadcast %and3A_686 : i32 to vector<16xi32>
      %and3A_688 = arith.andi %get3A_685, %and3A_687 : vector<16xi32>
      %swap3A_689 = arith.constant 0 : index
      %swap3A_690 = tpu.vector_load %arg9[%swap3A_689] {strides = array<i32>} : memref<64xi32, #tpu.memory_space<vmem>>, vector<16xi32>,
      %swap3A_691 = vector.shape_cast %swap3A_690 : vector<16xi32> to vector<16xi32>
      %swap3A_692 = vector.shape_cast %and3A_688 : vector<16xi32> to vector<16xi32>
      tpu.vector_store %arg9[%swap3A_689], %swap3A_692 {strides = array<i32>} : memref<64xi32, #tpu.memory_space<vmem>>, vector<16xi32>,
      %shift_right_logical3A_693 = arith.constant 16 : i32
      %shift_right_logical3A_694 = vector.broadcast %shift_right_logical3A_693 : i32 to vector<16xi32>
      %shift_right_logical3A_695 = arith.shrui %get3A_685, %shift_right_logical3A_694 : vector<16xi32>
      %swap3A_696 = arith.constant 0 : index
      %swap3A_697 = tpu.vector_load %arg13[%swap3A_696] {strides = array<i32>} : memref<64xi32, #tpu.memory_space<vmem>>, vector<16xi32>,
      %swap3A_698 = vector.shape_cast %swap3A_697 : vector<16xi32> to vector<16xi32>
      %swap3A_699 = vector.shape_cast %shift_right_logical3A_695 : vector<16xi32> to vector<16xi32>
      tpu.vector_store %arg13[%swap3A_696], %swap3A_699 {strides = array<i32>} : memref<64xi32, #tpu.memory_space<vmem>>, vector<16xi32>,
      %add3A_700 = arith.constant 16 : i32
      %add3A_701 = arith.addi %multiple_of3A_680, %add3A_700 : i32
      %get3A_702 = arith.index_cast %add3A_701 : i32 to index
      %get3A_703 = tpu.vector_load %arg5[%get3A_702] {strides = array<i32>} : memref<10240xi32, #tpu.memory_space<vmem>>, vector<16xi32>,
      %get3A_704 = vector.shape_cast %get3A_703 : vector<16xi32> to vector<16xi32>
      %and3A_705 = arith.constant 65535 : i32
      %and3A_706 = vector.broadcast %and3A_705 : i32 to vector<16xi32>
      %and3A_707 = arith.andi %get3A_704, %and3A_706 : vector<16xi32>
      %swap3A_708 = arith.constant 16 : index
      %swap3A_709 = tpu.vector_load %arg9[%swap3A_708] {strides = array<i32>} : memref<64xi32, #tpu.memory_space<vmem>>, vector<16xi32>,
      %swap3A_710 = vector.shape_cast %swap3A_709 : vector<16xi32> to vector<16xi32>
      %swap3A_711 = vector.shape_cast %and3A_707 : vector<16xi32> to vector<16xi32>
      tpu.vector_store %arg9[%swap3A_708], %swap3A_711 {strides = array<i32>} : memref<64xi32, #tpu.memory_space<vmem>>, vector<16xi32>,
      %shift_right_logical3A_712 = arith.constant 16 : i32
      %shift_right_logical3A_713 = vector.broadcast %shift_right_logical3A_712 : i32 to vector<16xi32>
      %shift_right_logical3A_714 = arith.shrui %get3A_704, %shift_right_logical3A_713 : vector<16xi32>
      %swap3A_715 = arith.constant 16 : index
      %swap3A_716 = tpu.vector_load %arg13[%swap3A_715] {strides = array<i32>} : memref<64xi32, #tpu.memory_space<vmem>>, vector<16xi32>,
      %swap3A_717 = vector.shape_cast %swap3A_716 : vector<16xi32> to vector<16xi32>
      %swap3A_718 = vector.shape_cast %shift_right_logical3A_714 : vector<16xi32> to vector<16xi32>
      tpu.vector_store %arg13[%swap3A_715], %swap3A_718 {strides = array<i32>} : memref<64xi32, #tpu.memory_space<vmem>>, vector<16xi32>,
      %add3A_719 = arith.constant 32 : i32
      %add3A_720 = arith.addi %multiple_of3A_680, %add3A_719 : i32
      %get3A_721 = arith.index_cast %add3A_720 : i32 to index
      %get3A_722 = tpu.vector_load %arg5[%get3A_721] {strides = array<i32>} : memref<10240xi32, #tpu.memory_space<vmem>>, vector<16xi32>,
      %get3A_723 = vector.shape_cast %get3A_722 : vector<16xi32> to vector<16xi32>
      %and3A_724 = arith.constant 65535 : i32
      %and3A_725 = vector.broadcast %and3A_724 : i32 to vector<16xi32>
      %and3A_726 = arith.andi %get3A_723, %and3A_725 : vector<16xi32>
      %swap3A_727 = arith.constant 32 : index
      %swap3A_728 = tpu.vector_load %arg9[%swap3A_727] {strides = array<i32>} : memref<64xi32, #tpu.memory_space<vmem>>, vector<16xi32>,
      %swap3A_729 = vector.shape_cast %swap3A_728 : vector<16xi32> to vector<16xi32>
      %swap3A_730 = vector.shape_cast %and3A_726 : vector<16xi32> to vector<16xi32>
      tpu.vector_store %arg9[%swap3A_727], %swap3A_730 {strides = array<i32>} : memref<64xi32, #tpu.memory_space<vmem>>, vector<16xi32>,
      %shift_right_logical3A_731 = arith.constant 16 : i32
      %shift_right_logical3A_732 = vector.broadcast %shift_right_logical3A_731 : i32 to vector<16xi32>
      %shift_right_logical3A_733 = arith.shrui %get3A_723, %shift_right_logical3A_732 : vector<16xi32>
      %swap3A_734 = arith.constant 32 : index
      %swap3A_735 = tpu.vector_load %arg13[%swap3A_734] {strides = array<i32>} : memref<64xi32, #tpu.memory_space<vmem>>, vector<16xi32>,
      %swap3A_736 = vector.shape_cast %swap3A_735 : vector<16xi32> to vector<16xi32>
      %swap3A_737 = vector.shape_cast %shift_right_logical3A_733 : vector<16xi32> to vector<16xi32>
      tpu.vector_store %arg13[%swap3A_734], %swap3A_737 {strides = array<i32>} : memref<64xi32, #tpu.memory_space<vmem>>, vector<16xi32>,
      %add3A_738 = arith.constant 48 : i32
      %add3A_739 = arith.addi %multiple_of3A_680, %add3A_738 : i32
      %get3A_740 = arith.index_cast %add3A_739 : i32 to index
      %get3A_741 = tpu.vector_load %arg5[%get3A_740] {strides = array<i32>} : memref<10240xi32, #tpu.memory_space<vmem>>, vector<16xi32>,
      %get3A_742 = vector.shape_cast %get3A_741 : vector<16xi32> to vector<16xi32>
      %and3A_743 = arith.constant 65535 : i32
      %and3A_744 = vector.broadcast %and3A_743 : i32 to vector<16xi32>
      %and3A_745 = arith.andi %get3A_742, %and3A_744 : vector<16xi32>
      %swap3A_746 = arith.constant 48 : index
      %swap3A_747 = tpu.vector_load %arg9[%swap3A_746] {strides = array<i32>} : memref<64xi32, #tpu.memory_space<vmem>>, vector<16xi32>,
      %swap3A_748 = vector.shape_cast %swap3A_747 : vector<16xi32> to vector<16xi32>
      %swap3A_749 = vector.shape_cast %and3A_745 : vector<16xi32> to vector<16xi32>
      tpu.vector_store %arg9[%swap3A_746], %swap3A_749 {strides = array<i32>} : memref<64xi32, #tpu.memory_space<vmem>>, vector<16xi32>,
      %shift_right_logical3A_750 = arith.constant 16 : i32
      %shift_right_logical3A_751 = vector.broadcast %shift_right_logical3A_750 : i32 to vector<16xi32>
      %shift_right_logical3A_752 = arith.shrui %get3A_742, %shift_right_logical3A_751 : vector<16xi32>
      %swap3A_753 = arith.constant 48 : index
      %swap3A_754 = tpu.vector_load %arg13[%swap3A_753] {strides = array<i32>} : memref<64xi32, #tpu.memory_space<vmem>>, vector<16xi32>,
      %swap3A_755 = vector.shape_cast %swap3A_754 : vector<16xi32> to vector<16xi32>
      %swap3A_756 = vector.shape_cast %shift_right_logical3A_752 : vector<16xi32> to vector<16xi32>
      tpu.vector_store %arg13[%swap3A_753], %swap3A_756 {strides = array<i32>} : memref<64xi32, #tpu.memory_space<vmem>>, vector<16xi32>,
      %dma_start3A_757 = arith.constant 0 : i32
      %dma_start3A_758 = arith.constant 0 : i32
      %dma_start3A_759 = tpu.memref_slice %arg2[%dma_start3A_757, %dma_start3A_758] : memref<10400x128xf32, #tpu.memory_space<hbm>> -> memref<10400x128xf32, #tpu.memory_space<hbm>>
      tpu.enqueue_indirect_dma source(%dma_start3A_759 : memref<10400x128xf32, #tpu.memory_space<hbm>>) target(%arg17 : memref<64x128xf32, #tpu.memory_space<vmem>>) offsets(%arg9 : memref<64xi32, #tpu.memory_space<vmem>>) semaphore(%arg22 : memref<!tpu.dma_semaphore, #tpu.memory_space<semaphore_mem>>)
      %dma_wait3A_760 = arith.constant 0 : i32
      %dma_wait3A_761 = arith.constant 0 : i32
      %dma_wait3A_762 = tpu.memref_slice %arg2[%dma_wait3A_760, %dma_wait3A_761] : memref<10400x128xf32, #tpu.memory_space<hbm>> -> memref<10400x128xf32, #tpu.memory_space<hbm>>
      tpu.wait_indirect_dma semaphore(%arg21 : memref<!tpu.dma_semaphore, #tpu.memory_space<semaphore_mem>>) src(%dma_wait3A_762 : memref<10400x128xf32, #tpu.memory_space<hbm>>) dst(%arg16 : memref<64x128xf32, #tpu.memory_space<vmem>>)
      %dma_start3A_763 = arith.constant 0 : i32
      %dma_start3A_764 = arith.constant 0 : i32
      %dma_start3A_765 = tpu.memref_slice %arg18[%dma_start3A_763, %dma_start3A_764] : memref<10000x128xf32, #tpu.memory_space<vmem_shared>> -> memref<10000x128xf32, #tpu.memory_space<vmem_shared>>
      tpu.enqueue_indirect_dma source(%arg16 : memref<64x128xf32, #tpu.memory_space<vmem>>) target(%dma_start3A_765 : memref<10000x128xf32, #tpu.memory_space<vmem_shared>>) offsets(%arg12 : memref<64xi32, #tpu.memory_space<vmem>>) semaphore(%arg25 : memref<!tpu.dma_semaphore, #tpu.memory_space<semaphore_mem>>) {add = true}
    }
    %scan3A_355 = arith.constant 39 : i32
    %dma_wait3A_356 = arith.constant 0 : i32
    %dma_wait3A_357 = arith.constant 0 : i32
    %dma_wait3A_358 = tpu.memref_slice %arg2[%dma_wait3A_356, %dma_wait3A_357] : memref<10400x128xf32, #tpu.memory_space<hbm>> -> memref<10400x128xf32, #tpu.memory_space<hbm>>
    tpu.wait_indirect_dma semaphore(%arg22 : memref<!tpu.dma_semaphore, #tpu.memory_space<semaphore_mem>>) src(%dma_wait3A_358 : memref<10400x128xf32, #tpu.memory_space<hbm>>) dst(%arg17 : memref<64x128xf32, #tpu.memory_space<vmem>>)
    %dma_start3A_359 = arith.constant 0 : i32
    %dma_start3A_360 = arith.constant 0 : i32
    %dma_start3A_361 = tpu.memref_slice %arg18[%dma_start3A_359, %dma_start3A_360] : memref<10000x128xf32, #tpu.memory_space<vmem_shared>> -> memref<10000x128xf32, #tpu.memory_space<vmem_shared>>
    tpu.enqueue_indirect_dma source(%arg17 : memref<64x128xf32, #tpu.memory_space<vmem>>) target(%dma_start3A_361 : memref<10000x128xf32, #tpu.memory_space<vmem_shared>>) offsets(%arg13 : memref<64xi32, #tpu.memory_space<vmem>>) semaphore(%arg26 : memref<!tpu.dma_semaphore, #tpu.memory_space<semaphore_mem>>) {add = true}
    %dma_wait3A_362 = arith.constant 0 : i32
    %dma_wait3A_363 = arith.constant 0 : i32
    %dma_wait3A_364 = tpu.memref_slice %arg18[%dma_wait3A_362, %dma_wait3A_363] : memref<10000x128xf32, #tpu.memory_space<vmem_shared>> -> memref<10000x128xf32, #tpu.memory_space<vmem_shared>>
    tpu.wait_indirect_dma semaphore(%arg23 : memref<!tpu.dma_semaphore, #tpu.memory_space<semaphore_mem>>) src(%arg14 : memref<64x128xf32, #tpu.memory_space<vmem>>) dst(%dma_wait3A_364 : memref<10000x128xf32, #tpu.memory_space<vmem_shared>>)
    %dma_wait3A_365 = arith.constant 0 : i32
    %dma_wait3A_366 = arith.constant 0 : i32
    %dma_wait3A_367 = tpu.memref_slice %arg18[%dma_wait3A_365, %dma_wait3A_366] : memref<10000x128xf32, #tpu.memory_space<vmem_shared>> -> memref<10000x128xf32, #tpu.memory_space<vmem_shared>>
    tpu.wait_indirect_dma semaphore(%arg24 : memref<!tpu.dma_semaphore, #tpu.memory_space<semaphore_mem>>) src(%arg15 : memref<64x128xf32, #tpu.memory_space<vmem>>) dst(%dma_wait3A_367 : memref<10000x128xf32, #tpu.memory_space<vmem_shared>>)
    %dma_wait3A_368 = arith.constant 0 : i32
    %dma_wait3A_369 = arith.constant 0 : i32
    %dma_wait3A_370 = tpu.memref_slice %arg18[%dma_wait3A_368, %dma_wait3A_369] : memref<10000x128xf32, #tpu.memory_space<vmem_shared>> -> memref<10000x128xf32, #tpu.memory_space<vmem_shared>>
    tpu.wait_indirect_dma semaphore(%arg25 : memref<!tpu.dma_semaphore, #tpu.memory_space<semaphore_mem>>) src(%arg16 : memref<64x128xf32, #tpu.memory_space<vmem>>) dst(%dma_wait3A_370 : memref<10000x128xf32, #tpu.memory_space<vmem_shared>>)
    %dma_wait3A_371 = arith.constant 0 : i32
    %dma_wait3A_372 = arith.constant 0 : i32
    %dma_wait3A_373 = tpu.memref_slice %arg18[%dma_wait3A_371, %dma_wait3A_372] : memref<10000x128xf32, #tpu.memory_space<vmem_shared>> -> memref<10000x128xf32, #tpu.memory_space<vmem_shared>>
    tpu.wait_indirect_dma semaphore(%arg26 : memref<!tpu.dma_semaphore, #tpu.memory_space<semaphore_mem>>) src(%arg17 : memref<64x128xf32, #tpu.memory_space<vmem>>) dst(%dma_wait3A_373 : memref<10000x128xf32, #tpu.memory_space<vmem_shared>>)
    %barrier3A_374 = arith.constant 0 : index
    tpu.barrier barrier_id(%barrier3A_374)
    %lt3A_375 = arith.constant 15 : i32
    %lt3A_376 = arith.cmpi slt, %arg1, %lt3A_375 : i32
    %convert_element_type3A_377 = arith.extui %lt3A_376 : i1 to i32
    %cond3A_378 = arith.constant 0 : i32
    %cond3A_379 = arith.cmpi ne, %convert_element_type3A_377, %cond3A_378 : i32
    scf.if %cond3A_379 {
      "tpu.region"() ({
        %run_scoped3A = tpu.sem_alloc : memref<!tpu.dma_semaphore, #tpu.memory_space<semaphore_mem>>
        %dma_start3A_385 = arith.constant 0 : i32
        %dma_start3A_386 = tpu.memref_slice %arg4[%arg0, %multiple_of3A, %dma_start3A_385] : memref<2x10000x128xf32, #tpu.memory_space<hbm>> -> memref<1x624x128xf32, #tpu.memory_space<hbm>>
        %dma_start3A_387 = tpu.memref_squeeze %dma_start3A_386 : memref<1x624x128xf32, #tpu.memory_space<hbm>> -> memref<624x128xf32, #tpu.memory_space<hbm>>
        %dma_start3A_388 = arith.constant 0 : i32
        %dma_start3A_389 = tpu.memref_slice %arg18[%multiple_of3A, %dma_start3A_388] : memref<10000x128xf32, #tpu.memory_space<vmem_shared>> -> memref<624x128xf32, #tpu.memory_space<vmem_shared>>
        tpu.enqueue_dma source(%dma_start3A_389 : memref<624x128xf32, #tpu.memory_space<vmem_shared>>) target(%dma_start3A_387 : memref<624x128xf32, #tpu.memory_space<hbm>>) target_semaphore(%run_scoped3A : memref<!tpu.dma_semaphore, #tpu.memory_space<semaphore_mem>>)
        %dma_wait3A_390 = arith.constant 0 : i32
        %dma_wait3A_391 = tpu.memref_slice %arg4[%arg0, %multiple_of3A, %dma_wait3A_390] : memref<2x10000x128xf32, #tpu.memory_space<hbm>> -> memref<1x624x128xf32, #tpu.memory_space<hbm>>
        %dma_wait3A_392 = tpu.memref_squeeze %dma_wait3A_391 : memref<1x624x128xf32, #tpu.memory_space<hbm>> -> memref<624x128xf32, #tpu.memory_space<hbm>>
        %dma_wait3A_393 = arith.constant 0 : i32
        %dma_wait3A_394 = tpu.memref_slice %arg18[%multiple_of3A, %dma_wait3A_393] : memref<10000x128xf32, #tpu.memory_space<vmem_shared>> -> memref<624x128xf32, #tpu.memory_space<vmem_shared>>
        tpu.wait_dma2 semaphore(%run_scoped3A : memref<!tpu.dma_semaphore, #tpu.memory_space<semaphore_mem>>) src(%dma_wait3A_394 : memref<624x128xf32, #tpu.memory_space<vmem_shared>>) dst(%dma_wait3A_392 : memref<624x128xf32, #tpu.memory_space<hbm>>)
        tpu.yield
      }) : () -> ()
    } else {
    }
    %eq3A_380 = arith.constant 15 : i32
    %eq3A_381 = arith.cmpi eq, %arg1, %eq3A_380 : i32
    %convert_element_type3A_382 = arith.extui %eq3A_381 : i1 to i32
    %cond3A_383 = arith.constant 0 : i32
    %cond3A_384 = arith.cmpi ne, %convert_element_type3A_382, %cond3A_383 : i32
    scf.if %cond3A_384 {
      "tpu.region"() ({
        %run_scoped3A = tpu.sem_alloc : memref<!tpu.dma_semaphore, #tpu.memory_space<semaphore_mem>>
        %dma_start3A_385 = arith.constant 0 : i32
        %dma_start3A_386 = tpu.memref_slice %arg4[%arg0, %multiple_of3A, %dma_start3A_385] : memref<2x10000x128xf32, #tpu.memory_space<hbm>> -> memref<1x640x128xf32, #tpu.memory_space<hbm>>
        %dma_start3A_387 = tpu.memref_squeeze %dma_start3A_386 : memref<1x640x128xf32, #tpu.memory_space<hbm>> -> memref<640x128xf32, #tpu.memory_space<hbm>>
        %dma_start3A_388 = arith.constant 0 : i32
        %dma_start3A_389 = tpu.memref_slice %arg18[%multiple_of3A, %dma_start3A_388] : memref<10000x128xf32, #tpu.memory_space<vmem_shared>> -> memref<640x128xf32, #tpu.memory_space<vmem_shared>>
        tpu.enqueue_dma source(%dma_start3A_389 : memref<640x128xf32, #tpu.memory_space<vmem_shared>>) target(%dma_start3A_387 : memref<640x128xf32, #tpu.memory_space<hbm>>) target_semaphore(%run_scoped3A : memref<!tpu.dma_semaphore, #tpu.memory_space<semaphore_mem>>)
        %dma_wait3A_390 = arith.constant 0 : i32
        %dma_wait3A_391 = tpu.memref_slice %arg4[%arg0, %multiple_of3A, %dma_wait3A_390] : memref<2x10000x128xf32, #tpu.memory_space<hbm>> -> memref<1x640x128xf32, #tpu.memory_space<hbm>>
        %dma_wait3A_392 = tpu.memref_squeeze %dma_wait3A_391 : memref<1x640x128xf32, #tpu.memory_space<hbm>> -> memref<640x128xf32, #tpu.memory_space<hbm>>
        %dma_wait3A_393 = arith.constant 0 : i32
        %dma_wait3A_394 = tpu.memref_slice %arg18[%multiple_of3A, %dma_wait3A_393] : memref<10000x128xf32, #tpu.memory_space<vmem_shared>> -> memref<640x128xf32, #tpu.memory_space<vmem_shared>>
        tpu.wait_dma2 semaphore(%run_scoped3A : memref<!tpu.dma_semaphore, #tpu.memory_space<semaphore_mem>>) src(%dma_wait3A_394 : memref<640x128xf32, #tpu.memory_space<vmem_shared>>) dst(%dma_wait3A_392 : memref<640x128xf32, #tpu.memory_space<hbm>>)
        tpu.yield
      }) : () -> ()
    } else {
    }
    return
  }
}

#map = affine_map<(d0, d1) -> (0, 0)>
#map1 = affine_map<(d0, d1) -> (0, 0, 0)>
module attributes {stable_mosaic.version = 14 : i64} {
  func.func @_sc_body(%arg0: i32, %arg1: i32, %arg2: memref<10400x128xf32, #tpu.memory_space<hbm>>, %arg3: memref<32x10240xi32, #tpu.memory_space<hbm>>, %arg4: memref<2x10000x128xf32, #tpu.memory_space<hbm>>, %arg5: memref<10240xi32, #tpu.memory_space<vmem>>, %arg6: memref<64xi32, #tpu.memory_space<vmem>>, %arg7: memref<64xi32, #tpu.memory_space<vmem>>, %arg8: memref<64xi32, #tpu.memory_space<vmem>>, %arg9: memref<64xi32, #tpu.memory_space<vmem>>, %arg10: memref<64xi32, #tpu.memory_space<vmem>>, %arg11: memref<64xi32, #tpu.memory_space<vmem>>, %arg12: memref<64xi32, #tpu.memory_space<vmem>>, %arg13: memref<64xi32, #tpu.memory_space<vmem>>, %arg14: memref<64x128xf32, #tpu.memory_space<vmem>>, %arg15: memref<64x128xf32, #tpu.memory_space<vmem>>, %arg16: memref<64x128xf32, #tpu.memory_space<vmem>>, %arg17: memref<64x128xf32, #tpu.memory_space<vmem>>, %arg18: memref<10000x128xf32, #tpu.memory_space<vmem_shared>>, %arg19: memref<!tpu.dma_semaphore, #tpu.memory_space<semaphore_mem>>, %arg20: memref<!tpu.dma_semaphore, #tpu.memory_space<semaphore_mem>>, %arg21: memref<!tpu.dma_semaphore, #tpu.memory_space<semaphore_mem>>, %arg22: memref<!tpu.dma_semaphore, #tpu.memory_space<semaphore_mem>>, %arg23: memref<!tpu.dma_semaphore, #tpu.memory_space<semaphore_mem>>, %arg24: memref<!tpu.dma_semaphore, #tpu.memory_space<semaphore_mem>>, %arg25: memref<!tpu.dma_semaphore, #tpu.memory_space<semaphore_mem>>, %arg26: memref<!tpu.dma_semaphore, #tpu.memory_space<semaphore_mem>>) attributes {dimension_semantics = [#tpu.dimension_semantics<core_parallel>, #tpu.dimension_semantics<subcore_parallel>], iteration_bounds = array<i64: 2, 16>, scalar_prefetch = 0 : i64, scratch_operands = 22 : i64, tpu.core_type = #tpu.core_type<sc_vector_subcore>, window_params = [{transform_indices = #map}, {transform_indices = #map}, {transform_indices = #map1}]} {
    %mul3A = arith.constant 2 : i32
    %mul3A_0 = arith.muli %arg1, %mul3A : i32
    %add3A = arith.addi %mul3A_0, %arg0 : i32
    %mul3A_1 = arith.constant 624 : i32
    %mul3A_2 = arith.muli %arg1, %mul3A_1 : i32
    %multiple_of3A = tpu.assume_multiple %mul3A_2, 8 : i32
    "tpu.region"() ({
      %run_scoped3A = tpu.sem_alloc : memref<!tpu.dma_semaphore, #tpu.memory_space<semaphore_mem>>
      %dma_start3A_385 = arith.constant 0 : i32
      %dma_start3A_386 = tpu.memref_slice %arg3[%add3A, %dma_start3A_385] : memref<32x10240xi32, #tpu.memory_space<hbm>> -> memref<1x10240xi32, #tpu.memory_space<hbm>>
      %dma_start3A_387 = tpu.memref_squeeze %dma_start3A_386 : memref<1x10240xi32, #tpu.memory_space<hbm>> -> memref<10240xi32, #tpu.memory_space<hbm>>
      %dma_start3A_388 = arith.constant 0 : i32
      %dma_start3A_389 = tpu.memref_slice %arg3[%add3A, %dma_start3A_388] : memref<32x10240xi32, #tpu.memory_space<hbm>> -> memref<1x10240xi32, #tpu.memory_space<hbm>>
      %dma_start3A_390 = tpu.memref_squeeze %dma_start3A_389 : memref<1x10240xi32, #tpu.memory_space<hbm>> -> memref<10240xi32, #tpu.memory_space<hbm>>
      tpu.enqueue_dma source(%dma_start3A_390 : memref<10240xi32, #tpu.memory_space<hbm>>) target(%arg5 : memref<10240xi32, #tpu.memory_space<vmem>>) target_semaphore(%run_scoped3A : memref<!tpu.dma_semaphore, #tpu.memory_space<semaphore_mem>>)
      %dma_wait3A_391 = arith.constant 0 : i32
      %dma_wait3A_392 = tpu.memref_slice %arg3[%add3A, %dma_wait3A_391] : memref<32x10240xi32, #tpu.memory_space<hbm>> -> memref<1x10240xi32, #tpu.memory_space<hbm>>
      %dma_wait3A_393 = tpu.memref_squeeze %dma_wait3A_392 : memref<1x10240xi32, #tpu.memory_space<hbm>> -> memref<10240xi32, #tpu.memory_space<hbm>>
      %dma_wait3A_394 = arith.constant 0 : i32
      %dma_wait3A_395 = tpu.memref_slice %arg3[%add3A, %dma_wait3A_394] : memref<32x10240xi32, #tpu.memory_space<hbm>> -> memref<1x10240xi32, #tpu.memory_space<hbm>>
      %dma_wait3A_396 = tpu.memref_squeeze %dma_wait3A_395 : memref<1x10240xi32, #tpu.memory_space<hbm>> -> memref<10240xi32, #tpu.memory_space<hbm>>
      tpu.wait_dma2 semaphore(%run_scoped3A : memref<!tpu.dma_semaphore, #tpu.memory_space<semaphore_mem>>) src(%dma_wait3A_396 : memref<10240xi32, #tpu.memory_space<hbm>>) dst(%arg5 : memref<10240xi32, #tpu.memory_space<vmem>>)
      tpu.yield
    }) : () -> ()
    %scan3A = arith.constant 0 : i32
    %scan3A_3 = arith.constant 0 : i32
    %scan3A_4 = arith.constant 64 : i32
    %scan3A_5 = arith.addi %scan3A_3, %scan3A_4 : i32
    %scan3A_6 = arith.constant 1 : i32
    scf.for %scan3A_385 = %scan3A_3 to %scan3A_5 step %scan3A_6  : i32 {
      %broadcast_in_dim3A = arith.constant 0.000000e+00 : f32
      %broadcast_in_dim3A_386 = vector.broadcast %broadcast_in_dim3A : f32 to vector<16xf32>
      %swap3A_387 = arith.index_cast %scan3A_385 : i32 to index
      %swap3A_388 = arith.constant 0 : index
      %swap3A_389 = tpu.vector_load %arg14[%swap3A_387, %swap3A_388] {strides = array<i32>} : memref<64x128xf32, #tpu.memory_space<vmem>>, vector<1x16xf32>,
      %swap3A_390 = vector.shape_cast %swap3A_389 : vector<1x16xf32> to vector<16xf32>
      %swap3A_391 = vector.shape_cast %broadcast_in_dim3A_386 : vector<16xf32> to vector<1x16xf32>
      tpu.vector_store %arg14[%swap3A_387, %swap3A_388], %swap3A_391 {strides = array<i32>} : memref<64x128xf32, #tpu.memory_space<vmem>>, vector<1x16xf32>,
      %broadcast_in_dim3A_392 = arith.constant 0.000000e+00 : f32
      %broadcast_in_dim3A_393 = vector.broadcast %broadcast_in_dim3A_392 : f32 to vector<16xf32>
      %swap3A_394 = arith.index_cast %scan3A_385 : i32 to index
      %swap3A_395 = arith.constant 16 : index
      %swap3A_396 = tpu.vector_load %arg14[%swap3A_394, %swap3A_395] {strides = array<i32>} : memref<64x128xf32, #tpu.memory_space<vmem>>, vector<1x16xf32>,
      %swap3A_397 = vector.shape_cast %swap3A_396 : vector<1x16xf32> to vector<16xf32>
      %swap3A_398 = vector.shape_cast %broadcast_in_dim3A_393 : vector<16xf32> to vector<1x16xf32>
      tpu.vector_store %arg14[%swap3A_394, %swap3A_395], %swap3A_398 {strides = array<i32>} : memref<64x128xf32, #tpu.memory_space<vmem>>, vector<1x16xf32>,
      %broadcast_in_dim3A_399 = arith.constant 0.000000e+00 : f32
      %broadcast_in_dim3A_400 = vector.broadcast %broadcast_in_dim3A_399 : f32 to vector<16xf32>
      %swap3A_401 = arith.index_cast %scan3A_385 : i32 to index
      %swap3A_402 = arith.constant 32 : index
      %swap3A_403 = tpu.vector_load %arg14[%swap3A_401, %swap3A_402] {strides = array<i32>} : memref<64x128xf32, #tpu.memory_space<vmem>>, vector<1x16xf32>,
      %swap3A_404 = vector.shape_cast %swap3A_403 : vector<1x16xf32> to vector<16xf32>
      %swap3A_405 = vector.shape_cast %broadcast_in_dim3A_400 : vector<16xf32> to vector<1x16xf32>
      tpu.vector_store %arg14[%swap3A_401, %swap3A_402], %swap3A_405 {strides = array<i32>} : memref<64x128xf32, #tpu.memory_space<vmem>>, vector<1x16xf32>,
      %broadcast_in_dim3A_406 = arith.constant 0.000000e+00 : f32
      %broadcast_in_dim3A_407 = vector.broadcast %broadcast_in_dim3A_406 : f32 to vector<16xf32>
      %swap3A_408 = arith.index_cast %scan3A_385 : i32 to index
      %swap3A_409 = arith.constant 48 : index
      %swap3A_410 = tpu.vector_load %arg14[%swap3A_408, %swap3A_409] {strides = array<i32>} : memref<64x128xf32, #tpu.memory_space<vmem>>, vector<1x16xf32>,
      %swap3A_411 = vector.shape_cast %swap3A_410 : vector<1x16xf32> to vector<16xf32>
      %swap3A_412 = vector.shape_cast %broadcast_in_dim3A_407 : vector<16xf32> to vector<1x16xf32>
      tpu.vector_store %arg14[%swap3A_408, %swap3A_409], %swap3A_412 {strides = array<i32>} : memref<64x128xf32, #tpu.memory_space<vmem>>, vector<1x16xf32>,
      %broadcast_in_dim3A_413 = arith.constant 0.000000e+00 : f32
      %broadcast_in_dim3A_414 = vector.broadcast %broadcast_in_dim3A_413 : f32 to vector<16xf32>
      %swap3A_415 = arith.index_cast %scan3A_385 : i32 to index
      %swap3A_416 = arith.constant 64 : index
      %swap3A_417 = tpu.vector_load %arg14[%swap3A_415, %swap3A_416] {strides = array<i32>} : memref<64x128xf32, #tpu.memory_space<vmem>>, vector<1x16xf32>,
      %swap3A_418 = vector.shape_cast %swap3A_417 : vector<1x16xf32> to vector<16xf32>
      %swap3A_419 = vector.shape_cast %broadcast_in_dim3A_414 : vector<16xf32> to vector<1x16xf32>
      tpu.vector_store %arg14[%swap3A_415, %swap3A_416], %swap3A_419 {strides = array<i32>} : memref<64x128xf32, #tpu.memory_space<vmem>>, vector<1x16xf32>,
      %broadcast_in_dim3A_420 = arith.constant 0.000000e+00 : f32
      %broadcast_in_dim3A_421 = vector.broadcast %broadcast_in_dim3A_420 : f32 to vector<16xf32>
      %swap3A_422 = arith.index_cast %scan3A_385 : i32 to index
      %swap3A_423 = arith.constant 80 : index
      %swap3A_424 = tpu.vector_load %arg14[%swap3A_422, %swap3A_423] {strides = array<i32>} : memref<64x128xf32, #tpu.memory_space<vmem>>, vector<1x16xf32>,
      %swap3A_425 = vector.shape_cast %swap3A_424 : vector<1x16xf32> to vector<16xf32>
      %swap3A_426 = vector.shape_cast %broadcast_in_dim3A_421 : vector<16xf32> to vector<1x16xf32>
      tpu.vector_store %arg14[%swap3A_422, %swap3A_423], %swap3A_426 {strides = array<i32>} : memref<64x128xf32, #tpu.memory_space<vmem>>, vector<1x16xf32>,
      %broadcast_in_dim3A_427 = arith.constant 0.000000e+00 : f32
      %broadcast_in_dim3A_428 = vector.broadcast %broadcast_in_dim3A_427 : f32 to vector<16xf32>
      %swap3A_429 = arith.index_cast %scan3A_385 : i32 to index
      %swap3A_430 = arith.constant 96 : index
      %swap3A_431 = tpu.vector_load %arg14[%swap3A_429, %swap3A_430] {strides = array<i32>} : memref<64x128xf32, #tpu.memory_space<vmem>>, vector<1x16xf32>,
      %swap3A_432 = vector.shape_cast %swap3A_431 : vector<1x16xf32> to vector<16xf32>
      %swap3A_433 = vector.shape_cast %broadcast_in_dim3A_428 : vector<16xf32> to vector<1x16xf32>
      tpu.vector_store %arg14[%swap3A_429, %swap3A_430], %swap3A_433 {strides = array<i32>} : memref<64x128xf32, #tpu.memory_space<vmem>>, vector<1x16xf32>,
      %broadcast_in_dim3A_434 = arith.constant 0.000000e+00 : f32
      %broadcast_in_dim3A_435 = vector.broadcast %broadcast_in_dim3A_434 : f32 to vector<16xf32>
      %swap3A_436 = arith.index_cast %scan3A_385 : i32 to index
      %swap3A_437 = arith.constant 112 : index
      %swap3A_438 = tpu.vector_load %arg14[%swap3A_436, %swap3A_437] {strides = array<i32>} : memref<64x128xf32, #tpu.memory_space<vmem>>, vector<1x16xf32>,
      %swap3A_439 = vector.shape_cast %swap3A_438 : vector<1x16xf32> to vector<16xf32>
      %swap3A_440 = vector.shape_cast %broadcast_in_dim3A_435 : vector<16xf32> to vector<1x16xf32>
      tpu.vector_store %arg14[%swap3A_436, %swap3A_437], %swap3A_440 {strides = array<i32>} : memref<64x128xf32, #tpu.memory_space<vmem>>, vector<1x16xf32>,
    }
    %scan3A_7 = arith.constant 64 : i32
    %lt3A = arith.constant 15 : i32
    %lt3A_8 = arith.cmpi slt, %arg1, %lt3A : i32
    %convert_element_type3A = arith.extui %lt3A_8 : i1 to i32
    %cond3A = arith.constant 0 : i32
    %cond3A_9 = arith.cmpi ne, %convert_element_type3A, %cond3A : i32
    scf.if %cond3A_9 {
      %add3A_385 = arith.constant 0 : i32
      %add3A_386 = arith.addi %multiple_of3A, %add3A_385 : i32
      "tpu.region"() ({
        %run_scoped3A = tpu.sem_alloc : memref<!tpu.dma_semaphore, #tpu.memory_space<semaphore_mem>>
        %dma_start3A_405 = arith.constant 0 : i32
        %dma_start3A_406 = tpu.memref_slice %arg18[%add3A_386, %dma_start3A_405] : memref<10000x128xf32, #tpu.memory_space<vmem_shared>> -> memref<64x128xf32, #tpu.memory_space<vmem_shared>>
        %dma_start3A_407 = arith.constant 0 : i32
        %dma_start3A_408 = tpu.memref_slice %arg18[%add3A_386, %dma_start3A_407] : memref<10000x128xf32, #tpu.memory_space<vmem_shared>> -> memref<64x128xf32, #tpu.memory_space<vmem_shared>>
        tpu.enqueue_dma source(%arg14 : memref<64x128xf32, #tpu.memory_space<vmem>>) target(%dma_start3A_408 : memref<64x128xf32, #tpu.memory_space<vmem_shared>>) target_semaphore(%run_scoped3A : memref<!tpu.dma_semaphore, #tpu.memory_space<semaphore_mem>>)
        %dma_wait3A_409 = arith.constant 0 : i32
        %dma_wait3A_410 = tpu.memref_slice %arg18[%add3A_386, %dma_wait3A_409] : memref<10000x128xf32, #tpu.memory_space<vmem_shared>> -> memref<64x128xf32, #tpu.memory_space<vmem_shared>>
        %dma_wait3A_411 = arith.constant 0 : i32
        %dma_wait3A_412 = tpu.memref_slice %arg18[%add3A_386, %dma_wait3A_411] : memref<10000x128xf32, #tpu.memory_space<vmem_shared>> -> memref<64x128xf32, #tpu.memory_space<vmem_shared>>
        tpu.wait_dma2 semaphore(%run_scoped3A : memref<!tpu.dma_semaphore, #tpu.memory_space<semaphore_mem>>) src(%arg14 : memref<64x128xf32, #tpu.memory_space<vmem>>) dst(%dma_wait3A_412 : memref<64x128xf32, #tpu.memory_space<vmem_shared>>)
        tpu.yield
      }) : () -> ()
      %add3A_387 = arith.constant 64 : i32
      %add3A_388 = arith.addi %multiple_of3A, %add3A_387 : i32
      "tpu.region"() ({
        %run_scoped3A = tpu.sem_alloc : memref<!tpu.dma_semaphore, #tpu.memory_space<semaphore_mem>>
        %dma_start3A_405 = arith.constant 0 : i32
        %dma_start3A_406 = tpu.memref_slice %arg18[%add3A_388, %dma_start3A_405] : memref<10000x128xf32, #tpu.memory_space<vmem_shared>> -> memref<64x128xf32, #tpu.memory_space<vmem_shared>>
        %dma_start3A_407 = arith.constant 0 : i32
        %dma_start3A_408 = tpu.memref_slice %arg18[%add3A_388, %dma_start3A_407] : memref<10000x128xf32, #tpu.memory_space<vmem_shared>> -> memref<64x128xf32, #tpu.memory_space<vmem_shared>>
        tpu.enqueue_dma source(%arg14 : memref<64x128xf32, #tpu.memory_space<vmem>>) target(%dma_start3A_408 : memref<64x128xf32, #tpu.memory_space<vmem_shared>>) target_semaphore(%run_scoped3A : memref<!tpu.dma_semaphore, #tpu.memory_space<semaphore_mem>>)
        %dma_wait3A_409 = arith.constant 0 : i32
        %dma_wait3A_410 = tpu.memref_slice %arg18[%add3A_388, %dma_wait3A_409] : memref<10000x128xf32, #tpu.memory_space<vmem_shared>> -> memref<64x128xf32, #tpu.memory_space<vmem_shared>>
        %dma_wait3A_411 = arith.constant 0 : i32
        %dma_wait3A_412 = tpu.memref_slice %arg18[%add3A_388, %dma_wait3A_411] : memref<10000x128xf32, #tpu.memory_space<vmem_shared>> -> memref<64x128xf32, #tpu.memory_space<vmem_shared>>
        tpu.wait_dma2 semaphore(%run_scoped3A : memref<!tpu.dma_semaphore, #tpu.memory_space<semaphore_mem>>) src(%arg14 : memref<64x128xf32, #tpu.memory_space<vmem>>) dst(%dma_wait3A_412 : memref<64x128xf32, #tpu.memory_space<vmem_shared>>)
        tpu.yield
      }) : () -> ()
      %add3A_389 = arith.constant 128 : i32
      %add3A_390 = arith.addi %multiple_of3A, %add3A_389 : i32
      "tpu.region"() ({
        %run_scoped3A = tpu.sem_alloc : memref<!tpu.dma_semaphore, #tpu.memory_space<semaphore_mem>>
        %dma_start3A_405 = arith.constant 0 : i32
        %dma_start3A_406 = tpu.memref_slice %arg18[%add3A_390, %dma_start3A_405] : memref<10000x128xf32, #tpu.memory_space<vmem_shared>> -> memref<64x128xf32, #tpu.memory_space<vmem_shared>>
        %dma_start3A_407 = arith.constant 0 : i32
        %dma_start3A_408 = tpu.memref_slice %arg18[%add3A_390, %dma_start3A_407] : memref<10000x128xf32, #tpu.memory_space<vmem_shared>> -> memref<64x128xf32, #tpu.memory_space<vmem_shared>>
        tpu.enqueue_dma source(%arg14 : memref<64x128xf32, #tpu.memory_space<vmem>>) target(%dma_start3A_408 : memref<64x128xf32, #tpu.memory_space<vmem_shared>>) target_semaphore(%run_scoped3A : memref<!tpu.dma_semaphore, #tpu.memory_space<semaphore_mem>>)
        %dma_wait3A_409 = arith.constant 0 : i32
        %dma_wait3A_410 = tpu.memref_slice %arg18[%add3A_390, %dma_wait3A_409] : memref<10000x128xf32, #tpu.memory_space<vmem_shared>> -> memref<64x128xf32, #tpu.memory_space<vmem_shared>>
        %dma_wait3A_411 = arith.constant 0 : i32
        %dma_wait3A_412 = tpu.memref_slice %arg18[%add3A_390, %dma_wait3A_411] : memref<10000x128xf32, #tpu.memory_space<vmem_shared>> -> memref<64x128xf32, #tpu.memory_space<vmem_shared>>
        tpu.wait_dma2 semaphore(%run_scoped3A : memref<!tpu.dma_semaphore, #tpu.memory_space<semaphore_mem>>) src(%arg14 : memref<64x128xf32, #tpu.memory_space<vmem>>) dst(%dma_wait3A_412 : memref<64x128xf32, #tpu.memory_space<vmem_shared>>)
        tpu.yield
      }) : () -> ()
      %add3A_391 = arith.constant 192 : i32
      %add3A_392 = arith.addi %multiple_of3A, %add3A_391 : i32
      "tpu.region"() ({
        %run_scoped3A = tpu.sem_alloc : memref<!tpu.dma_semaphore, #tpu.memory_space<semaphore_mem>>
        %dma_start3A_405 = arith.constant 0 : i32
        %dma_start3A_406 = tpu.memref_slice %arg18[%add3A_392, %dma_start3A_405] : memref<10000x128xf32, #tpu.memory_space<vmem_shared>> -> memref<64x128xf32, #tpu.memory_space<vmem_shared>>
        %dma_start3A_407 = arith.constant 0 : i32
        %dma_start3A_408 = tpu.memref_slice %arg18[%add3A_392, %dma_start3A_407] : memref<10000x128xf32, #tpu.memory_space<vmem_shared>> -> memref<64x128xf32, #tpu.memory_space<vmem_shared>>
        tpu.enqueue_dma source(%arg14 : memref<64x128xf32, #tpu.memory_space<vmem>>) target(%dma_start3A_408 : memref<64x128xf32, #tpu.memory_space<vmem_shared>>) target_semaphore(%run_scoped3A : memref<!tpu.dma_semaphore, #tpu.memory_space<semaphore_mem>>)
        %dma_wait3A_409 = arith.constant 0 : i32
        %dma_wait3A_410 = tpu.memref_slice %arg18[%add3A_392, %dma_wait3A_409] : memref<10000x128xf32, #tpu.memory_space<vmem_shared>> -> memref<64x128xf32, #tpu.memory_space<vmem_shared>>
        %dma_wait3A_411 = arith.constant 0 : i32
        %dma_wait3A_412 = tpu.memref_slice %arg18[%add3A_392, %dma_wait3A_411] : memref<10000x128xf32, #tpu.memory_space<vmem_shared>> -> memref<64x128xf32, #tpu.memory_space<vmem_shared>>
        tpu.wait_dma2 semaphore(%run_scoped3A : memref<!tpu.dma_semaphore, #tpu.memory_space<semaphore_mem>>) src(%arg14 : memref<64x128xf32, #tpu.memory_space<vmem>>) dst(%dma_wait3A_412 : memref<64x128xf32, #tpu.memory_space<vmem_shared>>)
        tpu.yield
      }) : () -> ()
      %add3A_393 = arith.constant 256 : i32
      %add3A_394 = arith.addi %multiple_of3A, %add3A_393 : i32
      "tpu.region"() ({
        %run_scoped3A = tpu.sem_alloc : memref<!tpu.dma_semaphore, #tpu.memory_space<semaphore_mem>>
        %dma_start3A_405 = arith.constant 0 : i32
        %dma_start3A_406 = tpu.memref_slice %arg18[%add3A_394, %dma_start3A_405] : memref<10000x128xf32, #tpu.memory_space<vmem_shared>> -> memref<64x128xf32, #tpu.memory_space<vmem_shared>>
        %dma_start3A_407 = arith.constant 0 : i32
        %dma_start3A_408 = tpu.memref_slice %arg18[%add3A_394, %dma_start3A_407] : memref<10000x128xf32, #tpu.memory_space<vmem_shared>> -> memref<64x128xf32, #tpu.memory_space<vmem_shared>>
        tpu.enqueue_dma source(%arg14 : memref<64x128xf32, #tpu.memory_space<vmem>>) target(%dma_start3A_408 : memref<64x128xf32, #tpu.memory_space<vmem_shared>>) target_semaphore(%run_scoped3A : memref<!tpu.dma_semaphore, #tpu.memory_space<semaphore_mem>>)
        %dma_wait3A_409 = arith.constant 0 : i32
        %dma_wait3A_410 = tpu.memref_slice %arg18[%add3A_394, %dma_wait3A_409] : memref<10000x128xf32, #tpu.memory_space<vmem_shared>> -> memref<64x128xf32, #tpu.memory_space<vmem_shared>>
        %dma_wait3A_411 = arith.constant 0 : i32
        %dma_wait3A_412 = tpu.memref_slice %arg18[%add3A_394, %dma_wait3A_411] : memref<10000x128xf32, #tpu.memory_space<vmem_shared>> -> memref<64x128xf32, #tpu.memory_space<vmem_shared>>
        tpu.wait_dma2 semaphore(%run_scoped3A : memref<!tpu.dma_semaphore, #tpu.memory_space<semaphore_mem>>) src(%arg14 : memref<64x128xf32, #tpu.memory_space<vmem>>) dst(%dma_wait3A_412 : memref<64x128xf32, #tpu.memory_space<vmem_shared>>)
        tpu.yield
      }) : () -> ()
      %add3A_395 = arith.constant 320 : i32
      %add3A_396 = arith.addi %multiple_of3A, %add3A_395 : i32
      "tpu.region"() ({
        %run_scoped3A = tpu.sem_alloc : memref<!tpu.dma_semaphore, #tpu.memory_space<semaphore_mem>>
        %dma_start3A_405 = arith.constant 0 : i32
        %dma_start3A_406 = tpu.memref_slice %arg18[%add3A_396, %dma_start3A_405] : memref<10000x128xf32, #tpu.memory_space<vmem_shared>> -> memref<64x128xf32, #tpu.memory_space<vmem_shared>>
        %dma_start3A_407 = arith.constant 0 : i32
        %dma_start3A_408 = tpu.memref_slice %arg18[%add3A_396, %dma_start3A_407] : memref<10000x128xf32, #tpu.memory_space<vmem_shared>> -> memref<64x128xf32, #tpu.memory_space<vmem_shared>>
        tpu.enqueue_dma source(%arg14 : memref<64x128xf32, #tpu.memory_space<vmem>>) target(%dma_start3A_408 : memref<64x128xf32, #tpu.memory_space<vmem_shared>>) target_semaphore(%run_scoped3A : memref<!tpu.dma_semaphore, #tpu.memory_space<semaphore_mem>>)
        %dma_wait3A_409 = arith.constant 0 : i32
        %dma_wait3A_410 = tpu.memref_slice %arg18[%add3A_396, %dma_wait3A_409] : memref<10000x128xf32, #tpu.memory_space<vmem_shared>> -> memref<64x128xf32, #tpu.memory_space<vmem_shared>>
        %dma_wait3A_411 = arith.constant 0 : i32
        %dma_wait3A_412 = tpu.memref_slice %arg18[%add3A_396, %dma_wait3A_411] : memref<10000x128xf32, #tpu.memory_space<vmem_shared>> -> memref<64x128xf32, #tpu.memory_space<vmem_shared>>
        tpu.wait_dma2 semaphore(%run_scoped3A : memref<!tpu.dma_semaphore, #tpu.memory_space<semaphore_mem>>) src(%arg14 : memref<64x128xf32, #tpu.memory_space<vmem>>) dst(%dma_wait3A_412 : memref<64x128xf32, #tpu.memory_space<vmem_shared>>)
        tpu.yield
      }) : () -> ()
      %add3A_397 = arith.constant 384 : i32
      %add3A_398 = arith.addi %multiple_of3A, %add3A_397 : i32
      "tpu.region"() ({
        %run_scoped3A = tpu.sem_alloc : memref<!tpu.dma_semaphore, #tpu.memory_space<semaphore_mem>>
        %dma_start3A_405 = arith.constant 0 : i32
        %dma_start3A_406 = tpu.memref_slice %arg18[%add3A_398, %dma_start3A_405] : memref<10000x128xf32, #tpu.memory_space<vmem_shared>> -> memref<64x128xf32, #tpu.memory_space<vmem_shared>>
        %dma_start3A_407 = arith.constant 0 : i32
        %dma_start3A_408 = tpu.memref_slice %arg18[%add3A_398, %dma_start3A_407] : memref<10000x128xf32, #tpu.memory_space<vmem_shared>> -> memref<64x128xf32, #tpu.memory_space<vmem_shared>>
        tpu.enqueue_dma source(%arg14 : memref<64x128xf32, #tpu.memory_space<vmem>>) target(%dma_start3A_408 : memref<64x128xf32, #tpu.memory_space<vmem_shared>>) target_semaphore(%run_scoped3A : memref<!tpu.dma_semaphore, #tpu.memory_space<semaphore_mem>>)
        %dma_wait3A_409 = arith.constant 0 : i32
        %dma_wait3A_410 = tpu.memref_slice %arg18[%add3A_398, %dma_wait3A_409] : memref<10000x128xf32, #tpu.memory_space<vmem_shared>> -> memref<64x128xf32, #tpu.memory_space<vmem_shared>>
        %dma_wait3A_411 = arith.constant 0 : i32
        %dma_wait3A_412 = tpu.memref_slice %arg18[%add3A_398, %dma_wait3A_411] : memref<10000x128xf32, #tpu.memory_space<vmem_shared>> -> memref<64x128xf32, #tpu.memory_space<vmem_shared>>
        tpu.wait_dma2 semaphore(%run_scoped3A : memref<!tpu.dma_semaphore, #tpu.memory_space<semaphore_mem>>) src(%arg14 : memref<64x128xf32, #tpu.memory_space<vmem>>) dst(%dma_wait3A_412 : memref<64x128xf32, #tpu.memory_space<vmem_shared>>)
        tpu.yield
      }) : () -> ()
      %add3A_399 = arith.constant 448 : i32
      %add3A_400 = arith.addi %multiple_of3A, %add3A_399 : i32
      "tpu.region"() ({
        %run_scoped3A = tpu.sem_alloc : memref<!tpu.dma_semaphore, #tpu.memory_space<semaphore_mem>>
        %dma_start3A_405 = arith.constant 0 : i32
        %dma_start3A_406 = tpu.memref_slice %arg18[%add3A_400, %dma_start3A_405] : memref<10000x128xf32, #tpu.memory_space<vmem_shared>> -> memref<64x128xf32, #tpu.memory_space<vmem_shared>>
        %dma_start3A_407 = arith.constant 0 : i32
        %dma_start3A_408 = tpu.memref_slice %arg18[%add3A_400, %dma_start3A_407] : memref<10000x128xf32, #tpu.memory_space<vmem_shared>> -> memref<64x128xf32, #tpu.memory_space<vmem_shared>>
        tpu.enqueue_dma source(%arg14 : memref<64x128xf32, #tpu.memory_space<vmem>>) target(%dma_start3A_408 : memref<64x128xf32, #tpu.memory_space<vmem_shared>>) target_semaphore(%run_scoped3A : memref<!tpu.dma_semaphore, #tpu.memory_space<semaphore_mem>>)
        %dma_wait3A_409 = arith.constant 0 : i32
        %dma_wait3A_410 = tpu.memref_slice %arg18[%add3A_400, %dma_wait3A_409] : memref<10000x128xf32, #tpu.memory_space<vmem_shared>> -> memref<64x128xf32, #tpu.memory_space<vmem_shared>>
        %dma_wait3A_411 = arith.constant 0 : i32
        %dma_wait3A_412 = tpu.memref_slice %arg18[%add3A_400, %dma_wait3A_411] : memref<10000x128xf32, #tpu.memory_space<vmem_shared>> -> memref<64x128xf32, #tpu.memory_space<vmem_shared>>
        tpu.wait_dma2 semaphore(%run_scoped3A : memref<!tpu.dma_semaphore, #tpu.memory_space<semaphore_mem>>) src(%arg14 : memref<64x128xf32, #tpu.memory_space<vmem>>) dst(%dma_wait3A_412 : memref<64x128xf32, #tpu.memory_space<vmem_shared>>)
        tpu.yield
      }) : () -> ()
      %add3A_401 = arith.constant 512 : i32
      %add3A_402 = arith.addi %multiple_of3A, %add3A_401 : i32
      "tpu.region"() ({
        %run_scoped3A = tpu.sem_alloc : memref<!tpu.dma_semaphore, #tpu.memory_space<semaphore_mem>>
        %dma_start3A_405 = arith.constant 0 : i32
        %dma_start3A_406 = tpu.memref_slice %arg18[%add3A_402, %dma_start3A_405] : memref<10000x128xf32, #tpu.memory_space<vmem_shared>> -> memref<64x128xf32, #tpu.memory_space<vmem_shared>>
        %dma_start3A_407 = arith.constant 0 : i32
        %dma_start3A_408 = tpu.memref_slice %arg18[%add3A_402, %dma_start3A_407] : memref<10000x128xf32, #tpu.memory_space<vmem_shared>> -> memref<64x128xf32, #tpu.memory_space<vmem_shared>>
        tpu.enqueue_dma source(%arg14 : memref<64x128xf32, #tpu.memory_space<vmem>>) target(%dma_start3A_408 : memref<64x128xf32, #tpu.memory_space<vmem_shared>>) target_semaphore(%run_scoped3A : memref<!tpu.dma_semaphore, #tpu.memory_space<semaphore_mem>>)
        %dma_wait3A_409 = arith.constant 0 : i32
        %dma_wait3A_410 = tpu.memref_slice %arg18[%add3A_402, %dma_wait3A_409] : memref<10000x128xf32, #tpu.memory_space<vmem_shared>> -> memref<64x128xf32, #tpu.memory_space<vmem_shared>>
        %dma_wait3A_411 = arith.constant 0 : i32
        %dma_wait3A_412 = tpu.memref_slice %arg18[%add3A_402, %dma_wait3A_411] : memref<10000x128xf32, #tpu.memory_space<vmem_shared>> -> memref<64x128xf32, #tpu.memory_space<vmem_shared>>
        tpu.wait_dma2 semaphore(%run_scoped3A : memref<!tpu.dma_semaphore, #tpu.memory_space<semaphore_mem>>) src(%arg14 : memref<64x128xf32, #tpu.memory_space<vmem>>) dst(%dma_wait3A_412 : memref<64x128xf32, #tpu.memory_space<vmem_shared>>)
        tpu.yield
      }) : () -> ()
      %add3A_403 = arith.constant 576 : i32
      %add3A_404 = arith.addi %multiple_of3A, %add3A_403 : i32
      "tpu.region"() ({
        %run_scoped3A = tpu.sem_alloc : memref<!tpu.dma_semaphore, #tpu.memory_space<semaphore_mem>>
        %dma_start3A_405 = arith.constant 0 : i32
        %dma_start3A_406 = arith.constant 0 : i32
        %dma_start3A_407 = tpu.memref_slice %arg14[%dma_start3A_405, %dma_start3A_406] : memref<64x128xf32, #tpu.memory_space<vmem>> -> memref<48x128xf32, #tpu.memory_space<vmem>>
        %dma_start3A_408 = arith.constant 0 : i32
        %dma_start3A_409 = tpu.memref_slice %arg18[%add3A_404, %dma_start3A_408] : memref<10000x128xf32, #tpu.memory_space<vmem_shared>> -> memref<48x128xf32, #tpu.memory_space<vmem_shared>>
        %dma_start3A_410 = arith.constant 0 : i32
        %dma_start3A_411 = tpu.memref_slice %arg18[%add3A_404, %dma_start3A_410] : memref<10000x128xf32, #tpu.memory_space<vmem_shared>> -> memref<48x128xf32, #tpu.memory_space<vmem_shared>>
        %dma_start3A_412 = arith.constant 0 : i32
        %dma_start3A_413 = arith.constant 0 : i32
        %dma_start3A_414 = tpu.memref_slice %arg14[%dma_start3A_412, %dma_start3A_413] : memref<64x128xf32, #tpu.memory_space<vmem>> -> memref<48x128xf32, #tpu.memory_space<vmem>>
        tpu.enqueue_dma source(%dma_start3A_414 : memref<48x128xf32, #tpu.memory_space<vmem>>) target(%dma_start3A_411 : memref<48x128xf32, #tpu.memory_space<vmem_shared>>) target_semaphore(%run_scoped3A : memref<!tpu.dma_semaphore, #tpu.memory_space<semaphore_mem>>)
        %dma_wait3A_415 = arith.constant 0 : i32
        %dma_wait3A_416 = arith.constant 0 : i32
        %dma_wait3A_417 = tpu.memref_slice %arg14[%dma_wait3A_415, %dma_wait3A_416] : memref<64x128xf32, #tpu.memory_space<vmem>> -> memref<48x128xf32, #tpu.memory_space<vmem>>
        %dma_wait3A_418 = arith.constant 0 : i32
        %dma_wait3A_419 = tpu.memref_slice %arg18[%add3A_404, %dma_wait3A_418] : memref<10000x128xf32, #tpu.memory_space<vmem_shared>> -> memref<48x128xf32, #tpu.memory_space<vmem_shared>>
        %dma_wait3A_420 = arith.constant 0 : i32
        %dma_wait3A_421 = tpu.memref_slice %arg18[%add3A_404, %dma_wait3A_420] : memref<10000x128xf32, #tpu.memory_space<vmem_shared>> -> memref<48x128xf32, #tpu.memory_space<vmem_shared>>
        %dma_wait3A_422 = arith.constant 0 : i32
        %dma_wait3A_423 = arith.constant 0 : i32
        %dma_wait3A_424 = tpu.memref_slice %arg14[%dma_wait3A_422, %dma_wait3A_423] : memref<64x128xf32, #tpu.memory_space<vmem>> -> memref<48x128xf32, #tpu.memory_space<vmem>>
        tpu.wait_dma2 semaphore(%run_scoped3A : memref<!tpu.dma_semaphore, #tpu.memory_space<semaphore_mem>>) src(%dma_wait3A_424 : memref<48x128xf32, #tpu.memory_space<vmem>>) dst(%dma_wait3A_421 : memref<48x128xf32, #tpu.memory_space<vmem_shared>>)
        tpu.yield
      }) : () -> ()
    } else {
    }
    %eq3A = arith.constant 15 : i32
    %eq3A_10 = arith.cmpi eq, %arg1, %eq3A : i32
    %convert_element_type3A_11 = arith.extui %eq3A_10 : i1 to i32
    %cond3A_12 = arith.constant 0 : i32
    %cond3A_13 = arith.cmpi ne, %convert_element_type3A_11, %cond3A_12 : i32
    scf.if %cond3A_13 {
      %add3A_385 = arith.constant 0 : i32
      %add3A_386 = arith.addi %multiple_of3A, %add3A_385 : i32
      "tpu.region"() ({
        %run_scoped3A = tpu.sem_alloc : memref<!tpu.dma_semaphore, #tpu.memory_space<semaphore_mem>>
        %dma_start3A_405 = arith.constant 0 : i32
        %dma_start3A_406 = tpu.memref_slice %arg18[%add3A_386, %dma_start3A_405] : memref<10000x128xf32, #tpu.memory_space<vmem_shared>> -> memref<64x128xf32, #tpu.memory_space<vmem_shared>>
        %dma_start3A_407 = arith.constant 0 : i32
        %dma_start3A_408 = tpu.memref_slice %arg18[%add3A_386, %dma_start3A_407] : memref<10000x128xf32, #tpu.memory_space<vmem_shared>> -> memref<64x128xf32, #tpu.memory_space<vmem_shared>>
        tpu.enqueue_dma source(%arg14 : memref<64x128xf32, #tpu.memory_space<vmem>>) target(%dma_start3A_408 : memref<64x128xf32, #tpu.memory_space<vmem_shared>>) target_semaphore(%run_scoped3A : memref<!tpu.dma_semaphore, #tpu.memory_space<semaphore_mem>>)
        %dma_wait3A_409 = arith.constant 0 : i32
        %dma_wait3A_410 = tpu.memref_slice %arg18[%add3A_386, %dma_wait3A_409] : memref<10000x128xf32, #tpu.memory_space<vmem_shared>> -> memref<64x128xf32, #tpu.memory_space<vmem_shared>>
        %dma_wait3A_411 = arith.constant 0 : i32
        %dma_wait3A_412 = tpu.memref_slice %arg18[%add3A_386, %dma_wait3A_411] : memref<10000x128xf32, #tpu.memory_space<vmem_shared>> -> memref<64x128xf32, #tpu.memory_space<vmem_shared>>
        tpu.wait_dma2 semaphore(%run_scoped3A : memref<!tpu.dma_semaphore, #tpu.memory_space<semaphore_mem>>) src(%arg14 : memref<64x128xf32, #tpu.memory_space<vmem>>) dst(%dma_wait3A_412 : memref<64x128xf32, #tpu.memory_space<vmem_shared>>)
        tpu.yield
      }) : () -> ()
      %add3A_387 = arith.constant 64 : i32
      %add3A_388 = arith.addi %multiple_of3A, %add3A_387 : i32
      "tpu.region"() ({
        %run_scoped3A = tpu.sem_alloc : memref<!tpu.dma_semaphore, #tpu.memory_space<semaphore_mem>>
        %dma_start3A_405 = arith.constant 0 : i32
        %dma_start3A_406 = tpu.memref_slice %arg18[%add3A_388, %dma_start3A_405] : memref<10000x128xf32, #tpu.memory_space<vmem_shared>> -> memref<64x128xf32, #tpu.memory_space<vmem_shared>>
        %dma_start3A_407 = arith.constant 0 : i32
        %dma_start3A_408 = tpu.memref_slice %arg18[%add3A_388, %dma_start3A_407] : memref<10000x128xf32, #tpu.memory_space<vmem_shared>> -> memref<64x128xf32, #tpu.memory_space<vmem_shared>>
        tpu.enqueue_dma source(%arg14 : memref<64x128xf32, #tpu.memory_space<vmem>>) target(%dma_start3A_408 : memref<64x128xf32, #tpu.memory_space<vmem_shared>>) target_semaphore(%run_scoped3A : memref<!tpu.dma_semaphore, #tpu.memory_space<semaphore_mem>>)
        %dma_wait3A_409 = arith.constant 0 : i32
        %dma_wait3A_410 = tpu.memref_slice %arg18[%add3A_388, %dma_wait3A_409] : memref<10000x128xf32, #tpu.memory_space<vmem_shared>> -> memref<64x128xf32, #tpu.memory_space<vmem_shared>>
        %dma_wait3A_411 = arith.constant 0 : i32
        %dma_wait3A_412 = tpu.memref_slice %arg18[%add3A_388, %dma_wait3A_411] : memref<10000x128xf32, #tpu.memory_space<vmem_shared>> -> memref<64x128xf32, #tpu.memory_space<vmem_shared>>
        tpu.wait_dma2 semaphore(%run_scoped3A : memref<!tpu.dma_semaphore, #tpu.memory_space<semaphore_mem>>) src(%arg14 : memref<64x128xf32, #tpu.memory_space<vmem>>) dst(%dma_wait3A_412 : memref<64x128xf32, #tpu.memory_space<vmem_shared>>)
        tpu.yield
      }) : () -> ()
      %add3A_389 = arith.constant 128 : i32
      %add3A_390 = arith.addi %multiple_of3A, %add3A_389 : i32
      "tpu.region"() ({
        %run_scoped3A = tpu.sem_alloc : memref<!tpu.dma_semaphore, #tpu.memory_space<semaphore_mem>>
        %dma_start3A_405 = arith.constant 0 : i32
        %dma_start3A_406 = tpu.memref_slice %arg18[%add3A_390, %dma_start3A_405] : memref<10000x128xf32, #tpu.memory_space<vmem_shared>> -> memref<64x128xf32, #tpu.memory_space<vmem_shared>>
        %dma_start3A_407 = arith.constant 0 : i32
        %dma_start3A_408 = tpu.memref_slice %arg18[%add3A_390, %dma_start3A_407] : memref<10000x128xf32, #tpu.memory_space<vmem_shared>> -> memref<64x128xf32, #tpu.memory_space<vmem_shared>>
        tpu.enqueue_dma source(%arg14 : memref<64x128xf32, #tpu.memory_space<vmem>>) target(%dma_start3A_408 : memref<64x128xf32, #tpu.memory_space<vmem_shared>>) target_semaphore(%run_scoped3A : memref<!tpu.dma_semaphore, #tpu.memory_space<semaphore_mem>>)
        %dma_wait3A_409 = arith.constant 0 : i32
        %dma_wait3A_410 = tpu.memref_slice %arg18[%add3A_390, %dma_wait3A_409] : memref<10000x128xf32, #tpu.memory_space<vmem_shared>> -> memref<64x128xf32, #tpu.memory_space<vmem_shared>>
        %dma_wait3A_411 = arith.constant 0 : i32
        %dma_wait3A_412 = tpu.memref_slice %arg18[%add3A_390, %dma_wait3A_411] : memref<10000x128xf32, #tpu.memory_space<vmem_shared>> -> memref<64x128xf32, #tpu.memory_space<vmem_shared>>
        tpu.wait_dma2 semaphore(%run_scoped3A : memref<!tpu.dma_semaphore, #tpu.memory_space<semaphore_mem>>) src(%arg14 : memref<64x128xf32, #tpu.memory_space<vmem>>) dst(%dma_wait3A_412 : memref<64x128xf32, #tpu.memory_space<vmem_shared>>)
        tpu.yield
      }) : () -> ()
      %add3A_391 = arith.constant 192 : i32
      %add3A_392 = arith.addi %multiple_of3A, %add3A_391 : i32
      "tpu.region"() ({
        %run_scoped3A = tpu.sem_alloc : memref<!tpu.dma_semaphore, #tpu.memory_space<semaphore_mem>>
        %dma_start3A_405 = arith.constant 0 : i32
        %dma_start3A_406 = tpu.memref_slice %arg18[%add3A_392, %dma_start3A_405] : memref<10000x128xf32, #tpu.memory_space<vmem_shared>> -> memref<64x128xf32, #tpu.memory_space<vmem_shared>>
        %dma_start3A_407 = arith.constant 0 : i32
        %dma_start3A_408 = tpu.memref_slice %arg18[%add3A_392, %dma_start3A_407] : memref<10000x128xf32, #tpu.memory_space<vmem_shared>> -> memref<64x128xf32, #tpu.memory_space<vmem_shared>>
        tpu.enqueue_dma source(%arg14 : memref<64x128xf32, #tpu.memory_space<vmem>>) target(%dma_start3A_408 : memref<64x128xf32, #tpu.memory_space<vmem_shared>>) target_semaphore(%run_scoped3A : memref<!tpu.dma_semaphore, #tpu.memory_space<semaphore_mem>>)
        %dma_wait3A_409 = arith.constant 0 : i32
        %dma_wait3A_410 = tpu.memref_slice %arg18[%add3A_392, %dma_wait3A_409] : memref<10000x128xf32, #tpu.memory_space<vmem_shared>> -> memref<64x128xf32, #tpu.memory_space<vmem_shared>>
        %dma_wait3A_411 = arith.constant 0 : i32
        %dma_wait3A_412 = tpu.memref_slice %arg18[%add3A_392, %dma_wait3A_411] : memref<10000x128xf32, #tpu.memory_space<vmem_shared>> -> memref<64x128xf32, #tpu.memory_space<vmem_shared>>
        tpu.wait_dma2 semaphore(%run_scoped3A : memref<!tpu.dma_semaphore, #tpu.memory_space<semaphore_mem>>) src(%arg14 : memref<64x128xf32, #tpu.memory_space<vmem>>) dst(%dma_wait3A_412 : memref<64x128xf32, #tpu.memory_space<vmem_shared>>)
        tpu.yield
      }) : () -> ()
      %add3A_393 = arith.constant 256 : i32
      %add3A_394 = arith.addi %multiple_of3A, %add3A_393 : i32
      "tpu.region"() ({
        %run_scoped3A = tpu.sem_alloc : memref<!tpu.dma_semaphore, #tpu.memory_space<semaphore_mem>>
        %dma_start3A_405 = arith.constant 0 : i32
        %dma_start3A_406 = tpu.memref_slice %arg18[%add3A_394, %dma_start3A_405] : memref<10000x128xf32, #tpu.memory_space<vmem_shared>> -> memref<64x128xf32, #tpu.memory_space<vmem_shared>>
        %dma_start3A_407 = arith.constant 0 : i32
        %dma_start3A_408 = tpu.memref_slice %arg18[%add3A_394, %dma_start3A_407] : memref<10000x128xf32, #tpu.memory_space<vmem_shared>> -> memref<64x128xf32, #tpu.memory_space<vmem_shared>>
        tpu.enqueue_dma source(%arg14 : memref<64x128xf32, #tpu.memory_space<vmem>>) target(%dma_start3A_408 : memref<64x128xf32, #tpu.memory_space<vmem_shared>>) target_semaphore(%run_scoped3A : memref<!tpu.dma_semaphore, #tpu.memory_space<semaphore_mem>>)
        %dma_wait3A_409 = arith.constant 0 : i32
        %dma_wait3A_410 = tpu.memref_slice %arg18[%add3A_394, %dma_wait3A_409] : memref<10000x128xf32, #tpu.memory_space<vmem_shared>> -> memref<64x128xf32, #tpu.memory_space<vmem_shared>>
        %dma_wait3A_411 = arith.constant 0 : i32
        %dma_wait3A_412 = tpu.memref_slice %arg18[%add3A_394, %dma_wait3A_411] : memref<10000x128xf32, #tpu.memory_space<vmem_shared>> -> memref<64x128xf32, #tpu.memory_space<vmem_shared>>
        tpu.wait_dma2 semaphore(%run_scoped3A : memref<!tpu.dma_semaphore, #tpu.memory_space<semaphore_mem>>) src(%arg14 : memref<64x128xf32, #tpu.memory_space<vmem>>) dst(%dma_wait3A_412 : memref<64x128xf32, #tpu.memory_space<vmem_shared>>)
        tpu.yield
      }) : () -> ()
      %add3A_395 = arith.constant 320 : i32
      %add3A_396 = arith.addi %multiple_of3A, %add3A_395 : i32
      "tpu.region"() ({
        %run_scoped3A = tpu.sem_alloc : memref<!tpu.dma_semaphore, #tpu.memory_space<semaphore_mem>>
        %dma_start3A_405 = arith.constant 0 : i32
        %dma_start3A_406 = tpu.memref_slice %arg18[%add3A_396, %dma_start3A_405] : memref<10000x128xf32, #tpu.memory_space<vmem_shared>> -> memref<64x128xf32, #tpu.memory_space<vmem_shared>>
        %dma_start3A_407 = arith.constant 0 : i32
        %dma_start3A_408 = tpu.memref_slice %arg18[%add3A_396, %dma_start3A_407] : memref<10000x128xf32, #tpu.memory_space<vmem_shared>> -> memref<64x128xf32, #tpu.memory_space<vmem_shared>>
        tpu.enqueue_dma source(%arg14 : memref<64x128xf32, #tpu.memory_space<vmem>>) target(%dma_start3A_408 : memref<64x128xf32, #tpu.memory_space<vmem_shared>>) target_semaphore(%run_scoped3A : memref<!tpu.dma_semaphore, #tpu.memory_space<semaphore_mem>>)
        %dma_wait3A_409 = arith.constant 0 : i32
        %dma_wait3A_410 = tpu.memref_slice %arg18[%add3A_396, %dma_wait3A_409] : memref<10000x128xf32, #tpu.memory_space<vmem_shared>> -> memref<64x128xf32, #tpu.memory_space<vmem_shared>>
        %dma_wait3A_411 = arith.constant 0 : i32
        %dma_wait3A_412 = tpu.memref_slice %arg18[%add3A_396, %dma_wait3A_411] : memref<10000x128xf32, #tpu.memory_space<vmem_shared>> -> memref<64x128xf32, #tpu.memory_space<vmem_shared>>
        tpu.wait_dma2 semaphore(%run_scoped3A : memref<!tpu.dma_semaphore, #tpu.memory_space<semaphore_mem>>) src(%arg14 : memref<64x128xf32, #tpu.memory_space<vmem>>) dst(%dma_wait3A_412 : memref<64x128xf32, #tpu.memory_space<vmem_shared>>)
        tpu.yield
      }) : () -> ()
      %add3A_397 = arith.constant 384 : i32
      %add3A_398 = arith.addi %multiple_of3A, %add3A_397 : i32
      "tpu.region"() ({
        %run_scoped3A = tpu.sem_alloc : memref<!tpu.dma_semaphore, #tpu.memory_space<semaphore_mem>>
        %dma_start3A_405 = arith.constant 0 : i32
        %dma_start3A_406 = tpu.memref_slice %arg18[%add3A_398, %dma_start3A_405] : memref<10000x128xf32, #tpu.memory_space<vmem_shared>> -> memref<64x128xf32, #tpu.memory_space<vmem_shared>>
        %dma_start3A_407 = arith.constant 0 : i32
        %dma_start3A_408 = tpu.memref_slice %arg18[%add3A_398, %dma_start3A_407] : memref<10000x128xf32, #tpu.memory_space<vmem_shared>> -> memref<64x128xf32, #tpu.memory_space<vmem_shared>>
        tpu.enqueue_dma source(%arg14 : memref<64x128xf32, #tpu.memory_space<vmem>>) target(%dma_start3A_408 : memref<64x128xf32, #tpu.memory_space<vmem_shared>>) target_semaphore(%run_scoped3A : memref<!tpu.dma_semaphore, #tpu.memory_space<semaphore_mem>>)
        %dma_wait3A_409 = arith.constant 0 : i32
        %dma_wait3A_410 = tpu.memref_slice %arg18[%add3A_398, %dma_wait3A_409] : memref<10000x128xf32, #tpu.memory_space<vmem_shared>> -> memref<64x128xf32, #tpu.memory_space<vmem_shared>>
        %dma_wait3A_411 = arith.constant 0 : i32
        %dma_wait3A_412 = tpu.memref_slice %arg18[%add3A_398, %dma_wait3A_411] : memref<10000x128xf32, #tpu.memory_space<vmem_shared>> -> memref<64x128xf32, #tpu.memory_space<vmem_shared>>
        tpu.wait_dma2 semaphore(%run_scoped3A : memref<!tpu.dma_semaphore, #tpu.memory_space<semaphore_mem>>) src(%arg14 : memref<64x128xf32, #tpu.memory_space<vmem>>) dst(%dma_wait3A_412 : memref<64x128xf32, #tpu.memory_space<vmem_shared>>)
        tpu.yield
      }) : () -> ()
      %add3A_399 = arith.constant 448 : i32
      %add3A_400 = arith.addi %multiple_of3A, %add3A_399 : i32
      "tpu.region"() ({
        %run_scoped3A = tpu.sem_alloc : memref<!tpu.dma_semaphore, #tpu.memory_space<semaphore_mem>>
        %dma_start3A_405 = arith.constant 0 : i32
        %dma_start3A_406 = tpu.memref_slice %arg18[%add3A_400, %dma_start3A_405] : memref<10000x128xf32, #tpu.memory_space<vmem_shared>> -> memref<64x128xf32, #tpu.memory_space<vmem_shared>>
        %dma_start3A_407 = arith.constant 0 : i32
        %dma_start3A_408 = tpu.memref_slice %arg18[%add3A_400, %dma_start3A_407] : memref<10000x128xf32, #tpu.memory_space<vmem_shared>> -> memref<64x128xf32, #tpu.memory_space<vmem_shared>>
        tpu.enqueue_dma source(%arg14 : memref<64x128xf32, #tpu.memory_space<vmem>>) target(%dma_start3A_408 : memref<64x128xf32, #tpu.memory_space<vmem_shared>>) target_semaphore(%run_scoped3A : memref<!tpu.dma_semaphore, #tpu.memory_space<semaphore_mem>>)
        %dma_wait3A_409 = arith.constant 0 : i32
        %dma_wait3A_410 = tpu.memref_slice %arg18[%add3A_400, %dma_wait3A_409] : memref<10000x128xf32, #tpu.memory_space<vmem_shared>> -> memref<64x128xf32, #tpu.memory_space<vmem_shared>>
        %dma_wait3A_411 = arith.constant 0 : i32
        %dma_wait3A_412 = tpu.memref_slice %arg18[%add3A_400, %dma_wait3A_411] : memref<10000x128xf32, #tpu.memory_space<vmem_shared>> -> memref<64x128xf32, #tpu.memory_space<vmem_shared>>
        tpu.wait_dma2 semaphore(%run_scoped3A : memref<!tpu.dma_semaphore, #tpu.memory_space<semaphore_mem>>) src(%arg14 : memref<64x128xf32, #tpu.memory_space<vmem>>) dst(%dma_wait3A_412 : memref<64x128xf32, #tpu.memory_space<vmem_shared>>)
        tpu.yield
      }) : () -> ()
      %add3A_401 = arith.constant 512 : i32
      %add3A_402 = arith.addi %multiple_of3A, %add3A_401 : i32
      "tpu.region"() ({
        %run_scoped3A = tpu.sem_alloc : memref<!tpu.dma_semaphore, #tpu.memory_space<semaphore_mem>>
        %dma_start3A_405 = arith.constant 0 : i32
        %dma_start3A_406 = tpu.memref_slice %arg18[%add3A_402, %dma_start3A_405] : memref<10000x128xf32, #tpu.memory_space<vmem_shared>> -> memref<64x128xf32, #tpu.memory_space<vmem_shared>>
        %dma_start3A_407 = arith.constant 0 : i32
        %dma_start3A_408 = tpu.memref_slice %arg18[%add3A_402, %dma_start3A_407] : memref<10000x128xf32, #tpu.memory_space<vmem_shared>> -> memref<64x128xf32, #tpu.memory_space<vmem_shared>>
        tpu.enqueue_dma source(%arg14 : memref<64x128xf32, #tpu.memory_space<vmem>>) target(%dma_start3A_408 : memref<64x128xf32, #tpu.memory_space<vmem_shared>>) target_semaphore(%run_scoped3A : memref<!tpu.dma_semaphore, #tpu.memory_space<semaphore_mem>>)
        %dma_wait3A_409 = arith.constant 0 : i32
        %dma_wait3A_410 = tpu.memref_slice %arg18[%add3A_402, %dma_wait3A_409] : memref<10000x128xf32, #tpu.memory_space<vmem_shared>> -> memref<64x128xf32, #tpu.memory_space<vmem_shared>>
        %dma_wait3A_411 = arith.constant 0 : i32
        %dma_wait3A_412 = tpu.memref_slice %arg18[%add3A_402, %dma_wait3A_411] : memref<10000x128xf32, #tpu.memory_space<vmem_shared>> -> memref<64x128xf32, #tpu.memory_space<vmem_shared>>
        tpu.wait_dma2 semaphore(%run_scoped3A : memref<!tpu.dma_semaphore, #tpu.memory_space<semaphore_mem>>) src(%arg14 : memref<64x128xf32, #tpu.memory_space<vmem>>) dst(%dma_wait3A_412 : memref<64x128xf32, #tpu.memory_space<vmem_shared>>)
        tpu.yield
      }) : () -> ()
      %add3A_403 = arith.constant 576 : i32
      %add3A_404 = arith.addi %multiple_of3A, %add3A_403 : i32
      "tpu.region"() ({
        %run_scoped3A = tpu.sem_alloc : memref<!tpu.dma_semaphore, #tpu.memory_space<semaphore_mem>>
        %dma_start3A_405 = arith.constant 0 : i32
        %dma_start3A_406 = tpu.memref_slice %arg18[%add3A_404, %dma_start3A_405] : memref<10000x128xf32, #tpu.memory_space<vmem_shared>> -> memref<64x128xf32, #tpu.memory_space<vmem_shared>>
        %dma_start3A_407 = arith.constant 0 : i32
        %dma_start3A_408 = tpu.memref_slice %arg18[%add3A_404, %dma_start3A_407] : memref<10000x128xf32, #tpu.memory_space<vmem_shared>> -> memref<64x128xf32, #tpu.memory_space<vmem_shared>>
        tpu.enqueue_dma source(%arg14 : memref<64x128xf32, #tpu.memory_space<vmem>>) target(%dma_start3A_408 : memref<64x128xf32, #tpu.memory_space<vmem_shared>>) target_semaphore(%run_scoped3A : memref<!tpu.dma_semaphore, #tpu.memory_space<semaphore_mem>>)
        %dma_wait3A_409 = arith.constant 0 : i32
        %dma_wait3A_410 = tpu.memref_slice %arg18[%add3A_404, %dma_wait3A_409] : memref<10000x128xf32, #tpu.memory_space<vmem_shared>> -> memref<64x128xf32, #tpu.memory_space<vmem_shared>>
        %dma_wait3A_411 = arith.constant 0 : i32
        %dma_wait3A_412 = tpu.memref_slice %arg18[%add3A_404, %dma_wait3A_411] : memref<10000x128xf32, #tpu.memory_space<vmem_shared>> -> memref<64x128xf32, #tpu.memory_space<vmem_shared>>
        tpu.wait_dma2 semaphore(%run_scoped3A : memref<!tpu.dma_semaphore, #tpu.memory_space<semaphore_mem>>) src(%arg14 : memref<64x128xf32, #tpu.memory_space<vmem>>) dst(%dma_wait3A_412 : memref<64x128xf32, #tpu.memory_space<vmem_shared>>)
        tpu.yield
      }) : () -> ()
    } else {
    }
    %barrier3A = arith.constant 0 : index
    tpu.barrier barrier_id(%barrier3A)
    %multiple_of3A_14 = arith.constant 0 : i32
    %multiple_of3A_15 = tpu.assume_multiple %multiple_of3A_14, 8 : i32
    %add3A_16 = arith.constant 0 : i32
    %add3A_17 = arith.addi %multiple_of3A_15, %add3A_16 : i32
    %get3A = arith.index_cast %add3A_17 : i32 to index
    %get3A_18 = tpu.vector_load %arg5[%get3A] {strides = array<i32>} : memref<10240xi32, #tpu.memory_space<vmem>>, vector<16xi32>,
    %get3A_19 = vector.shape_cast %get3A_18 : vector<16xi32> to vector<16xi32>
    %and3A = arith.constant 65535 : i32
    %and3A_20 = vector.broadcast %and3A : i32 to vector<16xi32>
    %and3A_21 = arith.andi %get3A_19, %and3A_20 : vector<16xi32>
    %swap3A = arith.constant 0 : index
    %swap3A_22 = tpu.vector_load %arg6[%swap3A] {strides = array<i32>} : memref<64xi32, #tpu.memory_space<vmem>>, vector<16xi32>,
    %swap3A_23 = vector.shape_cast %swap3A_22 : vector<16xi32> to vector<16xi32>
    %swap3A_24 = vector.shape_cast %and3A_21 : vector<16xi32> to vector<16xi32>
    tpu.vector_store %arg6[%swap3A], %swap3A_24 {strides = array<i32>} : memref<64xi32, #tpu.memory_space<vmem>>, vector<16xi32>,
    %shift_right_logical3A = arith.constant 16 : i32
    %shift_right_logical3A_25 = vector.broadcast %shift_right_logical3A : i32 to vector<16xi32>
    %shift_right_logical3A_26 = arith.shrui %get3A_19, %shift_right_logical3A_25 : vector<16xi32>
    %swap3A_27 = arith.constant 0 : index
    %swap3A_28 = tpu.vector_load %arg10[%swap3A_27] {strides = array<i32>} : memref<64xi32, #tpu.memory_space<vmem>>, vector<16xi32>,
    %swap3A_29 = vector.shape_cast %swap3A_28 : vector<16xi32> to vector<16xi32>
    %swap3A_30 = vector.shape_cast %shift_right_logical3A_26 : vector<16xi32> to vector<16xi32>
    tpu.vector_store %arg10[%swap3A_27], %swap3A_30 {strides = array<i32>} : memref<64xi32, #tpu.memory_space<vmem>>, vector<16xi32>,
    %add3A_31 = arith.constant 16 : i32
    %add3A_32 = arith.addi %multiple_of3A_15, %add3A_31 : i32
    %get3A_33 = arith.index_cast %add3A_32 : i32 to index
    %get3A_34 = tpu.vector_load %arg5[%get3A_33] {strides = array<i32>} : memref<10240xi32, #tpu.memory_space<vmem>>, vector<16xi32>,
    %get3A_35 = vector.shape_cast %get3A_34 : vector<16xi32> to vector<16xi32>
    %and3A_36 = arith.constant 65535 : i32
    %and3A_37 = vector.broadcast %and3A_36 : i32 to vector<16xi32>
    %and3A_38 = arith.andi %get3A_35, %and3A_37 : vector<16xi32>
    %swap3A_39 = arith.constant 16 : index
    %swap3A_40 = tpu.vector_load %arg6[%swap3A_39] {strides = array<i32>} : memref<64xi32, #tpu.memory_space<vmem>>, vector<16xi32>,
    %swap3A_41 = vector.shape_cast %swap3A_40 : vector<16xi32> to vector<16xi32>
    %swap3A_42 = vector.shape_cast %and3A_38 : vector<16xi32> to vector<16xi32>
    tpu.vector_store %arg6[%swap3A_39], %swap3A_42 {strides = array<i32>} : memref<64xi32, #tpu.memory_space<vmem>>, vector<16xi32>,
    %shift_right_logical3A_43 = arith.constant 16 : i32
    %shift_right_logical3A_44 = vector.broadcast %shift_right_logical3A_43 : i32 to vector<16xi32>
    %shift_right_logical3A_45 = arith.shrui %get3A_35, %shift_right_logical3A_44 : vector<16xi32>
    %swap3A_46 = arith.constant 16 : index
    %swap3A_47 = tpu.vector_load %arg10[%swap3A_46] {strides = array<i32>} : memref<64xi32, #tpu.memory_space<vmem>>, vector<16xi32>,
    %swap3A_48 = vector.shape_cast %swap3A_47 : vector<16xi32> to vector<16xi32>
    %swap3A_49 = vector.shape_cast %shift_right_logical3A_45 : vector<16xi32> to vector<16xi32>
    tpu.vector_store %arg10[%swap3A_46], %swap3A_49 {strides = array<i32>} : memref<64xi32, #tpu.memory_space<vmem>>, vector<16xi32>,
    %add3A_50 = arith.constant 32 : i32
    %add3A_51 = arith.addi %multiple_of3A_15, %add3A_50 : i32
    %get3A_52 = arith.index_cast %add3A_51 : i32 to index
    %get3A_53 = tpu.vector_load %arg5[%get3A_52] {strides = array<i32>} : memref<10240xi32, #tpu.memory_space<vmem>>, vector<16xi32>,
    %get3A_54 = vector.shape_cast %get3A_53 : vector<16xi32> to vector<16xi32>
    %and3A_55 = arith.constant 65535 : i32
    %and3A_56 = vector.broadcast %and3A_55 : i32 to vector<16xi32>
    %and3A_57 = arith.andi %get3A_54, %and3A_56 : vector<16xi32>
    %swap3A_58 = arith.constant 32 : index
    %swap3A_59 = tpu.vector_load %arg6[%swap3A_58] {strides = array<i32>} : memref<64xi32, #tpu.memory_space<vmem>>, vector<16xi32>,
    %swap3A_60 = vector.shape_cast %swap3A_59 : vector<16xi32> to vector<16xi32>
    %swap3A_61 = vector.shape_cast %and3A_57 : vector<16xi32> to vector<16xi32>
    tpu.vector_store %arg6[%swap3A_58], %swap3A_61 {strides = array<i32>} : memref<64xi32, #tpu.memory_space<vmem>>, vector<16xi32>,
    %shift_right_logical3A_62 = arith.constant 16 : i32
    %shift_right_logical3A_63 = vector.broadcast %shift_right_logical3A_62 : i32 to vector<16xi32>
    %shift_right_logical3A_64 = arith.shrui %get3A_54, %shift_right_logical3A_63 : vector<16xi32>
    %swap3A_65 = arith.constant 32 : index
    %swap3A_66 = tpu.vector_load %arg10[%swap3A_65] {strides = array<i32>} : memref<64xi32, #tpu.memory_space<vmem>>, vector<16xi32>,
    %swap3A_67 = vector.shape_cast %swap3A_66 : vector<16xi32> to vector<16xi32>
    %swap3A_68 = vector.shape_cast %shift_right_logical3A_64 : vector<16xi32> to vector<16xi32>
    tpu.vector_store %arg10[%swap3A_65], %swap3A_68 {strides = array<i32>} : memref<64xi32, #tpu.memory_space<vmem>>, vector<16xi32>,
    %add3A_69 = arith.constant 48 : i32
    %add3A_70 = arith.addi %multiple_of3A_15, %add3A_69 : i32
    %get3A_71 = arith.index_cast %add3A_70 : i32 to index
    %get3A_72 = tpu.vector_load %arg5[%get3A_71] {strides = array<i32>} : memref<10240xi32, #tpu.memory_space<vmem>>, vector<16xi32>,
    %get3A_73 = vector.shape_cast %get3A_72 : vector<16xi32> to vector<16xi32>
    %and3A_74 = arith.constant 65535 : i32
    %and3A_75 = vector.broadcast %and3A_74 : i32 to vector<16xi32>
    %and3A_76 = arith.andi %get3A_73, %and3A_75 : vector<16xi32>
    %swap3A_77 = arith.constant 48 : index
    %swap3A_78 = tpu.vector_load %arg6[%swap3A_77] {strides = array<i32>} : memref<64xi32, #tpu.memory_space<vmem>>, vector<16xi32>,
    %swap3A_79 = vector.shape_cast %swap3A_78 : vector<16xi32> to vector<16xi32>
    %swap3A_80 = vector.shape_cast %and3A_76 : vector<16xi32> to vector<16xi32>
    tpu.vector_store %arg6[%swap3A_77], %swap3A_80 {strides = array<i32>} : memref<64xi32, #tpu.memory_space<vmem>>, vector<16xi32>,
    %shift_right_logical3A_81 = arith.constant 16 : i32
    %shift_right_logical3A_82 = vector.broadcast %shift_right_logical3A_81 : i32 to vector<16xi32>
    %shift_right_logical3A_83 = arith.shrui %get3A_73, %shift_right_logical3A_82 : vector<16xi32>
    %swap3A_84 = arith.constant 48 : index
    %swap3A_85 = tpu.vector_load %arg10[%swap3A_84] {strides = array<i32>} : memref<64xi32, #tpu.memory_space<vmem>>, vector<16xi32>,
    %swap3A_86 = vector.shape_cast %swap3A_85 : vector<16xi32> to vector<16xi32>
    %swap3A_87 = vector.shape_cast %shift_right_logical3A_83 : vector<16xi32> to vector<16xi32>
    tpu.vector_store %arg10[%swap3A_84], %swap3A_87 {strides = array<i32>} : memref<64xi32, #tpu.memory_space<vmem>>, vector<16xi32>,
    %dma_start3A = arith.constant 0 : i32
    %dma_start3A_88 = arith.constant 0 : i32
    %dma_start3A_89 = tpu.memref_slice %arg2[%dma_start3A, %dma_start3A_88] : memref<10400x128xf32, #tpu.memory_space<hbm>> -> memref<10400x128xf32, #tpu.memory_space<hbm>>
    tpu.enqueue_indirect_dma source(%dma_start3A_89 : memref<10400x128xf32, #tpu.memory_space<hbm>>) target(%arg14 : memref<64x128xf32, #tpu.memory_space<vmem>>) offsets(%arg6 : memref<64xi32, #tpu.memory_space<vmem>>) semaphore(%arg19 : memref<!tpu.dma_semaphore, #tpu.memory_space<semaphore_mem>>)
    %multiple_of3A_90 = arith.constant 64 : i32
    %multiple_of3A_91 = tpu.assume_multiple %multiple_of3A_90, 8 : i32
    %add3A_92 = arith.constant 0 : i32
    %add3A_93 = arith.addi %multiple_of3A_91, %add3A_92 : i32
    %get3A_94 = arith.index_cast %add3A_93 : i32 to index
    %get3A_95 = tpu.vector_load %arg5[%get3A_94] {strides = array<i32>} : memref<10240xi32, #tpu.memory_space<vmem>>, vector<16xi32>,
    %get3A_96 = vector.shape_cast %get3A_95 : vector<16xi32> to vector<16xi32>
    %and3A_97 = arith.constant 65535 : i32
    %and3A_98 = vector.broadcast %and3A_97 : i32 to vector<16xi32>
    %and3A_99 = arith.andi %get3A_96, %and3A_98 : vector<16xi32>
    %swap3A_100 = arith.constant 0 : index
    %swap3A_101 = tpu.vector_load %arg7[%swap3A_100] {strides = array<i32>} : memref<64xi32, #tpu.memory_space<vmem>>, vector<16xi32>,
    %swap3A_102 = vector.shape_cast %swap3A_101 : vector<16xi32> to vector<16xi32>
    %swap3A_103 = vector.shape_cast %and3A_99 : vector<16xi32> to vector<16xi32>
    tpu.vector_store %arg7[%swap3A_100], %swap3A_103 {strides = array<i32>} : memref<64xi32, #tpu.memory_space<vmem>>, vector<16xi32>,
    %shift_right_logical3A_104 = arith.constant 16 : i32
    %shift_right_logical3A_105 = vector.broadcast %shift_right_logical3A_104 : i32 to vector<16xi32>
    %shift_right_logical3A_106 = arith.shrui %get3A_96, %shift_right_logical3A_105 : vector<16xi32>
    %swap3A_107 = arith.constant 0 : index
    %swap3A_108 = tpu.vector_load %arg11[%swap3A_107] {strides = array<i32>} : memref<64xi32, #tpu.memory_space<vmem>>, vector<16xi32>,
    %swap3A_109 = vector.shape_cast %swap3A_108 : vector<16xi32> to vector<16xi32>
    %swap3A_110 = vector.shape_cast %shift_right_logical3A_106 : vector<16xi32> to vector<16xi32>
    tpu.vector_store %arg11[%swap3A_107], %swap3A_110 {strides = array<i32>} : memref<64xi32, #tpu.memory_space<vmem>>, vector<16xi32>,
    %add3A_111 = arith.constant 16 : i32
    %add3A_112 = arith.addi %multiple_of3A_91, %add3A_111 : i32
    %get3A_113 = arith.index_cast %add3A_112 : i32 to index
    %get3A_114 = tpu.vector_load %arg5[%get3A_113] {strides = array<i32>} : memref<10240xi32, #tpu.memory_space<vmem>>, vector<16xi32>,
    %get3A_115 = vector.shape_cast %get3A_114 : vector<16xi32> to vector<16xi32>
    %and3A_116 = arith.constant 65535 : i32
    %and3A_117 = vector.broadcast %and3A_116 : i32 to vector<16xi32>
    %and3A_118 = arith.andi %get3A_115, %and3A_117 : vector<16xi32>
    %swap3A_119 = arith.constant 16 : index
    %swap3A_120 = tpu.vector_load %arg7[%swap3A_119] {strides = array<i32>} : memref<64xi32, #tpu.memory_space<vmem>>, vector<16xi32>,
    %swap3A_121 = vector.shape_cast %swap3A_120 : vector<16xi32> to vector<16xi32>
    %swap3A_122 = vector.shape_cast %and3A_118 : vector<16xi32> to vector<16xi32>
    tpu.vector_store %arg7[%swap3A_119], %swap3A_122 {strides = array<i32>} : memref<64xi32, #tpu.memory_space<vmem>>, vector<16xi32>,
    %shift_right_logical3A_123 = arith.constant 16 : i32
    %shift_right_logical3A_124 = vector.broadcast %shift_right_logical3A_123 : i32 to vector<16xi32>
    %shift_right_logical3A_125 = arith.shrui %get3A_115, %shift_right_logical3A_124 : vector<16xi32>
    %swap3A_126 = arith.constant 16 : index
    %swap3A_127 = tpu.vector_load %arg11[%swap3A_126] {strides = array<i32>} : memref<64xi32, #tpu.memory_space<vmem>>, vector<16xi32>,
    %swap3A_128 = vector.shape_cast %swap3A_127 : vector<16xi32> to vector<16xi32>
    %swap3A_129 = vector.shape_cast %shift_right_logical3A_125 : vector<16xi32> to vector<16xi32>
    tpu.vector_store %arg11[%swap3A_126], %swap3A_129 {strides = array<i32>} : memref<64xi32, #tpu.memory_space<vmem>>, vector<16xi32>,
    %add3A_130 = arith.constant 32 : i32
    %add3A_131 = arith.addi %multiple_of3A_91, %add3A_130 : i32
    %get3A_132 = arith.index_cast %add3A_131 : i32 to index
    %get3A_133 = tpu.vector_load %arg5[%get3A_132] {strides = array<i32>} : memref<10240xi32, #tpu.memory_space<vmem>>, vector<16xi32>,
    %get3A_134 = vector.shape_cast %get3A_133 : vector<16xi32> to vector<16xi32>
    %and3A_135 = arith.constant 65535 : i32
    %and3A_136 = vector.broadcast %and3A_135 : i32 to vector<16xi32>
    %and3A_137 = arith.andi %get3A_134, %and3A_136 : vector<16xi32>
    %swap3A_138 = arith.constant 32 : index
    %swap3A_139 = tpu.vector_load %arg7[%swap3A_138] {strides = array<i32>} : memref<64xi32, #tpu.memory_space<vmem>>, vector<16xi32>,
    %swap3A_140 = vector.shape_cast %swap3A_139 : vector<16xi32> to vector<16xi32>
    %swap3A_141 = vector.shape_cast %and3A_137 : vector<16xi32> to vector<16xi32>
    tpu.vector_store %arg7[%swap3A_138], %swap3A_141 {strides = array<i32>} : memref<64xi32, #tpu.memory_space<vmem>>, vector<16xi32>,
    %shift_right_logical3A_142 = arith.constant 16 : i32
    %shift_right_logical3A_143 = vector.broadcast %shift_right_logical3A_142 : i32 to vector<16xi32>
    %shift_right_logical3A_144 = arith.shrui %get3A_134, %shift_right_logical3A_143 : vector<16xi32>
    %swap3A_145 = arith.constant 32 : index
    %swap3A_146 = tpu.vector_load %arg11[%swap3A_145] {strides = array<i32>} : memref<64xi32, #tpu.memory_space<vmem>>, vector<16xi32>,
    %swap3A_147 = vector.shape_cast %swap3A_146 : vector<16xi32> to vector<16xi32>
    %swap3A_148 = vector.shape_cast %shift_right_logical3A_144 : vector<16xi32> to vector<16xi32>
    tpu.vector_store %arg11[%swap3A_145], %swap3A_148 {strides = array<i32>} : memref<64xi32, #tpu.memory_space<vmem>>, vector<16xi32>,
    %add3A_149 = arith.constant 48 : i32
    %add3A_150 = arith.addi %multiple_of3A_91, %add3A_149 : i32
    %get3A_151 = arith.index_cast %add3A_150 : i32 to index
    %get3A_152 = tpu.vector_load %arg5[%get3A_151] {strides = array<i32>} : memref<10240xi32, #tpu.memory_space<vmem>>, vector<16xi32>,
    %get3A_153 = vector.shape_cast %get3A_152 : vector<16xi32> to vector<16xi32>
    %and3A_154 = arith.constant 65535 : i32
    %and3A_155 = vector.broadcast %and3A_154 : i32 to vector<16xi32>
    %and3A_156 = arith.andi %get3A_153, %and3A_155 : vector<16xi32>
    %swap3A_157 = arith.constant 48 : index
    %swap3A_158 = tpu.vector_load %arg7[%swap3A_157] {strides = array<i32>} : memref<64xi32, #tpu.memory_space<vmem>>, vector<16xi32>,
    %swap3A_159 = vector.shape_cast %swap3A_158 : vector<16xi32> to vector<16xi32>
    %swap3A_160 = vector.shape_cast %and3A_156 : vector<16xi32> to vector<16xi32>
    tpu.vector_store %arg7[%swap3A_157], %swap3A_160 {strides = array<i32>} : memref<64xi32, #tpu.memory_space<vmem>>, vector<16xi32>,
    %shift_right_logical3A_161 = arith.constant 16 : i32
    %shift_right_logical3A_162 = vector.broadcast %shift_right_logical3A_161 : i32 to vector<16xi32>
    %shift_right_logical3A_163 = arith.shrui %get3A_153, %shift_right_logical3A_162 : vector<16xi32>
    %swap3A_164 = arith.constant 48 : index
    %swap3A_165 = tpu.vector_load %arg11[%swap3A_164] {strides = array<i32>} : memref<64xi32, #tpu.memory_space<vmem>>, vector<16xi32>,
    %swap3A_166 = vector.shape_cast %swap3A_165 : vector<16xi32> to vector<16xi32>
    %swap3A_167 = vector.shape_cast %shift_right_logical3A_163 : vector<16xi32> to vector<16xi32>
    tpu.vector_store %arg11[%swap3A_164], %swap3A_167 {strides = array<i32>} : memref<64xi32, #tpu.memory_space<vmem>>, vector<16xi32>,
    %dma_start3A_168 = arith.constant 0 : i32
    %dma_start3A_169 = arith.constant 0 : i32
    %dma_start3A_170 = tpu.memref_slice %arg2[%dma_start3A_168, %dma_start3A_169] : memref<10400x128xf32, #tpu.memory_space<hbm>> -> memref<10400x128xf32, #tpu.memory_space<hbm>>
    tpu.enqueue_indirect_dma source(%dma_start3A_170 : memref<10400x128xf32, #tpu.memory_space<hbm>>) target(%arg15 : memref<64x128xf32, #tpu.memory_space<vmem>>) offsets(%arg7 : memref<64xi32, #tpu.memory_space<vmem>>) semaphore(%arg20 : memref<!tpu.dma_semaphore, #tpu.memory_space<semaphore_mem>>)
    %dma_wait3A = arith.constant 0 : i32
    %dma_wait3A_171 = arith.constant 0 : i32
    %dma_wait3A_172 = tpu.memref_slice %arg2[%dma_wait3A, %dma_wait3A_171] : memref<10400x128xf32, #tpu.memory_space<hbm>> -> memref<10400x128xf32, #tpu.memory_space<hbm>>
    tpu.wait_indirect_dma semaphore(%arg19 : memref<!tpu.dma_semaphore, #tpu.memory_space<semaphore_mem>>) src(%dma_wait3A_172 : memref<10400x128xf32, #tpu.memory_space<hbm>>) dst(%arg14 : memref<64x128xf32, #tpu.memory_space<vmem>>)
    %dma_start3A_173 = arith.constant 0 : i32
    %dma_start3A_174 = arith.constant 0 : i32
    %dma_start3A_175 = tpu.memref_slice %arg18[%dma_start3A_173, %dma_start3A_174] : memref<10000x128xf32, #tpu.memory_space<vmem_shared>> -> memref<10000x128xf32, #tpu.memory_space<vmem_shared>>
    tpu.enqueue_indirect_dma source(%arg14 : memref<64x128xf32, #tpu.memory_space<vmem>>) target(%dma_start3A_175 : memref<10000x128xf32, #tpu.memory_space<vmem_shared>>) offsets(%arg10 : memref<64xi32, #tpu.memory_space<vmem>>) semaphore(%arg23 : memref<!tpu.dma_semaphore, #tpu.memory_space<semaphore_mem>>) {add = true}
    %multiple_of3A_176 = arith.constant 128 : i32
    %multiple_of3A_177 = tpu.assume_multiple %multiple_of3A_176, 8 : i32
    %add3A_178 = arith.constant 0 : i32
    %add3A_179 = arith.addi %multiple_of3A_177, %add3A_178 : i32
    %get3A_180 = arith.index_cast %add3A_179 : i32 to index
    %get3A_181 = tpu.vector_load %arg5[%get3A_180] {strides = array<i32>} : memref<10240xi32, #tpu.memory_space<vmem>>, vector<16xi32>,
    %get3A_182 = vector.shape_cast %get3A_181 : vector<16xi32> to vector<16xi32>
    %and3A_183 = arith.constant 65535 : i32
    %and3A_184 = vector.broadcast %and3A_183 : i32 to vector<16xi32>
    %and3A_185 = arith.andi %get3A_182, %and3A_184 : vector<16xi32>
    %swap3A_186 = arith.constant 0 : index
    %swap3A_187 = tpu.vector_load %arg8[%swap3A_186] {strides = array<i32>} : memref<64xi32, #tpu.memory_space<vmem>>, vector<16xi32>,
    %swap3A_188 = vector.shape_cast %swap3A_187 : vector<16xi32> to vector<16xi32>
    %swap3A_189 = vector.shape_cast %and3A_185 : vector<16xi32> to vector<16xi32>
    tpu.vector_store %arg8[%swap3A_186], %swap3A_189 {strides = array<i32>} : memref<64xi32, #tpu.memory_space<vmem>>, vector<16xi32>,
    %shift_right_logical3A_190 = arith.constant 16 : i32
    %shift_right_logical3A_191 = vector.broadcast %shift_right_logical3A_190 : i32 to vector<16xi32>
    %shift_right_logical3A_192 = arith.shrui %get3A_182, %shift_right_logical3A_191 : vector<16xi32>
    %swap3A_193 = arith.constant 0 : index
    %swap3A_194 = tpu.vector_load %arg12[%swap3A_193] {strides = array<i32>} : memref<64xi32, #tpu.memory_space<vmem>>, vector<16xi32>,
    %swap3A_195 = vector.shape_cast %swap3A_194 : vector<16xi32> to vector<16xi32>
    %swap3A_196 = vector.shape_cast %shift_right_logical3A_192 : vector<16xi32> to vector<16xi32>
    tpu.vector_store %arg12[%swap3A_193], %swap3A_196 {strides = array<i32>} : memref<64xi32, #tpu.memory_space<vmem>>, vector<16xi32>,
    %add3A_197 = arith.constant 16 : i32
    %add3A_198 = arith.addi %multiple_of3A_177, %add3A_197 : i32
    %get3A_199 = arith.index_cast %add3A_198 : i32 to index
    %get3A_200 = tpu.vector_load %arg5[%get3A_199] {strides = array<i32>} : memref<10240xi32, #tpu.memory_space<vmem>>, vector<16xi32>,
    %get3A_201 = vector.shape_cast %get3A_200 : vector<16xi32> to vector<16xi32>
    %and3A_202 = arith.constant 65535 : i32
    %and3A_203 = vector.broadcast %and3A_202 : i32 to vector<16xi32>
    %and3A_204 = arith.andi %get3A_201, %and3A_203 : vector<16xi32>
    %swap3A_205 = arith.constant 16 : index
    %swap3A_206 = tpu.vector_load %arg8[%swap3A_205] {strides = array<i32>} : memref<64xi32, #tpu.memory_space<vmem>>, vector<16xi32>,
    %swap3A_207 = vector.shape_cast %swap3A_206 : vector<16xi32> to vector<16xi32>
    %swap3A_208 = vector.shape_cast %and3A_204 : vector<16xi32> to vector<16xi32>
    tpu.vector_store %arg8[%swap3A_205], %swap3A_208 {strides = array<i32>} : memref<64xi32, #tpu.memory_space<vmem>>, vector<16xi32>,
    %shift_right_logical3A_209 = arith.constant 16 : i32
    %shift_right_logical3A_210 = vector.broadcast %shift_right_logical3A_209 : i32 to vector<16xi32>
    %shift_right_logical3A_211 = arith.shrui %get3A_201, %shift_right_logical3A_210 : vector<16xi32>
    %swap3A_212 = arith.constant 16 : index
    %swap3A_213 = tpu.vector_load %arg12[%swap3A_212] {strides = array<i32>} : memref<64xi32, #tpu.memory_space<vmem>>, vector<16xi32>,
    %swap3A_214 = vector.shape_cast %swap3A_213 : vector<16xi32> to vector<16xi32>
    %swap3A_215 = vector.shape_cast %shift_right_logical3A_211 : vector<16xi32> to vector<16xi32>
    tpu.vector_store %arg12[%swap3A_212], %swap3A_215 {strides = array<i32>} : memref<64xi32, #tpu.memory_space<vmem>>, vector<16xi32>,
    %add3A_216 = arith.constant 32 : i32
    %add3A_217 = arith.addi %multiple_of3A_177, %add3A_216 : i32
    %get3A_218 = arith.index_cast %add3A_217 : i32 to index
    %get3A_219 = tpu.vector_load %arg5[%get3A_218] {strides = array<i32>} : memref<10240xi32, #tpu.memory_space<vmem>>, vector<16xi32>,
    %get3A_220 = vector.shape_cast %get3A_219 : vector<16xi32> to vector<16xi32>
    %and3A_221 = arith.constant 65535 : i32
    %and3A_222 = vector.broadcast %and3A_221 : i32 to vector<16xi32>
    %and3A_223 = arith.andi %get3A_220, %and3A_222 : vector<16xi32>
    %swap3A_224 = arith.constant 32 : index
    %swap3A_225 = tpu.vector_load %arg8[%swap3A_224] {strides = array<i32>} : memref<64xi32, #tpu.memory_space<vmem>>, vector<16xi32>,
    %swap3A_226 = vector.shape_cast %swap3A_225 : vector<16xi32> to vector<16xi32>
    %swap3A_227 = vector.shape_cast %and3A_223 : vector<16xi32> to vector<16xi32>
    tpu.vector_store %arg8[%swap3A_224], %swap3A_227 {strides = array<i32>} : memref<64xi32, #tpu.memory_space<vmem>>, vector<16xi32>,
    %shift_right_logical3A_228 = arith.constant 16 : i32
    %shift_right_logical3A_229 = vector.broadcast %shift_right_logical3A_228 : i32 to vector<16xi32>
    %shift_right_logical3A_230 = arith.shrui %get3A_220, %shift_right_logical3A_229 : vector<16xi32>
    %swap3A_231 = arith.constant 32 : index
    %swap3A_232 = tpu.vector_load %arg12[%swap3A_231] {strides = array<i32>} : memref<64xi32, #tpu.memory_space<vmem>>, vector<16xi32>,
    %swap3A_233 = vector.shape_cast %swap3A_232 : vector<16xi32> to vector<16xi32>
    %swap3A_234 = vector.shape_cast %shift_right_logical3A_230 : vector<16xi32> to vector<16xi32>
    tpu.vector_store %arg12[%swap3A_231], %swap3A_234 {strides = array<i32>} : memref<64xi32, #tpu.memory_space<vmem>>, vector<16xi32>,
    %add3A_235 = arith.constant 48 : i32
    %add3A_236 = arith.addi %multiple_of3A_177, %add3A_235 : i32
    %get3A_237 = arith.index_cast %add3A_236 : i32 to index
    %get3A_238 = tpu.vector_load %arg5[%get3A_237] {strides = array<i32>} : memref<10240xi32, #tpu.memory_space<vmem>>, vector<16xi32>,
    %get3A_239 = vector.shape_cast %get3A_238 : vector<16xi32> to vector<16xi32>
    %and3A_240 = arith.constant 65535 : i32
    %and3A_241 = vector.broadcast %and3A_240 : i32 to vector<16xi32>
    %and3A_242 = arith.andi %get3A_239, %and3A_241 : vector<16xi32>
    %swap3A_243 = arith.constant 48 : index
    %swap3A_244 = tpu.vector_load %arg8[%swap3A_243] {strides = array<i32>} : memref<64xi32, #tpu.memory_space<vmem>>, vector<16xi32>,
    %swap3A_245 = vector.shape_cast %swap3A_244 : vector<16xi32> to vector<16xi32>
    %swap3A_246 = vector.shape_cast %and3A_242 : vector<16xi32> to vector<16xi32>
    tpu.vector_store %arg8[%swap3A_243], %swap3A_246 {strides = array<i32>} : memref<64xi32, #tpu.memory_space<vmem>>, vector<16xi32>,
    %shift_right_logical3A_247 = arith.constant 16 : i32
    %shift_right_logical3A_248 = vector.broadcast %shift_right_logical3A_247 : i32 to vector<16xi32>
    %shift_right_logical3A_249 = arith.shrui %get3A_239, %shift_right_logical3A_248 : vector<16xi32>
    %swap3A_250 = arith.constant 48 : index
    %swap3A_251 = tpu.vector_load %arg12[%swap3A_250] {strides = array<i32>} : memref<64xi32, #tpu.memory_space<vmem>>, vector<16xi32>,
    %swap3A_252 = vector.shape_cast %swap3A_251 : vector<16xi32> to vector<16xi32>
    %swap3A_253 = vector.shape_cast %shift_right_logical3A_249 : vector<16xi32> to vector<16xi32>
    tpu.vector_store %arg12[%swap3A_250], %swap3A_253 {strides = array<i32>} : memref<64xi32, #tpu.memory_space<vmem>>, vector<16xi32>,
    %dma_start3A_254 = arith.constant 0 : i32
    %dma_start3A_255 = arith.constant 0 : i32
    %dma_start3A_256 = tpu.memref_slice %arg2[%dma_start3A_254, %dma_start3A_255] : memref<10400x128xf32, #tpu.memory_space<hbm>> -> memref<10400x128xf32, #tpu.memory_space<hbm>>
    tpu.enqueue_indirect_dma source(%dma_start3A_256 : memref<10400x128xf32, #tpu.memory_space<hbm>>) target(%arg16 : memref<64x128xf32, #tpu.memory_space<vmem>>) offsets(%arg8 : memref<64xi32, #tpu.memory_space<vmem>>) semaphore(%arg21 : memref<!tpu.dma_semaphore, #tpu.memory_space<semaphore_mem>>)
    %dma_wait3A_257 = arith.constant 0 : i32
    %dma_wait3A_258 = arith.constant 0 : i32
    %dma_wait3A_259 = tpu.memref_slice %arg2[%dma_wait3A_257, %dma_wait3A_258] : memref<10400x128xf32, #tpu.memory_space<hbm>> -> memref<10400x128xf32, #tpu.memory_space<hbm>>
    tpu.wait_indirect_dma semaphore(%arg20 : memref<!tpu.dma_semaphore, #tpu.memory_space<semaphore_mem>>) src(%dma_wait3A_259 : memref<10400x128xf32, #tpu.memory_space<hbm>>) dst(%arg15 : memref<64x128xf32, #tpu.memory_space<vmem>>)
    %dma_start3A_260 = arith.constant 0 : i32
    %dma_start3A_261 = arith.constant 0 : i32
    %dma_start3A_262 = tpu.memref_slice %arg18[%dma_start3A_260, %dma_start3A_261] : memref<10000x128xf32, #tpu.memory_space<vmem_shared>> -> memref<10000x128xf32, #tpu.memory_space<vmem_shared>>
    tpu.enqueue_indirect_dma source(%arg15 : memref<64x128xf32, #tpu.memory_space<vmem>>) target(%dma_start3A_262 : memref<10000x128xf32, #tpu.memory_space<vmem_shared>>) offsets(%arg11 : memref<64xi32, #tpu.memory_space<vmem>>) semaphore(%arg24 : memref<!tpu.dma_semaphore, #tpu.memory_space<semaphore_mem>>) {add = true}
    %multiple_of3A_263 = arith.constant 192 : i32
    %multiple_of3A_264 = tpu.assume_multiple %multiple_of3A_263, 8 : i32
    %add3A_265 = arith.constant 0 : i32
    %add3A_266 = arith.addi %multiple_of3A_264, %add3A_265 : i32
    %get3A_267 = arith.index_cast %add3A_266 : i32 to index
    %get3A_268 = tpu.vector_load %arg5[%get3A_267] {strides = array<i32>} : memref<10240xi32, #tpu.memory_space<vmem>>, vector<16xi32>,
    %get3A_269 = vector.shape_cast %get3A_268 : vector<16xi32> to vector<16xi32>
    %and3A_270 = arith.constant 65535 : i32
    %and3A_271 = vector.broadcast %and3A_270 : i32 to vector<16xi32>
    %and3A_272 = arith.andi %get3A_269, %and3A_271 : vector<16xi32>
    %swap3A_273 = arith.constant 0 : index
    %swap3A_274 = tpu.vector_load %arg9[%swap3A_273] {strides = array<i32>} : memref<64xi32, #tpu.memory_space<vmem>>, vector<16xi32>,
    %swap3A_275 = vector.shape_cast %swap3A_274 : vector<16xi32> to vector<16xi32>
    %swap3A_276 = vector.shape_cast %and3A_272 : vector<16xi32> to vector<16xi32>
    tpu.vector_store %arg9[%swap3A_273], %swap3A_276 {strides = array<i32>} : memref<64xi32, #tpu.memory_space<vmem>>, vector<16xi32>,
    %shift_right_logical3A_277 = arith.constant 16 : i32
    %shift_right_logical3A_278 = vector.broadcast %shift_right_logical3A_277 : i32 to vector<16xi32>
    %shift_right_logical3A_279 = arith.shrui %get3A_269, %shift_right_logical3A_278 : vector<16xi32>
    %swap3A_280 = arith.constant 0 : index
    %swap3A_281 = tpu.vector_load %arg13[%swap3A_280] {strides = array<i32>} : memref<64xi32, #tpu.memory_space<vmem>>, vector<16xi32>,
    %swap3A_282 = vector.shape_cast %swap3A_281 : vector<16xi32> to vector<16xi32>
    %swap3A_283 = vector.shape_cast %shift_right_logical3A_279 : vector<16xi32> to vector<16xi32>
    tpu.vector_store %arg13[%swap3A_280], %swap3A_283 {strides = array<i32>} : memref<64xi32, #tpu.memory_space<vmem>>, vector<16xi32>,
    %add3A_284 = arith.constant 16 : i32
    %add3A_285 = arith.addi %multiple_of3A_264, %add3A_284 : i32
    %get3A_286 = arith.index_cast %add3A_285 : i32 to index
    %get3A_287 = tpu.vector_load %arg5[%get3A_286] {strides = array<i32>} : memref<10240xi32, #tpu.memory_space<vmem>>, vector<16xi32>,
    %get3A_288 = vector.shape_cast %get3A_287 : vector<16xi32> to vector<16xi32>
    %and3A_289 = arith.constant 65535 : i32
    %and3A_290 = vector.broadcast %and3A_289 : i32 to vector<16xi32>
    %and3A_291 = arith.andi %get3A_288, %and3A_290 : vector<16xi32>
    %swap3A_292 = arith.constant 16 : index
    %swap3A_293 = tpu.vector_load %arg9[%swap3A_292] {strides = array<i32>} : memref<64xi32, #tpu.memory_space<vmem>>, vector<16xi32>,
    %swap3A_294 = vector.shape_cast %swap3A_293 : vector<16xi32> to vector<16xi32>
    %swap3A_295 = vector.shape_cast %and3A_291 : vector<16xi32> to vector<16xi32>
    tpu.vector_store %arg9[%swap3A_292], %swap3A_295 {strides = array<i32>} : memref<64xi32, #tpu.memory_space<vmem>>, vector<16xi32>,
    %shift_right_logical3A_296 = arith.constant 16 : i32
    %shift_right_logical3A_297 = vector.broadcast %shift_right_logical3A_296 : i32 to vector<16xi32>
    %shift_right_logical3A_298 = arith.shrui %get3A_288, %shift_right_logical3A_297 : vector<16xi32>
    %swap3A_299 = arith.constant 16 : index
    %swap3A_300 = tpu.vector_load %arg13[%swap3A_299] {strides = array<i32>} : memref<64xi32, #tpu.memory_space<vmem>>, vector<16xi32>,
    %swap3A_301 = vector.shape_cast %swap3A_300 : vector<16xi32> to vector<16xi32>
    %swap3A_302 = vector.shape_cast %shift_right_logical3A_298 : vector<16xi32> to vector<16xi32>
    tpu.vector_store %arg13[%swap3A_299], %swap3A_302 {strides = array<i32>} : memref<64xi32, #tpu.memory_space<vmem>>, vector<16xi32>,
    %add3A_303 = arith.constant 32 : i32
    %add3A_304 = arith.addi %multiple_of3A_264, %add3A_303 : i32
    %get3A_305 = arith.index_cast %add3A_304 : i32 to index
    %get3A_306 = tpu.vector_load %arg5[%get3A_305] {strides = array<i32>} : memref<10240xi32, #tpu.memory_space<vmem>>, vector<16xi32>,
    %get3A_307 = vector.shape_cast %get3A_306 : vector<16xi32> to vector<16xi32>
    %and3A_308 = arith.constant 65535 : i32
    %and3A_309 = vector.broadcast %and3A_308 : i32 to vector<16xi32>
    %and3A_310 = arith.andi %get3A_307, %and3A_309 : vector<16xi32>
    %swap3A_311 = arith.constant 32 : index
    %swap3A_312 = tpu.vector_load %arg9[%swap3A_311] {strides = array<i32>} : memref<64xi32, #tpu.memory_space<vmem>>, vector<16xi32>,
    %swap3A_313 = vector.shape_cast %swap3A_312 : vector<16xi32> to vector<16xi32>
    %swap3A_314 = vector.shape_cast %and3A_310 : vector<16xi32> to vector<16xi32>
    tpu.vector_store %arg9[%swap3A_311], %swap3A_314 {strides = array<i32>} : memref<64xi32, #tpu.memory_space<vmem>>, vector<16xi32>,
    %shift_right_logical3A_315 = arith.constant 16 : i32
    %shift_right_logical3A_316 = vector.broadcast %shift_right_logical3A_315 : i32 to vector<16xi32>
    %shift_right_logical3A_317 = arith.shrui %get3A_307, %shift_right_logical3A_316 : vector<16xi32>
    %swap3A_318 = arith.constant 32 : index
    %swap3A_319 = tpu.vector_load %arg13[%swap3A_318] {strides = array<i32>} : memref<64xi32, #tpu.memory_space<vmem>>, vector<16xi32>,
    %swap3A_320 = vector.shape_cast %swap3A_319 : vector<16xi32> to vector<16xi32>
    %swap3A_321 = vector.shape_cast %shift_right_logical3A_317 : vector<16xi32> to vector<16xi32>
    tpu.vector_store %arg13[%swap3A_318], %swap3A_321 {strides = array<i32>} : memref<64xi32, #tpu.memory_space<vmem>>, vector<16xi32>,
    %add3A_322 = arith.constant 48 : i32
    %add3A_323 = arith.addi %multiple_of3A_264, %add3A_322 : i32
    %get3A_324 = arith.index_cast %add3A_323 : i32 to index
    %get3A_325 = tpu.vector_load %arg5[%get3A_324] {strides = array<i32>} : memref<10240xi32, #tpu.memory_space<vmem>>, vector<16xi32>,
    %get3A_326 = vector.shape_cast %get3A_325 : vector<16xi32> to vector<16xi32>
    %and3A_327 = arith.constant 65535 : i32
    %and3A_328 = vector.broadcast %and3A_327 : i32 to vector<16xi32>
    %and3A_329 = arith.andi %get3A_326, %and3A_328 : vector<16xi32>
    %swap3A_330 = arith.constant 48 : index
    %swap3A_331 = tpu.vector_load %arg9[%swap3A_330] {strides = array<i32>} : memref<64xi32, #tpu.memory_space<vmem>>, vector<16xi32>,
    %swap3A_332 = vector.shape_cast %swap3A_331 : vector<16xi32> to vector<16xi32>
    %swap3A_333 = vector.shape_cast %and3A_329 : vector<16xi32> to vector<16xi32>
    tpu.vector_store %arg9[%swap3A_330], %swap3A_333 {strides = array<i32>} : memref<64xi32, #tpu.memory_space<vmem>>, vector<16xi32>,
    %shift_right_logical3A_334 = arith.constant 16 : i32
    %shift_right_logical3A_335 = vector.broadcast %shift_right_logical3A_334 : i32 to vector<16xi32>
    %shift_right_logical3A_336 = arith.shrui %get3A_326, %shift_right_logical3A_335 : vector<16xi32>
    %swap3A_337 = arith.constant 48 : index
    %swap3A_338 = tpu.vector_load %arg13[%swap3A_337] {strides = array<i32>} : memref<64xi32, #tpu.memory_space<vmem>>, vector<16xi32>,
    %swap3A_339 = vector.shape_cast %swap3A_338 : vector<16xi32> to vector<16xi32>
    %swap3A_340 = vector.shape_cast %shift_right_logical3A_336 : vector<16xi32> to vector<16xi32>
    tpu.vector_store %arg13[%swap3A_337], %swap3A_340 {strides = array<i32>} : memref<64xi32, #tpu.memory_space<vmem>>, vector<16xi32>,
    %dma_start3A_341 = arith.constant 0 : i32
    %dma_start3A_342 = arith.constant 0 : i32
    %dma_start3A_343 = tpu.memref_slice %arg2[%dma_start3A_341, %dma_start3A_342] : memref<10400x128xf32, #tpu.memory_space<hbm>> -> memref<10400x128xf32, #tpu.memory_space<hbm>>
    tpu.enqueue_indirect_dma source(%dma_start3A_343 : memref<10400x128xf32, #tpu.memory_space<hbm>>) target(%arg17 : memref<64x128xf32, #tpu.memory_space<vmem>>) offsets(%arg9 : memref<64xi32, #tpu.memory_space<vmem>>) semaphore(%arg22 : memref<!tpu.dma_semaphore, #tpu.memory_space<semaphore_mem>>)
    %dma_wait3A_344 = arith.constant 0 : i32
    %dma_wait3A_345 = arith.constant 0 : i32
    %dma_wait3A_346 = tpu.memref_slice %arg2[%dma_wait3A_344, %dma_wait3A_345] : memref<10400x128xf32, #tpu.memory_space<hbm>> -> memref<10400x128xf32, #tpu.memory_space<hbm>>
    tpu.wait_indirect_dma semaphore(%arg21 : memref<!tpu.dma_semaphore, #tpu.memory_space<semaphore_mem>>) src(%dma_wait3A_346 : memref<10400x128xf32, #tpu.memory_space<hbm>>) dst(%arg16 : memref<64x128xf32, #tpu.memory_space<vmem>>)
    %dma_start3A_347 = arith.constant 0 : i32
    %dma_start3A_348 = arith.constant 0 : i32
    %dma_start3A_349 = tpu.memref_slice %arg18[%dma_start3A_347, %dma_start3A_348] : memref<10000x128xf32, #tpu.memory_space<vmem_shared>> -> memref<10000x128xf32, #tpu.memory_space<vmem_shared>>
    tpu.enqueue_indirect_dma source(%arg16 : memref<64x128xf32, #tpu.memory_space<vmem>>) target(%dma_start3A_349 : memref<10000x128xf32, #tpu.memory_space<vmem_shared>>) offsets(%arg12 : memref<64xi32, #tpu.memory_space<vmem>>) semaphore(%arg25 : memref<!tpu.dma_semaphore, #tpu.memory_space<semaphore_mem>>) {add = true}
    %scan3A_350 = arith.constant 0 : i32
    %scan3A_351 = arith.constant 1 : i32
    %scan3A_352 = arith.constant 39 : i32
    %scan3A_353 = arith.addi %scan3A_351, %scan3A_352 : i32
    %scan3A_354 = arith.constant 1 : i32
    scf.for %scan3A_385 = %scan3A_351 to %scan3A_353 step %scan3A_354  : i32 {
      %dma_wait3A_386 = arith.constant 0 : i32
      %dma_wait3A_387 = arith.constant 0 : i32
      %dma_wait3A_388 = tpu.memref_slice %arg18[%dma_wait3A_386, %dma_wait3A_387] : memref<10000x128xf32, #tpu.memory_space<vmem_shared>> -> memref<10000x128xf32, #tpu.memory_space<vmem_shared>>
      tpu.wait_indirect_dma semaphore(%arg23 : memref<!tpu.dma_semaphore, #tpu.memory_space<semaphore_mem>>) src(%arg14 : memref<64x128xf32, #tpu.memory_space<vmem>>) dst(%dma_wait3A_388 : memref<10000x128xf32, #tpu.memory_space<vmem_shared>>)
      %mul3A_389 = arith.constant 4 : i32
      %mul3A_390 = arith.muli %mul3A_389, %scan3A_385 : i32
      %add3A_391 = arith.constant 0 : i32
      %add3A_392 = arith.addi %mul3A_390, %add3A_391 : i32
      %mul3A_393 = arith.constant 64 : i32
      %mul3A_394 = arith.muli %add3A_392, %mul3A_393 : i32
      %multiple_of3A_395 = tpu.assume_multiple %mul3A_394, 8 : i32
      %add3A_396 = arith.constant 0 : i32
      %add3A_397 = arith.addi %multiple_of3A_395, %add3A_396 : i32
      %get3A_398 = arith.index_cast %add3A_397 : i32 to index
      %get3A_399 = tpu.vector_load %arg5[%get3A_398] {strides = array<i32>} : memref<10240xi32, #tpu.memory_space<vmem>>, vector<16xi32>,
      %get3A_400 = vector.shape_cast %get3A_399 : vector<16xi32> to vector<16xi32>
      %and3A_401 = arith.constant 65535 : i32
      %and3A_402 = vector.broadcast %and3A_401 : i32 to vector<16xi32>
      %and3A_403 = arith.andi %get3A_400, %and3A_402 : vector<16xi32>
      %swap3A_404 = arith.constant 0 : index
      %swap3A_405 = tpu.vector_load %arg6[%swap3A_404] {strides = array<i32>} : memref<64xi32, #tpu.memory_space<vmem>>, vector<16xi32>,
      %swap3A_406 = vector.shape_cast %swap3A_405 : vector<16xi32> to vector<16xi32>
      %swap3A_407 = vector.shape_cast %and3A_403 : vector<16xi32> to vector<16xi32>
      tpu.vector_store %arg6[%swap3A_404], %swap3A_407 {strides = array<i32>} : memref<64xi32, #tpu.memory_space<vmem>>, vector<16xi32>,
      %shift_right_logical3A_408 = arith.constant 16 : i32
      %shift_right_logical3A_409 = vector.broadcast %shift_right_logical3A_408 : i32 to vector<16xi32>
      %shift_right_logical3A_410 = arith.shrui %get3A_400, %shift_right_logical3A_409 : vector<16xi32>
      %swap3A_411 = arith.constant 0 : index
      %swap3A_412 = tpu.vector_load %arg10[%swap3A_411] {strides = array<i32>} : memref<64xi32, #tpu.memory_space<vmem>>, vector<16xi32>,
      %swap3A_413 = vector.shape_cast %swap3A_412 : vector<16xi32> to vector<16xi32>
      %swap3A_414 = vector.shape_cast %shift_right_logical3A_410 : vector<16xi32> to vector<16xi32>
      tpu.vector_store %arg10[%swap3A_411], %swap3A_414 {strides = array<i32>} : memref<64xi32, #tpu.memory_space<vmem>>, vector<16xi32>,
      %add3A_415 = arith.constant 16 : i32
      %add3A_416 = arith.addi %multiple_of3A_395, %add3A_415 : i32
      %get3A_417 = arith.index_cast %add3A_416 : i32 to index
      %get3A_418 = tpu.vector_load %arg5[%get3A_417] {strides = array<i32>} : memref<10240xi32, #tpu.memory_space<vmem>>, vector<16xi32>,
      %get3A_419 = vector.shape_cast %get3A_418 : vector<16xi32> to vector<16xi32>
      %and3A_420 = arith.constant 65535 : i32
      %and3A_421 = vector.broadcast %and3A_420 : i32 to vector<16xi32>
      %and3A_422 = arith.andi %get3A_419, %and3A_421 : vector<16xi32>
      %swap3A_423 = arith.constant 16 : index
      %swap3A_424 = tpu.vector_load %arg6[%swap3A_423] {strides = array<i32>} : memref<64xi32, #tpu.memory_space<vmem>>, vector<16xi32>,
      %swap3A_425 = vector.shape_cast %swap3A_424 : vector<16xi32> to vector<16xi32>
      %swap3A_426 = vector.shape_cast %and3A_422 : vector<16xi32> to vector<16xi32>
      tpu.vector_store %arg6[%swap3A_423], %swap3A_426 {strides = array<i32>} : memref<64xi32, #tpu.memory_space<vmem>>, vector<16xi32>,
      %shift_right_logical3A_427 = arith.constant 16 : i32
      %shift_right_logical3A_428 = vector.broadcast %shift_right_logical3A_427 : i32 to vector<16xi32>
      %shift_right_logical3A_429 = arith.shrui %get3A_419, %shift_right_logical3A_428 : vector<16xi32>
      %swap3A_430 = arith.constant 16 : index
      %swap3A_431 = tpu.vector_load %arg10[%swap3A_430] {strides = array<i32>} : memref<64xi32, #tpu.memory_space<vmem>>, vector<16xi32>,
      %swap3A_432 = vector.shape_cast %swap3A_431 : vector<16xi32> to vector<16xi32>
      %swap3A_433 = vector.shape_cast %shift_right_logical3A_429 : vector<16xi32> to vector<16xi32>
      tpu.vector_store %arg10[%swap3A_430], %swap3A_433 {strides = array<i32>} : memref<64xi32, #tpu.memory_space<vmem>>, vector<16xi32>,
      %add3A_434 = arith.constant 32 : i32
      %add3A_435 = arith.addi %multiple_of3A_395, %add3A_434 : i32
      %get3A_436 = arith.index_cast %add3A_435 : i32 to index
      %get3A_437 = tpu.vector_load %arg5[%get3A_436] {strides = array<i32>} : memref<10240xi32, #tpu.memory_space<vmem>>, vector<16xi32>,
      %get3A_438 = vector.shape_cast %get3A_437 : vector<16xi32> to vector<16xi32>
      %and3A_439 = arith.constant 65535 : i32
      %and3A_440 = vector.broadcast %and3A_439 : i32 to vector<16xi32>
      %and3A_441 = arith.andi %get3A_438, %and3A_440 : vector<16xi32>
      %swap3A_442 = arith.constant 32 : index
      %swap3A_443 = tpu.vector_load %arg6[%swap3A_442] {strides = array<i32>} : memref<64xi32, #tpu.memory_space<vmem>>, vector<16xi32>,
      %swap3A_444 = vector.shape_cast %swap3A_443 : vector<16xi32> to vector<16xi32>
      %swap3A_445 = vector.shape_cast %and3A_441 : vector<16xi32> to vector<16xi32>
      tpu.vector_store %arg6[%swap3A_442], %swap3A_445 {strides = array<i32>} : memref<64xi32, #tpu.memory_space<vmem>>, vector<16xi32>,
      %shift_right_logical3A_446 = arith.constant 16 : i32
      %shift_right_logical3A_447 = vector.broadcast %shift_right_logical3A_446 : i32 to vector<16xi32>
      %shift_right_logical3A_448 = arith.shrui %get3A_438, %shift_right_logical3A_447 : vector<16xi32>
      %swap3A_449 = arith.constant 32 : index
      %swap3A_450 = tpu.vector_load %arg10[%swap3A_449] {strides = array<i32>} : memref<64xi32, #tpu.memory_space<vmem>>, vector<16xi32>,
      %swap3A_451 = vector.shape_cast %swap3A_450 : vector<16xi32> to vector<16xi32>
      %swap3A_452 = vector.shape_cast %shift_right_logical3A_448 : vector<16xi32> to vector<16xi32>
      tpu.vector_store %arg10[%swap3A_449], %swap3A_452 {strides = array<i32>} : memref<64xi32, #tpu.memory_space<vmem>>, vector<16xi32>,
      %add3A_453 = arith.constant 48 : i32
      %add3A_454 = arith.addi %multiple_of3A_395, %add3A_453 : i32
      %get3A_455 = arith.index_cast %add3A_454 : i32 to index
      %get3A_456 = tpu.vector_load %arg5[%get3A_455] {strides = array<i32>} : memref<10240xi32, #tpu.memory_space<vmem>>, vector<16xi32>,
      %get3A_457 = vector.shape_cast %get3A_456 : vector<16xi32> to vector<16xi32>
      %and3A_458 = arith.constant 65535 : i32
      %and3A_459 = vector.broadcast %and3A_458 : i32 to vector<16xi32>
      %and3A_460 = arith.andi %get3A_457, %and3A_459 : vector<16xi32>
      %swap3A_461 = arith.constant 48 : index
      %swap3A_462 = tpu.vector_load %arg6[%swap3A_461] {strides = array<i32>} : memref<64xi32, #tpu.memory_space<vmem>>, vector<16xi32>,
      %swap3A_463 = vector.shape_cast %swap3A_462 : vector<16xi32> to vector<16xi32>
      %swap3A_464 = vector.shape_cast %and3A_460 : vector<16xi32> to vector<16xi32>
      tpu.vector_store %arg6[%swap3A_461], %swap3A_464 {strides = array<i32>} : memref<64xi32, #tpu.memory_space<vmem>>, vector<16xi32>,
      %shift_right_logical3A_465 = arith.constant 16 : i32
      %shift_right_logical3A_466 = vector.broadcast %shift_right_logical3A_465 : i32 to vector<16xi32>
      %shift_right_logical3A_467 = arith.shrui %get3A_457, %shift_right_logical3A_466 : vector<16xi32>
      %swap3A_468 = arith.constant 48 : index
      %swap3A_469 = tpu.vector_load %arg10[%swap3A_468] {strides = array<i32>} : memref<64xi32, #tpu.memory_space<vmem>>, vector<16xi32>,
      %swap3A_470 = vector.shape_cast %swap3A_469 : vector<16xi32> to vector<16xi32>
      %swap3A_471 = vector.shape_cast %shift_right_logical3A_467 : vector<16xi32> to vector<16xi32>
      tpu.vector_store %arg10[%swap3A_468], %swap3A_471 {strides = array<i32>} : memref<64xi32, #tpu.memory_space<vmem>>, vector<16xi32>,
      %dma_start3A_472 = arith.constant 0 : i32
      %dma_start3A_473 = arith.constant 0 : i32
      %dma_start3A_474 = tpu.memref_slice %arg2[%dma_start3A_472, %dma_start3A_473] : memref<10400x128xf32, #tpu.memory_space<hbm>> -> memref<10400x128xf32, #tpu.memory_space<hbm>>
      tpu.enqueue_indirect_dma source(%dma_start3A_474 : memref<10400x128xf32, #tpu.memory_space<hbm>>) target(%arg14 : memref<64x128xf32, #tpu.memory_space<vmem>>) offsets(%arg6 : memref<64xi32, #tpu.memory_space<vmem>>) semaphore(%arg19 : memref<!tpu.dma_semaphore, #tpu.memory_space<semaphore_mem>>)
      %dma_wait3A_475 = arith.constant 0 : i32
      %dma_wait3A_476 = arith.constant 0 : i32
      %dma_wait3A_477 = tpu.memref_slice %arg2[%dma_wait3A_475, %dma_wait3A_476] : memref<10400x128xf32, #tpu.memory_space<hbm>> -> memref<10400x128xf32, #tpu.memory_space<hbm>>
      tpu.wait_indirect_dma semaphore(%arg22 : memref<!tpu.dma_semaphore, #tpu.memory_space<semaphore_mem>>) src(%dma_wait3A_477 : memref<10400x128xf32, #tpu.memory_space<hbm>>) dst(%arg17 : memref<64x128xf32, #tpu.memory_space<vmem>>)
      %dma_start3A_478 = arith.constant 0 : i32
      %dma_start3A_479 = arith.constant 0 : i32
      %dma_start3A_480 = tpu.memref_slice %arg18[%dma_start3A_478, %dma_start3A_479] : memref<10000x128xf32, #tpu.memory_space<vmem_shared>> -> memref<10000x128xf32, #tpu.memory_space<vmem_shared>>
      tpu.enqueue_indirect_dma source(%arg17 : memref<64x128xf32, #tpu.memory_space<vmem>>) target(%dma_start3A_480 : memref<10000x128xf32, #tpu.memory_space<vmem_shared>>) offsets(%arg13 : memref<64xi32, #tpu.memory_space<vmem>>) semaphore(%arg26 : memref<!tpu.dma_semaphore, #tpu.memory_space<semaphore_mem>>) {add = true}
      %dma_wait3A_481 = arith.constant 0 : i32
      %dma_wait3A_482 = arith.constant 0 : i32
      %dma_wait3A_483 = tpu.memref_slice %arg18[%dma_wait3A_481, %dma_wait3A_482] : memref<10000x128xf32, #tpu.memory_space<vmem_shared>> -> memref<10000x128xf32, #tpu.memory_space<vmem_shared>>
      tpu.wait_indirect_dma semaphore(%arg24 : memref<!tpu.dma_semaphore, #tpu.memory_space<semaphore_mem>>) src(%arg15 : memref<64x128xf32, #tpu.memory_space<vmem>>) dst(%dma_wait3A_483 : memref<10000x128xf32, #tpu.memory_space<vmem_shared>>)
      %mul3A_484 = arith.constant 4 : i32
      %mul3A_485 = arith.muli %mul3A_484, %scan3A_385 : i32
      %add3A_486 = arith.constant 1 : i32
      %add3A_487 = arith.addi %mul3A_485, %add3A_486 : i32
      %mul3A_488 = arith.constant 64 : i32
      %mul3A_489 = arith.muli %add3A_487, %mul3A_488 : i32
      %multiple_of3A_490 = tpu.assume_multiple %mul3A_489, 8 : i32
      %add3A_491 = arith.constant 0 : i32
      %add3A_492 = arith.addi %multiple_of3A_490, %add3A_491 : i32
      %get3A_493 = arith.index_cast %add3A_492 : i32 to index
      %get3A_494 = tpu.vector_load %arg5[%get3A_493] {strides = array<i32>} : memref<10240xi32, #tpu.memory_space<vmem>>, vector<16xi32>,
      %get3A_495 = vector.shape_cast %get3A_494 : vector<16xi32> to vector<16xi32>
      %and3A_496 = arith.constant 65535 : i32
      %and3A_497 = vector.broadcast %and3A_496 : i32 to vector<16xi32>
      %and3A_498 = arith.andi %get3A_495, %and3A_497 : vector<16xi32>
      %swap3A_499 = arith.constant 0 : index
      %swap3A_500 = tpu.vector_load %arg7[%swap3A_499] {strides = array<i32>} : memref<64xi32, #tpu.memory_space<vmem>>, vector<16xi32>,
      %swap3A_501 = vector.shape_cast %swap3A_500 : vector<16xi32> to vector<16xi32>
      %swap3A_502 = vector.shape_cast %and3A_498 : vector<16xi32> to vector<16xi32>
      tpu.vector_store %arg7[%swap3A_499], %swap3A_502 {strides = array<i32>} : memref<64xi32, #tpu.memory_space<vmem>>, vector<16xi32>,
      %shift_right_logical3A_503 = arith.constant 16 : i32
      %shift_right_logical3A_504 = vector.broadcast %shift_right_logical3A_503 : i32 to vector<16xi32>
      %shift_right_logical3A_505 = arith.shrui %get3A_495, %shift_right_logical3A_504 : vector<16xi32>
      %swap3A_506 = arith.constant 0 : index
      %swap3A_507 = tpu.vector_load %arg11[%swap3A_506] {strides = array<i32>} : memref<64xi32, #tpu.memory_space<vmem>>, vector<16xi32>,
      %swap3A_508 = vector.shape_cast %swap3A_507 : vector<16xi32> to vector<16xi32>
      %swap3A_509 = vector.shape_cast %shift_right_logical3A_505 : vector<16xi32> to vector<16xi32>
      tpu.vector_store %arg11[%swap3A_506], %swap3A_509 {strides = array<i32>} : memref<64xi32, #tpu.memory_space<vmem>>, vector<16xi32>,
      %add3A_510 = arith.constant 16 : i32
      %add3A_511 = arith.addi %multiple_of3A_490, %add3A_510 : i32
      %get3A_512 = arith.index_cast %add3A_511 : i32 to index
      %get3A_513 = tpu.vector_load %arg5[%get3A_512] {strides = array<i32>} : memref<10240xi32, #tpu.memory_space<vmem>>, vector<16xi32>,
      %get3A_514 = vector.shape_cast %get3A_513 : vector<16xi32> to vector<16xi32>
      %and3A_515 = arith.constant 65535 : i32
      %and3A_516 = vector.broadcast %and3A_515 : i32 to vector<16xi32>
      %and3A_517 = arith.andi %get3A_514, %and3A_516 : vector<16xi32>
      %swap3A_518 = arith.constant 16 : index
      %swap3A_519 = tpu.vector_load %arg7[%swap3A_518] {strides = array<i32>} : memref<64xi32, #tpu.memory_space<vmem>>, vector<16xi32>,
      %swap3A_520 = vector.shape_cast %swap3A_519 : vector<16xi32> to vector<16xi32>
      %swap3A_521 = vector.shape_cast %and3A_517 : vector<16xi32> to vector<16xi32>
      tpu.vector_store %arg7[%swap3A_518], %swap3A_521 {strides = array<i32>} : memref<64xi32, #tpu.memory_space<vmem>>, vector<16xi32>,
      %shift_right_logical3A_522 = arith.constant 16 : i32
      %shift_right_logical3A_523 = vector.broadcast %shift_right_logical3A_522 : i32 to vector<16xi32>
      %shift_right_logical3A_524 = arith.shrui %get3A_514, %shift_right_logical3A_523 : vector<16xi32>
      %swap3A_525 = arith.constant 16 : index
      %swap3A_526 = tpu.vector_load %arg11[%swap3A_525] {strides = array<i32>} : memref<64xi32, #tpu.memory_space<vmem>>, vector<16xi32>,
      %swap3A_527 = vector.shape_cast %swap3A_526 : vector<16xi32> to vector<16xi32>
      %swap3A_528 = vector.shape_cast %shift_right_logical3A_524 : vector<16xi32> to vector<16xi32>
      tpu.vector_store %arg11[%swap3A_525], %swap3A_528 {strides = array<i32>} : memref<64xi32, #tpu.memory_space<vmem>>, vector<16xi32>,
      %add3A_529 = arith.constant 32 : i32
      %add3A_530 = arith.addi %multiple_of3A_490, %add3A_529 : i32
      %get3A_531 = arith.index_cast %add3A_530 : i32 to index
      %get3A_532 = tpu.vector_load %arg5[%get3A_531] {strides = array<i32>} : memref<10240xi32, #tpu.memory_space<vmem>>, vector<16xi32>,
      %get3A_533 = vector.shape_cast %get3A_532 : vector<16xi32> to vector<16xi32>
      %and3A_534 = arith.constant 65535 : i32
      %and3A_535 = vector.broadcast %and3A_534 : i32 to vector<16xi32>
      %and3A_536 = arith.andi %get3A_533, %and3A_535 : vector<16xi32>
      %swap3A_537 = arith.constant 32 : index
      %swap3A_538 = tpu.vector_load %arg7[%swap3A_537] {strides = array<i32>} : memref<64xi32, #tpu.memory_space<vmem>>, vector<16xi32>,
      %swap3A_539 = vector.shape_cast %swap3A_538 : vector<16xi32> to vector<16xi32>
      %swap3A_540 = vector.shape_cast %and3A_536 : vector<16xi32> to vector<16xi32>
      tpu.vector_store %arg7[%swap3A_537], %swap3A_540 {strides = array<i32>} : memref<64xi32, #tpu.memory_space<vmem>>, vector<16xi32>,
      %shift_right_logical3A_541 = arith.constant 16 : i32
      %shift_right_logical3A_542 = vector.broadcast %shift_right_logical3A_541 : i32 to vector<16xi32>
      %shift_right_logical3A_543 = arith.shrui %get3A_533, %shift_right_logical3A_542 : vector<16xi32>
      %swap3A_544 = arith.constant 32 : index
      %swap3A_545 = tpu.vector_load %arg11[%swap3A_544] {strides = array<i32>} : memref<64xi32, #tpu.memory_space<vmem>>, vector<16xi32>,
      %swap3A_546 = vector.shape_cast %swap3A_545 : vector<16xi32> to vector<16xi32>
      %swap3A_547 = vector.shape_cast %shift_right_logical3A_543 : vector<16xi32> to vector<16xi32>
      tpu.vector_store %arg11[%swap3A_544], %swap3A_547 {strides = array<i32>} : memref<64xi32, #tpu.memory_space<vmem>>, vector<16xi32>,
      %add3A_548 = arith.constant 48 : i32
      %add3A_549 = arith.addi %multiple_of3A_490, %add3A_548 : i32
      %get3A_550 = arith.index_cast %add3A_549 : i32 to index
      %get3A_551 = tpu.vector_load %arg5[%get3A_550] {strides = array<i32>} : memref<10240xi32, #tpu.memory_space<vmem>>, vector<16xi32>,
      %get3A_552 = vector.shape_cast %get3A_551 : vector<16xi32> to vector<16xi32>
      %and3A_553 = arith.constant 65535 : i32
      %and3A_554 = vector.broadcast %and3A_553 : i32 to vector<16xi32>
      %and3A_555 = arith.andi %get3A_552, %and3A_554 : vector<16xi32>
      %swap3A_556 = arith.constant 48 : index
      %swap3A_557 = tpu.vector_load %arg7[%swap3A_556] {strides = array<i32>} : memref<64xi32, #tpu.memory_space<vmem>>, vector<16xi32>,
      %swap3A_558 = vector.shape_cast %swap3A_557 : vector<16xi32> to vector<16xi32>
      %swap3A_559 = vector.shape_cast %and3A_555 : vector<16xi32> to vector<16xi32>
      tpu.vector_store %arg7[%swap3A_556], %swap3A_559 {strides = array<i32>} : memref<64xi32, #tpu.memory_space<vmem>>, vector<16xi32>,
      %shift_right_logical3A_560 = arith.constant 16 : i32
      %shift_right_logical3A_561 = vector.broadcast %shift_right_logical3A_560 : i32 to vector<16xi32>
      %shift_right_logical3A_562 = arith.shrui %get3A_552, %shift_right_logical3A_561 : vector<16xi32>
      %swap3A_563 = arith.constant 48 : index
      %swap3A_564 = tpu.vector_load %arg11[%swap3A_563] {strides = array<i32>} : memref<64xi32, #tpu.memory_space<vmem>>, vector<16xi32>,
      %swap3A_565 = vector.shape_cast %swap3A_564 : vector<16xi32> to vector<16xi32>
      %swap3A_566 = vector.shape_cast %shift_right_logical3A_562 : vector<16xi32> to vector<16xi32>
      tpu.vector_store %arg11[%swap3A_563], %swap3A_566 {strides = array<i32>} : memref<64xi32, #tpu.memory_space<vmem>>, vector<16xi32>,
      %dma_start3A_567 = arith.constant 0 : i32
      %dma_start3A_568 = arith.constant 0 : i32
      %dma_start3A_569 = tpu.memref_slice %arg2[%dma_start3A_567, %dma_start3A_568] : memref<10400x128xf32, #tpu.memory_space<hbm>> -> memref<10400x128xf32, #tpu.memory_space<hbm>>
      tpu.enqueue_indirect_dma source(%dma_start3A_569 : memref<10400x128xf32, #tpu.memory_space<hbm>>) target(%arg15 : memref<64x128xf32, #tpu.memory_space<vmem>>) offsets(%arg7 : memref<64xi32, #tpu.memory_space<vmem>>) semaphore(%arg20 : memref<!tpu.dma_semaphore, #tpu.memory_space<semaphore_mem>>)
      %dma_wait3A_570 = arith.constant 0 : i32
      %dma_wait3A_571 = arith.constant 0 : i32
      %dma_wait3A_572 = tpu.memref_slice %arg2[%dma_wait3A_570, %dma_wait3A_571] : memref<10400x128xf32, #tpu.memory_space<hbm>> -> memref<10400x128xf32, #tpu.memory_space<hbm>>
      tpu.wait_indirect_dma semaphore(%arg19 : memref<!tpu.dma_semaphore, #tpu.memory_space<semaphore_mem>>) src(%dma_wait3A_572 : memref<10400x128xf32, #tpu.memory_space<hbm>>) dst(%arg14 : memref<64x128xf32, #tpu.memory_space<vmem>>)
      %dma_start3A_573 = arith.constant 0 : i32
      %dma_start3A_574 = arith.constant 0 : i32
      %dma_start3A_575 = tpu.memref_slice %arg18[%dma_start3A_573, %dma_start3A_574] : memref<10000x128xf32, #tpu.memory_space<vmem_shared>> -> memref<10000x128xf32, #tpu.memory_space<vmem_shared>>
      tpu.enqueue_indirect_dma source(%arg14 : memref<64x128xf32, #tpu.memory_space<vmem>>) target(%dma_start3A_575 : memref<10000x128xf32, #tpu.memory_space<vmem_shared>>) offsets(%arg10 : memref<64xi32, #tpu.memory_space<vmem>>) semaphore(%arg23 : memref<!tpu.dma_semaphore, #tpu.memory_space<semaphore_mem>>) {add = true}
      %dma_wait3A_576 = arith.constant 0 : i32
      %dma_wait3A_577 = arith.constant 0 : i32
      %dma_wait3A_578 = tpu.memref_slice %arg18[%dma_wait3A_576, %dma_wait3A_577] : memref<10000x128xf32, #tpu.memory_space<vmem_shared>> -> memref<10000x128xf32, #tpu.memory_space<vmem_shared>>
      tpu.wait_indirect_dma semaphore(%arg25 : memref<!tpu.dma_semaphore, #tpu.memory_space<semaphore_mem>>) src(%arg16 : memref<64x128xf32, #tpu.memory_space<vmem>>) dst(%dma_wait3A_578 : memref<10000x128xf32, #tpu.memory_space<vmem_shared>>)
      %mul3A_579 = arith.constant 4 : i32
      %mul3A_580 = arith.muli %mul3A_579, %scan3A_385 : i32
      %add3A_581 = arith.constant 2 : i32
      %add3A_582 = arith.addi %mul3A_580, %add3A_581 : i32
      %mul3A_583 = arith.constant 64 : i32
      %mul3A_584 = arith.muli %add3A_582, %mul3A_583 : i32
      %multiple_of3A_585 = tpu.assume_multiple %mul3A_584, 8 : i32
      %add3A_586 = arith.constant 0 : i32
      %add3A_587 = arith.addi %multiple_of3A_585, %add3A_586 : i32
      %get3A_588 = arith.index_cast %add3A_587 : i32 to index
      %get3A_589 = tpu.vector_load %arg5[%get3A_588] {strides = array<i32>} : memref<10240xi32, #tpu.memory_space<vmem>>, vector<16xi32>,
      %get3A_590 = vector.shape_cast %get3A_589 : vector<16xi32> to vector<16xi32>
      %and3A_591 = arith.constant 65535 : i32
      %and3A_592 = vector.broadcast %and3A_591 : i32 to vector<16xi32>
      %and3A_593 = arith.andi %get3A_590, %and3A_592 : vector<16xi32>
      %swap3A_594 = arith.constant 0 : index
      %swap3A_595 = tpu.vector_load %arg8[%swap3A_594] {strides = array<i32>} : memref<64xi32, #tpu.memory_space<vmem>>, vector<16xi32>,
      %swap3A_596 = vector.shape_cast %swap3A_595 : vector<16xi32> to vector<16xi32>
      %swap3A_597 = vector.shape_cast %and3A_593 : vector<16xi32> to vector<16xi32>
      tpu.vector_store %arg8[%swap3A_594], %swap3A_597 {strides = array<i32>} : memref<64xi32, #tpu.memory_space<vmem>>, vector<16xi32>,
      %shift_right_logical3A_598 = arith.constant 16 : i32
      %shift_right_logical3A_599 = vector.broadcast %shift_right_logical3A_598 : i32 to vector<16xi32>
      %shift_right_logical3A_600 = arith.shrui %get3A_590, %shift_right_logical3A_599 : vector<16xi32>
      %swap3A_601 = arith.constant 0 : index
      %swap3A_602 = tpu.vector_load %arg12[%swap3A_601] {strides = array<i32>} : memref<64xi32, #tpu.memory_space<vmem>>, vector<16xi32>,
      %swap3A_603 = vector.shape_cast %swap3A_602 : vector<16xi32> to vector<16xi32>
      %swap3A_604 = vector.shape_cast %shift_right_logical3A_600 : vector<16xi32> to vector<16xi32>
      tpu.vector_store %arg12[%swap3A_601], %swap3A_604 {strides = array<i32>} : memref<64xi32, #tpu.memory_space<vmem>>, vector<16xi32>,
      %add3A_605 = arith.constant 16 : i32
      %add3A_606 = arith.addi %multiple_of3A_585, %add3A_605 : i32
      %get3A_607 = arith.index_cast %add3A_606 : i32 to index
      %get3A_608 = tpu.vector_load %arg5[%get3A_607] {strides = array<i32>} : memref<10240xi32, #tpu.memory_space<vmem>>, vector<16xi32>,
      %get3A_609 = vector.shape_cast %get3A_608 : vector<16xi32> to vector<16xi32>
      %and3A_610 = arith.constant 65535 : i32
      %and3A_611 = vector.broadcast %and3A_610 : i32 to vector<16xi32>
      %and3A_612 = arith.andi %get3A_609, %and3A_611 : vector<16xi32>
      %swap3A_613 = arith.constant 16 : index
      %swap3A_614 = tpu.vector_load %arg8[%swap3A_613] {strides = array<i32>} : memref<64xi32, #tpu.memory_space<vmem>>, vector<16xi32>,
      %swap3A_615 = vector.shape_cast %swap3A_614 : vector<16xi32> to vector<16xi32>
      %swap3A_616 = vector.shape_cast %and3A_612 : vector<16xi32> to vector<16xi32>
      tpu.vector_store %arg8[%swap3A_613], %swap3A_616 {strides = array<i32>} : memref<64xi32, #tpu.memory_space<vmem>>, vector<16xi32>,
      %shift_right_logical3A_617 = arith.constant 16 : i32
      %shift_right_logical3A_618 = vector.broadcast %shift_right_logical3A_617 : i32 to vector<16xi32>
      %shift_right_logical3A_619 = arith.shrui %get3A_609, %shift_right_logical3A_618 : vector<16xi32>
      %swap3A_620 = arith.constant 16 : index
      %swap3A_621 = tpu.vector_load %arg12[%swap3A_620] {strides = array<i32>} : memref<64xi32, #tpu.memory_space<vmem>>, vector<16xi32>,
      %swap3A_622 = vector.shape_cast %swap3A_621 : vector<16xi32> to vector<16xi32>
      %swap3A_623 = vector.shape_cast %shift_right_logical3A_619 : vector<16xi32> to vector<16xi32>
      tpu.vector_store %arg12[%swap3A_620], %swap3A_623 {strides = array<i32>} : memref<64xi32, #tpu.memory_space<vmem>>, vector<16xi32>,
      %add3A_624 = arith.constant 32 : i32
      %add3A_625 = arith.addi %multiple_of3A_585, %add3A_624 : i32
      %get3A_626 = arith.index_cast %add3A_625 : i32 to index
      %get3A_627 = tpu.vector_load %arg5[%get3A_626] {strides = array<i32>} : memref<10240xi32, #tpu.memory_space<vmem>>, vector<16xi32>,
      %get3A_628 = vector.shape_cast %get3A_627 : vector<16xi32> to vector<16xi32>
      %and3A_629 = arith.constant 65535 : i32
      %and3A_630 = vector.broadcast %and3A_629 : i32 to vector<16xi32>
      %and3A_631 = arith.andi %get3A_628, %and3A_630 : vector<16xi32>
      %swap3A_632 = arith.constant 32 : index
      %swap3A_633 = tpu.vector_load %arg8[%swap3A_632] {strides = array<i32>} : memref<64xi32, #tpu.memory_space<vmem>>, vector<16xi32>,
      %swap3A_634 = vector.shape_cast %swap3A_633 : vector<16xi32> to vector<16xi32>
      %swap3A_635 = vector.shape_cast %and3A_631 : vector<16xi32> to vector<16xi32>
      tpu.vector_store %arg8[%swap3A_632], %swap3A_635 {strides = array<i32>} : memref<64xi32, #tpu.memory_space<vmem>>, vector<16xi32>,
      %shift_right_logical3A_636 = arith.constant 16 : i32
      %shift_right_logical3A_637 = vector.broadcast %shift_right_logical3A_636 : i32 to vector<16xi32>
      %shift_right_logical3A_638 = arith.shrui %get3A_628, %shift_right_logical3A_637 : vector<16xi32>
      %swap3A_639 = arith.constant 32 : index
      %swap3A_640 = tpu.vector_load %arg12[%swap3A_639] {strides = array<i32>} : memref<64xi32, #tpu.memory_space<vmem>>, vector<16xi32>,
      %swap3A_641 = vector.shape_cast %swap3A_640 : vector<16xi32> to vector<16xi32>
      %swap3A_642 = vector.shape_cast %shift_right_logical3A_638 : vector<16xi32> to vector<16xi32>
      tpu.vector_store %arg12[%swap3A_639], %swap3A_642 {strides = array<i32>} : memref<64xi32, #tpu.memory_space<vmem>>, vector<16xi32>,
      %add3A_643 = arith.constant 48 : i32
      %add3A_644 = arith.addi %multiple_of3A_585, %add3A_643 : i32
      %get3A_645 = arith.index_cast %add3A_644 : i32 to index
      %get3A_646 = tpu.vector_load %arg5[%get3A_645] {strides = array<i32>} : memref<10240xi32, #tpu.memory_space<vmem>>, vector<16xi32>,
      %get3A_647 = vector.shape_cast %get3A_646 : vector<16xi32> to vector<16xi32>
      %and3A_648 = arith.constant 65535 : i32
      %and3A_649 = vector.broadcast %and3A_648 : i32 to vector<16xi32>
      %and3A_650 = arith.andi %get3A_647, %and3A_649 : vector<16xi32>
      %swap3A_651 = arith.constant 48 : index
      %swap3A_652 = tpu.vector_load %arg8[%swap3A_651] {strides = array<i32>} : memref<64xi32, #tpu.memory_space<vmem>>, vector<16xi32>,
      %swap3A_653 = vector.shape_cast %swap3A_652 : vector<16xi32> to vector<16xi32>
      %swap3A_654 = vector.shape_cast %and3A_650 : vector<16xi32> to vector<16xi32>
      tpu.vector_store %arg8[%swap3A_651], %swap3A_654 {strides = array<i32>} : memref<64xi32, #tpu.memory_space<vmem>>, vector<16xi32>,
      %shift_right_logical3A_655 = arith.constant 16 : i32
      %shift_right_logical3A_656 = vector.broadcast %shift_right_logical3A_655 : i32 to vector<16xi32>
      %shift_right_logical3A_657 = arith.shrui %get3A_647, %shift_right_logical3A_656 : vector<16xi32>
      %swap3A_658 = arith.constant 48 : index
      %swap3A_659 = tpu.vector_load %arg12[%swap3A_658] {strides = array<i32>} : memref<64xi32, #tpu.memory_space<vmem>>, vector<16xi32>,
      %swap3A_660 = vector.shape_cast %swap3A_659 : vector<16xi32> to vector<16xi32>
      %swap3A_661 = vector.shape_cast %shift_right_logical3A_657 : vector<16xi32> to vector<16xi32>
      tpu.vector_store %arg12[%swap3A_658], %swap3A_661 {strides = array<i32>} : memref<64xi32, #tpu.memory_space<vmem>>, vector<16xi32>,
      %dma_start3A_662 = arith.constant 0 : i32
      %dma_start3A_663 = arith.constant 0 : i32
      %dma_start3A_664 = tpu.memref_slice %arg2[%dma_start3A_662, %dma_start3A_663] : memref<10400x128xf32, #tpu.memory_space<hbm>> -> memref<10400x128xf32, #tpu.memory_space<hbm>>
      tpu.enqueue_indirect_dma source(%dma_start3A_664 : memref<10400x128xf32, #tpu.memory_space<hbm>>) target(%arg16 : memref<64x128xf32, #tpu.memory_space<vmem>>) offsets(%arg8 : memref<64xi32, #tpu.memory_space<vmem>>) semaphore(%arg21 : memref<!tpu.dma_semaphore, #tpu.memory_space<semaphore_mem>>)
      %dma_wait3A_665 = arith.constant 0 : i32
      %dma_wait3A_666 = arith.constant 0 : i32
      %dma_wait3A_667 = tpu.memref_slice %arg2[%dma_wait3A_665, %dma_wait3A_666] : memref<10400x128xf32, #tpu.memory_space<hbm>> -> memref<10400x128xf32, #tpu.memory_space<hbm>>
      tpu.wait_indirect_dma semaphore(%arg20 : memref<!tpu.dma_semaphore, #tpu.memory_space<semaphore_mem>>) src(%dma_wait3A_667 : memref<10400x128xf32, #tpu.memory_space<hbm>>) dst(%arg15 : memref<64x128xf32, #tpu.memory_space<vmem>>)
      %dma_start3A_668 = arith.constant 0 : i32
      %dma_start3A_669 = arith.constant 0 : i32
      %dma_start3A_670 = tpu.memref_slice %arg18[%dma_start3A_668, %dma_start3A_669] : memref<10000x128xf32, #tpu.memory_space<vmem_shared>> -> memref<10000x128xf32, #tpu.memory_space<vmem_shared>>
      tpu.enqueue_indirect_dma source(%arg15 : memref<64x128xf32, #tpu.memory_space<vmem>>) target(%dma_start3A_670 : memref<10000x128xf32, #tpu.memory_space<vmem_shared>>) offsets(%arg11 : memref<64xi32, #tpu.memory_space<vmem>>) semaphore(%arg24 : memref<!tpu.dma_semaphore, #tpu.memory_space<semaphore_mem>>) {add = true}
      %dma_wait3A_671 = arith.constant 0 : i32
      %dma_wait3A_672 = arith.constant 0 : i32
      %dma_wait3A_673 = tpu.memref_slice %arg18[%dma_wait3A_671, %dma_wait3A_672] : memref<10000x128xf32, #tpu.memory_space<vmem_shared>> -> memref<10000x128xf32, #tpu.memory_space<vmem_shared>>
      tpu.wait_indirect_dma semaphore(%arg26 : memref<!tpu.dma_semaphore, #tpu.memory_space<semaphore_mem>>) src(%arg17 : memref<64x128xf32, #tpu.memory_space<vmem>>) dst(%dma_wait3A_673 : memref<10000x128xf32, #tpu.memory_space<vmem_shared>>)
      %mul3A_674 = arith.constant 4 : i32
      %mul3A_675 = arith.muli %mul3A_674, %scan3A_385 : i32
      %add3A_676 = arith.constant 3 : i32
      %add3A_677 = arith.addi %mul3A_675, %add3A_676 : i32
      %mul3A_678 = arith.constant 64 : i32
      %mul3A_679 = arith.muli %add3A_677, %mul3A_678 : i32
      %multiple_of3A_680 = tpu.assume_multiple %mul3A_679, 8 : i32
      %add3A_681 = arith.constant 0 : i32
      %add3A_682 = arith.addi %multiple_of3A_680, %add3A_681 : i32
      %get3A_683 = arith.index_cast %add3A_682 : i32 to index
      %get3A_684 = tpu.vector_load %arg5[%get3A_683] {strides = array<i32>} : memref<10240xi32, #tpu.memory_space<vmem>>, vector<16xi32>,
      %get3A_685 = vector.shape_cast %get3A_684 : vector<16xi32> to vector<16xi32>
      %and3A_686 = arith.constant 65535 : i32
      %and3A_687 = vector.broadcast %and3A_686 : i32 to vector<16xi32>
      %and3A_688 = arith.andi %get3A_685, %and3A_687 : vector<16xi32>
      %swap3A_689 = arith.constant 0 : index
      %swap3A_690 = tpu.vector_load %arg9[%swap3A_689] {strides = array<i32>} : memref<64xi32, #tpu.memory_space<vmem>>, vector<16xi32>,
      %swap3A_691 = vector.shape_cast %swap3A_690 : vector<16xi32> to vector<16xi32>
      %swap3A_692 = vector.shape_cast %and3A_688 : vector<16xi32> to vector<16xi32>
      tpu.vector_store %arg9[%swap3A_689], %swap3A_692 {strides = array<i32>} : memref<64xi32, #tpu.memory_space<vmem>>, vector<16xi32>,
      %shift_right_logical3A_693 = arith.constant 16 : i32
      %shift_right_logical3A_694 = vector.broadcast %shift_right_logical3A_693 : i32 to vector<16xi32>
      %shift_right_logical3A_695 = arith.shrui %get3A_685, %shift_right_logical3A_694 : vector<16xi32>
      %swap3A_696 = arith.constant 0 : index
      %swap3A_697 = tpu.vector_load %arg13[%swap3A_696] {strides = array<i32>} : memref<64xi32, #tpu.memory_space<vmem>>, vector<16xi32>,
      %swap3A_698 = vector.shape_cast %swap3A_697 : vector<16xi32> to vector<16xi32>
      %swap3A_699 = vector.shape_cast %shift_right_logical3A_695 : vector<16xi32> to vector<16xi32>
      tpu.vector_store %arg13[%swap3A_696], %swap3A_699 {strides = array<i32>} : memref<64xi32, #tpu.memory_space<vmem>>, vector<16xi32>,
      %add3A_700 = arith.constant 16 : i32
      %add3A_701 = arith.addi %multiple_of3A_680, %add3A_700 : i32
      %get3A_702 = arith.index_cast %add3A_701 : i32 to index
      %get3A_703 = tpu.vector_load %arg5[%get3A_702] {strides = array<i32>} : memref<10240xi32, #tpu.memory_space<vmem>>, vector<16xi32>,
      %get3A_704 = vector.shape_cast %get3A_703 : vector<16xi32> to vector<16xi32>
      %and3A_705 = arith.constant 65535 : i32
      %and3A_706 = vector.broadcast %and3A_705 : i32 to vector<16xi32>
      %and3A_707 = arith.andi %get3A_704, %and3A_706 : vector<16xi32>
      %swap3A_708 = arith.constant 16 : index
      %swap3A_709 = tpu.vector_load %arg9[%swap3A_708] {strides = array<i32>} : memref<64xi32, #tpu.memory_space<vmem>>, vector<16xi32>,
      %swap3A_710 = vector.shape_cast %swap3A_709 : vector<16xi32> to vector<16xi32>
      %swap3A_711 = vector.shape_cast %and3A_707 : vector<16xi32> to vector<16xi32>
      tpu.vector_store %arg9[%swap3A_708], %swap3A_711 {strides = array<i32>} : memref<64xi32, #tpu.memory_space<vmem>>, vector<16xi32>,
      %shift_right_logical3A_712 = arith.constant 16 : i32
      %shift_right_logical3A_713 = vector.broadcast %shift_right_logical3A_712 : i32 to vector<16xi32>
      %shift_right_logical3A_714 = arith.shrui %get3A_704, %shift_right_logical3A_713 : vector<16xi32>
      %swap3A_715 = arith.constant 16 : index
      %swap3A_716 = tpu.vector_load %arg13[%swap3A_715] {strides = array<i32>} : memref<64xi32, #tpu.memory_space<vmem>>, vector<16xi32>,
      %swap3A_717 = vector.shape_cast %swap3A_716 : vector<16xi32> to vector<16xi32>
      %swap3A_718 = vector.shape_cast %shift_right_logical3A_714 : vector<16xi32> to vector<16xi32>
      tpu.vector_store %arg13[%swap3A_715], %swap3A_718 {strides = array<i32>} : memref<64xi32, #tpu.memory_space<vmem>>, vector<16xi32>,
      %add3A_719 = arith.constant 32 : i32
      %add3A_720 = arith.addi %multiple_of3A_680, %add3A_719 : i32
      %get3A_721 = arith.index_cast %add3A_720 : i32 to index
      %get3A_722 = tpu.vector_load %arg5[%get3A_721] {strides = array<i32>} : memref<10240xi32, #tpu.memory_space<vmem>>, vector<16xi32>,
      %get3A_723 = vector.shape_cast %get3A_722 : vector<16xi32> to vector<16xi32>
      %and3A_724 = arith.constant 65535 : i32
      %and3A_725 = vector.broadcast %and3A_724 : i32 to vector<16xi32>
      %and3A_726 = arith.andi %get3A_723, %and3A_725 : vector<16xi32>
      %swap3A_727 = arith.constant 32 : index
      %swap3A_728 = tpu.vector_load %arg9[%swap3A_727] {strides = array<i32>} : memref<64xi32, #tpu.memory_space<vmem>>, vector<16xi32>,
      %swap3A_729 = vector.shape_cast %swap3A_728 : vector<16xi32> to vector<16xi32>
      %swap3A_730 = vector.shape_cast %and3A_726 : vector<16xi32> to vector<16xi32>
      tpu.vector_store %arg9[%swap3A_727], %swap3A_730 {strides = array<i32>} : memref<64xi32, #tpu.memory_space<vmem>>, vector<16xi32>,
      %shift_right_logical3A_731 = arith.constant 16 : i32
      %shift_right_logical3A_732 = vector.broadcast %shift_right_logical3A_731 : i32 to vector<16xi32>
      %shift_right_logical3A_733 = arith.shrui %get3A_723, %shift_right_logical3A_732 : vector<16xi32>
      %swap3A_734 = arith.constant 32 : index
      %swap3A_735 = tpu.vector_load %arg13[%swap3A_734] {strides = array<i32>} : memref<64xi32, #tpu.memory_space<vmem>>, vector<16xi32>,
      %swap3A_736 = vector.shape_cast %swap3A_735 : vector<16xi32> to vector<16xi32>
      %swap3A_737 = vector.shape_cast %shift_right_logical3A_733 : vector<16xi32> to vector<16xi32>
      tpu.vector_store %arg13[%swap3A_734], %swap3A_737 {strides = array<i32>} : memref<64xi32, #tpu.memory_space<vmem>>, vector<16xi32>,
      %add3A_738 = arith.constant 48 : i32
      %add3A_739 = arith.addi %multiple_of3A_680, %add3A_738 : i32
      %get3A_740 = arith.index_cast %add3A_739 : i32 to index
      %get3A_741 = tpu.vector_load %arg5[%get3A_740] {strides = array<i32>} : memref<10240xi32, #tpu.memory_space<vmem>>, vector<16xi32>,
      %get3A_742 = vector.shape_cast %get3A_741 : vector<16xi32> to vector<16xi32>
      %and3A_743 = arith.constant 65535 : i32
      %and3A_744 = vector.broadcast %and3A_743 : i32 to vector<16xi32>
      %and3A_745 = arith.andi %get3A_742, %and3A_744 : vector<16xi32>
      %swap3A_746 = arith.constant 48 : index
      %swap3A_747 = tpu.vector_load %arg9[%swap3A_746] {strides = array<i32>} : memref<64xi32, #tpu.memory_space<vmem>>, vector<16xi32>,
      %swap3A_748 = vector.shape_cast %swap3A_747 : vector<16xi32> to vector<16xi32>
      %swap3A_749 = vector.shape_cast %and3A_745 : vector<16xi32> to vector<16xi32>
      tpu.vector_store %arg9[%swap3A_746], %swap3A_749 {strides = array<i32>} : memref<64xi32, #tpu.memory_space<vmem>>, vector<16xi32>,
      %shift_right_logical3A_750 = arith.constant 16 : i32
      %shift_right_logical3A_751 = vector.broadcast %shift_right_logical3A_750 : i32 to vector<16xi32>
      %shift_right_logical3A_752 = arith.shrui %get3A_742, %shift_right_logical3A_751 : vector<16xi32>
      %swap3A_753 = arith.constant 48 : index
      %swap3A_754 = tpu.vector_load %arg13[%swap3A_753] {strides = array<i32>} : memref<64xi32, #tpu.memory_space<vmem>>, vector<16xi32>,
      %swap3A_755 = vector.shape_cast %swap3A_754 : vector<16xi32> to vector<16xi32>
      %swap3A_756 = vector.shape_cast %shift_right_logical3A_752 : vector<16xi32> to vector<16xi32>
      tpu.vector_store %arg13[%swap3A_753], %swap3A_756 {strides = array<i32>} : memref<64xi32, #tpu.memory_space<vmem>>, vector<16xi32>,
      %dma_start3A_757 = arith.constant 0 : i32
      %dma_start3A_758 = arith.constant 0 : i32
      %dma_start3A_759 = tpu.memref_slice %arg2[%dma_start3A_757, %dma_start3A_758] : memref<10400x128xf32, #tpu.memory_space<hbm>> -> memref<10400x128xf32, #tpu.memory_space<hbm>>
      tpu.enqueue_indirect_dma source(%dma_start3A_759 : memref<10400x128xf32, #tpu.memory_space<hbm>>) target(%arg17 : memref<64x128xf32, #tpu.memory_space<vmem>>) offsets(%arg9 : memref<64xi32, #tpu.memory_space<vmem>>) semaphore(%arg22 : memref<!tpu.dma_semaphore, #tpu.memory_space<semaphore_mem>>)
      %dma_wait3A_760 = arith.constant 0 : i32
      %dma_wait3A_761 = arith.constant 0 : i32
      %dma_wait3A_762 = tpu.memref_slice %arg2[%dma_wait3A_760, %dma_wait3A_761] : memref<10400x128xf32, #tpu.memory_space<hbm>> -> memref<10400x128xf32, #tpu.memory_space<hbm>>
      tpu.wait_indirect_dma semaphore(%arg21 : memref<!tpu.dma_semaphore, #tpu.memory_space<semaphore_mem>>) src(%dma_wait3A_762 : memref<10400x128xf32, #tpu.memory_space<hbm>>) dst(%arg16 : memref<64x128xf32, #tpu.memory_space<vmem>>)
      %dma_start3A_763 = arith.constant 0 : i32
      %dma_start3A_764 = arith.constant 0 : i32
      %dma_start3A_765 = tpu.memref_slice %arg18[%dma_start3A_763, %dma_start3A_764] : memref<10000x128xf32, #tpu.memory_space<vmem_shared>> -> memref<10000x128xf32, #tpu.memory_space<vmem_shared>>
      tpu.enqueue_indirect_dma source(%arg16 : memref<64x128xf32, #tpu.memory_space<vmem>>) target(%dma_start3A_765 : memref<10000x128xf32, #tpu.memory_space<vmem_shared>>) offsets(%arg12 : memref<64xi32, #tpu.memory_space<vmem>>) semaphore(%arg25 : memref<!tpu.dma_semaphore, #tpu.memory_space<semaphore_mem>>) {add = true}
    }
    %scan3A_355 = arith.constant 39 : i32
    %dma_wait3A_356 = arith.constant 0 : i32
    %dma_wait3A_357 = arith.constant 0 : i32
    %dma_wait3A_358 = tpu.memref_slice %arg2[%dma_wait3A_356, %dma_wait3A_357] : memref<10400x128xf32, #tpu.memory_space<hbm>> -> memref<10400x128xf32, #tpu.memory_space<hbm>>
    tpu.wait_indirect_dma semaphore(%arg22 : memref<!tpu.dma_semaphore, #tpu.memory_space<semaphore_mem>>) src(%dma_wait3A_358 : memref<10400x128xf32, #tpu.memory_space<hbm>>) dst(%arg17 : memref<64x128xf32, #tpu.memory_space<vmem>>)
    %dma_start3A_359 = arith.constant 0 : i32
    %dma_start3A_360 = arith.constant 0 : i32
    %dma_start3A_361 = tpu.memref_slice %arg18[%dma_start3A_359, %dma_start3A_360] : memref<10000x128xf32, #tpu.memory_space<vmem_shared>> -> memref<10000x128xf32, #tpu.memory_space<vmem_shared>>
    tpu.enqueue_indirect_dma source(%arg17 : memref<64x128xf32, #tpu.memory_space<vmem>>) target(%dma_start3A_361 : memref<10000x128xf32, #tpu.memory_space<vmem_shared>>) offsets(%arg13 : memref<64xi32, #tpu.memory_space<vmem>>) semaphore(%arg26 : memref<!tpu.dma_semaphore, #tpu.memory_space<semaphore_mem>>) {add = true}
    %dma_wait3A_362 = arith.constant 0 : i32
    %dma_wait3A_363 = arith.constant 0 : i32
    %dma_wait3A_364 = tpu.memref_slice %arg18[%dma_wait3A_362, %dma_wait3A_363] : memref<10000x128xf32, #tpu.memory_space<vmem_shared>> -> memref<10000x128xf32, #tpu.memory_space<vmem_shared>>
    tpu.wait_indirect_dma semaphore(%arg23 : memref<!tpu.dma_semaphore, #tpu.memory_space<semaphore_mem>>) src(%arg14 : memref<64x128xf32, #tpu.memory_space<vmem>>) dst(%dma_wait3A_364 : memref<10000x128xf32, #tpu.memory_space<vmem_shared>>)
    %dma_wait3A_365 = arith.constant 0 : i32
    %dma_wait3A_366 = arith.constant 0 : i32
    %dma_wait3A_367 = tpu.memref_slice %arg18[%dma_wait3A_365, %dma_wait3A_366] : memref<10000x128xf32, #tpu.memory_space<vmem_shared>> -> memref<10000x128xf32, #tpu.memory_space<vmem_shared>>
    tpu.wait_indirect_dma semaphore(%arg24 : memref<!tpu.dma_semaphore, #tpu.memory_space<semaphore_mem>>) src(%arg15 : memref<64x128xf32, #tpu.memory_space<vmem>>) dst(%dma_wait3A_367 : memref<10000x128xf32, #tpu.memory_space<vmem_shared>>)
    %dma_wait3A_368 = arith.constant 0 : i32
    %dma_wait3A_369 = arith.constant 0 : i32
    %dma_wait3A_370 = tpu.memref_slice %arg18[%dma_wait3A_368, %dma_wait3A_369] : memref<10000x128xf32, #tpu.memory_space<vmem_shared>> -> memref<10000x128xf32, #tpu.memory_space<vmem_shared>>
    tpu.wait_indirect_dma semaphore(%arg25 : memref<!tpu.dma_semaphore, #tpu.memory_space<semaphore_mem>>) src(%arg16 : memref<64x128xf32, #tpu.memory_space<vmem>>) dst(%dma_wait3A_370 : memref<10000x128xf32, #tpu.memory_space<vmem_shared>>)
    %dma_wait3A_371 = arith.constant 0 : i32
    %dma_wait3A_372 = arith.constant 0 : i32
    %dma_wait3A_373 = tpu.memref_slice %arg18[%dma_wait3A_371, %dma_wait3A_372] : memref<10000x128xf32, #tpu.memory_space<vmem_shared>> -> memref<10000x128xf32, #tpu.memory_space<vmem_shared>>
    tpu.wait_indirect_dma semaphore(%arg26 : memref<!tpu.dma_semaphore, #tpu.memory_space<semaphore_mem>>) src(%arg17 : memref<64x128xf32, #tpu.memory_space<vmem>>) dst(%dma_wait3A_373 : memref<10000x128xf32, #tpu.memory_space<vmem_shared>>)
    %barrier3A_374 = arith.constant 0 : index
    tpu.barrier barrier_id(%barrier3A_374)
    %lt3A_375 = arith.constant 15 : i32
    %lt3A_376 = arith.cmpi slt, %arg1, %lt3A_375 : i32
    %convert_element_type3A_377 = arith.extui %lt3A_376 : i1 to i32
    %cond3A_378 = arith.constant 0 : i32
    %cond3A_379 = arith.cmpi ne, %convert_element_type3A_377, %cond3A_378 : i32
    scf.if %cond3A_379 {
      "tpu.region"() ({
        %run_scoped3A = tpu.sem_alloc : memref<!tpu.dma_semaphore, #tpu.memory_space<semaphore_mem>>
        %dma_start3A_385 = arith.constant 0 : i32
        %dma_start3A_386 = tpu.memref_slice %arg4[%arg0, %multiple_of3A, %dma_start3A_385] : memref<2x10000x128xf32, #tpu.memory_space<hbm>> -> memref<1x624x128xf32, #tpu.memory_space<hbm>>
        %dma_start3A_387 = tpu.memref_squeeze %dma_start3A_386 : memref<1x624x128xf32, #tpu.memory_space<hbm>> -> memref<624x128xf32, #tpu.memory_space<hbm>>
        %dma_start3A_388 = arith.constant 0 : i32
        %dma_start3A_389 = tpu.memref_slice %arg18[%multiple_of3A, %dma_start3A_388] : memref<10000x128xf32, #tpu.memory_space<vmem_shared>> -> memref<624x128xf32, #tpu.memory_space<vmem_shared>>
        tpu.enqueue_dma source(%dma_start3A_389 : memref<624x128xf32, #tpu.memory_space<vmem_shared>>) target(%dma_start3A_387 : memref<624x128xf32, #tpu.memory_space<hbm>>) target_semaphore(%run_scoped3A : memref<!tpu.dma_semaphore, #tpu.memory_space<semaphore_mem>>)
        %dma_wait3A_390 = arith.constant 0 : i32
        %dma_wait3A_391 = tpu.memref_slice %arg4[%arg0, %multiple_of3A, %dma_wait3A_390] : memref<2x10000x128xf32, #tpu.memory_space<hbm>> -> memref<1x624x128xf32, #tpu.memory_space<hbm>>
        %dma_wait3A_392 = tpu.memref_squeeze %dma_wait3A_391 : memref<1x624x128xf32, #tpu.memory_space<hbm>> -> memref<624x128xf32, #tpu.memory_space<hbm>>
        %dma_wait3A_393 = arith.constant 0 : i32
        %dma_wait3A_394 = tpu.memref_slice %arg18[%multiple_of3A, %dma_wait3A_393] : memref<10000x128xf32, #tpu.memory_space<vmem_shared>> -> memref<624x128xf32, #tpu.memory_space<vmem_shared>>
        tpu.wait_dma2 semaphore(%run_scoped3A : memref<!tpu.dma_semaphore, #tpu.memory_space<semaphore_mem>>) src(%dma_wait3A_394 : memref<624x128xf32, #tpu.memory_space<vmem_shared>>) dst(%dma_wait3A_392 : memref<624x128xf32, #tpu.memory_space<hbm>>)
        tpu.yield
      }) : () -> ()
    } else {
    }
    %eq3A_380 = arith.constant 15 : i32
    %eq3A_381 = arith.cmpi eq, %arg1, %eq3A_380 : i32
    %convert_element_type3A_382 = arith.extui %eq3A_381 : i1 to i32
    %cond3A_383 = arith.constant 0 : i32
    %cond3A_384 = arith.cmpi ne, %convert_element_type3A_382, %cond3A_383 : i32
    scf.if %cond3A_384 {
      "tpu.region"() ({
        %run_scoped3A = tpu.sem_alloc : memref<!tpu.dma_semaphore, #tpu.memory_space<semaphore_mem>>
        %dma_start3A_385 = arith.constant 0 : i32
        %dma_start3A_386 = tpu.memref_slice %arg4[%arg0, %multiple_of3A, %dma_start3A_385] : memref<2x10000x128xf32, #tpu.memory_space<hbm>> -> memref<1x640x128xf32, #tpu.memory_space<hbm>>
        %dma_start3A_387 = tpu.memref_squeeze %dma_start3A_386 : memref<1x640x128xf32, #tpu.memory_space<hbm>> -> memref<640x128xf32, #tpu.memory_space<hbm>>
        %dma_start3A_388 = arith.constant 0 : i32
        %dma_start3A_389 = tpu.memref_slice %arg18[%multiple_of3A, %dma_start3A_388] : memref<10000x128xf32, #tpu.memory_space<vmem_shared>> -> memref<640x128xf32, #tpu.memory_space<vmem_shared>>
        tpu.enqueue_dma source(%dma_start3A_389 : memref<640x128xf32, #tpu.memory_space<vmem_shared>>) target(%dma_start3A_387 : memref<640x128xf32, #tpu.memory_space<hbm>>) target_semaphore(%run_scoped3A : memref<!tpu.dma_semaphore, #tpu.memory_space<semaphore_mem>>)
        %dma_wait3A_390 = arith.constant 0 : i32
        %dma_wait3A_391 = tpu.memref_slice %arg4[%arg0, %multiple_of3A, %dma_wait3A_390] : memref<2x10000x128xf32, #tpu.memory_space<hbm>> -> memref<1x640x128xf32, #tpu.memory_space<hbm>>
        %dma_wait3A_392 = tpu.memref_squeeze %dma_wait3A_391 : memref<1x640x128xf32, #tpu.memory_space<hbm>> -> memref<640x128xf32, #tpu.memory_space<hbm>>
        %dma_wait3A_393 = arith.constant 0 : i32
        %dma_wait3A_394 = tpu.memref_slice %arg18[%multiple_of3A, %dma_wait3A_393] : memref<10000x128xf32, #tpu.memory_space<vmem_shared>> -> memref<640x128xf32, #tpu.memory_space<vmem_shared>>
        tpu.wait_dma2 semaphore(%run_scoped3A : memref<!tpu.dma_semaphore, #tpu.memory_space<semaphore_mem>>) src(%dma_wait3A_394 : memref<640x128xf32, #tpu.memory_space<vmem_shared>>) dst(%dma_wait3A_392 : memref<640x128xf32, #tpu.memory_space<hbm>>)
        tpu.yield
      }) : () -> ()
    } else {
    }
    return
  }
}

module attributes {stable_mosaic.version = 14 : i64} {
  func.func @_pack1_body(%arg0: memref<2x32x10000xi32, #tpu.memory_space<vmem>>, %arg1: memref<32x10240xi32, #tpu.memory_space<vmem>>) attributes {dimension_semantics = [], scalar_prefetch = 0 : i64, scratch_operands = 0 : i64, tpu.core_type = #tpu.core_type<tc>} {
    %get3A = arith.constant 0 : index
    %get3A_0 = arith.constant 0 : index
    %get3A_1 = arith.constant 0 : index
    %get3A_2 = vector.load %arg0[%get3A, %get3A_0, %get3A_1] : memref<2x32x10000xi32, #tpu.memory_space<vmem>>, vector<1x32x10000xi32>
    %get3A_3 = vector.shape_cast %get3A_2 : vector<1x32x10000xi32> to vector<32x10000xi32>
    %get3A_4 = arith.constant 1 : index
    %get3A_5 = arith.constant 0 : index
    %get3A_6 = arith.constant 0 : index
    %get3A_7 = vector.load %arg0[%get3A_4, %get3A_5, %get3A_6] : memref<2x32x10000xi32, #tpu.memory_space<vmem>>, vector<1x32x10000xi32>
    %get3A_8 = vector.shape_cast %get3A_7 : vector<1x32x10000xi32> to vector<32x10000xi32>
    %shift_left3A = arith.constant 16 : i32
    %shift_left3A_9 = vector.broadcast %shift_left3A : i32 to vector<32x10000xi32>
    %shift_left3A_10 = arith.shli %get3A_8, %shift_left3A_9 : vector<32x10000xi32>
    %or3A = arith.ori %get3A_3, %shift_left3A_10 : vector<32x10000xi32>
    %swap3A = arith.constant 0 : index
    %swap3A_11 = arith.constant 0 : index
    %swap3A_12 = vector.load %arg1[%swap3A, %swap3A_11] : memref<32x10240xi32, #tpu.memory_space<vmem>>, vector<32x10000xi32>
    tpu.vector_store %arg1[%swap3A, %swap3A_11], %or3A {strides = array<i32>} : memref<32x10240xi32, #tpu.memory_space<vmem>>, vector<32x10000xi32>,
    %iota3A = tpu.iota {dimensions = array<i32: 1>} : vector<32x240xi32>
    %iota3A_13 = tpu.iota {dimensions = array<i32: 0>} : vector<32x240xi32>
    %add3A = arith.constant 10000 : i32
    %add3A_14 = vector.broadcast %add3A : i32 to vector<32x240xi32>
    %add3A_15 = arith.addi %add3A_14, %iota3A : vector<32x240xi32>
    %mul3A = arith.constant 240 : i32
    %mul3A_16 = vector.broadcast %mul3A : i32 to vector<32x240xi32>
    %mul3A_17 = arith.muli %iota3A_13, %mul3A_16 : vector<32x240xi32>
    %add3A_18 = arith.addi %iota3A, %mul3A_17 : vector<32x240xi32>
    %jit3A = arith.constant 10000 : i32
    %eq3A = arith.constant 0 : i32
    %eq3A_19 = arith.cmpi eq, %jit3A, %eq3A : i32
    %jit3A_20 = arith.constant 1 : i32
    %select_n3A = arith.select %eq3A_19, %jit3A_20, %jit3A : i32
    %rem3A = vector.broadcast %select_n3A : i32 to vector<32x240xi32>
    %rem3A_21 = arith.remsi %add3A_18, %rem3A : vector<32x240xi32>
    %ne3A = arith.constant 0 : i32
    %ne3A_22 = vector.broadcast %ne3A : i32 to vector<32x240xi32>
    %ne3A_23 = arith.cmpi ne, %rem3A_21, %ne3A_22 : vector<32x240xi32>
    %lt3A = arith.constant 0 : i32
    %lt3A_24 = vector.broadcast %lt3A : i32 to vector<32x240xi32>
    %lt3A_25 = arith.cmpi slt, %rem3A_21, %lt3A_24 : vector<32x240xi32>
    %lt3A_26 = arith.constant 0 : i32
    %lt3A_27 = arith.cmpi slt, %select_n3A, %lt3A_26 : i32
    %ne3A_28 = vector.broadcast %lt3A_27 : i1 to vector<32x240xi1>
    %ne3A_29 = vector.broadcast %ne3A_28 : vector<32x240xi1> to vector<32x240xi1>
    %ne3A_30 = arith.xori %lt3A_25, %ne3A_29 : vector<32x240xi1>
    %and3A = arith.andi %ne3A_30, %ne3A_23 : vector<32x240xi1>
    %add3A_31 = vector.broadcast %select_n3A : i32 to vector<32x240xi32>
    %add3A_32 = arith.addi %rem3A_21, %add3A_31 : vector<32x240xi32>
    %select_n3A_33 = arith.select %and3A, %add3A_32, %rem3A_21 : vector<32x240xi1>, vector<32x240xi32>
    %shift_left3A_34 = arith.constant 16 : i32
    %shift_left3A_35 = vector.broadcast %shift_left3A_34 : i32 to vector<32x240xi32>
    %shift_left3A_36 = arith.shli %select_n3A_33, %shift_left3A_35 : vector<32x240xi32>
    %or3A_37 = arith.ori %add3A_15, %shift_left3A_36 : vector<32x240xi32>
    %swap3A_38 = arith.constant 0 : index
    %swap3A_39 = arith.constant 10000 : index
    %swap3A_40 = vector.load %arg1[%swap3A_38, %swap3A_39] : memref<32x10240xi32, #tpu.memory_space<vmem>>, vector<32x240xi32>
    tpu.vector_store %arg1[%swap3A_38, %swap3A_39], %or3A_37 {strides = array<i32>} : memref<32x10240xi32, #tpu.memory_space<vmem>>, vector<32x240xi32>,
    return
  }
}

module attributes {stable_mosaic.version = 14 : i64} {
  func.func @_prep_body(%arg0: i32, %arg1: memref<2080x128xf32, #tpu.memory_space<vmem>>, %arg2: memref<128x128xf32, #tpu.memory_space<vmem>>, %arg3: memref<1x128xf32, #tpu.memory_space<vmem>>, %arg4: memref<2080x1xf32, #tpu.memory_space<vmem>>, %arg5: memref<2080x128xf32, #tpu.memory_space<vmem>>) attributes {dimension_semantics = [#tpu.dimension_semantics<arbitrary>], iteration_bounds = array<i64: 5>, scalar_prefetch = 0 : i64, scratch_operands = 0 : i64, tpu.core_type = #tpu.core_type<tc>, window_params = [{transform_indices = @transform_0, window_bounds = array<i64: 2080, 128>}, {pipeline_mode = #tpu.pipeline_mode<synchronous>, transform_indices = @transform_1, window_bounds = array<i64: 128, 128>}, {pipeline_mode = #tpu.pipeline_mode<synchronous>, transform_indices = @transform_2, window_bounds = array<i64: 1, 128>}, {transform_indices = @transform_3, window_bounds = array<i64: 2080, 1>}, {transform_indices = @transform_4, window_bounds = array<i64: 2080, 128>}]} {
    %get3A = arith.constant 0 : index
    %get3A_0 = arith.constant 0 : index
    %get3A_1 = vector.load %arg1[%get3A, %get3A_0] : memref<2080x128xf32, #tpu.memory_space<vmem>>, vector<2080x128xf32>
    %get3A_2 = arith.constant 0 : index
    %get3A_3 = arith.constant 0 : index
    %get3A_4 = vector.load %arg2[%get3A_2, %get3A_3] : memref<128x128xf32, #tpu.memory_space<vmem>>, vector<128x128xf32>
    %dot_general3A = arith.constant dense<0.000000e+00> : vector<2080x128xf32>
    %dot_general3A_5 = tpu.matmul %get3A_1, %get3A_4, %dot_general3A {dimension_numbers = #tpu.dot_dimension_numbers<[1], [0], [0], [1], [0, 0, 1, 1], [], []>, transpose_lhs_hint = false} : vector<2080x128xf32>, vector<128x128xf32>, vector<2080x128xf32> -> vector<2080x128xf32>
    %mul3A = arith.constant 2080 : i32
    %mul3A_6 = arith.muli %arg0, %mul3A : i32
    %iota3A = tpu.iota {dimensions = array<i32: 0>} : vector<2080x1xi32>
    %add3A = vector.broadcast %mul3A_6 : i32 to vector<2080x1xi32>
    %add3A_7 = arith.addi %add3A, %iota3A : vector<2080x1xi32>
    %lt3A = arith.constant 10000 : i32
    %lt3A_8 = vector.broadcast %lt3A : i32 to vector<2080x1xi32>
    %lt3A_9 = arith.cmpi slt, %add3A_7, %lt3A_8 : vector<2080x1xi32>
    %get3A_10 = arith.constant 0 : index
    %get3A_11 = arith.constant 0 : index
    %get3A_12 = vector.load %arg3[%get3A_10, %get3A_11] : memref<1x128xf32, #tpu.memory_space<vmem>>, vector<1x128xf32>
    %add3A_13 = vector.broadcast %get3A_12 : vector<1x128xf32> to vector<2080x128xf32>
    %add3A_14 = arith.addf %dot_general3A_5, %add3A_13 : vector<2080x128xf32>
    %get3A_15 = arith.constant 0 : index
    %get3A_16 = arith.constant 0 : index
    %get3A_17 = vector.load %arg4[%get3A_15, %get3A_16] : memref<2080x1xf32, #tpu.memory_space<vmem>>, vector<2080x1xf32>
    %mul3A_18 = vector.broadcast %get3A_17 : vector<2080x1xf32> to vector<2080x128xf32>
    %mul3A_19 = arith.mulf %add3A_14, %mul3A_18 : vector<2080x128xf32>
    %jit3A = arith.constant 0.000000e+00 : f32
    %broadcast_in_dim3A = vector.shape_cast %lt3A_9 : vector<2080x1xi1> to vector<2080x1xi1>
    %broadcast_in_dim3A_20 = vector.broadcast %broadcast_in_dim3A : vector<2080x1xi1> to vector<2080x128xi1>
    %broadcast_in_dim3A_21 = vector.broadcast %jit3A : f32 to vector<2080x128xf32>
    %select_n3A = arith.select %broadcast_in_dim3A_20, %mul3A_19, %broadcast_in_dim3A_21 : vector<2080x128xi1>, vector<2080x128xf32>
    %swap3A = arith.constant 0 : index
    %swap3A_22 = arith.constant 0 : index
    %swap3A_23 = vector.load %arg5[%swap3A, %swap3A_22] : memref<2080x128xf32, #tpu.memory_space<vmem>>, vector<2080x128xf32>
    tpu.vector_store %arg5[%swap3A, %swap3A_22], %select_n3A {strides = array<i32>} : memref<2080x128xf32, #tpu.memory_space<vmem>>, vector<2080x128xf32>,
    return
  }
  func.func @transform_0(%arg0: i32) -> (i32, i32) {
    %c0_i32 = arith.constant 0 : i32
    %c0_i32_0 = arith.constant 0 : i32
    return %arg0, %c0_i32 : i32, i32
  }
  func.func @transform_1(%arg0: i32) -> (i32, i32) {
    %c0_i32 = arith.constant 0 : i32
    %c0_i32_0 = arith.constant 0 : i32
    %c0_i32_1 = arith.constant 0 : i32
    return %c0_i32, %c0_i32_0 : i32, i32
  }
  func.func @transform_2(%arg0: i32) -> (i32, i32) {
    %c0_i32 = arith.constant 0 : i32
    %c0_i32_0 = arith.constant 0 : i32
    %c0_i32_1 = arith.constant 0 : i32
    return %c0_i32, %c0_i32_0 : i32, i32
  }
  func.func @transform_3(%arg0: i32) -> (i32, i32) {
    %c0_i32 = arith.constant 0 : i32
    %c0_i32_0 = arith.constant 0 : i32
    return %arg0, %c0_i32 : i32, i32
  }
  func.func @transform_4(%arg0: i32) -> (i32, i32) {
    %c0_i32 = arith.constant 0 : i32
    %c0_i32_0 = arith.constant 0 : i32
    return %arg0, %c0_i32 : i32, i32
  }
}

module attributes {stable_mosaic.version = 14 : i64} {
  func.func @_pack2_body(%arg0: memref<2x32x10000xi32, #tpu.memory_space<vmem>>, %arg1: memref<32x10240xi32, #tpu.memory_space<vmem>>) attributes {dimension_semantics = [], scalar_prefetch = 0 : i64, scratch_operands = 0 : i64, tpu.core_type = #tpu.core_type<tc>} {
    %get3A = arith.constant 1 : index
    %get3A_0 = arith.constant 0 : index
    %get3A_1 = arith.constant 0 : index
    %get3A_2 = vector.load %arg0[%get3A, %get3A_0, %get3A_1] : memref<2x32x10000xi32, #tpu.memory_space<vmem>>, vector<1x32x10000xi32>
    %get3A_3 = vector.shape_cast %get3A_2 : vector<1x32x10000xi32> to vector<32x10000xi32>
    %get3A_4 = arith.constant 0 : index
    %get3A_5 = arith.constant 0 : index
    %get3A_6 = arith.constant 0 : index
    %get3A_7 = vector.load %arg0[%get3A_4, %get3A_5, %get3A_6] : memref<2x32x10000xi32, #tpu.memory_space<vmem>>, vector<1x32x10000xi32>
    %get3A_8 = vector.shape_cast %get3A_7 : vector<1x32x10000xi32> to vector<32x10000xi32>
    %shift_left3A = arith.constant 16 : i32
    %shift_left3A_9 = vector.broadcast %shift_left3A : i32 to vector<32x10000xi32>
    %shift_left3A_10 = arith.shli %get3A_8, %shift_left3A_9 : vector<32x10000xi32>
    %or3A = arith.ori %get3A_3, %shift_left3A_10 : vector<32x10000xi32>
    %swap3A = arith.constant 0 : index
    %swap3A_11 = arith.constant 0 : index
    %swap3A_12 = vector.load %arg1[%swap3A, %swap3A_11] : memref<32x10240xi32, #tpu.memory_space<vmem>>, vector<32x10000xi32>
    tpu.vector_store %arg1[%swap3A, %swap3A_11], %or3A {strides = array<i32>} : memref<32x10240xi32, #tpu.memory_space<vmem>>, vector<32x10000xi32>,
    %iota3A = tpu.iota {dimensions = array<i32: 1>} : vector<32x240xi32>
    %iota3A_13 = tpu.iota {dimensions = array<i32: 0>} : vector<32x240xi32>
    %add3A = arith.constant 10000 : i32
    %add3A_14 = vector.broadcast %add3A : i32 to vector<32x240xi32>
    %add3A_15 = arith.addi %add3A_14, %iota3A : vector<32x240xi32>
    %mul3A = arith.constant 240 : i32
    %mul3A_16 = vector.broadcast %mul3A : i32 to vector<32x240xi32>
    %mul3A_17 = arith.muli %iota3A_13, %mul3A_16 : vector<32x240xi32>
    %add3A_18 = arith.addi %iota3A, %mul3A_17 : vector<32x240xi32>
    %jit3A = arith.constant 10000 : i32
    %eq3A = arith.constant 0 : i32
    %eq3A_19 = arith.cmpi eq, %jit3A, %eq3A : i32
    %jit3A_20 = arith.constant 1 : i32
    %select_n3A = arith.select %eq3A_19, %jit3A_20, %jit3A : i32
    %rem3A = vector.broadcast %select_n3A : i32 to vector<32x240xi32>
    %rem3A_21 = arith.remsi %add3A_18, %rem3A : vector<32x240xi32>
    %ne3A = arith.constant 0 : i32
    %ne3A_22 = vector.broadcast %ne3A : i32 to vector<32x240xi32>
    %ne3A_23 = arith.cmpi ne, %rem3A_21, %ne3A_22 : vector<32x240xi32>
    %lt3A = arith.constant 0 : i32
    %lt3A_24 = vector.broadcast %lt3A : i32 to vector<32x240xi32>
    %lt3A_25 = arith.cmpi slt, %rem3A_21, %lt3A_24 : vector<32x240xi32>
    %lt3A_26 = arith.constant 0 : i32
    %lt3A_27 = arith.cmpi slt, %select_n3A, %lt3A_26 : i32
    %ne3A_28 = vector.broadcast %lt3A_27 : i1 to vector<32x240xi1>
    %ne3A_29 = vector.broadcast %ne3A_28 : vector<32x240xi1> to vector<32x240xi1>
    %ne3A_30 = arith.xori %lt3A_25, %ne3A_29 : vector<32x240xi1>
    %and3A = arith.andi %ne3A_30, %ne3A_23 : vector<32x240xi1>
    %add3A_31 = vector.broadcast %select_n3A : i32 to vector<32x240xi32>
    %add3A_32 = arith.addi %rem3A_21, %add3A_31 : vector<32x240xi32>
    %select_n3A_33 = arith.select %and3A, %add3A_32, %rem3A_21 : vector<32x240xi1>, vector<32x240xi32>
    %shift_left3A_34 = arith.constant 16 : i32
    %shift_left3A_35 = vector.broadcast %shift_left3A_34 : i32 to vector<32x240xi32>
    %shift_left3A_36 = arith.shli %select_n3A_33, %shift_left3A_35 : vector<32x240xi32>
    %or3A_37 = arith.ori %add3A_15, %shift_left3A_36 : vector<32x240xi32>
    %swap3A_38 = arith.constant 0 : index
    %swap3A_39 = arith.constant 10000 : index
    %swap3A_40 = vector.load %arg1[%swap3A_38, %swap3A_39] : memref<32x10240xi32, #tpu.memory_space<vmem>>, vector<32x240xi32>
    tpu.vector_store %arg1[%swap3A_38, %swap3A_39], %or3A_37 {strides = array<i32>} : memref<32x10240xi32, #tpu.memory_space<vmem>>, vector<32x240xi32>,
    return
  }
}

module attributes {stable_mosaic.version = 14 : i64} {
  func.func @_mid_body(%arg0: i32, %arg1: memref<2x2080x128xf32, #tpu.memory_space<vmem>>, %arg2: memref<2080x1xf32, #tpu.memory_space<vmem>>, %arg3: memref<2080x128xf32, #tpu.memory_space<vmem>>) attributes {dimension_semantics = [#tpu.dimension_semantics<arbitrary>], iteration_bounds = array<i64: 5>, scalar_prefetch = 0 : i64, scratch_operands = 0 : i64, tpu.core_type = #tpu.core_type<tc>, window_params = [{transform_indices = @transform_0, window_bounds = array<i64: 2, 2080, 128>}, {transform_indices = @transform_1, window_bounds = array<i64: 2080, 1>}, {transform_indices = @transform_2, window_bounds = array<i64: 2080, 128>}]} {
    %get3A = arith.constant 0 : index
    %get3A_0 = arith.constant 0 : index
    %get3A_1 = arith.constant 0 : index
    %get3A_2 = vector.load %arg1[%get3A, %get3A_0, %get3A_1] : memref<2x2080x128xf32, #tpu.memory_space<vmem>>, vector<1x2080x128xf32>
    %get3A_3 = vector.shape_cast %get3A_2 : vector<1x2080x128xf32> to vector<2080x128xf32>
    %get3A_4 = arith.constant 1 : index
    %get3A_5 = arith.constant 0 : index
    %get3A_6 = arith.constant 0 : index
    %get3A_7 = vector.load %arg1[%get3A_4, %get3A_5, %get3A_6] : memref<2x2080x128xf32, #tpu.memory_space<vmem>>, vector<1x2080x128xf32>
    %get3A_8 = vector.shape_cast %get3A_7 : vector<1x2080x128xf32> to vector<2080x128xf32>
    %add3A = arith.addf %get3A_3, %get3A_8 : vector<2080x128xf32>
    %mul3A = arith.constant 2080 : i32
    %mul3A_9 = arith.muli %arg0, %mul3A : i32
    %iota3A = tpu.iota {dimensions = array<i32: 0>} : vector<2080x1xi32>
    %add3A_10 = vector.broadcast %mul3A_9 : i32 to vector<2080x1xi32>
    %add3A_11 = arith.addi %add3A_10, %iota3A : vector<2080x1xi32>
    %lt3A = arith.constant 10000 : i32
    %lt3A_12 = vector.broadcast %lt3A : i32 to vector<2080x1xi32>
    %lt3A_13 = arith.cmpi slt, %add3A_11, %lt3A_12 : vector<2080x1xi32>
    %get3A_14 = arith.constant 0 : index
    %get3A_15 = arith.constant 0 : index
    %get3A_16 = vector.load %arg2[%get3A_14, %get3A_15] : memref<2080x1xf32, #tpu.memory_space<vmem>>, vector<2080x1xf32>
    %mul3A_17 = vector.broadcast %get3A_16 : vector<2080x1xf32> to vector<2080x128xf32>
    %mul3A_18 = arith.mulf %add3A, %mul3A_17 : vector<2080x128xf32>
    %jit3A = arith.constant 0.000000e+00 : f32
    %broadcast_in_dim3A = vector.shape_cast %lt3A_13 : vector<2080x1xi1> to vector<2080x1xi1>
    %broadcast_in_dim3A_19 = vector.broadcast %broadcast_in_dim3A : vector<2080x1xi1> to vector<2080x128xi1>
    %broadcast_in_dim3A_20 = vector.broadcast %jit3A : f32 to vector<2080x128xf32>
    %select_n3A = arith.select %broadcast_in_dim3A_19, %mul3A_18, %broadcast_in_dim3A_20 : vector<2080x128xi1>, vector<2080x128xf32>
    %swap3A = arith.constant 0 : index
    %swap3A_21 = arith.constant 0 : index
    %swap3A_22 = vector.load %arg3[%swap3A, %swap3A_21] : memref<2080x128xf32, #tpu.memory_space<vmem>>, vector<2080x128xf32>
    tpu.vector_store %arg3[%swap3A, %swap3A_21], %select_n3A {strides = array<i32>} : memref<2080x128xf32, #tpu.memory_space<vmem>>, vector<2080x128xf32>,
    return
  }
  func.func @transform_0(%arg0: i32) -> (i32, i32, i32) {
    %c0_i32 = arith.constant 0 : i32
    %c0_i32_0 = arith.constant 0 : i32
    %c0_i32_1 = arith.constant 0 : i32
    return %c0_i32, %arg0, %c0_i32_0 : i32, i32, i32
  }
  func.func @transform_1(%arg0: i32) -> (i32, i32) {
    %c0_i32 = arith.constant 0 : i32
    %c0_i32_0 = arith.constant 0 : i32
    return %arg0, %c0_i32 : i32, i32
  }
  func.func @transform_2(%arg0: i32) -> (i32, i32) {
    %c0_i32 = arith.constant 0 : i32
    %c0_i32_0 = arith.constant 0 : i32
    return %arg0, %c0_i32 : i32, i32
  }
}

module attributes {stable_mosaic.version = 14 : i64} {
  func.func @_eout_body(%arg0: i32, %arg1: memref<2x2000x128xf32, #tpu.memory_space<vmem>>, %arg2: memref<128x16xf32, #tpu.memory_space<vmem>>, %arg3: memref<1x16xf32, #tpu.memory_space<vmem>>, %arg4: memref<2000x16xf32, #tpu.memory_space<vmem>>) attributes {dimension_semantics = [#tpu.dimension_semantics<arbitrary>], iteration_bounds = array<i64: 5>, scalar_prefetch = 0 : i64, scratch_operands = 0 : i64, tpu.core_type = #tpu.core_type<tc>, window_params = [{transform_indices = @transform_0, window_bounds = array<i64: 2, 2000, 128>}, {pipeline_mode = #tpu.pipeline_mode<synchronous>, transform_indices = @transform_1, window_bounds = array<i64: 128, 16>}, {pipeline_mode = #tpu.pipeline_mode<synchronous>, transform_indices = @transform_2, window_bounds = array<i64: 1, 16>}, {transform_indices = @transform_3, window_bounds = array<i64: 2000, 16>}]} {
    %get3A = arith.constant 0 : index
    %get3A_0 = arith.constant 0 : index
    %get3A_1 = arith.constant 0 : index
    %get3A_2 = vector.load %arg1[%get3A, %get3A_0, %get3A_1] : memref<2x2000x128xf32, #tpu.memory_space<vmem>>, vector<1x2000x128xf32>
    %get3A_3 = vector.shape_cast %get3A_2 : vector<1x2000x128xf32> to vector<2000x128xf32>
    %get3A_4 = arith.constant 1 : index
    %get3A_5 = arith.constant 0 : index
    %get3A_6 = arith.constant 0 : index
    %get3A_7 = vector.load %arg1[%get3A_4, %get3A_5, %get3A_6] : memref<2x2000x128xf32, #tpu.memory_space<vmem>>, vector<1x2000x128xf32>
    %get3A_8 = vector.shape_cast %get3A_7 : vector<1x2000x128xf32> to vector<2000x128xf32>
    %add3A = arith.addf %get3A_3, %get3A_8 : vector<2000x128xf32>
    %get3A_9 = arith.constant 0 : index
    %get3A_10 = arith.constant 0 : index
    %get3A_11 = vector.load %arg2[%get3A_9, %get3A_10] : memref<128x16xf32, #tpu.memory_space<vmem>>, vector<128x16xf32>
    %dot_general3A = arith.constant dense<0.000000e+00> : vector<2000x16xf32>
    %dot_general3A_12 = tpu.matmul %add3A, %get3A_11, %dot_general3A {dimension_numbers = #tpu.dot_dimension_numbers<[1], [0], [0], [1], [0, 0, 1, 1], [], []>, transpose_lhs_hint = false} : vector<2000x128xf32>, vector<128x16xf32>, vector<2000x16xf32> -> vector<2000x16xf32>
    %get3A_13 = arith.constant 0 : index
    %get3A_14 = arith.constant 0 : index
    %get3A_15 = vector.load %arg3[%get3A_13, %get3A_14] : memref<1x16xf32, #tpu.memory_space<vmem>>, vector<1x16xf32>
    %add3A_16 = vector.broadcast %get3A_15 : vector<1x16xf32> to vector<2000x16xf32>
    %add3A_17 = arith.addf %dot_general3A_12, %add3A_16 : vector<2000x16xf32>
    %swap3A = arith.constant 0 : index
    %swap3A_18 = arith.constant 0 : index
    %swap3A_19 = vector.load %arg4[%swap3A, %swap3A_18] : memref<2000x16xf32, #tpu.memory_space<vmem>>, vector<2000x16xf32>
    tpu.vector_store %arg4[%swap3A, %swap3A_18], %add3A_17 {strides = array<i32>} : memref<2000x16xf32, #tpu.memory_space<vmem>>, vector<2000x16xf32>,
    return
  }
  func.func @transform_0(%arg0: i32) -> (i32, i32, i32) {
    %c0_i32 = arith.constant 0 : i32
    %c0_i32_0 = arith.constant 0 : i32
    %c0_i32_1 = arith.constant 0 : i32
    return %c0_i32, %arg0, %c0_i32_0 : i32, i32, i32
  }
  func.func @transform_1(%arg0: i32) -> (i32, i32) {
    %c0_i32 = arith.constant 0 : i32
    %c0_i32_0 = arith.constant 0 : i32
    %c0_i32_1 = arith.constant 0 : i32
    return %c0_i32, %c0_i32_0 : i32, i32
  }
  func.func @transform_2(%arg0: i32) -> (i32, i32) {
    %c0_i32 = arith.constant 0 : i32
    %c0_i32_0 = arith.constant 0 : i32
    %c0_i32_1 = arith.constant 0 : i32
    return %c0_i32, %c0_i32_0 : i32, i32
  }
  func.func @transform_3(%arg0: i32) -> (i32, i32) {
    %c0_i32 = arith.constant 0 : i32
    %c0_i32_0 = arith.constant 0 : i32
    return %arg0, %c0_i32 : i32, i32
  }
}

module attributes {stable_mosaic.version = 14 : i64} {
  func.func @_final_body(%arg0: i32, %arg1: memref<2x2000x128xf32, #tpu.memory_space<vmem>>, %arg2: memref<2000x1xf32, #tpu.memory_space<vmem>>, %arg3: memref<2000x128xf32, #tpu.memory_space<vmem>>) attributes {dimension_semantics = [#tpu.dimension_semantics<arbitrary>], iteration_bounds = array<i64: 5>, scalar_prefetch = 0 : i64, scratch_operands = 0 : i64, tpu.core_type = #tpu.core_type<tc>, window_params = [{transform_indices = @transform_0, window_bounds = array<i64: 2, 2000, 128>}, {transform_indices = @transform_1, window_bounds = array<i64: 2000, 1>}, {transform_indices = @transform_2, window_bounds = array<i64: 2000, 128>}]} {
    %get3A = arith.constant 0 : index
    %get3A_0 = arith.constant 0 : index
    %get3A_1 = arith.constant 0 : index
    %get3A_2 = vector.load %arg1[%get3A, %get3A_0, %get3A_1] : memref<2x2000x128xf32, #tpu.memory_space<vmem>>, vector<1x2000x128xf32>
    %get3A_3 = vector.shape_cast %get3A_2 : vector<1x2000x128xf32> to vector<2000x128xf32>
    %get3A_4 = arith.constant 1 : index
    %get3A_5 = arith.constant 0 : index
    %get3A_6 = arith.constant 0 : index
    %get3A_7 = vector.load %arg1[%get3A_4, %get3A_5, %get3A_6] : memref<2x2000x128xf32, #tpu.memory_space<vmem>>, vector<1x2000x128xf32>
    %get3A_8 = vector.shape_cast %get3A_7 : vector<1x2000x128xf32> to vector<2000x128xf32>
    %add3A = arith.addf %get3A_3, %get3A_8 : vector<2000x128xf32>
    %get3A_9 = arith.constant 0 : index
    %get3A_10 = arith.constant 0 : index
    %get3A_11 = vector.load %arg2[%get3A_9, %get3A_10] : memref<2000x1xf32, #tpu.memory_space<vmem>>, vector<2000x1xf32>
    %mul3A = vector.broadcast %get3A_11 : vector<2000x1xf32> to vector<2000x128xf32>
    %mul3A_12 = arith.mulf %add3A, %mul3A : vector<2000x128xf32>
    %max3A = arith.constant 0.000000e+00 : f32
    %max3A_13 = vector.broadcast %max3A : f32 to vector<2000x128xf32>
    %max3A_14 = arith.maximumf %mul3A_12, %max3A_13 : vector<2000x128xf32>
    %swap3A = arith.constant 0 : index
    %swap3A_15 = arith.constant 0 : index
    %swap3A_16 = vector.load %arg3[%swap3A, %swap3A_15] : memref<2000x128xf32, #tpu.memory_space<vmem>>, vector<2000x128xf32>
    tpu.vector_store %arg3[%swap3A, %swap3A_15], %max3A_14 {strides = array<i32>} : memref<2000x128xf32, #tpu.memory_space<vmem>>, vector<2000x128xf32>,
    return
  }
  func.func @transform_0(%arg0: i32) -> (i32, i32, i32) {
    %c0_i32 = arith.constant 0 : i32
    %c0_i32_0 = arith.constant 0 : i32
    %c0_i32_1 = arith.constant 0 : i32
    return %c0_i32, %arg0, %c0_i32_0 : i32, i32, i32
  }
  func.func @transform_1(%arg0: i32) -> (i32, i32) {
    %c0_i32 = arith.constant 0 : i32
    %c0_i32_0 = arith.constant 0 : i32
    return %arg0, %c0_i32 : i32, i32
  }
  func.func @transform_2(%arg0: i32) -> (i32, i32) {
    %c0_i32 = arith.constant 0 : i32
    %c0_i32_0 = arith.constant 0 : i32
    return %arg0, %c0_i32 : i32, i32
  }
}

</mosaic_0001>

<sc_bundles>
// kernel: kernel.10.cloned.1.call-start
scs
__scs_entry_jumppad:
0x0: {  	(pc) =	sbr.rel $0x88, $3  }
0x1: {  	(tag) =	ssettag $0x0;
	lr =	simm.s32 $0x1  }
0x2: {  	[smem:$0x3F99] =	sst lr;
	_ =	strace $0xD0000000  }
0x3: {  	_ = 	snop  }
0x4: {  	_ = 	snop  }
0x5: {  	_ = 	snop  }
0x6: {  	_ = 	snop  }
0x7: {  	_ = 	snop  }
__scs_overlays_trampoline_lowered:
0x8: {  	[smem:$0x3FA8] =	sst s0  }
0x9: {  	[smem:$0x3FA9] =	sst s1  }
0xa: {  	[smem:$0x3FAA] =	sst s2  }
0xb: {  	[smem:$0x3FAB] =	sst s3  }
0xc: {  	[smem:$0x3FAC] =	sst s4  }
0xd: {  	[smem:$0x3FAD] =	sst s5  }
0xe: {  	[smem:$0x3FAE] =	sst s6  }
0xf: {  	[smem:$0x3FAF] =	sst s7  }
0x10: {  	[smem:$0x3FB0] =	sst s8  }
0x11: {  	[smem:$0x3FB1] =	sst s9;
	s0 =	simm.s32 @!p0 $0x0  }
0x12: {  	s1 =	sld [smem:$0x3F97];
	s0 =	simm.s32 @p0 $0x1  }
0x13: {  	[smem:$0x3FB2] =	sst s0;
	s0 =	simm.s32 @!p1 $0x0  }
0x14: {  	s2 =	sld [smem:$0x3F96];
	s0 =	simm.s32 @p1 $0x1  }
0x15: {  	[smem:$0x3FB3] =	sst s0;
	s0 =	simm.s32 @!p2 $0x0  }
0x16: {  	s3 =	sld [smem:$0x3FDB];
	s0 =	simm.s32 @p2 $0x1  }
0x17: {  	s4 =	simm.s32 $0x1BF5;
	[smem:$0x3FB5] =	sst s0  }
0x18: {  	s0 =	sld [smem:$0x3F98];
	_ =	swait.ge [sflag:s4], $0x0  }
0x19: {  	s7 =	sld [smem:$0x3F99]  }
0x1a: {  	s8 =	sadd.s32 $0xFFFFE003, lr  }
0x1b: {  	s9 =	sadd.s32 $0xFFFFFEF7, lr;
	s5 =	simm.s32 $0xFFFFFFFF;
	p2 =	slt.u32 s8, $0xFFFFF086  }
0x1c: {  	p1 =	slt.u32 s9, $0xF7A;
	s5 =	simm.s32 @!p2 $0x0  }
0x1d: {  	s5 =	simm.s32 @p1 $0x1;
	p0 =	seq.s32 s7, s2  }
0x1e: {  	s7 =	smul.u32 @!p0 $0xF7A, s2;
	p2 =	seq.s32 @!p0 s5, $0x0  }
0x1f: {  	s9 =	smul.u32 $0xF7A, s1;
	s8 =	simm.s32 @!p0 $0x1BF5;
	p2 =	por !p2, p0  }
0x20: {  	[sflag:s8] =	ssyncset.s32 @!p0 $0xFFFFF086;
	s6 =	sadd.s32 @!p0 s3, s7;
	s7 =	simm.s32 @!p0 $0x108  }
0x21: {  	s3 =	sadd.s32 s3, s9;
	s6 =	sadd.s32 @!p0 $0x88, s6;
	s7 =	simm.s32 @p2 $0x1082  }
0x22: {  	[simem:s7], [sflag:s8] =	dma.local @!p0 [hbm:s6], $0xF7A  }
0x23: {  	s9 =	sor.u32 $0xD0000000, s2;
	s6 =	simm.s32 $0x108;
	_ =	swait.ge @!p0 [sflag:s8], $0x0  }
0x24: {  	s3 =	sadd.s32 $0x88, s3;
	s6 =	simm.s32 @!p1 $0x1082;
	[sflag:s4] =	ssyncset.s32 $0xFFFFF086  }
0x25: {  	[simem:s6], [sflag:s4] =	dma.local [hbm:s3], $0xF7A  }
0x26: {  	[smem:$0x3F99] =	sst s1;
	(tag) =	ssettag s2;
	_ =	strace s9  }
0x27: {  	s1 =	sld [smem:$0x3FA9]  }
0x28: {  	s2 =	sld [smem:$0x3FAA]  }
0x29: {  	s4 =	sld [smem:$0x3FAC]  }
0x2a: {  	p0 =	seq.s32 s5, $0x0;
	s5 =	sld [smem:$0x3FAD]  }
0x2b: {  	s6 =	sld [smem:$0x3FAE]  }
0x2c: {  	s7 =	sld [smem:$0x3FAF]  }
0x2d: {  	s3 =	simm.s32 $0x108;
	s8 =	sld [smem:$0x3FB0]  }
0x2e: {  	s3 =	simm.s32 @!p0 $0x1082;
	s9 =	sld [smem:$0x3FB1]  }
0x2f: {  	lr =	sadd.s32 s0, s3;
	s0 =	sld [smem:$0x3FA8]  }
0x30: {  	s3 =	sld [smem:$0x3FAB]  }
0x31: {  	[smem:$0x3FB4] =	sst s10  }
0x32: {  	s10 =	sld [smem:$0x3FB2];
	_ =	sdelay $0x3  }
0x33: {  	p0 =	seq.s32 s10, $0x1;
	s10 =	sld [smem:$0x3FB4];
	_ =	sdelay $0x3  }
0x34: {  	[smem:$0x3FB4] =	sst s10  }
0x35: {  	s10 =	sld [smem:$0x3FB3];
	_ =	sdelay $0x3  }
0x36: {  	p1 =	seq.s32 s10, $0x1;
	s10 =	sld [smem:$0x3FB4];
	_ =	sdelay $0x3  }
0x37: {  	[smem:$0x3FB4] =	sst s10  }
0x38: {  	s10 =	sld [smem:$0x3FB5]  }
0x39: {  	_ = 	snop;
	(pc) =	sbr.ind lr, $3  }
0x3a: {  	_ = 	snop  }
0x3b: {  	_ = 	snop  }
0x3c: {  	p2 =	seq.s32 s10, $0x1;
	s10 =	sld [smem:$0x3FB4]  }
0x3d: {  	_ =	shalt  }
0x3e: {  	_ =	shalt  }
0x3f: {  	_ =	shalt  }
0x40: {  	_ =	shalt  }
0x41: {  	_ =	shalt  }
0x42: {  	_ =	shalt  }
0x43: {  	_ =	shalt  }
0x44: {  	_ =	shalt  }
0x45: {  	_ =	shalt  }
0x46: {  	_ =	shalt  }
0x47: {  	_ =	shalt  }
0x48: {  	_ =	shalt  }
0x49: {  	_ =	shalt  }
0x4a: {  	_ =	shalt  }
0x4b: {  	_ =	shalt  }
0x4c: {  	_ =	shalt  }
0x4d: {  	_ =	shalt  }
0x4e: {  	_ =	shalt  }
0x4f: {  	_ =	shalt  }
0x50: {  	_ =	shalt  }
0x51: {  	_ =	shalt  }
0x52: {  	_ =	shalt  }
0x53: {  	_ =	shalt  }
0x54: {  	_ =	shalt  }
0x55: {  	_ =	shalt  }
0x56: {  	_ =	shalt  }
0x57: {  	_ =	shalt  }
0x58: {  	_ =	shalt  }
0x59: {  	_ =	shalt  }
0x5a: {  	_ =	shalt  }
0x5b: {  	_ =	shalt  }
0x5c: {  	_ =	shalt  }
0x5d: {  	_ =	shalt  }
0x5e: {  	_ =	shalt  }
0x5f: {  	_ =	shalt  }
0x60: {  	_ =	shalt  }
0x61: {  	_ =	shalt  }
0x62: {  	_ =	shalt  }
0x63: {  	_ =	shalt  }
0x64: {  	_ =	shalt  }
0x65: {  	_ =	shalt  }
0x66: {  	_ =	shalt  }
0x67: {  	_ =	shalt  }
0x68: {  	_ =	shalt  }
0x69: {  	_ =	shalt  }
0x6a: {  	_ =	shalt  }
0x6b: {  	_ =	shalt  }
0x6c: {  	_ =	shalt  }
0x6d: {  	_ =	shalt  }
0x6e: {  	_ =	shalt  }
0x6f: {  	_ =	shalt  }
0x70: {  	_ =	shalt  }
0x71: {  	_ =	shalt  }
0x72: {  	_ =	shalt  }
0x73: {  	_ =	shalt  }
0x74: {  	_ =	shalt  }
0x75: {  	_ =	shalt  }
0x76: {  	_ =	shalt  }
0x77: {  	_ =	shalt  }
0x78: {  	_ =	shalt  }
0x79: {  	_ =	shalt  }
0x7a: {  	_ =	shalt  }
0x7b: {  	_ =	shalt  }
0x7c: {  	_ =	shalt  }
0x7d: {  	_ =	shalt  }
0x7e: {  	_ =	shalt  }
0x7f: {  	_ =	shalt  }
0x80: {  	_ =	shalt  }
0x81: {  	_ =	shalt  }
0x82: {  	_ =	shalt  }
0x83: {  	_ =	shalt  }
0x84: {  	_ =	shalt  }
0x85: {  	_ =	shalt  }
0x86: {  	_ =	shalt  }
0x87: {  	_ =	shalt  }
.Lfunc_end0:
.L_simem_size_0:
called_computation_lowered:
.L_overlay_start_0:
0x88: {  	s2 =	sld [smem:$0x3FD9]  }
0x89: {  	s3 =	sld [smem:$0x3FFE];
	_ =	sdelay $0x1  }
0x8a: {  	s1 =	srdreg.scid  }
0x8b: {  	s0 =	sand.u32 $0x1, s1  }
0x8c: {  	s14 =	sshll.u32 s0, $0xA;
	s2 =	sadd.s32 s3, s2  }
0x8d: {  	s2 =	sadd.s32 s2, s14  }
0x8e: {  	[smem:$0x3FC0] =	sst s2  }
0x8f: {  	_ = 	snop  }
0x90: {  	s2 =	sld [smem:$0x3FD0];
	_ =	sdelay $0x2  }
0x91: {  	s15 =	simm.s32 $0xA;
	s4 =	simm.s32 $0x10  }
0x92: {  	[smem:s4], [sflag:s15] =	dma.local [hbm:s2], $0x1  }
0x93: {  	_ =	swait.eq [sflag:s15], $0x1  }
0x94: {  	[sflag:s15] =	ssyncset.done $0x0  }
0x95: {  	[sflag:s15] =	ssyncadd.s32 $0xFFFFFFFF  }
0x96: {  	s16 =	sld [smem:$0x10];
	(tm) =	ssettm $0x1  }
0x97: {  	s17 =	sld [smem:$0x3FFB];
	_ =	sdelay $0x3  }
0x98: {  	_ =	strace s17  }
0x99: {  	s3 =	sld [smem:$0x3FFC];
	_ =	sdelay $0x3  }
0x9a: {  	_ =	strace s3  }
0x9b: {  	s3 =	sld [smem:$0x3FFD];
	_ =	sdelay $0x3  }
0x9c: {  	_ =	strace s3  }
0x9d: {  	_ =	strace $0x8FFFFFFF  }
0x9e: {  	s18 =	sld [smem:$0x3FDB];
	_ =	sdelay $0x1  }
0x9f: {  	s19 =	simm.s32 $_scs_section_size  }
0xa0: {  	s5 =	simm.s32 $_size__tile_overlayer_lowered;
	s6 =	simm.s32 $_tile_overlayer_lowered  }
0xa1: {  	s22 =	simm.s32 $0x1BFF;
	s21 =	sshll.u32 s6, $0x1;
	s3 =	sadd.s32 s19, s18  }
0xa2: {  	s7 =	simm.s32 $0x0;
	s20 =	sshll.u32 s5, $0x1;
	s5 =	sadd.s32 s21, s3  }
0xa3: {  	[timem:s7], [sflag:s22] =	dma.local [hbm:s5], s20  }
0xa4: {  	_ =	swait.ge [sflag:s22], s20  }
0xa5: {  	s4 =	ssub.s32 $0x0, s20;
	[sflag:s22] =	ssyncset.done $0x0  }
0xa6: {  	[sflag:s22] =	ssyncadd.s32 s4;
	_ =	sdelay $0x1  }
0xa7: {  	s23 =	simm.s32 $0x1B8B  }
0xa8: {  	_ =	swait.ge [sflag:s23], $0x1  }
0xa9: {  	[sflag:s23] =	ssyncset.done $0x0  }
0xaa: {  	s25 =	simm.s32 $0x1B8E;
	s24 =	sld [smem:$0x3FFE];
	[sflag:s23] =	ssyncadd.s32 $0xFFFFFFFF  }
0xab: {  	s26 =	simm.s32 $execute0_lowered;
	[smem:$0x3FD2] =	sst s25  }
0xac: {  	s5 =	sshll.u32 s26, $0x1;
	_ =	strace $0x80000046;
	[dreg:$0x1] =	wrdreg $0xFFFFFFFF  }
0xad: {  	s28 =	simm.s32 $_size_execute0_lowered;
	s3 =	sadd.s32 s3, s5;
	[dreg:$0x0] =	wrdreg $0x0  }
0xae: {  	s5 =	sshll.u32 s28, $0x1;
	[dreg:$0x2] =	wrdreg s3  }
0xaf: {  	[dreg:$0x3] =	wrdreg s5  }
0xb0: {  	[dreg:$0x4] =	wrdreg $0xC0  }
0xb1: {  	_ =	task [dreg:s7], $0x5FFFF  }
0xb2: {  	[dreg:$0x1] =	wrdreg $0xFFFFFFFF  }
0xb3: {  	[dreg:$0x0] =	wrdreg $0x60  }
0xb4: {  	[dreg:$0x2] =	wrdreg s24  }
0xb5: {  	[dreg:$0x3] =	wrdreg s16  }
0xb6: {  	[dreg:$0x4] =	wrdreg $0xAC000  }
0xb7: {  	[dreg:$0x5] =	wrdreg $0x9  }
0xb8: {  	_ =	task.clear_ibuf [dreg:s7], $0x6FFFF;
	_ =	strace $0x90000046  }
0xb9: {  	s29 =	simm.s32 $0x9;
	_ =	strace $0x80000048  }
0xba: {  	_ =	swait.ge [sflag:s29], $0x1  }
0xbb: {  	[sflag:s29] =	ssyncadd.s32 $0xFFFFFFFF  }
0xbc: {  	_ =	strace $0x90000048  }
0xbd: {  	_ =	sfence  }
0xbe: {  	s30 =	sld [smem:$0x0];
	_ =	sdelay $0x2  }
0xbf: {  	s31 =	sshll.u32 s1, $0xD;
	s1 =	sshrl.u32 s1, $0x2  }
0xc0: {  	s3 =	sand.u32 $0x4000, s31;
	s1 =	sadd.s32 s1, s30  }
0xc1: {  	s0 =	sor.u32 s3, s0;
	s1 =	sshll.u32 s1, $0x11  }
0xc2: {  	s0 =	sor.u32 s1, s0  }
0xc3: {  	s0 =	sadd.s32 $0x8F2B, s0  }
0xc4: {  	[sflag:s0] =	ssyncadd.remote.s32 $0x1  }
0xc5: {  	_ =	sfence.sel $0xFFFF  }
0xc6: {  	[dreg:$0x0] =	wrdreg $0xFFFFFFFF;
	(pc) =	sbr.abs _section_cstart, $3  }
0xc7: {  	[dreg:$0x1] =	wrdreg $0xFFFFFFFF  }
0xc8: {  	_ =	task.clear_ibuf [dreg:s7], $0x2FFFF;
	_ =	strace $0x9FFFFFFF  }
0xc9: {  	(tm) =	ssettm $0x7FFFFFFF  }
tec
execute0_lowered:
.L_overlay_start_1:
0x0: {  	(tag) =	ssettag $0x1  }
0x1: {  	s0 =	rddreg [dreg:$0x0]  }
0x2: {  	s2 =	rddreg [dreg:$0x1]  }
0x3: {  	s1 =	rddreg [dreg:$0x2];
	s3 =	simm.s32 $0x0;
	s23 =	srdreg.scid  }
0x4: {  	s11 =	stileid.u32;
	s30 =	simm.s32 $0x2800;
	s31 =	simm.s32 $0x2C00  }
0x5: {  	s29 =	simm.s32 $0x400;
	[smem:$0x7FF] =	sst s3;
	s4 =	sadd.s32 $0x2800, s0  }
0x6: {  	s0 =	sadd.s32 $0x2B200, s0;
	s3 =	sand.u32 $0x1, s23;
	s7 =	smul.u32 $0x4E000, s11  }
0x7: {  	s6 =	sshrl.u32 s11, $0x2;
	s14 =	sadd.s32 $0x124800, s1;
	s15 =	sadd.s32 $0x126800, s1  }
0x8: {  	s9 =	sshll.u32 s11, $0x8;
	s16 =	smul.u32 $0x13800, s11;
	s17 =	sadd.s32 $0x128800, s1  }
0x9: {  	s18 =	sadd.s32 $0x12A800, s1;
	_ =	strace $0x80000047;
	[dreg:$0xd] =	wrdreg s15  }
0xa: {  	s19 =	sadd.s32 $0x12C800, s1;
	s21 =	sadd.s32 $0x12E800, s1;
	[dreg:$0xf] =	wrdreg s17  }
0xb: {  	s22 =	sadd.s32 $0x130800, s1;
	p0 =	seq.s32 s11, $0xF;
	[dreg:$0x10] =	wrdreg s18  }
0xc: {  	s11 =	simm.s32 $0x2;
	s5 =	ssub.s32 $0x2, s3;
	[dreg:$0x11] =	wrdreg s19  }
0xd: {  	s6 =	smul.u32 $0x14000, s6;
	s10 =	sshll.u32 s3, $0x7;
	[dreg:$0x12] =	wrdreg s21  }
0xe: {  	s9 =	sand.u32 $0x300, s9;
	s3 =	smul.u32 $0x138800, s3;
	[dreg:$0x14] =	wrdreg s22  }
0xf: {  	s15 =	simm.s32 $0x8C00;
	s8 =	sshrl.u32 s5, $0x1;
	s7 =	sshrl.u32 s7, $0x2  }
0x10: {  	s17 =	simm.s32 $0x2B00;
	s8 =	ssub.s32 s5, s8;
	s5 =	sadd.s32 s7, s1  }
0x11: {  	s18 =	simm.s32 $0x5;
	s19 =	simm.s32 $0x4;
	s7 =	sadd.s32 $0x2000, s5  }
0x12: {  	s21 =	simm.s32 $0x6;
	s24 =	sadd.s32 $0x4000, s5;
	[dreg:$0x4] =	wrdreg s7  }
0x13: {  	s22 =	simm.s32 $0x7;
	s25 =	sadd.s32 $0x6000, s5;
	[dreg:$0x5] =	wrdreg s24  }
0x14: {  	s9 =	sor.u32 s10, s9;
	s26 =	sadd.s32 $0x8000, s5;
	[dreg:$0x6] =	wrdreg s25  }
0x15: {  	s6 =	sor.u32 s6, s9;
	s28 =	sadd.s32 $0xA000, s5;
	[dreg:$0x7] =	wrdreg s26  }
0x16: {  	s20 =	sadd.s32 s16, s3;
	s9 =	sadd.s32 $0xC000, s5;
	[dreg:$0x8] =	wrdreg s28  }
0x17: {  	s3 =	sshrl.u32 s3, $0x3;
	s10 =	sadd.s32 $0xE000, s5;
	[dreg:$0x9] =	wrdreg s9  }
0x18: {  	s16 =	simm.s32 $0x3;
	s12 =	sadd.s32 $0x10000, s5;
	[dreg:$0xa] =	wrdreg s10  }
0x19: {  	s6 =	sshrl.u32 s6, $0x3;
	s13 =	sadd.s32 $0x12000, s5;
	[dreg:$0xb] =	wrdreg s12  }
0x1a: {  	s3 =	sadd.s32 s0, s3;
	[dreg:$0xc] =	wrdreg s13;
	s2 =	sadd.s32 s2, s6  }
0x1b: {  	s23 =	sadd.s32 $0x24900, s3;
	s24 =	smax.u32 s8, $0x1;
	s25 =	sadd.s32 $0x132800, s1  }
0x1c: {  	s26 =	sadd.s32 $0x134800, s1;
	s28 =	sadd.s32 $0x136800, s1;
	[dreg:$0xe] =	wrdreg s2  }
0x1d: {  	s3 =	simm.s32 $0x2880;
	s6 =	simm.s32 $0x4C00;
	[dreg:$0x15] =	wrdreg s23  }
0x1e: {  	s7 =	simm.s32 $0x1;
	s8 =	simm.s32 $0x2A00;
	[dreg:$0x16] =	wrdreg s24  }
0x1f: {  	s9 =	simm.s32 $0x2900;
	s10 =	simm.s32 $0x6C00;
	[dreg:$0x17] =	wrdreg s25  }
0x20: {  	s12 =	simm.s32 $0x2A80;
	s13 =	simm.s32 $0x2980;
	[dreg:$0x18] =	wrdreg s26  }
0x21: {  	s2 =	sshrl.u32 s20, $0x3;
	[dreg:$0x19] =	wrdreg s28;
	s20 =	simm.s32 $0x2B80  }
0x22: {  	s23 =	simm.s32 $0x8;
	s24 =	simm.s32 $0x0;
	s0 =	sadd.s32 s0, s2  }
0x23: {  	v0 =	vimm.f32 $0.0e+00;
	s2 =	simm.s32 $0x40;
	[dreg:$0x13] =	wrdreg s0;
	s0 =	simm.s32 $0x9  }
.LBB2_1:
0x24: {  	s25 =	simm.s32 $0x0;
	s26 =	rddreg [dreg:$0xe];
	s28 =	simm.s32 $0x80  }
0x25: {  	[tilespmem:s25], [sflag:$0x9] =	stream.strided.gather [hbm4b:s26+s28], $0x2800, s29, s28, $0x38;
	[tilespmem:$0x1E480] =	vst v63  }
0x26: {  	_ =	swait.ge [sflag:s0], $0x2800  }
0x27: {  	[sflag:s0] =	ssyncset.done $0x0  }
0x28: {  	s25 =	simm.s32 $0x0;
	s26 =	simm.s32 $0x200;
	[sflag:s0] =	ssyncadd.s32 $0xFFFFD800  }
.LBB2_2:
0x29: {  	p1 =	sne.s32 s26, $0x7E00;
	[tilespmem:s25+$0x2C70] =	vst v0  }
0x2a: {  	[tilespmem:s25+$0x2C00] =	vst v0  }
0x2b: {  	[tilespmem:s25+$0x2C10] =	vst v0  }
.Ltmp0:
0x2c: {  	[tilespmem:s25+$0x2C20] =	vst v0;
	(pc) =	sbr.rel @p1 .LBB2_2-.Ltmp0, $4  }
0x2d: {  	[tilespmem:s25+$0x2C30] =	vst v0  }
0x2e: {  	[tilespmem:s25+$0x2C40] =	vst v0  }
0x2f: {  	[tilespmem:s25+$0x2C50] =	vst v0  }
0x30: {  	[tilespmem:s25+$0x2C60] =	vst v0;
	s25 =	sshra.s32 s26, $0x2;
	s26 =	sadd.s32 $0x200, s26  }
0x31: {  	[tilespmem:s25+$0x2C70] =	vst v0  }
0x32: {  	[tilespmem:s25+$0x2C00] =	vst v0  }
0x33: {  	[tilespmem:s25+$0x2C10] =	vst v0  }
0x34: {  	[tilespmem:s25+$0x2C20] =	vst v0  }
0x35: {  	[tilespmem:s25+$0x2C30] =	vst v0  }
0x36: {  	[tilespmem:s25+$0x2C40] =	vst v0  }
0x37: {  	[tilespmem:s25+$0x2C50] =	vst v0  }
0x38: {  	[tilespmem:s25+$0x2C60] =	vst v0;
	s25 =	simm.s32 @p0 $0x2C00;
	s26 =	simm.s32 @p0 $0x9  }
0x39: {  	[spmem:s14] =	stream.linear.scatter @p0 [tilespmem:s25], [sflag:$0x9], $0x2000, $0x38;
	[tilespmem:$0x1E480] =	vst v63  }
0x3a: {  	_ =	swait.ge @p0 [sflag:s26], $0x2000  }
0x3b: {  	[sflag:s26] =	ssyncset.done @p0 $0x0  }
0x3c: {  	s28 =	rddreg [dreg:$0xd];
	[sflag:s26] =	ssyncadd.s32 @p0 $0xFFFFE000  }
0x3d: {  	[spmem:s28] =	stream.linear.scatter @p0 [tilespmem:s25], [sflag:$0x9], $0x2000, $0x38;
	[tilespmem:$0x1E480] =	vst v63  }
0x3e: {  	_ =	swait.ge @p0 [sflag:s26], $0x2000  }
0x3f: {  	[sflag:s26] =	ssyncset.done @p0 $0x0  }
0x40: {  	s28 =	rddreg [dreg:$0xf];
	[sflag:s26] =	ssyncadd.s32 @p0 $0xFFFFE000  }
0x41: {  	[spmem:s28] =	stream.linear.scatter @p0 [tilespmem:s25], [sflag:$0x9], $0x2000, $0x38;
	[tilespmem:$0x1E480] =	vst v63  }
0x42: {  	_ =	swait.ge @p0 [sflag:s26], $0x2000  }
0x43: {  	[sflag:s26] =	ssyncset.done @p0 $0x0  }
0x44: {  	s28 =	rddreg [dreg:$0x10];
	[sflag:s26] =	ssyncadd.s32 @p0 $0xFFFFE000  }
0x45: {  	[spmem:s28] =	stream.linear.scatter @p0 [tilespmem:s25], [sflag:$0x9], $0x2000, $0x38;
	[tilespmem:$0x1E480] =	vst v63  }
0x46: {  	_ =	swait.ge @p0 [sflag:s26], $0x2000  }
0x47: {  	[sflag:s26] =	ssyncset.done @p0 $0x0  }
0x48: {  	s28 =	rddreg [dreg:$0x11];
	[sflag:s26] =	ssyncadd.s32 @p0 $0xFFFFE000  }
0x49: {  	[spmem:s28] =	stream.linear.scatter @p0 [tilespmem:s25], [sflag:$0x9], $0x2000, $0x38;
	[tilespmem:$0x1E480] =	vst v63  }
0x4a: {  	_ =	swait.ge @p0 [sflag:s26], $0x2000  }
0x4b: {  	[sflag:s26] =	ssyncset.done @p0 $0x0  }
0x4c: {  	s28 =	rddreg [dreg:$0x12];
	[sflag:s26] =	ssyncadd.s32 @p0 $0xFFFFE000  }
0x4d: {  	[spmem:s28] =	stream.linear.scatter @p0 [tilespmem:s25], [sflag:$0x9], $0x2000, $0x38;
	[tilespmem:$0x1E480] =	vst v63  }
0x4e: {  	_ =	swait.ge @p0 [sflag:s26], $0x2000  }
0x4f: {  	[sflag:s26] =	ssyncset.done @p0 $0x0  }
0x50: {  	s28 =	rddreg [dreg:$0x14];
	[sflag:s26] =	ssyncadd.s32 @p0 $0xFFFFE000  }
0x51: {  	[spmem:s28] =	stream.linear.scatter @p0 [tilespmem:s25], [sflag:$0x9], $0x2000, $0x38;
	[tilespmem:$0x1E480] =	vst v63  }
0x52: {  	_ =	swait.ge @p0 [sflag:s26], $0x2000  }
0x53: {  	[sflag:s26] =	ssyncset.done @p0 $0x0  }
0x54: {  	s28 =	rddreg [dreg:$0x17];
	[sflag:s26] =	ssyncadd.s32 @p0 $0xFFFFE000  }
0x55: {  	[spmem:s28] =	stream.linear.scatter @p0 [tilespmem:s25], [sflag:$0x9], $0x2000, $0x38;
	[tilespmem:$0x1E480] =	vst v63  }
0x56: {  	_ =	swait.ge @p0 [sflag:s26], $0x2000  }
0x57: {  	[sflag:s26] =	ssyncset.done @p0 $0x0  }
0x58: {  	s28 =	rddreg [dreg:$0x18];
	[sflag:s26] =	ssyncadd.s32 @p0 $0xFFFFE000  }
0x59: {  	[spmem:s28] =	stream.linear.scatter @p0 [tilespmem:s25], [sflag:$0x9], $0x2000, $0x38;
	[tilespmem:$0x1E480] =	vst v63  }
0x5a: {  	_ =	swait.ge @p0 [sflag:s26], $0x2000  }
0x5b: {  	[sflag:s26] =	ssyncset.done @p0 $0x0  }
0x5c: {  	s28 =	rddreg [dreg:$0x19];
	[sflag:s26] =	ssyncadd.s32 @p0 $0xFFFFE000  }
0x5d: {  	[spmem:s28] =	stream.linear.scatter @p0 [tilespmem:s25], [sflag:$0x9], $0x2000, $0x38;
	[tilespmem:$0x1E480] =	vst v63  }
0x5e: {  	_ =	swait.ge @p0 [sflag:s26], $0x2000  }
0x5f: {  	[sflag:s26] =	ssyncset.done @p0 $0x0  }
0x60: {  	s25 =	simm.s32 @!p0 $0x2C00;
	[sflag:s26] =	ssyncadd.s32 @p0 $0xFFFFE000;
	s26 =	simm.s32 @!p0 $0x9  }
0x61: {  	[spmem:s5] =	stream.linear.scatter @!p0 [tilespmem:s25], [sflag:$0x9], $0x2000, $0x38;
	[tilespmem:$0x1E480] =	vst v63  }
0x62: {  	_ =	swait.ge @!p0 [sflag:s26], $0x2000  }
0x63: {  	[sflag:s26] =	ssyncset.done @!p0 $0x0  }
0x64: {  	s28 =	rddreg [dreg:$0x4];
	[sflag:s26] =	ssyncadd.s32 @!p0 $0xFFFFE000  }
0x65: {  	[spmem:s28] =	stream.linear.scatter @!p0 [tilespmem:s25], [sflag:$0x9], $0x2000, $0x38;
	[tilespmem:$0x1E480] =	vst v63  }
0x66: {  	_ =	swait.ge @!p0 [sflag:s26], $0x2000  }
0x67: {  	[sflag:s26] =	ssyncset.done @!p0 $0x0  }
0x68: {  	s28 =	rddreg [dreg:$0x5];
	[sflag:s26] =	ssyncadd.s32 @!p0 $0xFFFFE000  }
0x69: {  	[spmem:s28] =	stream.linear.scatter @!p0 [tilespmem:s25], [sflag:$0x9], $0x2000, $0x38;
	[tilespmem:$0x1E480] =	vst v63  }
0x6a: {  	_ =	swait.ge @!p0 [sflag:s26], $0x2000  }
0x6b: {  	[sflag:s26] =	ssyncset.done @!p0 $0x0  }
0x6c: {  	s28 =	rddreg [dreg:$0x6];
	[sflag:s26] =	ssyncadd.s32 @!p0 $0xFFFFE000  }
0x6d: {  	[spmem:s28] =	stream.linear.scatter @!p0 [tilespmem:s25], [sflag:$0x9], $0x2000, $0x38;
	[tilespmem:$0x1E480] =	vst v63  }
0x6e: {  	_ =	swait.ge @!p0 [sflag:s26], $0x2000  }
0x6f: {  	[sflag:s26] =	ssyncset.done @!p0 $0x0  }
0x70: {  	s28 =	rddreg [dreg:$0x7];
	[sflag:s26] =	ssyncadd.s32 @!p0 $0xFFFFE000  }
0x71: {  	[spmem:s28] =	stream.linear.scatter @!p0 [tilespmem:s25], [sflag:$0x9], $0x2000, $0x38;
	[tilespmem:$0x1E480] =	vst v63  }
0x72: {  	_ =	swait.ge @!p0 [sflag:s26], $0x2000  }
0x73: {  	[sflag:s26] =	ssyncset.done @!p0 $0x0  }
0x74: {  	s28 =	rddreg [dreg:$0x8];
	[sflag:s26] =	ssyncadd.s32 @!p0 $0xFFFFE000  }
0x75: {  	[spmem:s28] =	stream.linear.scatter @!p0 [tilespmem:s25], [sflag:$0x9], $0x2000, $0x38;
	[tilespmem:$0x1E480] =	vst v63  }
0x76: {  	_ =	swait.ge @!p0 [sflag:s26], $0x2000  }
0x77: {  	[sflag:s26] =	ssyncset.done @!p0 $0x0  }
0x78: {  	s28 =	rddreg [dreg:$0x9];
	[sflag:s26] =	ssyncadd.s32 @!p0 $0xFFFFE000  }
0x79: {  	[spmem:s28] =	stream.linear.scatter @!p0 [tilespmem:s25], [sflag:$0x9], $0x2000, $0x38;
	[tilespmem:$0x1E480] =	vst v63  }
0x7a: {  	_ =	swait.ge @!p0 [sflag:s26], $0x2000  }
0x7b: {  	[sflag:s26] =	ssyncset.done @!p0 $0x0  }
0x7c: {  	s28 =	rddreg [dreg:$0xa];
	[sflag:s26] =	ssyncadd.s32 @!p0 $0xFFFFE000  }
0x7d: {  	[spmem:s28] =	stream.linear.scatter @!p0 [tilespmem:s25], [sflag:$0x9], $0x2000, $0x38;
	[tilespmem:$0x1E480] =	vst v63  }
0x7e: {  	_ =	swait.ge @!p0 [sflag:s26], $0x2000  }
0x7f: {  	[sflag:s26] =	ssyncset.done @!p0 $0x0  }
0x80: {  	s28 =	rddreg [dreg:$0xb];
	[sflag:s26] =	ssyncadd.s32 @!p0 $0xFFFFE000  }
0x81: {  	[spmem:s28] =	stream.linear.scatter @!p0 [tilespmem:s25], [sflag:$0x9], $0x2000, $0x38;
	[tilespmem:$0x1E480] =	vst v63  }
0x82: {  	_ =	swait.ge @!p0 [sflag:s26], $0x2000  }
0x83: {  	[sflag:s26] =	ssyncset.done @!p0 $0x0  }
0x84: {  	s28 =	rddreg [dreg:$0xc];
	[sflag:s26] =	ssyncadd.s32 @!p0 $0xFFFFE000  }
0x85: {  	[spmem:s28] =	stream.linear.scatter @!p0 [tilespmem:s25], [sflag:$0x9], $0x1800, $0x38;
	[tilespmem:$0x1E480] =	vst v63  }
0x86: {  	_ =	swait.ge @!p0 [sflag:s26], $0x1800  }
0x87: {  	[sflag:s26] =	ssyncset.done @!p0 $0x0  }
0x88: {  	[sflag:s26] =	ssyncadd.s32 @!p0 $0xFFFFE800  }
0x89: {  	[bflag:$0x0] =	sbarrier.arrive $0xFFFF  }
0x8a: {  	v1 =	vld [tilespmem:$0x0];
	_ =	sdelay $0x1  }
0x8b: {  	v2 =	vld [tilespmem:$0x10];
	_ =	sdelay $0x1  }
0x8c: {  	v3 =	vld [tilespmem:$0x20]  }
0x8d: {  	v4 =	vand.u32 $0xFFFF, v1  }
0x8e: {  	v57 =	vld [tilespmem:$0x30];
	v1 =	vshrl.u32 v1, $0x10;
	[tilespmem:$0x2800] =	vst v4  }
0x8f: {  	[tilespmem:$0x2A00] =	vst v1;
	v1 =	vand.u32 $0xFFFF, v2  }
0x90: {  	[tilespmem:$0x2810] =	vst v1;
	v1 =	vshrl.u32 v2, $0x10  }
0x91: {  	[tilespmem:$0x2A10] =	vst v1;
	v1 =	vand.u32 $0xFFFF, v3  }
0x92: {  	[tilespmem:$0x2820] =	vst v1;
	v1 =	vshrl.u32 v3, $0x10  }
0x93: {  	[tilespmem:$0x2A20] =	vst v1;
	v1 =	vand.u32 $0xFFFF, v57  }
0x94: {  	[tilespmem:$0x2830] =	vst v1;
	v1 =	vshrl.u32 v57, $0x10  }
0x95: {  	[tilespmem:$0x2A30] =	vst v1  }
0x96: {  	[tilespmem:s31], [sflag:$0x1] =	stream.indirect.gather [hbm4b:s4+s2], $0x80, s30, s2, $0xb8;
	[tilespmem:$0x1E480] =	vst v63  }
0x97: {  	v1 =	vld [tilespmem:$0x40];
	_ =	sdelay $0x1  }
0x98: {  	v2 =	vld [tilespmem:$0x50];
	_ =	sdelay $0x1  }
0x99: {  	v3 =	vld [tilespmem:$0x60]  }
0x9a: {  	v58 =	vand.u32 $0xFFFF, v1  }
0x9b: {  	v59 =	vld [tilespmem:$0x70];
	v1 =	vshrl.u32 v1, $0x10;
	[tilespmem:$0x2880] =	vst v58  }
0x9c: {  	[tilespmem:$0x2A80] =	vst v1;
	v1 =	vand.u32 $0xFFFF, v2  }
0x9d: {  	[tilespmem:$0x2890] =	vst v1;
	v1 =	vshrl.u32 v2, $0x10  }
0x9e: {  	[tilespmem:$0x2A90] =	vst v1;
	v1 =	vand.u32 $0xFFFF, v3  }
0x9f: {  	[tilespmem:$0x28A0] =	vst v1;
	v1 =	vshrl.u32 v3, $0x10  }
0xa0: {  	[tilespmem:$0x2AA0] =	vst v1;
	v1 =	vand.u32 $0xFFFF, v59  }
0xa1: {  	[tilespmem:$0x28B0] =	vst v1;
	v1 =	vshrl.u32 v59, $0x10  }
0xa2: {  	[tilespmem:$0x2AB0] =	vst v1  }
0xa3: {  	[tilespmem:s6], [sflag:$0x2] =	stream.indirect.gather [hbm4b:s4+s2], $0x80, s3, s2, $0xb8;
	[tilespmem:$0x1E480] =	vst v63  }
0xa4: {  	_ =	swait.ge [sflag:s7], $0x2000  }
0xa5: {  	[sflag:s7] =	ssyncset.done $0x0  }
0xa6: {  	[sflag:s7] =	ssyncadd.s32 $0xFFFFE000  }
0xa7: {  	[spmem:s1] =	stream.indirect.scatter.add.f32 [tilespmem:s31], [sflag:$0x5], $0x80, s8, s2, $0xb8;
	[tilespmem:$0x1E480] =	vst v63  }
0xa8: {  	v1 =	vld [tilespmem:$0x80];
	_ =	sdelay $0x1  }
0xa9: {  	v2 =	vld [tilespmem:$0x90];
	_ =	sdelay $0x1  }
0xaa: {  	v3 =	vld [tilespmem:$0xA0]  }
0xab: {  	v60 =	vand.u32 $0xFFFF, v1  }
0xac: {  	v61 =	vld [tilespmem:$0xB0];
	v1 =	vshrl.u32 v1, $0x10;
	[tilespmem:$0x2900] =	vst v60  }
0xad: {  	[tilespmem:$0x2B00] =	vst v1;
	v1 =	vand.u32 $0xFFFF, v2  }
0xae: {  	[tilespmem:$0x2910] =	vst v1;
	v1 =	vshrl.u32 v2, $0x10  }
0xaf: {  	[tilespmem:$0x2B10] =	vst v1;
	v1 =	vand.u32 $0xFFFF, v3  }
0xb0: {  	[tilespmem:$0x2920] =	vst v1;
	v1 =	vshrl.u32 v3, $0x10  }
0xb1: {  	[tilespmem:$0x2B20] =	vst v1;
	v1 =	vand.u32 $0xFFFF, v61  }
0xb2: {  	[tilespmem:$0x2930] =	vst v1;
	v1 =	vshrl.u32 v61, $0x10  }
0xb3: {  	[tilespmem:$0x2B30] =	vst v1  }
0xb4: {  	[tilespmem:s10], [sflag:$0x3] =	stream.indirect.gather [hbm4b:s4+s2], $0x80, s9, s2, $0xb8;
	[tilespmem:$0x1E480] =	vst v63  }
0xb5: {  	_ =	swait.ge [sflag:s11], $0x2000  }
0xb6: {  	[sflag:s11] =	ssyncset.done $0x0  }
0xb7: {  	[sflag:s11] =	ssyncadd.s32 $0xFFFFE000  }
0xb8: {  	[spmem:s1] =	stream.indirect.scatter.add.f32 [tilespmem:s6], [sflag:$0x6], $0x80, s12, s2, $0xb8;
	[tilespmem:$0x1E480] =	vst v63  }
0xb9: {  	v1 =	vld [tilespmem:$0xC0];
	_ =	sdelay $0x1  }
0xba: {  	v2 =	vld [tilespmem:$0xD0];
	_ =	sdelay $0x1  }
0xbb: {  	v3 =	vld [tilespmem:$0xE0]  }
0xbc: {  	v62 =	vand.u32 $0xFFFF, v1  }
0xbd: {  	v63 =	vld [tilespmem:$0xF0];
	v1 =	vshrl.u32 v1, $0x10;
	[tilespmem:$0x2980] =	vst v62  }
0xbe: {  	[tilespmem:$0x2B80] =	vst v1;
	v1 =	vand.u32 $0xFFFF, v2  }
0xbf: {  	[tilespmem:$0x2990] =	vst v1;
	v1 =	vshrl.u32 v2, $0x10  }
0xc0: {  	[tilespmem:$0x2B90] =	vst v1;
	v1 =	vand.u32 $0xFFFF, v3  }
0xc1: {  	[tilespmem:$0x29A0] =	vst v1;
	v1 =	vshrl.u32 v3, $0x10  }
0xc2: {  	[tilespmem:$0x2BA0] =	vst v1;
	v1 =	vand.u32 $0xFFFF, v63  }
0xc3: {  	[tilespmem:$0x29B0] =	vst v1;
	v1 =	vshrl.u32 v63, $0x10  }
0xc4: {  	[tilespmem:$0x2BB0] =	vst v1  }
0xc5: {  	[tilespmem:s15], [sflag:$0x4] =	stream.indirect.gather [hbm4b:s4+s2], $0x80, s13, s2, $0xb8;
	[tilespmem:$0x1E480] =	vst v63  }
0xc6: {  	_ =	swait.ge [sflag:s16], $0x2000  }
0xc7: {  	[sflag:s16] =	ssyncset.done $0x0  }
0xc8: {  	[sflag:s16] =	ssyncadd.s32 $0xFFFFE000  }
0xc9: {  	[spmem:s1] =	stream.indirect.scatter.add.f32 [tilespmem:s10], [sflag:$0x7], $0x80, s17, s2, $0xb8;
	[tilespmem:$0x1E480] =	vst v63  }
0xca: {  	_ =	swait.ge [sflag:s18], $0x2000  }
0xcb: {  	[sflag:s18] =	ssyncset.done $0x0  }
0xcc: {  	s25 =	simm.s32 $0x1F0;
	[sflag:s18] =	ssyncadd.s32 $0xFFFFE000  }
0xcd: {  	v1 =	vld [tilespmem:s25+$0xFFFFFF10];
	_ =	sdelay $0x4  }
0xce: {  	v2 =	vand.u32 $0xFFFF, v1  }
0xcf: {  	v1 =	vshrl.u32 v1, $0x10;
	[tilespmem:$0x2800] =	vst v2  }
0xd0: {  	[tilespmem:$0x2A00] =	vst v1  }
0xd1: {  	v1 =	vld [tilespmem:s25+$0xFFFFFF20];
	_ =	sdelay $0x4  }
0xd2: {  	v2 =	vand.u32 $0xFFFF, v1  }
0xd3: {  	v1 =	vshrl.u32 v1, $0x10;
	[tilespmem:$0x2810] =	vst v2  }
0xd4: {  	[tilespmem:$0x2A10] =	vst v1  }
0xd5: {  	v1 =	vld [tilespmem:s25+$0xFFFFFF30];
	_ =	sdelay $0x4  }
0xd6: {  	v2 =	vand.u32 $0xFFFF, v1  }
0xd7: {  	v1 =	vshrl.u32 v1, $0x10;
	[tilespmem:$0x2820] =	vst v2  }
0xd8: {  	[tilespmem:$0x2A20] =	vst v1  }
0xd9: {  	v1 =	vld [tilespmem:s25+$0xFFFFFF40];
	_ =	sdelay $0x4  }
0xda: {  	v2 =	vand.u32 $0xFFFF, v1  }
0xdb: {  	v1 =	vshrl.u32 v1, $0x10;
	[tilespmem:$0x2830] =	vst v2  }
0xdc: {  	[tilespmem:$0x2A30] =	vst v1  }
0xdd: {  	[tilespmem:s31], [sflag:$0x1] =	stream.indirect.gather [hbm4b:s4+s2], $0x80, s30, s2, $0xb8;
	[tilespmem:$0x1E480] =	vst v63  }
0xde: {  	_ =	swait.ge [sflag:s19], $0x2000  }
0xdf: {  	[sflag:s19] =	ssyncset.done $0x0  }
0xe0: {  	[sflag:s19] =	ssyncadd.s32 $0xFFFFE000  }
0xe1: {  	[spmem:s1] =	stream.indirect.scatter.add.f32 [tilespmem:s15], [sflag:$0x8], $0x80, s20, s2, $0xb8;
	[tilespmem:$0x1E480] =	vst v63  }
0xe2: {  	_ =	swait.ge [sflag:s21], $0x2000  }
0xe3: {  	[sflag:s21] =	ssyncset.done $0x0  }
0xe4: {  	[sflag:s21] =	ssyncadd.s32 $0xFFFFE000  }
0xe5: {  	v1 =	vld [tilespmem:s25+$0xFFFFFF50];
	_ =	sdelay $0x4  }
0xe6: {  	v2 =	vand.u32 $0xFFFF, v1  }
0xe7: {  	v1 =	vshrl.u32 v1, $0x10;
	[tilespmem:$0x2880] =	vst v2  }
0xe8: {  	[tilespmem:$0x2A80] =	vst v1  }
0xe9: {  	v1 =	vld [tilespmem:s25+$0xFFFFFF60];
	_ =	sdelay $0x4  }
0xea: {  	v2 =	vand.u32 $0xFFFF, v1  }
0xeb: {  	v1 =	vshrl.u32 v1, $0x10;
	[tilespmem:$0x2890] =	vst v2  }
0xec: {  	[tilespmem:$0x2A90] =	vst v1  }
0xed: {  	v1 =	vld [tilespmem:s25+$0xFFFFFF70];
	_ =	sdelay $0x4  }
0xee: {  	v2 =	vand.u32 $0xFFFF, v1  }
0xef: {  	v1 =	vshrl.u32 v1, $0x10;
	[tilespmem:$0x28A0] =	vst v2  }
0xf0: {  	[tilespmem:$0x2AA0] =	vst v1  }
0xf1: {  	v1 =	vld [tilespmem:s25+$0xFFFFFF80];
	_ =	sdelay $0x4  }
0xf2: {  	v2 =	vand.u32 $0xFFFF, v1  }
0xf3: {  	v1 =	vshrl.u32 v1, $0x10;
	[tilespmem:$0x28B0] =	vst v2  }
0xf4: {  	[tilespmem:$0x2AB0] =	vst v1  }
0xf5: {  	[tilespmem:s6], [sflag:$0x2] =	stream.indirect.gather [hbm4b:s4+s2], $0x80, s3, s2, $0xb8;
	[tilespmem:$0x1E480] =	vst v63  }
0xf6: {  	_ =	swait.ge [sflag:s7], $0x2000  }
0xf7: {  	[sflag:s7] =	ssyncset.done $0x0  }
0xf8: {  	[sflag:s7] =	ssyncadd.s32 $0xFFFFE000  }
0xf9: {  	[spmem:s1] =	stream.indirect.scatter.add.f32 [tilespmem:s31], [sflag:$0x5], $0x80, s8, s2, $0xb8;
	[tilespmem:$0x1E480] =	vst v63  }
0xfa: {  	_ =	swait.ge [sflag:s22], $0x2000  }
0xfb: {  	[sflag:s22] =	ssyncset.done $0x0  }
0xfc: {  	[sflag:s22] =	ssyncadd.s32 $0xFFFFE000  }
0xfd: {  	v1 =	vld [tilespmem:s25+$0xFFFFFF90];
	_ =	sdelay $0x4  }
0xfe: {  	v2 =	vand.u32 $0xFFFF, v1  }
0xff: {  	v1 =	vshrl.u32 v1, $0x10;
	[tilespmem:$0x2900] =	vst v2  }
0x100: {  	[tilespmem:$0x2B00] =	vst v1  }
0x101: {  	v1 =	vld [tilespmem:s25+$0xFFFFFFA0];
	_ =	sdelay $0x4  }
0x102: {  	v2 =	vand.u32 $0xFFFF, v1  }
0x103: {  	v1 =	vshrl.u32 v1, $0x10;
	[tilespmem:$0x2910] =	vst v2  }
0x104: {  	[tilespmem:$0x2B10] =	vst v1  }
0x105: {  	v1 =	vld [tilespmem:s25+$0xFFFFFFB0];
	_ =	sdelay $0x4  }
0x106: {  	v2 =	vand.u32 $0xFFFF, v1  }
0x107: {  	v1 =	vshrl.u32 v1, $0x10;
	[tilespmem:$0x2920] =	vst v2  }
0x108: {  	[tilespmem:$0x2B20] =	vst v1  }
0x109: {  	v1 =	vld [tilespmem:s25+$0xFFFFFFC0];
	_ =	sdelay $0x4  }
0x10a: {  	v2 =	vand.u32 $0xFFFF, v1  }
0x10b: {  	v1 =	vshrl.u32 v1, $0x10;
	[tilespmem:$0x2930] =	vst v2  }
0x10c: {  	[tilespmem:$0x2B30] =	vst v1  }
0x10d: {  	[tilespmem:s10], [sflag:$0x3] =	stream.indirect.gather [hbm4b:s4+s2], $0x80, s9, s2, $0xb8;
	[tilespmem:$0x1E480] =	vst v63  }
0x10e: {  	_ =	swait.ge [sflag:s11], $0x2000  }
0x10f: {  	[sflag:s11] =	ssyncset.done $0x0  }
0x110: {  	[sflag:s11] =	ssyncadd.s32 $0xFFFFE000  }
0x111: {  	[spmem:s1] =	stream.indirect.scatter.add.f32 [tilespmem:s6], [sflag:$0x6], $0x80, s12, s2, $0xb8;
	[tilespmem:$0x1E480] =	vst v63  }
0x112: {  	_ =	swait.ge [sflag:s23], $0x2000  }
0x113: {  	[sflag:s23] =	ssyncset.done $0x0  }
0x114: {  	[sflag:s23] =	ssyncadd.s32 $0xFFFFE000  }
0x115: {  	v1 =	vld [tilespmem:s25+$0xFFFFFFD0];
	_ =	sdelay $0x4  }
0x116: {  	v2 =	vand.u32 $0xFFFF, v1  }
0x117: {  	v1 =	vshrl.u32 v1, $0x10;
	[tilespmem:$0x2980] =	vst v2  }
0x118: {  	[tilespmem:$0x2B80] =	vst v1  }
0x119: {  	v1 =	vld [tilespmem:s25+$0xFFFFFFE0];
	_ =	sdelay $0x4  }
0x11a: {  	v2 =	vand.u32 $0xFFFF, v1  }
0x11b: {  	v1 =	vshrl.u32 v1, $0x10;
	[tilespmem:$0x2990] =	vst v2  }
0x11c: {  	[tilespmem:$0x2B90] =	vst v1  }
0x11d: {  	s26 =	simm.s32 $0xBC0;
	v1 =	vld [tilespmem:s25+$0xFFFFFFF0]  }
.LBB2_4:
0x11e: {  	_ =	sdelay $0x2  }
0x11f: {  	p1 =	sne.s32 s26, $0x9FC0;
	s28 =	smov.u32 s26;
	s26 =	sadd.s32 $0x400, s26  }
0x120: {  	v2 =	vand.u32 $0xFFFF, v1;
	v1 =	vshrl.u32 v1, $0x10  }
0x121: {  	[tilespmem:$0x29A0] =	vst v2  }
0x122: {  	[tilespmem:$0x2BA0] =	vst v1  }
0x123: {  	v1 =	vld [tilespmem:s25+$0x0];
	_ =	sdelay $0x4  }
0x124: {  	v2 =	vand.u32 $0xFFFF, v1;
	v1 =	vshrl.u32 v1, $0x10  }
0x125: {  	[tilespmem:$0x29B0] =	vst v2  }
0x126: {  	[tilespmem:$0x2BB0] =	vst v1  }
0x127: {  	[tilespmem:s15], [sflag:$0x4] =	stream.indirect.gather [hbm4b:s4+s2], $0x80, s13, s2, $0xb8;
	[tilespmem:$0x1E480] =	vst v63  }
0x128: {  	_ =	swait.ge [sflag:s16], $0x2000  }
0x129: {  	[sflag:s16] =	ssyncset.done $0x0  }
0x12a: {  	[sflag:s16] =	ssyncadd.s32 $0xFFFFE000  }
0x12b: {  	[spmem:s1] =	stream.indirect.scatter.add.f32 [tilespmem:s10], [sflag:$0x7], $0x80, s17, s2, $0xb8;
	[tilespmem:$0x1E480] =	vst v63  }
0x12c: {  	_ =	swait.ge [sflag:s18], $0x2000  }
0x12d: {  	[sflag:s18] =	ssyncset.done $0x0  }
0x12e: {  	s25 =	sshra.s32 s28, $0x2;
	[sflag:s18] =	ssyncadd.s32 $0xFFFFE000  }
0x12f: {  	v1 =	vld [tilespmem:s25+$0xFFFFFF10];
	_ =	sdelay $0x4  }
0x130: {  	v2 =	vand.u32 $0xFFFF, v1;
	v1 =	vshrl.u32 v1, $0x10  }
0x131: {  	[tilespmem:$0x2800] =	vst v2  }
0x132: {  	[tilespmem:$0x2A00] =	vst v1  }
0x133: {  	v1 =	vld [tilespmem:s25+$0xFFFFFF20];
	_ =	sdelay $0x4  }
0x134: {  	v2 =	vand.u32 $0xFFFF, v1;
	v1 =	vshrl.u32 v1, $0x10  }
0x135: {  	[tilespmem:$0x2810] =	vst v2  }
0x136: {  	[tilespmem:$0x2A10] =	vst v1  }
0x137: {  	v1 =	vld [tilespmem:s25+$0xFFFFFF30];
	_ =	sdelay $0x4  }
0x138: {  	v2 =	vand.u32 $0xFFFF, v1;
	v1 =	vshrl.u32 v1, $0x10  }
0x139: {  	[tilespmem:$0x2820] =	vst v2  }
0x13a: {  	[tilespmem:$0x2A20] =	vst v1  }
0x13b: {  	v1 =	vld [tilespmem:s25+$0xFFFFFF40];
	_ =	sdelay $0x4  }
0x13c: {  	v2 =	vand.u32 $0xFFFF, v1;
	v1 =	vshrl.u32 v1, $0x10  }
0x13d: {  	[tilespmem:$0x2830] =	vst v2  }
0x13e: {  	[tilespmem:$0x2A30] =	vst v1  }
0x13f: {  	[tilespmem:s31], [sflag:$0x1] =	stream.indirect.gather [hbm4b:s4+s2], $0x80, s30, s2, $0xb8;
	[tilespmem:$0x1E480] =	vst v63  }
0x140: {  	_ =	swait.ge [sflag:s19], $0x2000  }
0x141: {  	[sflag:s19] =	ssyncset.done $0x0  }
0x142: {  	[sflag:s19] =	ssyncadd.s32 $0xFFFFE000  }
0x143: {  	[spmem:s1] =	stream.indirect.scatter.add.f32 [tilespmem:s15], [sflag:$0x8], $0x80, s20, s2, $0xb8;
	[tilespmem:$0x1E480] =	vst v63  }
0x144: {  	_ =	swait.ge [sflag:s21], $0x2000  }
0x145: {  	[sflag:s21] =	ssyncset.done $0x0  }
0x146: {  	[sflag:s21] =	ssyncadd.s32 $0xFFFFE000  }
0x147: {  	v1 =	vld [tilespmem:s25+$0xFFFFFF50];
	_ =	sdelay $0x4  }
0x148: {  	v2 =	vand.u32 $0xFFFF, v1;
	v1 =	vshrl.u32 v1, $0x10  }
0x149: {  	[tilespmem:$0x2880] =	vst v2  }
0x14a: {  	[tilespmem:$0x2A80] =	vst v1  }
0x14b: {  	v1 =	vld [tilespmem:s25+$0xFFFFFF60];
	_ =	sdelay $0x4  }
0x14c: {  	v2 =	vand.u32 $0xFFFF, v1;
	v1 =	vshrl.u32 v1, $0x10  }
0x14d: {  	[tilespmem:$0x2890] =	vst v2  }
0x14e: {  	[tilespmem:$0x2A90] =	vst v1  }
0x14f: {  	v1 =	vld [tilespmem:s25+$0xFFFFFF70];
	_ =	sdelay $0x4  }
0x150: {  	v2 =	vand.u32 $0xFFFF, v1;
	v1 =	vshrl.u32 v1, $0x10  }
0x151: {  	[tilespmem:$0x28A0] =	vst v2  }
0x152: {  	[tilespmem:$0x2AA0] =	vst v1  }
0x153: {  	v1 =	vld [tilespmem:s25+$0xFFFFFF80];
	_ =	sdelay $0x4  }
0x154: {  	v2 =	vand.u32 $0xFFFF, v1;
	v1 =	vshrl.u32 v1, $0x10  }
0x155: {  	[tilespmem:$0x28B0] =	vst v2  }
0x156: {  	[tilespmem:$0x2AB0] =	vst v1  }
0x157: {  	[tilespmem:s6], [sflag:$0x2] =	stream.indirect.gather [hbm4b:s4+s2], $0x80, s3, s2, $0xb8;
	[tilespmem:$0x1E480] =	vst v63  }
0x158: {  	_ =	swait.ge [sflag:s7], $0x2000  }
0x159: {  	[sflag:s7] =	ssyncset.done $0x0  }
0x15a: {  	[sflag:s7] =	ssyncadd.s32 $0xFFFFE000  }
0x15b: {  	[spmem:s1] =	stream.indirect.scatter.add.f32 [tilespmem:s31], [sflag:$0x5], $0x80, s8, s2, $0xb8;
	[tilespmem:$0x1E480] =	vst v63  }
0x15c: {  	_ =	swait.ge [sflag:s22], $0x2000  }
0x15d: {  	[sflag:s22] =	ssyncset.done $0x0  }
0x15e: {  	[sflag:s22] =	ssyncadd.s32 $0xFFFFE000  }
0x15f: {  	v1 =	vld [tilespmem:s25+$0xFFFFFF90];
	_ =	sdelay $0x4  }
0x160: {  	v2 =	vand.u32 $0xFFFF, v1;
	v1 =	vshrl.u32 v1, $0x10  }
0x161: {  	[tilespmem:$0x2900] =	vst v2  }
0x162: {  	[tilespmem:$0x2B00] =	vst v1  }
0x163: {  	v1 =	vld [tilespmem:s25+$0xFFFFFFA0];
	_ =	sdelay $0x4  }
0x164: {  	v2 =	vand.u32 $0xFFFF, v1;
	v1 =	vshrl.u32 v1, $0x10  }
0x165: {  	[tilespmem:$0x2910] =	vst v2  }
0x166: {  	[tilespmem:$0x2B10] =	vst v1  }
0x167: {  	v1 =	vld [tilespmem:s25+$0xFFFFFFB0];
	_ =	sdelay $0x4  }
0x168: {  	v2 =	vand.u32 $0xFFFF, v1;
	v1 =	vshrl.u32 v1, $0x10  }
0x169: {  	[tilespmem:$0x2920] =	vst v2  }
0x16a: {  	[tilespmem:$0x2B20] =	vst v1  }
0x16b: {  	v1 =	vld [tilespmem:s25+$0xFFFFFFC0];
	_ =	sdelay $0x4  }
0x16c: {  	v2 =	vand.u32 $0xFFFF, v1;
	v1 =	vshrl.u32 v1, $0x10  }
0x16d: {  	[tilespmem:$0x2930] =	vst v2  }
0x16e: {  	[tilespmem:$0x2B30] =	vst v1  }
0x16f: {  	[tilespmem:s10], [sflag:$0x3] =	stream.indirect.gather [hbm4b:s4+s2], $0x80, s9, s2, $0xb8;
	[tilespmem:$0x1E480] =	vst v63  }
0x170: {  	_ =	swait.ge [sflag:s11], $0x2000  }
0x171: {  	[sflag:s11] =	ssyncset.done $0x0  }
0x172: {  	[sflag:s11] =	ssyncadd.s32 $0xFFFFE000  }
0x173: {  	[spmem:s1] =	stream.indirect.scatter.add.f32 [tilespmem:s6], [sflag:$0x6], $0x80, s12, s2, $0xb8;
	[tilespmem:$0x1E480] =	vst v63  }
0x174: {  	_ =	swait.ge [sflag:s23], $0x2000  }
0x175: {  	[sflag:s23] =	ssyncset.done $0x0  }
0x176: {  	[sflag:s23] =	ssyncadd.s32 $0xFFFFE000  }
0x177: {  	v1 =	vld [tilespmem:s25+$0xFFFFFFD0];
	_ =	sdelay $0x4  }
0x178: {  	v2 =	vand.u32 $0xFFFF, v1;
	v1 =	vshrl.u32 v1, $0x10  }
0x179: {  	[tilespmem:$0x2980] =	vst v2  }
0x17a: {  	[tilespmem:$0x2B80] =	vst v1  }
0x17b: {  	v1 =	vld [tilespmem:s25+$0xFFFFFFE0];
	_ =	sdelay $0x3  }
.Ltmp1:
0x17c: {  	(pc) =	sbr.rel @p1 .LBB2_4-.Ltmp1, $4  }
0x17d: {  	v2 =	vand.u32 $0xFFFF, v1;
	v1 =	vshrl.u32 v1, $0x10  }
0x17e: {  	[tilespmem:$0x2990] =	vst v2  }
0x17f: {  	[tilespmem:$0x2B90] =	vst v1  }
0x180: {  	v1 =	vld [tilespmem:s25+$0xFFFFFFF0]  }
0x181: {  	_ =	sdelay $0x3  }
0x182: {  	v2 =	vand.u32 $0xFFFF, v1  }
0x183: {  	v1 =	vshrl.u32 v1, $0x10;
	[tilespmem:$0x29A0] =	vst v2  }
0x184: {  	[tilespmem:$0x2BA0] =	vst v1  }
0x185: {  	v1 =	vld [tilespmem:s25+$0x0];
	_ =	sdelay $0x4  }
0x186: {  	v2 =	vand.u32 $0xFFFF, v1  }
0x187: {  	v1 =	vshrl.u32 v1, $0x10;
	[tilespmem:$0x29B0] =	vst v2  }
0x188: {  	[tilespmem:$0x2BB0] =	vst v1  }
0x189: {  	[tilespmem:s15], [sflag:$0x4] =	stream.indirect.gather [hbm4b:s4+s2], $0x80, s13, s2, $0xb8;
	[tilespmem:$0x1E480] =	vst v63  }
0x18a: {  	_ =	swait.ge [sflag:s16], $0x2000  }
0x18b: {  	[sflag:s16] =	ssyncset.done $0x0  }
0x18c: {  	[sflag:s16] =	ssyncadd.s32 $0xFFFFE000  }
0x18d: {  	[spmem:s1] =	stream.indirect.scatter.add.f32 [tilespmem:s10], [sflag:$0x7], $0x80, s17, s2, $0xb8;
	[tilespmem:$0x1E480] =	vst v63  }
0x18e: {  	_ =	swait.ge [sflag:s19], $0x2000  }
0x18f: {  	[sflag:s19] =	ssyncset.done $0x0  }
0x190: {  	[sflag:s19] =	ssyncadd.s32 $0xFFFFE000  }
0x191: {  	[spmem:s1] =	stream.indirect.scatter.add.f32 [tilespmem:s15], [sflag:$0x8], $0x80, s20, s2, $0xb8;
	[tilespmem:$0x1E480] =	vst v63  }
0x192: {  	_ =	swait.ge [sflag:s18], $0x2000  }
0x193: {  	[sflag:s18] =	ssyncset.done $0x0  }
0x194: {  	[sflag:s18] =	ssyncadd.s32 $0xFFFFE000  }
0x195: {  	_ =	swait.ge [sflag:s21], $0x2000  }
0x196: {  	[sflag:s21] =	ssyncset.done $0x0  }
0x197: {  	[sflag:s21] =	ssyncadd.s32 $0xFFFFE000  }
0x198: {  	_ =	swait.ge [sflag:s22], $0x2000  }
0x199: {  	[sflag:s22] =	ssyncset.done $0x0  }
0x19a: {  	[sflag:s22] =	ssyncadd.s32 $0xFFFFE000  }
0x19b: {  	_ =	swait.ge [sflag:s23], $0x2000  }
0x19c: {  	[sflag:s23] =	ssyncset.done $0x0  }
0x19d: {  	[sflag:s23] =	ssyncadd.s32 $0xFFFFE000  }
0x19e: {  	[bflag:$0x0] =	sbarrier.arrive $0xFFFF  }
0x19f: {  	s26 =	simm.s32 @p0 $0x1FC9;
	s25 =	sshrl.u32 @p0 s14, $0x3;
	s28 =	rddreg [dreg:$0x15]  }
0x1a0: {  	[hbm:s28], [sflag:s26] =	dma.local @p0 [spmem:s25], $0x2800  }
0x1a1: {  	s25 =	simm.s32 @p0 $0x9  }
0x1a2: {  	s26 =	stileid.u32;
	_ =	swait.ge @p0 [sflag:s25], $0x2800  }
0x1a3: {  	s26 =	sshll.u32 @!p0 s26, $0x6;
	[sflag:s25] =	ssyncset.done @p0 $0x0;
	s28 =	rddreg [dreg:$0x13]  }
0x1a4: {  	[sflag:s25] =	ssyncadd.s32 @p0 $0xFFFFD800;
	s25 =	sor.u32 @!p0 $0x1C09, s26;
	s26 =	sshrl.u32 @!p0 s5, $0x3  }
0x1a5: {  	[hbm:s28], [sflag:s25] =	dma.local @!p0 [spmem:s26], $0x2700  }
0x1a6: {  	s25 =	simm.s32 @!p0 $0x9  }
0x1a7: {  	_ =	swait.ge @!p0 [sflag:s25], $0x2700  }
0x1a8: {  	s24 =	sadd.s32 $0x1, s24;
	s28 =	rddreg [dreg:$0x16]  }
0x1a9: {  	p1 =	sne.s32 s24, s28  }
.Ltmp2:
0x1aa: {  	_ = 	snop;
	(pc) =	sbr.rel @p1 .LBB2_1-.Ltmp2, $3  }
0x1ab: {  	_ =	sdelay $0x1  }
0x1ac: {  	[sflag:s25] =	ssyncset.done @!p0 $0x0  }
0x1ad: {  	[sflag:s25] =	ssyncadd.s32 @!p0 $0xFFFFD900  }
0x1ae: {  	_ =	sfence.sel $0x180000  }
0x1af: {  	[bflag:$0x0] =	sbarrier.arrive $0xFFFF  }
0x1b0: {  	_ =	strace $0x90000047  }
0x1b1: {  	s0 =	stileid.u32;
	[bflag:$0x2] =	sbarrier.arrive $0xFFFF  }
0x1b2: {  	p0 =	sne.s32 s0, $0x0;
	s0 =	rddreg [dreg:$0x3]  }
0x1b3: {  	s0 =	sadd.s32 @!p0 $0x100000, s0  }
0x1b4: {  	[sflag:s0] =	ssyncadd.tile.s32 @!p0 $0x1;
	_ =	shalt  }
.Lfunc_end2:
_tile_overlayer_lowered:
.L_overlay_start_2:
0x1b5: {  	(tag) =	ssettag $0x2  }
0x1b6: {  	s0 =	rddreg [dreg:$0x0];
	s2 =	stileid.u32  }
0x1b7: {  	s1 =	rddreg [dreg:$0x1];
	p0 =	sne.s32 s2, $0x0  }
0x1b8: {  	s3 =	rddreg [dreg:$0x2];
	[bflag:$0x3] =	sbarrier.arrive $0xFFFF;
	s2 =	simm.s32 @!p0 $0x1C09  }
0x1b9: {  	[timem:s3], [sflag:s2] =	dma.local @!p0 [hbm:s0], s1  }
0x1ba: {  	s0 =	simm.s32 @!p0 $0x9  }
0x1bb: {  	_ =	swait.ge @!p0 [sflag:s0], s1  }
0x1bc: {  	s1 =	ssub.s32 @!p0 $0x0, s1;
	[sflag:s0] =	ssyncset.done @!p0 $0x0  }
0x1bd: {  	[sflag:s0] =	ssyncadd.s32 @!p0 s1  }
0x1be: {  	[bflag:$0x3] =	sbarrier.arrive $0xFFFF  }
0x1bf: {  	_ =	shalt  }

// kernel: kernel.13.cloned.1.call-start
scs
__scs_entry_jumppad:
0x0: {  	(pc) =	sbr.rel $0x88, $3  }
0x1: {  	(tag) =	ssettag $0x0;
	lr =	simm.s32 $0x1  }
0x2: {  	[smem:$0x3F99] =	sst lr;
	_ =	strace $0xD0000000  }
0x3: {  	_ = 	snop  }
0x4: {  	_ = 	snop  }
0x5: {  	_ = 	snop  }
0x6: {  	_ = 	snop  }
0x7: {  	_ = 	snop  }
__scs_overlays_trampoline_lowered:
0x8: {  	[smem:$0x3FA8] =	sst s0  }
0x9: {  	[smem:$0x3FA9] =	sst s1  }
0xa: {  	[smem:$0x3FAA] =	sst s2  }
0xb: {  	[smem:$0x3FAB] =	sst s3  }
0xc: {  	[smem:$0x3FAC] =	sst s4  }
0xd: {  	[smem:$0x3FAD] =	sst s5  }
0xe: {  	[smem:$0x3FAE] =	sst s6  }
0xf: {  	[smem:$0x3FAF] =	sst s7  }
0x10: {  	[smem:$0x3FB0] =	sst s8  }
0x11: {  	[smem:$0x3FB1] =	sst s9;
	s0 =	simm.s32 @!p0 $0x0  }
0x12: {  	s1 =	sld [smem:$0x3F97];
	s0 =	simm.s32 @p0 $0x1  }
0x13: {  	[smem:$0x3FB2] =	sst s0;
	s0 =	simm.s32 @!p1 $0x0  }
0x14: {  	s2 =	sld [smem:$0x3F96];
	s0 =	simm.s32 @p1 $0x1  }
0x15: {  	[smem:$0x3FB3] =	sst s0;
	s0 =	simm.s32 @!p2 $0x0  }
0x16: {  	s3 =	sld [smem:$0x3FDB];
	s0 =	simm.s32 @p2 $0x1  }
0x17: {  	s4 =	simm.s32 $0x1BF5;
	[smem:$0x3FB5] =	sst s0  }
0x18: {  	s0 =	sld [smem:$0x3F98];
	_ =	swait.ge [sflag:s4], $0x0  }
0x19: {  	s7 =	sld [smem:$0x3F99]  }
0x1a: {  	s8 =	sadd.s32 $0xFFFFE003, lr  }
0x1b: {  	s9 =	sadd.s32 $0xFFFFFEF7, lr;
	s5 =	simm.s32 $0xFFFFFFFF;
	p2 =	slt.u32 s8, $0xFFFFF086  }
0x1c: {  	p1 =	slt.u32 s9, $0xF7A;
	s5 =	simm.s32 @!p2 $0x0  }
0x1d: {  	s5 =	simm.s32 @p1 $0x1;
	p0 =	seq.s32 s7, s2  }
0x1e: {  	s7 =	smul.u32 @!p0 $0xF7A, s2;
	p2 =	seq.s32 @!p0 s5, $0x0  }
0x1f: {  	s9 =	smul.u32 $0xF7A, s1;
	s8 =	simm.s32 @!p0 $0x1BF5;
	p2 =	por !p2, p0  }
0x20: {  	[sflag:s8] =	ssyncset.s32 @!p0 $0xFFFFF086;
	s6 =	sadd.s32 @!p0 s3, s7;
	s7 =	simm.s32 @!p0 $0x108  }
0x21: {  	s3 =	sadd.s32 s3, s9;
	s6 =	sadd.s32 @!p0 $0x88, s6;
	s7 =	simm.s32 @p2 $0x1082  }
0x22: {  	[simem:s7], [sflag:s8] =	dma.local @!p0 [hbm:s6], $0xF7A  }
0x23: {  	s9 =	sor.u32 $0xD0000000, s2;
	s6 =	simm.s32 $0x108;
	_ =	swait.ge @!p0 [sflag:s8], $0x0  }
0x24: {  	s3 =	sadd.s32 $0x88, s3;
	s6 =	simm.s32 @!p1 $0x1082;
	[sflag:s4] =	ssyncset.s32 $0xFFFFF086  }
0x25: {  	[simem:s6], [sflag:s4] =	dma.local [hbm:s3], $0xF7A  }
0x26: {  	[smem:$0x3F99] =	sst s1;
	(tag) =	ssettag s2;
	_ =	strace s9  }
0x27: {  	s1 =	sld [smem:$0x3FA9]  }
0x28: {  	s2 =	sld [smem:$0x3FAA]  }
0x29: {  	s4 =	sld [smem:$0x3FAC]  }
0x2a: {  	p0 =	seq.s32 s5, $0x0;
	s5 =	sld [smem:$0x3FAD]  }
0x2b: {  	s6 =	sld [smem:$0x3FAE]  }
0x2c: {  	s7 =	sld [smem:$0x3FAF]  }
0x2d: {  	s3 =	simm.s32 $0x108;
	s8 =	sld [smem:$0x3FB0]  }
0x2e: {  	s3 =	simm.s32 @!p0 $0x1082;
	s9 =	sld [smem:$0x3FB1]  }
0x2f: {  	lr =	sadd.s32 s0, s3;
	s0 =	sld [smem:$0x3FA8]  }
0x30: {  	s3 =	sld [smem:$0x3FAB]  }
0x31: {  	[smem:$0x3FB4] =	sst s10  }
0x32: {  	s10 =	sld [smem:$0x3FB2];
	_ =	sdelay $0x3  }
0x33: {  	p0 =	seq.s32 s10, $0x1;
	s10 =	sld [smem:$0x3FB4];
	_ =	sdelay $0x3  }
0x34: {  	[smem:$0x3FB4] =	sst s10  }
0x35: {  	s10 =	sld [smem:$0x3FB3];
	_ =	sdelay $0x3  }
0x36: {  	p1 =	seq.s32 s10, $0x1;
	s10 =	sld [smem:$0x3FB4];
	_ =	sdelay $0x3  }
0x37: {  	[smem:$0x3FB4] =	sst s10  }
0x38: {  	s10 =	sld [smem:$0x3FB5]  }
0x39: {  	_ = 	snop;
	(pc) =	sbr.ind lr, $3  }
0x3a: {  	_ = 	snop  }
0x3b: {  	_ = 	snop  }
0x3c: {  	p2 =	seq.s32 s10, $0x1;
	s10 =	sld [smem:$0x3FB4]  }
0x3d: {  	_ =	shalt  }
0x3e: {  	_ =	shalt  }
0x3f: {  	_ =	shalt  }
0x40: {  	_ =	shalt  }
0x41: {  	_ =	shalt  }
0x42: {  	_ =	shalt  }
0x43: {  	_ =	shalt  }
0x44: {  	_ =	shalt  }
0x45: {  	_ =	shalt  }
0x46: {  	_ =	shalt  }
0x47: {  	_ =	shalt  }
0x48: {  	_ =	shalt  }
0x49: {  	_ =	shalt  }
0x4a: {  	_ =	shalt  }
0x4b: {  	_ =	shalt  }
0x4c: {  	_ =	shalt  }
0x4d: {  	_ =	shalt  }
0x4e: {  	_ =	shalt  }
0x4f: {  	_ =	shalt  }
0x50: {  	_ =	shalt  }
0x51: {  	_ =	shalt  }
0x52: {  	_ =	shalt  }
0x53: {  	_ =	shalt  }
0x54: {  	_ =	shalt  }
0x55: {  	_ =	shalt  }
0x56: {  	_ =	shalt  }
0x57: {  	_ =	shalt  }
0x58: {  	_ =	shalt  }
0x59: {  	_ =	shalt  }
0x5a: {  	_ =	shalt  }
0x5b: {  	_ =	shalt  }
0x5c: {  	_ =	shalt  }
0x5d: {  	_ =	shalt  }
0x5e: {  	_ =	shalt  }
0x5f: {  	_ =	shalt  }
0x60: {  	_ =	shalt  }
0x61: {  	_ =	shalt  }
0x62: {  	_ =	shalt  }
0x63: {  	_ =	shalt  }
0x64: {  	_ =	shalt  }
0x65: {  	_ =	shalt  }
0x66: {  	_ =	shalt  }
0x67: {  	_ =	shalt  }
0x68: {  	_ =	shalt  }
0x69: {  	_ =	shalt  }
0x6a: {  	_ =	shalt  }
0x6b: {  	_ =	shalt  }
0x6c: {  	_ =	shalt  }
0x6d: {  	_ =	shalt  }
0x6e: {  	_ =	shalt  }
0x6f: {  	_ =	shalt  }
0x70: {  	_ =	shalt  }
0x71: {  	_ =	shalt  }
0x72: {  	_ =	shalt  }
0x73: {  	_ =	shalt  }
0x74: {  	_ =	shalt  }
0x75: {  	_ =	shalt  }
0x76: {  	_ =	shalt  }
0x77: {  	_ =	shalt  }
0x78: {  	_ =	shalt  }
0x79: {  	_ =	shalt  }
0x7a: {  	_ =	shalt  }
0x7b: {  	_ =	shalt  }
0x7c: {  	_ =	shalt  }
0x7d: {  	_ =	shalt  }
0x7e: {  	_ =	shalt  }
0x7f: {  	_ =	shalt  }
0x80: {  	_ =	shalt  }
0x81: {  	_ =	shalt  }
0x82: {  	_ =	shalt  }
0x83: {  	_ =	shalt  }
0x84: {  	_ =	shalt  }
0x85: {  	_ =	shalt  }
0x86: {  	_ =	shalt  }
0x87: {  	_ =	shalt  }
.Lfunc_end0:
.L_simem_size_0:
called_computation.1_lowered:
.L_overlay_start_0:
0x88: {  	s2 =	sld [smem:$0x3FD9]  }
0x89: {  	s3 =	sld [smem:$0x3FFE];
	_ =	sdelay $0x1  }
0x8a: {  	s1 =	srdreg.scid  }
0x8b: {  	s0 =	sand.u32 $0x1, s1  }
0x8c: {  	s16 =	sshll.u32 s0, $0xA;
	s2 =	sadd.s32 s3, s2  }
0x8d: {  	s2 =	sadd.s32 s2, s16  }
0x8e: {  	[smem:$0x3FC0] =	sst s2  }
0x8f: {  	_ = 	snop  }
0x90: {  	(tm) =	ssettm $0x1  }
0x91: {  	s17 =	sld [smem:$0x3FFB];
	_ =	sdelay $0x3  }
0x92: {  	_ =	strace s17  }
0x93: {  	s2 =	sld [smem:$0x3FFC];
	_ =	sdelay $0x3  }
0x94: {  	_ =	strace s2  }
0x95: {  	s2 =	sld [smem:$0x3FFD];
	_ =	sdelay $0x3  }
0x96: {  	_ =	strace s2  }
0x97: {  	_ =	strace $0x8FFFFFFF  }
0x98: {  	s18 =	sld [smem:$0x3FDB];
	_ =	sdelay $0x1  }
0x99: {  	s19 =	simm.s32 $_scs_section_size  }
0x9a: {  	s4 =	simm.s32 $_size__tile_overlayer_lowered;
	s5 =	simm.s32 $_tile_overlayer_lowered  }
0x9b: {  	s22 =	simm.s32 $0x1BFF;
	s21 =	sshll.u32 s5, $0x1;
	s2 =	sadd.s32 s19, s18  }
0x9c: {  	s6 =	simm.s32 $0x0;
	s20 =	sshll.u32 s4, $0x1;
	s4 =	sadd.s32 s21, s2  }
0x9d: {  	[timem:s6], [sflag:s22] =	dma.local [hbm:s4], s20  }
0x9e: {  	_ =	swait.ge [sflag:s22], s20  }
0x9f: {  	s3 =	ssub.s32 $0x0, s20;
	[sflag:s22] =	ssyncset.done $0x0  }
0xa0: {  	[sflag:s22] =	ssyncadd.s32 s3;
	_ =	sdelay $0x1  }
0xa1: {  	s23 =	simm.s32 $0x1B8B  }
0xa2: {  	_ =	swait.ge [sflag:s23], $0x1  }
0xa3: {  	[sflag:s23] =	ssyncset.done $0x0  }
0xa4: {  	s25 =	simm.s32 $0x1B8E;
	s24 =	sld [smem:$0x3FFE];
	[sflag:s23] =	ssyncadd.s32 $0xFFFFFFFF  }
0xa5: {  	s26 =	simm.s32 $execute0_lowered;
	[smem:$0x3FD2] =	sst s25  }
0xa6: {  	s4 =	sshll.u32 s26, $0x1;
	_ =	strace $0x80000049;
	[dreg:$0x1] =	wrdreg $0xFFFFFFFF  }
0xa7: {  	s28 =	simm.s32 $_size_execute0_lowered;
	s2 =	sadd.s32 s2, s4;
	[dreg:$0x0] =	wrdreg $0x0  }
0xa8: {  	s4 =	sshll.u32 s28, $0x1;
	[dreg:$0x2] =	wrdreg s2  }
0xa9: {  	[dreg:$0x3] =	wrdreg s4  }
0xaa: {  	[dreg:$0x4] =	wrdreg $0xC0  }
0xab: {  	_ =	task [dreg:s6], $0x5FFFF  }
0xac: {  	[dreg:$0x1] =	wrdreg $0xFFFFFFFF  }
0xad: {  	[dreg:$0x0] =	wrdreg $0x60  }
0xae: {  	[dreg:$0x2] =	wrdreg s24  }
0xaf: {  	[dreg:$0x3] =	wrdreg $0xAC000  }
0xb0: {  	[dreg:$0x4] =	wrdreg $0x9  }
0xb1: {  	_ =	task.clear_ibuf [dreg:s6], $0x5FFFF;
	_ =	strace $0x90000049  }
0xb2: {  	s29 =	simm.s32 $0x9;
	_ =	strace $0x8000004B  }
0xb3: {  	_ =	swait.ge [sflag:s29], $0x1  }
0xb4: {  	[sflag:s29] =	ssyncadd.s32 $0xFFFFFFFF  }
0xb5: {  	_ =	strace $0x9000004B  }
0xb6: {  	_ =	sfence  }
0xb7: {  	s30 =	sld [smem:$0x0];
	_ =	sdelay $0x2  }
0xb8: {  	s31 =	sshll.u32 s1, $0xD;
	s1 =	sshrl.u32 s1, $0x2  }
0xb9: {  	s3 =	sand.u32 $0x4000, s31;
	s1 =	sadd.s32 s1, s30  }
0xba: {  	s0 =	sor.u32 s3, s0;
	s1 =	sshll.u32 s1, $0x11  }
0xbb: {  	s0 =	sor.u32 s1, s0  }
0xbc: {  	s0 =	sadd.s32 $0x8F2B, s0  }
0xbd: {  	[sflag:s0] =	ssyncadd.remote.s32 $0x1  }
0xbe: {  	_ =	sfence.sel $0xFFFF  }
0xbf: {  	[dreg:$0x0] =	wrdreg $0xFFFFFFFF;
	(pc) =	sbr.abs _section_cstart, $3  }
0xc0: {  	[dreg:$0x1] =	wrdreg $0xFFFFFFFF  }
0xc1: {  	_ =	task.clear_ibuf [dreg:s6], $0x2FFFF;
	_ =	strace $0x9FFFFFFF  }
0xc2: {  	(tm) =	ssettm $0x7FFFFFFF  }
0xc3: {  	_ =	shalt  }
tec
execute0_lowered:
.L_overlay_start_1:
0x0: {  	(tag) =	ssettag $0x1  }
0x1: {  	s0 =	rddreg [dreg:$0x0]  }
0x2: {  	s1 =	rddreg [dreg:$0x1]  }
0x3: {  	s2 =	srdreg.scid;
	s8 =	stileid.u32;
	s6 =	simm.s32 $0x0  }
0x4: {  	s30 =	simm.s32 $0x2800;
	s31 =	simm.s32 $0x2C00;
	s29 =	simm.s32 $0x400  }
0x5: {  	s2 =	sand.u32 $0x1, s2;
	s3 =	sshrl.u32 s8, $0x2;
	s23 =	smul.u32 $0x4E000, s8  }
0x6: {  	s4 =	sshll.u32 s8, $0x8;
	s15 =	sadd.s32 $0x124800, s1;
	s14 =	sadd.s32 $0x126800, s1  }
0x7: {  	[smem:$0x7FF] =	sst s6;
	s16 =	smul.u32 $0x13800, s8;
	s17 =	sadd.s32 $0x128800, s1  }
0x8: {  	s18 =	sadd.s32 $0x12A800, s1;
	_ =	strace $0x8000004A;
	[dreg:$0xd] =	wrdreg s14  }
0x9: {  	s19 =	sadd.s32 $0x12C800, s1;
	s21 =	sadd.s32 $0x12E800, s1;
	[dreg:$0xe] =	wrdreg s17  }
0xa: {  	s22 =	sadd.s32 $0x130800, s1;
	p0 =	seq.s32 s8, $0xF;
	[dreg:$0xf] =	wrdreg s18  }
0xb: {  	s8 =	simm.s32 $0x2A00;
	s3 =	smul.u32 $0x14000, s3;
	[dreg:$0x10] =	wrdreg s19  }
0xc: {  	s5 =	sshll.u32 s2, $0x7;
	s4 =	sand.u32 $0x300, s4;
	[dreg:$0x11] =	wrdreg s21  }
0xd: {  	s24 =	ssub.s32 $0x2, s2;
	s2 =	smul.u32 $0x138800, s2;
	[dreg:$0x13] =	wrdreg s22  }
0xe: {  	s14 =	simm.s32 $0x8C00;
	s17 =	simm.s32 $0x2B00;
	s18 =	simm.s32 $0x5  }
0xf: {  	s19 =	simm.s32 $0x4;
	s21 =	simm.s32 $0x6;
	s22 =	simm.s32 $0x7  }
0x10: {  	s4 =	sor.u32 s5, s4;
	s5 =	sshrl.u32 s23, $0x2;
	s13 =	sshrl.u32 s24, $0x1  }
0x11: {  	s3 =	sor.u32 s3, s4;
	s4 =	sadd.s32 $0x2800, s0;
	s5 =	sadd.s32 s5, s1  }
0x12: {  	s20 =	sadd.s32 s16, s2;
	s2 =	sshrl.u32 s2, $0x3;
	s25 =	sadd.s32 $0x2000, s5  }
0x13: {  	s16 =	simm.s32 $0x3;
	s26 =	sadd.s32 $0x4000, s5;
	[dreg:$0x4] =	wrdreg s25  }
0x14: {  	s3 =	sshrl.u32 s3, $0x3;
	s28 =	sadd.s32 $0x6000, s5;
	[dreg:$0x5] =	wrdreg s26  }
0x15: {  	s7 =	sadd.s32 $0x8000, s5;
	s9 =	sadd.s32 $0xA000, s5;
	[dreg:$0x6] =	wrdreg s28  }
0x16: {  	s10 =	sadd.s32 $0xC000, s5;
	s11 =	sadd.s32 $0xE000, s5;
	[dreg:$0x7] =	wrdreg s7  }
0x17: {  	s12 =	sadd.s32 $0x10000, s5;
	s6 =	sshrl.u32 s20, $0x3;
	[dreg:$0x8] =	wrdreg s9  }
0x18: {  	s20 =	simm.s32 $0x2B80;
	s3 =	sadd.s32 s3, s0;
	[dreg:$0x9] =	wrdreg s10  }
0x19: {  	s0 =	sadd.s32 $0x2B200, s0;
	[dreg:$0xa] =	wrdreg s11;
	s7 =	sadd.s32 $0x12000, s5  }
0x1a: {  	[dreg:$0xb] =	wrdreg s12;
	s25 =	sadd.s32 $0x132800, s1;
	s26 =	sadd.s32 $0x134800, s1  }
0x1b: {  	s28 =	sadd.s32 $0x136800, s1;
	s9 =	simm.s32 $0x2900;
	[dreg:$0xc] =	wrdreg s7  }
0x1c: {  	s10 =	simm.s32 $0x6C00;
	s11 =	simm.s32 $0x2;
	[dreg:$0x16] =	wrdreg s25  }
0x1d: {  	s12 =	simm.s32 $0x2A80;
	s3 =	sadd.s32 $0x79400, s3;
	[dreg:$0x17] =	wrdreg s26  }
0x1e: {  	s2 =	sadd.s32 s0, s2;
	s0 =	sadd.s32 s0, s6;
	[dreg:$0x18] =	wrdreg s28  }
0x1f: {  	s6 =	simm.s32 $0x4C00;
	s7 =	simm.s32 $0x1;
	[dreg:$0x3] =	wrdreg s3  }
0x20: {  	s3 =	ssub.s32 s24, s13;
	[dreg:$0x12] =	wrdreg s0;
	s23 =	sadd.s32 $0x24900, s2  }
0x21: {  	s2 =	simm.s32 $0x9;
	s0 =	simm.s32 $0x2880;
	s13 =	simm.s32 $0x2980  }
0x22: {  	[dreg:$0x14] =	wrdreg s23;
	s24 =	smax.u32 s3, $0x1;
	s3 =	simm.s32 $0x40  }
0x23: {  	v0 =	vimm.f32 $0.0e+00;
	s23 =	simm.s32 $0x8;
	[dreg:$0x15] =	wrdreg s24;
	s24 =	simm.s32 $0x0  }
.LBB2_1:
0x24: {  	s25 =	simm.s32 $0x0;
	s26 =	rddreg [dreg:$0x3];
	s28 =	simm.s32 $0x80  }
0x25: {  	[tilespmem:s25], [sflag:$0x9] =	stream.strided.gather [hbm4b:s26+s28], $0x2800, s29, s28, $0x38;
	[tilespmem:$0x1E480] =	vst v63  }
0x26: {  	_ =	swait.ge [sflag:s2], $0x2800  }
0x27: {  	[sflag:s2] =	ssyncset.done $0x0  }
0x28: {  	s25 =	simm.s32 $0x0;
	s26 =	simm.s32 $0x200;
	[sflag:s2] =	ssyncadd.s32 $0xFFFFD800  }
.LBB2_2:
0x29: {  	p1 =	sne.s32 s26, $0x7E00;
	[tilespmem:s25+$0x2C70] =	vst v0  }
0x2a: {  	[tilespmem:s25+$0x2C00] =	vst v0  }
0x2b: {  	[tilespmem:s25+$0x2C10] =	vst v0  }
.Ltmp0:
0x2c: {  	[tilespmem:s25+$0x2C20] =	vst v0;
	(pc) =	sbr.rel @p1 .LBB2_2-.Ltmp0, $4  }
0x2d: {  	[tilespmem:s25+$0x2C30] =	vst v0  }
0x2e: {  	[tilespmem:s25+$0x2C40] =	vst v0  }
0x2f: {  	[tilespmem:s25+$0x2C50] =	vst v0  }
0x30: {  	[tilespmem:s25+$0x2C60] =	vst v0;
	s25 =	sshra.s32 s26, $0x2;
	s26 =	sadd.s32 $0x200, s26  }
0x31: {  	[tilespmem:s25+$0x2C70] =	vst v0  }
0x32: {  	[tilespmem:s25+$0x2C00] =	vst v0  }
0x33: {  	[tilespmem:s25+$0x2C10] =	vst v0  }
0x34: {  	[tilespmem:s25+$0x2C20] =	vst v0  }
0x35: {  	[tilespmem:s25+$0x2C30] =	vst v0  }
0x36: {  	[tilespmem:s25+$0x2C40] =	vst v0  }
0x37: {  	[tilespmem:s25+$0x2C50] =	vst v0  }
0x38: {  	[tilespmem:s25+$0x2C60] =	vst v0;
	s25 =	simm.s32 @p0 $0x2C00;
	s26 =	simm.s32 @p0 $0x9  }
0x39: {  	[spmem:s15] =	stream.linear.scatter @p0 [tilespmem:s25], [sflag:$0x9], $0x2000, $0x38;
	[tilespmem:$0x1E480] =	vst v63  }
0x3a: {  	_ =	swait.ge @p0 [sflag:s26], $0x2000  }
0x3b: {  	[sflag:s26] =	ssyncset.done @p0 $0x0  }
0x3c: {  	s28 =	rddreg [dreg:$0xd];
	[sflag:s26] =	ssyncadd.s32 @p0 $0xFFFFE000  }
0x3d: {  	[spmem:s28] =	stream.linear.scatter @p0 [tilespmem:s25], [sflag:$0x9], $0x2000, $0x38;
	[tilespmem:$0x1E480] =	vst v63  }
0x3e: {  	_ =	swait.ge @p0 [sflag:s26], $0x2000  }
0x3f: {  	[sflag:s26] =	ssyncset.done @p0 $0x0  }
0x40: {  	s28 =	rddreg [dreg:$0xe];
	[sflag:s26] =	ssyncadd.s32 @p0 $0xFFFFE000  }
0x41: {  	[spmem:s28] =	stream.linear.scatter @p0 [tilespmem:s25], [sflag:$0x9], $0x2000, $0x38;
	[tilespmem:$0x1E480] =	vst v63  }
0x42: {  	_ =	swait.ge @p0 [sflag:s26], $0x2000  }
0x43: {  	[sflag:s26] =	ssyncset.done @p0 $0x0  }
0x44: {  	s28 =	rddreg [dreg:$0xf];
	[sflag:s26] =	ssyncadd.s32 @p0 $0xFFFFE000  }
0x45: {  	[spmem:s28] =	stream.linear.scatter @p0 [tilespmem:s25], [sflag:$0x9], $0x2000, $0x38;
	[tilespmem:$0x1E480] =	vst v63  }
0x46: {  	_ =	swait.ge @p0 [sflag:s26], $0x2000  }
0x47: {  	[sflag:s26] =	ssyncset.done @p0 $0x0  }
0x48: {  	s28 =	rddreg [dreg:$0x10];
	[sflag:s26] =	ssyncadd.s32 @p0 $0xFFFFE000  }
0x49: {  	[spmem:s28] =	stream.linear.scatter @p0 [tilespmem:s25], [sflag:$0x9], $0x2000, $0x38;
	[tilespmem:$0x1E480] =	vst v63  }
0x4a: {  	_ =	swait.ge @p0 [sflag:s26], $0x2000  }
0x4b: {  	[sflag:s26] =	ssyncset.done @p0 $0x0  }
0x4c: {  	s28 =	rddreg [dreg:$0x11];
	[sflag:s26] =	ssyncadd.s32 @p0 $0xFFFFE000  }
0x4d: {  	[spmem:s28] =	stream.linear.scatter @p0 [tilespmem:s25], [sflag:$0x9], $0x2000, $0x38;
	[tilespmem:$0x1E480] =	vst v63  }
0x4e: {  	_ =	swait.ge @p0 [sflag:s26], $0x2000  }
0x4f: {  	[sflag:s26] =	ssyncset.done @p0 $0x0  }
0x50: {  	s28 =	rddreg [dreg:$0x13];
	[sflag:s26] =	ssyncadd.s32 @p0 $0xFFFFE000  }
0x51: {  	[spmem:s28] =	stream.linear.scatter @p0 [tilespmem:s25], [sflag:$0x9], $0x2000, $0x38;
	[tilespmem:$0x1E480] =	vst v63  }
0x52: {  	_ =	swait.ge @p0 [sflag:s26], $0x2000  }
0x53: {  	[sflag:s26] =	ssyncset.done @p0 $0x0  }
0x54: {  	s28 =	rddreg [dreg:$0x16];
	[sflag:s26] =	ssyncadd.s32 @p0 $0xFFFFE000  }
0x55: {  	[spmem:s28] =	stream.linear.scatter @p0 [tilespmem:s25], [sflag:$0x9], $0x2000, $0x38;
	[tilespmem:$0x1E480] =	vst v63  }
0x56: {  	_ =	swait.ge @p0 [sflag:s26], $0x2000  }
0x57: {  	[sflag:s26] =	ssyncset.done @p0 $0x0  }
0x58: {  	s28 =	rddreg [dreg:$0x17];
	[sflag:s26] =	ssyncadd.s32 @p0 $0xFFFFE000  }
0x59: {  	[spmem:s28] =	stream.linear.scatter @p0 [tilespmem:s25], [sflag:$0x9], $0x2000, $0x38;
	[tilespmem:$0x1E480] =	vst v63  }
0x5a: {  	_ =	swait.ge @p0 [sflag:s26], $0x2000  }
0x5b: {  	[sflag:s26] =	ssyncset.done @p0 $0x0  }
0x5c: {  	s28 =	rddreg [dreg:$0x18];
	[sflag:s26] =	ssyncadd.s32 @p0 $0xFFFFE000  }
0x5d: {  	[spmem:s28] =	stream.linear.scatter @p0 [tilespmem:s25], [sflag:$0x9], $0x2000, $0x38;
	[tilespmem:$0x1E480] =	vst v63  }
0x5e: {  	_ =	swait.ge @p0 [sflag:s26], $0x2000  }
0x5f: {  	[sflag:s26] =	ssyncset.done @p0 $0x0  }
0x60: {  	s25 =	simm.s32 @!p0 $0x2C00;
	[sflag:s26] =	ssyncadd.s32 @p0 $0xFFFFE000;
	s26 =	simm.s32 @!p0 $0x9  }
0x61: {  	[spmem:s5] =	stream.linear.scatter @!p0 [tilespmem:s25], [sflag:$0x9], $0x2000, $0x38;
	[tilespmem:$0x1E480] =	vst v63  }
0x62: {  	_ =	swait.ge @!p0 [sflag:s26], $0x2000  }
0x63: {  	[sflag:s26] =	ssyncset.done @!p0 $0x0  }
0x64: {  	s28 =	rddreg [dreg:$0x4];
	[sflag:s26] =	ssyncadd.s32 @!p0 $0xFFFFE000  }
0x65: {  	[spmem:s28] =	stream.linear.scatter @!p0 [tilespmem:s25], [sflag:$0x9], $0x2000, $0x38;
	[tilespmem:$0x1E480] =	vst v63  }
0x66: {  	_ =	swait.ge @!p0 [sflag:s26], $0x2000  }
0x67: {  	[sflag:s26] =	ssyncset.done @!p0 $0x0  }
0x68: {  	s28 =	rddreg [dreg:$0x5];
	[sflag:s26] =	ssyncadd.s32 @!p0 $0xFFFFE000  }
0x69: {  	[spmem:s28] =	stream.linear.scatter @!p0 [tilespmem:s25], [sflag:$0x9], $0x2000, $0x38;
	[tilespmem:$0x1E480] =	vst v63  }
0x6a: {  	_ =	swait.ge @!p0 [sflag:s26], $0x2000  }
0x6b: {  	[sflag:s26] =	ssyncset.done @!p0 $0x0  }
0x6c: {  	s28 =	rddreg [dreg:$0x6];
	[sflag:s26] =	ssyncadd.s32 @!p0 $0xFFFFE000  }
0x6d: {  	[spmem:s28] =	stream.linear.scatter @!p0 [tilespmem:s25], [sflag:$0x9], $0x2000, $0x38;
	[tilespmem:$0x1E480] =	vst v63  }
0x6e: {  	_ =	swait.ge @!p0 [sflag:s26], $0x2000  }
0x6f: {  	[sflag:s26] =	ssyncset.done @!p0 $0x0  }
0x70: {  	s28 =	rddreg [dreg:$0x7];
	[sflag:s26] =	ssyncadd.s32 @!p0 $0xFFFFE000  }
0x71: {  	[spmem:s28] =	stream.linear.scatter @!p0 [tilespmem:s25], [sflag:$0x9], $0x2000, $0x38;
	[tilespmem:$0x1E480] =	vst v63  }
0x72: {  	_ =	swait.ge @!p0 [sflag:s26], $0x2000  }
0x73: {  	[sflag:s26] =	ssyncset.done @!p0 $0x0  }
0x74: {  	s28 =	rddreg [dreg:$0x8];
	[sflag:s26] =	ssyncadd.s32 @!p0 $0xFFFFE000  }
0x75: {  	[spmem:s28] =	stream.linear.scatter @!p0 [tilespmem:s25], [sflag:$0x9], $0x2000, $0x38;
	[tilespmem:$0x1E480] =	vst v63  }
0x76: {  	_ =	swait.ge @!p0 [sflag:s26], $0x2000  }
0x77: {  	[sflag:s26] =	ssyncset.done @!p0 $0x0  }
0x78: {  	s28 =	rddreg [dreg:$0x9];
	[sflag:s26] =	ssyncadd.s32 @!p0 $0xFFFFE000  }
0x79: {  	[spmem:s28] =	stream.linear.scatter @!p0 [tilespmem:s25], [sflag:$0x9], $0x2000, $0x38;
	[tilespmem:$0x1E480] =	vst v63  }
0x7a: {  	_ =	swait.ge @!p0 [sflag:s26], $0x2000  }
0x7b: {  	[sflag:s26] =	ssyncset.done @!p0 $0x0  }
0x7c: {  	s28 =	rddreg [dreg:$0xa];
	[sflag:s26] =	ssyncadd.s32 @!p0 $0xFFFFE000  }
0x7d: {  	[spmem:s28] =	stream.linear.scatter @!p0 [tilespmem:s25], [sflag:$0x9], $0x2000, $0x38;
	[tilespmem:$0x1E480] =	vst v63  }
0x7e: {  	_ =	swait.ge @!p0 [sflag:s26], $0x2000  }
0x7f: {  	[sflag:s26] =	ssyncset.done @!p0 $0x0  }
0x80: {  	s28 =	rddreg [dreg:$0xb];
	[sflag:s26] =	ssyncadd.s32 @!p0 $0xFFFFE000  }
0x81: {  	[spmem:s28] =	stream.linear.scatter @!p0 [tilespmem:s25], [sflag:$0x9], $0x2000, $0x38;
	[tilespmem:$0x1E480] =	vst v63  }
0x82: {  	_ =	swait.ge @!p0 [sflag:s26], $0x2000  }
0x83: {  	[sflag:s26] =	ssyncset.done @!p0 $0x0  }
0x84: {  	s28 =	rddreg [dreg:$0xc];
	[sflag:s26] =	ssyncadd.s32 @!p0 $0xFFFFE000  }
0x85: {  	[spmem:s28] =	stream.linear.scatter @!p0 [tilespmem:s25], [sflag:$0x9], $0x1800, $0x38;
	[tilespmem:$0x1E480] =	vst v63  }
0x86: {  	_ =	swait.ge @!p0 [sflag:s26], $0x1800  }
0x87: {  	[sflag:s26] =	ssyncset.done @!p0 $0x0  }
0x88: {  	[sflag:s26] =	ssyncadd.s32 @!p0 $0xFFFFE800  }
0x89: {  	[bflag:$0x0] =	sbarrier.arrive $0xFFFF  }
0x8a: {  	v1 =	vld [tilespmem:$0x0];
	_ =	sdelay $0x1  }
0x8b: {  	v2 =	vld [tilespmem:$0x10];
	_ =	sdelay $0x1  }
0x8c: {  	v3 =	vld [tilespmem:$0x20]  }
0x8d: {  	v4 =	vand.u32 $0xFFFF, v1  }
0x8e: {  	v57 =	vld [tilespmem:$0x30];
	v1 =	vshrl.u32 v1, $0x10;
	[tilespmem:$0x2800] =	vst v4  }
0x8f: {  	[tilespmem:$0x2A00] =	vst v1;
	v1 =	vand.u32 $0xFFFF, v2  }
0x90: {  	[tilespmem:$0x2810] =	vst v1;
	v1 =	vshrl.u32 v2, $0x10  }
0x91: {  	[tilespmem:$0x2A10] =	vst v1;
	v1 =	vand.u32 $0xFFFF, v3  }
0x92: {  	[tilespmem:$0x2820] =	vst v1;
	v1 =	vshrl.u32 v3, $0x10  }
0x93: {  	[tilespmem:$0x2A20] =	vst v1;
	v1 =	vand.u32 $0xFFFF, v57  }
0x94: {  	[tilespmem:$0x2830] =	vst v1;
	v1 =	vshrl.u32 v57, $0x10  }
0x95: {  	[tilespmem:$0x2A30] =	vst v1  }
0x96: {  	[tilespmem:s31], [sflag:$0x1] =	stream.indirect.gather [hbm4b:s4+s3], $0x80, s30, s3, $0xb8;
	[tilespmem:$0x1E480] =	vst v63  }
0x97: {  	v1 =	vld [tilespmem:$0x40];
	_ =	sdelay $0x1  }
0x98: {  	v2 =	vld [tilespmem:$0x50];
	_ =	sdelay $0x1  }
0x99: {  	v3 =	vld [tilespmem:$0x60]  }
0x9a: {  	v58 =	vand.u32 $0xFFFF, v1  }
0x9b: {  	v59 =	vld [tilespmem:$0x70];
	v1 =	vshrl.u32 v1, $0x10;
	[tilespmem:$0x2880] =	vst v58  }
0x9c: {  	[tilespmem:$0x2A80] =	vst v1;
	v1 =	vand.u32 $0xFFFF, v2  }
0x9d: {  	[tilespmem:$0x2890] =	vst v1;
	v1 =	vshrl.u32 v2, $0x10  }
0x9e: {  	[tilespmem:$0x2A90] =	vst v1;
	v1 =	vand.u32 $0xFFFF, v3  }
0x9f: {  	[tilespmem:$0x28A0] =	vst v1;
	v1 =	vshrl.u32 v3, $0x10  }
0xa0: {  	[tilespmem:$0x2AA0] =	vst v1;
	v1 =	vand.u32 $0xFFFF, v59  }
0xa1: {  	[tilespmem:$0x28B0] =	vst v1;
	v1 =	vshrl.u32 v59, $0x10  }
0xa2: {  	[tilespmem:$0x2AB0] =	vst v1  }
0xa3: {  	[tilespmem:s6], [sflag:$0x2] =	stream.indirect.gather [hbm4b:s4+s3], $0x80, s0, s3, $0xb8;
	[tilespmem:$0x1E480] =	vst v63  }
0xa4: {  	_ =	swait.ge [sflag:s7], $0x2000  }
0xa5: {  	[sflag:s7] =	ssyncset.done $0x0  }
0xa6: {  	[sflag:s7] =	ssyncadd.s32 $0xFFFFE000  }
0xa7: {  	[spmem:s1] =	stream.indirect.scatter.add.f32 [tilespmem:s31], [sflag:$0x5], $0x80, s8, s3, $0xb8;
	[tilespmem:$0x1E480] =	vst v63  }
0xa8: {  	v1 =	vld [tilespmem:$0x80];
	_ =	sdelay $0x1  }
0xa9: {  	v2 =	vld [tilespmem:$0x90];
	_ =	sdelay $0x1  }
0xaa: {  	v3 =	vld [tilespmem:$0xA0]  }
0xab: {  	v60 =	vand.u32 $0xFFFF, v1  }
0xac: {  	v61 =	vld [tilespmem:$0xB0];
	v1 =	vshrl.u32 v1, $0x10;
	[tilespmem:$0x2900] =	vst v60  }
0xad: {  	[tilespmem:$0x2B00] =	vst v1;
	v1 =	vand.u32 $0xFFFF, v2  }
0xae: {  	[tilespmem:$0x2910] =	vst v1;
	v1 =	vshrl.u32 v2, $0x10  }
0xaf: {  	[tilespmem:$0x2B10] =	vst v1;
	v1 =	vand.u32 $0xFFFF, v3  }
0xb0: {  	[tilespmem:$0x2920] =	vst v1;
	v1 =	vshrl.u32 v3, $0x10  }
0xb1: {  	[tilespmem:$0x2B20] =	vst v1;
	v1 =	vand.u32 $0xFFFF, v61  }
0xb2: {  	[tilespmem:$0x2930] =	vst v1;
	v1 =	vshrl.u32 v61, $0x10  }
0xb3: {  	[tilespmem:$0x2B30] =	vst v1  }
0xb4: {  	[tilespmem:s10], [sflag:$0x3] =	stream.indirect.gather [hbm4b:s4+s3], $0x80, s9, s3, $0xb8;
	[tilespmem:$0x1E480] =	vst v63  }
0xb5: {  	_ =	swait.ge [sflag:s11], $0x2000  }
0xb6: {  	[sflag:s11] =	ssyncset.done $0x0  }
0xb7: {  	[sflag:s11] =	ssyncadd.s32 $0xFFFFE000  }
0xb8: {  	[spmem:s1] =	stream.indirect.scatter.add.f32 [tilespmem:s6], [sflag:$0x6], $0x80, s12, s3, $0xb8;
	[tilespmem:$0x1E480] =	vst v63  }
0xb9: {  	v1 =	vld [tilespmem:$0xC0];
	_ =	sdelay $0x1  }
0xba: {  	v2 =	vld [tilespmem:$0xD0];
	_ =	sdelay $0x1  }
0xbb: {  	v3 =	vld [tilespmem:$0xE0]  }
0xbc: {  	v62 =	vand.u32 $0xFFFF, v1  }
0xbd: {  	v63 =	vld [tilespmem:$0xF0];
	v1 =	vshrl.u32 v1, $0x10;
	[tilespmem:$0x2980] =	vst v62  }
0xbe: {  	[tilespmem:$0x2B80] =	vst v1;
	v1 =	vand.u32 $0xFFFF, v2  }
0xbf: {  	[tilespmem:$0x2990] =	vst v1;
	v1 =	vshrl.u32 v2, $0x10  }
0xc0: {  	[tilespmem:$0x2B90] =	vst v1;
	v1 =	vand.u32 $0xFFFF, v3  }
0xc1: {  	[tilespmem:$0x29A0] =	vst v1;
	v1 =	vshrl.u32 v3, $0x10  }
0xc2: {  	[tilespmem:$0x2BA0] =	vst v1;
	v1 =	vand.u32 $0xFFFF, v63  }
0xc3: {  	[tilespmem:$0x29B0] =	vst v1;
	v1 =	vshrl.u32 v63, $0x10  }
0xc4: {  	[tilespmem:$0x2BB0] =	vst v1  }
0xc5: {  	[tilespmem:s14], [sflag:$0x4] =	stream.indirect.gather [hbm4b:s4+s3], $0x80, s13, s3, $0xb8;
	[tilespmem:$0x1E480] =	vst v63  }
0xc6: {  	_ =	swait.ge [sflag:s16], $0x2000  }
0xc7: {  	[sflag:s16] =	ssyncset.done $0x0  }
0xc8: {  	[sflag:s16] =	ssyncadd.s32 $0xFFFFE000  }
0xc9: {  	[spmem:s1] =	stream.indirect.scatter.add.f32 [tilespmem:s10], [sflag:$0x7], $0x80, s17, s3, $0xb8;
	[tilespmem:$0x1E480] =	vst v63  }
0xca: {  	_ =	swait.ge [sflag:s18], $0x2000  }
0xcb: {  	[sflag:s18] =	ssyncset.done $0x0  }
0xcc: {  	s25 =	simm.s32 $0x1F0;
	[sflag:s18] =	ssyncadd.s32 $0xFFFFE000  }
0xcd: {  	v1 =	vld [tilespmem:s25+$0xFFFFFF10];
	_ =	sdelay $0x4  }
0xce: {  	v2 =	vand.u32 $0xFFFF, v1  }
0xcf: {  	v1 =	vshrl.u32 v1, $0x10;
	[tilespmem:$0x2800] =	vst v2  }
0xd0: {  	[tilespmem:$0x2A00] =	vst v1  }
0xd1: {  	v1 =	vld [tilespmem:s25+$0xFFFFFF20];
	_ =	sdelay $0x4  }
0xd2: {  	v2 =	vand.u32 $0xFFFF, v1  }
0xd3: {  	v1 =	vshrl.u32 v1, $0x10;
	[tilespmem:$0x2810] =	vst v2  }
0xd4: {  	[tilespmem:$0x2A10] =	vst v1  }
0xd5: {  	v1 =	vld [tilespmem:s25+$0xFFFFFF30];
	_ =	sdelay $0x4  }
0xd6: {  	v2 =	vand.u32 $0xFFFF, v1  }
0xd7: {  	v1 =	vshrl.u32 v1, $0x10;
	[tilespmem:$0x2820] =	vst v2  }
0xd8: {  	[tilespmem:$0x2A20] =	vst v1  }
0xd9: {  	v1 =	vld [tilespmem:s25+$0xFFFFFF40];
	_ =	sdelay $0x4  }
0xda: {  	v2 =	vand.u32 $0xFFFF, v1  }
0xdb: {  	v1 =	vshrl.u32 v1, $0x10;
	[tilespmem:$0x2830] =	vst v2  }
0xdc: {  	[tilespmem:$0x2A30] =	vst v1  }
0xdd: {  	[tilespmem:s31], [sflag:$0x1] =	stream.indirect.gather [hbm4b:s4+s3], $0x80, s30, s3, $0xb8;
	[tilespmem:$0x1E480] =	vst v63  }
0xde: {  	_ =	swait.ge [sflag:s19], $0x2000  }
0xdf: {  	[sflag:s19] =	ssyncset.done $0x0  }
0xe0: {  	[sflag:s19] =	ssyncadd.s32 $0xFFFFE000  }
0xe1: {  	[spmem:s1] =	stream.indirect.scatter.add.f32 [tilespmem:s14], [sflag:$0x8], $0x80, s20, s3, $0xb8;
	[tilespmem:$0x1E480] =	vst v63  }
0xe2: {  	_ =	swait.ge [sflag:s21], $0x2000  }
0xe3: {  	[sflag:s21] =	ssyncset.done $0x0  }
0xe4: {  	[sflag:s21] =	ssyncadd.s32 $0xFFFFE000  }
0xe5: {  	v1 =	vld [tilespmem:s25+$0xFFFFFF50];
	_ =	sdelay $0x4  }
0xe6: {  	v2 =	vand.u32 $0xFFFF, v1  }
0xe7: {  	v1 =	vshrl.u32 v1, $0x10;
	[tilespmem:$0x2880] =	vst v2  }
0xe8: {  	[tilespmem:$0x2A80] =	vst v1  }
0xe9: {  	v1 =	vld [tilespmem:s25+$0xFFFFFF60];
	_ =	sdelay $0x4  }
0xea: {  	v2 =	vand.u32 $0xFFFF, v1  }
0xeb: {  	v1 =	vshrl.u32 v1, $0x10;
	[tilespmem:$0x2890] =	vst v2  }
0xec: {  	[tilespmem:$0x2A90] =	vst v1  }
0xed: {  	v1 =	vld [tilespmem:s25+$0xFFFFFF70];
	_ =	sdelay $0x4  }
0xee: {  	v2 =	vand.u32 $0xFFFF, v1  }
0xef: {  	v1 =	vshrl.u32 v1, $0x10;
	[tilespmem:$0x28A0] =	vst v2  }
0xf0: {  	[tilespmem:$0x2AA0] =	vst v1  }
0xf1: {  	v1 =	vld [tilespmem:s25+$0xFFFFFF80];
	_ =	sdelay $0x4  }
0xf2: {  	v2 =	vand.u32 $0xFFFF, v1  }
0xf3: {  	v1 =	vshrl.u32 v1, $0x10;
	[tilespmem:$0x28B0] =	vst v2  }
0xf4: {  	[tilespmem:$0x2AB0] =	vst v1  }
0xf5: {  	[tilespmem:s6], [sflag:$0x2] =	stream.indirect.gather [hbm4b:s4+s3], $0x80, s0, s3, $0xb8;
	[tilespmem:$0x1E480] =	vst v63  }
0xf6: {  	_ =	swait.ge [sflag:s7], $0x2000  }
0xf7: {  	[sflag:s7] =	ssyncset.done $0x0  }
0xf8: {  	[sflag:s7] =	ssyncadd.s32 $0xFFFFE000  }
0xf9: {  	[spmem:s1] =	stream.indirect.scatter.add.f32 [tilespmem:s31], [sflag:$0x5], $0x80, s8, s3, $0xb8;
	[tilespmem:$0x1E480] =	vst v63  }
0xfa: {  	_ =	swait.ge [sflag:s22], $0x2000  }
0xfb: {  	[sflag:s22] =	ssyncset.done $0x0  }
0xfc: {  	[sflag:s22] =	ssyncadd.s32 $0xFFFFE000  }
0xfd: {  	v1 =	vld [tilespmem:s25+$0xFFFFFF90];
	_ =	sdelay $0x4  }
0xfe: {  	v2 =	vand.u32 $0xFFFF, v1  }
0xff: {  	v1 =	vshrl.u32 v1, $0x10;
	[tilespmem:$0x2900] =	vst v2  }
0x100: {  	[tilespmem:$0x2B00] =	vst v1  }
0x101: {  	v1 =	vld [tilespmem:s25+$0xFFFFFFA0];
	_ =	sdelay $0x4  }
0x102: {  	v2 =	vand.u32 $0xFFFF, v1  }
0x103: {  	v1 =	vshrl.u32 v1, $0x10;
	[tilespmem:$0x2910] =	vst v2  }
0x104: {  	[tilespmem:$0x2B10] =	vst v1  }
0x105: {  	v1 =	vld [tilespmem:s25+$0xFFFFFFB0];
	_ =	sdelay $0x4  }
0x106: {  	v2 =	vand.u32 $0xFFFF, v1  }
0x107: {  	v1 =	vshrl.u32 v1, $0x10;
	[tilespmem:$0x2920] =	vst v2  }
0x108: {  	[tilespmem:$0x2B20] =	vst v1  }
0x109: {  	v1 =	vld [tilespmem:s25+$0xFFFFFFC0];
	_ =	sdelay $0x4  }
0x10a: {  	v2 =	vand.u32 $0xFFFF, v1  }
0x10b: {  	v1 =	vshrl.u32 v1, $0x10;
	[tilespmem:$0x2930] =	vst v2  }
0x10c: {  	[tilespmem:$0x2B30] =	vst v1  }
0x10d: {  	[tilespmem:s10], [sflag:$0x3] =	stream.indirect.gather [hbm4b:s4+s3], $0x80, s9, s3, $0xb8;
	[tilespmem:$0x1E480] =	vst v63  }
0x10e: {  	_ =	swait.ge [sflag:s11], $0x2000  }
0x10f: {  	[sflag:s11] =	ssyncset.done $0x0  }
0x110: {  	[sflag:s11] =	ssyncadd.s32 $0xFFFFE000  }
0x111: {  	[spmem:s1] =	stream.indirect.scatter.add.f32 [tilespmem:s6], [sflag:$0x6], $0x80, s12, s3, $0xb8;
	[tilespmem:$0x1E480] =	vst v63  }
0x112: {  	_ =	swait.ge [sflag:s23], $0x2000  }
0x113: {  	[sflag:s23] =	ssyncset.done $0x0  }
0x114: {  	[sflag:s23] =	ssyncadd.s32 $0xFFFFE000  }
0x115: {  	v1 =	vld [tilespmem:s25+$0xFFFFFFD0];
	_ =	sdelay $0x4  }
0x116: {  	v2 =	vand.u32 $0xFFFF, v1  }
0x117: {  	v1 =	vshrl.u32 v1, $0x10;
	[tilespmem:$0x2980] =	vst v2  }
0x118: {  	[tilespmem:$0x2B80] =	vst v1  }
0x119: {  	v1 =	vld [tilespmem:s25+$0xFFFFFFE0];
	_ =	sdelay $0x4  }
0x11a: {  	v2 =	vand.u32 $0xFFFF, v1  }
0x11b: {  	v1 =	vshrl.u32 v1, $0x10;
	[tilespmem:$0x2990] =	vst v2  }
0x11c: {  	[tilespmem:$0x2B90] =	vst v1  }
0x11d: {  	s26 =	simm.s32 $0xBC0;
	v1 =	vld [tilespmem:s25+$0xFFFFFFF0]  }
.LBB2_4:
0x11e: {  	_ =	sdelay $0x2  }
0x11f: {  	p1 =	sne.s32 s26, $0x9FC0;
	s28 =	smov.u32 s26;
	s26 =	sadd.s32 $0x400, s26  }
0x120: {  	v2 =	vand.u32 $0xFFFF, v1;
	v1 =	vshrl.u32 v1, $0x10  }
0x121: {  	[tilespmem:$0x29A0] =	vst v2  }
0x122: {  	[tilespmem:$0x2BA0] =	vst v1  }
0x123: {  	v1 =	vld [tilespmem:s25+$0x0];
	_ =	sdelay $0x4  }
0x124: {  	v2 =	vand.u32 $0xFFFF, v1;
	v1 =	vshrl.u32 v1, $0x10  }
0x125: {  	[tilespmem:$0x29B0] =	vst v2  }
0x126: {  	[tilespmem:$0x2BB0] =	vst v1  }
0x127: {  	[tilespmem:s14], [sflag:$0x4] =	stream.indirect.gather [hbm4b:s4+s3], $0x80, s13, s3, $0xb8;
	[tilespmem:$0x1E480] =	vst v63  }
0x128: {  	_ =	swait.ge [sflag:s16], $0x2000  }
0x129: {  	[sflag:s16] =	ssyncset.done $0x0  }
0x12a: {  	[sflag:s16] =	ssyncadd.s32 $0xFFFFE000  }
0x12b: {  	[spmem:s1] =	stream.indirect.scatter.add.f32 [tilespmem:s10], [sflag:$0x7], $0x80, s17, s3, $0xb8;
	[tilespmem:$0x1E480] =	vst v63  }
0x12c: {  	_ =	swait.ge [sflag:s18], $0x2000  }
0x12d: {  	[sflag:s18] =	ssyncset.done $0x0  }
0x12e: {  	s25 =	sshra.s32 s28, $0x2;
	[sflag:s18] =	ssyncadd.s32 $0xFFFFE000  }
0x12f: {  	v1 =	vld [tilespmem:s25+$0xFFFFFF10];
	_ =	sdelay $0x4  }
0x130: {  	v2 =	vand.u32 $0xFFFF, v1;
	v1 =	vshrl.u32 v1, $0x10  }
0x131: {  	[tilespmem:$0x2800] =	vst v2  }
0x132: {  	[tilespmem:$0x2A00] =	vst v1  }
0x133: {  	v1 =	vld [tilespmem:s25+$0xFFFFFF20];
	_ =	sdelay $0x4  }
0x134: {  	v2 =	vand.u32 $0xFFFF, v1;
	v1 =	vshrl.u32 v1, $0x10  }
0x135: {  	[tilespmem:$0x2810] =	vst v2  }
0x136: {  	[tilespmem:$0x2A10] =	vst v1  }
0x137: {  	v1 =	vld [tilespmem:s25+$0xFFFFFF30];
	_ =	sdelay $0x4  }
0x138: {  	v2 =	vand.u32 $0xFFFF, v1;
	v1 =	vshrl.u32 v1, $0x10  }
0x139: {  	[tilespmem:$0x2820] =	vst v2  }
0x13a: {  	[tilespmem:$0x2A20] =	vst v1  }
0x13b: {  	v1 =	vld [tilespmem:s25+$0xFFFFFF40];
	_ =	sdelay $0x4  }
0x13c: {  	v2 =	vand.u32 $0xFFFF, v1;
	v1 =	vshrl.u32 v1, $0x10  }
0x13d: {  	[tilespmem:$0x2830] =	vst v2  }
0x13e: {  	[tilespmem:$0x2A30] =	vst v1  }
0x13f: {  	[tilespmem:s31], [sflag:$0x1] =	stream.indirect.gather [hbm4b:s4+s3], $0x80, s30, s3, $0xb8;
	[tilespmem:$0x1E480] =	vst v63  }
0x140: {  	_ =	swait.ge [sflag:s19], $0x2000  }
0x141: {  	[sflag:s19] =	ssyncset.done $0x0  }
0x142: {  	[sflag:s19] =	ssyncadd.s32 $0xFFFFE000  }
0x143: {  	[spmem:s1] =	stream.indirect.scatter.add.f32 [tilespmem:s14], [sflag:$0x8], $0x80, s20, s3, $0xb8;
	[tilespmem:$0x1E480] =	vst v63  }
0x144: {  	_ =	swait.ge [sflag:s21], $0x2000  }
0x145: {  	[sflag:s21] =	ssyncset.done $0x0  }
0x146: {  	[sflag:s21] =	ssyncadd.s32 $0xFFFFE000  }
0x147: {  	v1 =	vld [tilespmem:s25+$0xFFFFFF50];
	_ =	sdelay $0x4  }
0x148: {  	v2 =	vand.u32 $0xFFFF, v1;
	v1 =	vshrl.u32 v1, $0x10  }
0x149: {  	[tilespmem:$0x2880] =	vst v2  }
0x14a: {  	[tilespmem:$0x2A80] =	vst v1  }
0x14b: {  	v1 =	vld [tilespmem:s25+$0xFFFFFF60];
	_ =	sdelay $0x4  }
0x14c: {  	v2 =	vand.u32 $0xFFFF, v1;
	v1 =	vshrl.u32 v1, $0x10  }
0x14d: {  	[tilespmem:$0x2890] =	vst v2  }
0x14e: {  	[tilespmem:$0x2A90] =	vst v1  }
0x14f: {  	v1 =	vld [tilespmem:s25+$0xFFFFFF70];
	_ =	sdelay $0x4  }
0x150: {  	v2 =	vand.u32 $0xFFFF, v1;
	v1 =	vshrl.u32 v1, $0x10  }
0x151: {  	[tilespmem:$0x28A0] =	vst v2  }
0x152: {  	[tilespmem:$0x2AA0] =	vst v1  }
0x153: {  	v1 =	vld [tilespmem:s25+$0xFFFFFF80];
	_ =	sdelay $0x4  }
0x154: {  	v2 =	vand.u32 $0xFFFF, v1;
	v1 =	vshrl.u32 v1, $0x10  }
0x155: {  	[tilespmem:$0x28B0] =	vst v2  }
0x156: {  	[tilespmem:$0x2AB0] =	vst v1  }
0x157: {  	[tilespmem:s6], [sflag:$0x2] =	stream.indirect.gather [hbm4b:s4+s3], $0x80, s0, s3, $0xb8;
	[tilespmem:$0x1E480] =	vst v63  }
0x158: {  	_ =	swait.ge [sflag:s7], $0x2000  }
0x159: {  	[sflag:s7] =	ssyncset.done $0x0  }
0x15a: {  	[sflag:s7] =	ssyncadd.s32 $0xFFFFE000  }
0x15b: {  	[spmem:s1] =	stream.indirect.scatter.add.f32 [tilespmem:s31], [sflag:$0x5], $0x80, s8, s3, $0xb8;
	[tilespmem:$0x1E480] =	vst v63  }
0x15c: {  	_ =	swait.ge [sflag:s22], $0x2000  }
0x15d: {  	[sflag:s22] =	ssyncset.done $0x0  }
0x15e: {  	[sflag:s22] =	ssyncadd.s32 $0xFFFFE000  }
0x15f: {  	v1 =	vld [tilespmem:s25+$0xFFFFFF90];
	_ =	sdelay $0x4  }
0x160: {  	v2 =	vand.u32 $0xFFFF, v1;
	v1 =	vshrl.u32 v1, $0x10  }
0x161: {  	[tilespmem:$0x2900] =	vst v2  }
0x162: {  	[tilespmem:$0x2B00] =	vst v1  }
0x163: {  	v1 =	vld [tilespmem:s25+$0xFFFFFFA0];
	_ =	sdelay $0x4  }
0x164: {  	v2 =	vand.u32 $0xFFFF, v1;
	v1 =	vshrl.u32 v1, $0x10  }
0x165: {  	[tilespmem:$0x2910] =	vst v2  }
0x166: {  	[tilespmem:$0x2B10] =	vst v1  }
0x167: {  	v1 =	vld [tilespmem:s25+$0xFFFFFFB0];
	_ =	sdelay $0x4  }
0x168: {  	v2 =	vand.u32 $0xFFFF, v1;
	v1 =	vshrl.u32 v1, $0x10  }
0x169: {  	[tilespmem:$0x2920] =	vst v2  }
0x16a: {  	[tilespmem:$0x2B20] =	vst v1  }
0x16b: {  	v1 =	vld [tilespmem:s25+$0xFFFFFFC0];
	_ =	sdelay $0x4  }
0x16c: {  	v2 =	vand.u32 $0xFFFF, v1;
	v1 =	vshrl.u32 v1, $0x10  }
0x16d: {  	[tilespmem:$0x2930] =	vst v2  }
0x16e: {  	[tilespmem:$0x2B30] =	vst v1  }
0x16f: {  	[tilespmem:s10], [sflag:$0x3] =	stream.indirect.gather [hbm4b:s4+s3], $0x80, s9, s3, $0xb8;
	[tilespmem:$0x1E480] =	vst v63  }
0x170: {  	_ =	swait.ge [sflag:s11], $0x2000  }
0x171: {  	[sflag:s11] =	ssyncset.done $0x0  }
0x172: {  	[sflag:s11] =	ssyncadd.s32 $0xFFFFE000  }
0x173: {  	[spmem:s1] =	stream.indirect.scatter.add.f32 [tilespmem:s6], [sflag:$0x6], $0x80, s12, s3, $0xb8;
	[tilespmem:$0x1E480] =	vst v63  }
0x174: {  	_ =	swait.ge [sflag:s23], $0x2000  }
0x175: {  	[sflag:s23] =	ssyncset.done $0x0  }
0x176: {  	[sflag:s23] =	ssyncadd.s32 $0xFFFFE000  }
0x177: {  	v1 =	vld [tilespmem:s25+$0xFFFFFFD0];
	_ =	sdelay $0x4  }
0x178: {  	v2 =	vand.u32 $0xFFFF, v1;
	v1 =	vshrl.u32 v1, $0x10  }
0x179: {  	[tilespmem:$0x2980] =	vst v2  }
0x17a: {  	[tilespmem:$0x2B80] =	vst v1  }
0x17b: {  	v1 =	vld [tilespmem:s25+$0xFFFFFFE0];
	_ =	sdelay $0x3  }
.Ltmp1:
0x17c: {  	(pc) =	sbr.rel @p1 .LBB2_4-.Ltmp1, $4  }
0x17d: {  	v2 =	vand.u32 $0xFFFF, v1;
	v1 =	vshrl.u32 v1, $0x10  }
0x17e: {  	[tilespmem:$0x2990] =	vst v2  }
0x17f: {  	[tilespmem:$0x2B90] =	vst v1  }
0x180: {  	v1 =	vld [tilespmem:s25+$0xFFFFFFF0]  }
0x181: {  	_ =	sdelay $0x3  }
0x182: {  	v2 =	vand.u32 $0xFFFF, v1  }
0x183: {  	v1 =	vshrl.u32 v1, $0x10;
	[tilespmem:$0x29A0] =	vst v2  }
0x184: {  	[tilespmem:$0x2BA0] =	vst v1  }
0x185: {  	v1 =	vld [tilespmem:s25+$0x0];
	_ =	sdelay $0x4  }
0x186: {  	v2 =	vand.u32 $0xFFFF, v1  }
0x187: {  	v1 =	vshrl.u32 v1, $0x10;
	[tilespmem:$0x29B0] =	vst v2  }
0x188: {  	[tilespmem:$0x2BB0] =	vst v1  }
0x189: {  	[tilespmem:s14], [sflag:$0x4] =	stream.indirect.gather [hbm4b:s4+s3], $0x80, s13, s3, $0xb8;
	[tilespmem:$0x1E480] =	vst v63  }
0x18a: {  	_ =	swait.ge [sflag:s16], $0x2000  }
0x18b: {  	[sflag:s16] =	ssyncset.done $0x0  }
0x18c: {  	[sflag:s16] =	ssyncadd.s32 $0xFFFFE000  }
0x18d: {  	[spmem:s1] =	stream.indirect.scatter.add.f32 [tilespmem:s10], [sflag:$0x7], $0x80, s17, s3, $0xb8;
	[tilespmem:$0x1E480] =	vst v63  }
0x18e: {  	_ =	swait.ge [sflag:s19], $0x2000  }
0x18f: {  	[sflag:s19] =	ssyncset.done $0x0  }
0x190: {  	[sflag:s19] =	ssyncadd.s32 $0xFFFFE000  }
0x191: {  	[spmem:s1] =	stream.indirect.scatter.add.f32 [tilespmem:s14], [sflag:$0x8], $0x80, s20, s3, $0xb8;
	[tilespmem:$0x1E480] =	vst v63  }
0x192: {  	_ =	swait.ge [sflag:s18], $0x2000  }
0x193: {  	[sflag:s18] =	ssyncset.done $0x0  }
0x194: {  	[sflag:s18] =	ssyncadd.s32 $0xFFFFE000  }
0x195: {  	_ =	swait.ge [sflag:s21], $0x2000  }
0x196: {  	[sflag:s21] =	ssyncset.done $0x0  }
0x197: {  	[sflag:s21] =	ssyncadd.s32 $0xFFFFE000  }
0x198: {  	_ =	swait.ge [sflag:s22], $0x2000  }
0x199: {  	[sflag:s22] =	ssyncset.done $0x0  }
0x19a: {  	[sflag:s22] =	ssyncadd.s32 $0xFFFFE000  }
0x19b: {  	_ =	swait.ge [sflag:s23], $0x2000  }
0x19c: {  	[sflag:s23] =	ssyncset.done $0x0  }
0x19d: {  	[sflag:s23] =	ssyncadd.s32 $0xFFFFE000  }
0x19e: {  	[bflag:$0x0] =	sbarrier.arrive $0xFFFF  }
0x19f: {  	s26 =	simm.s32 @p0 $0x1FC9;
	s25 =	sshrl.u32 @p0 s15, $0x3;
	s28 =	rddreg [dreg:$0x14]  }
0x1a0: {  	[hbm:s28], [sflag:s26] =	dma.local @p0 [spmem:s25], $0x2800  }
0x1a1: {  	s25 =	simm.s32 @p0 $0x9  }
0x1a2: {  	s26 =	stileid.u32;
	_ =	swait.ge @p0 [sflag:s25], $0x2800  }
0x1a3: {  	s26 =	sshll.u32 @!p0 s26, $0x6;
	[sflag:s25] =	ssyncset.done @p0 $0x0;
	s28 =	rddreg [dreg:$0x12]  }
0x1a4: {  	[sflag:s25] =	ssyncadd.s32 @p0 $0xFFFFD800;
	s25 =	sor.u32 @!p0 $0x1C09, s26;
	s26 =	sshrl.u32 @!p0 s5, $0x3  }
0x1a5: {  	[hbm:s28], [sflag:s25] =	dma.local @!p0 [spmem:s26], $0x2700  }
0x1a6: {  	s25 =	simm.s32 @!p0 $0x9  }
0x1a7: {  	_ =	swait.ge @!p0 [sflag:s25], $0x2700  }
0x1a8: {  	s24 =	sadd.s32 $0x1, s24;
	s28 =	rddreg [dreg:$0x15]  }
0x1a9: {  	p1 =	sne.s32 s24, s28  }
.Ltmp2:
0x1aa: {  	_ = 	snop;
	(pc) =	sbr.rel @p1 .LBB2_1-.Ltmp2, $3  }
0x1ab: {  	_ =	sdelay $0x1  }
0x1ac: {  	[sflag:s25] =	ssyncset.done @!p0 $0x0  }
0x1ad: {  	[sflag:s25] =	ssyncadd.s32 @!p0 $0xFFFFD900  }
0x1ae: {  	_ =	sfence.sel $0x180000  }
0x1af: {  	[bflag:$0x0] =	sbarrier.arrive $0xFFFF  }
0x1b0: {  	_ =	strace $0x9000004A  }
0x1b1: {  	s0 =	stileid.u32;
	[bflag:$0x2] =	sbarrier.arrive $0xFFFF  }
0x1b2: {  	p0 =	sne.s32 s0, $0x0;
	s0 =	rddreg [dreg:$0x2]  }
0x1b3: {  	s0 =	sadd.s32 @!p0 $0x100000, s0  }
0x1b4: {  	[sflag:s0] =	ssyncadd.tile.s32 @!p0 $0x1;
	_ =	shalt  }
.Lfunc_end2:
_tile_overlayer_lowered:
.L_overlay_start_2:
0x1b5: {  	(tag) =	ssettag $0x2  }
0x1b6: {  	s0 =	rddreg [dreg:$0x0];
	s2 =	stileid.u32  }
0x1b7: {  	s1 =	rddreg [dreg:$0x1];
	p0 =	sne.s32 s2, $0x0  }
0x1b8: {  	s3 =	rddreg [dreg:$0x2];
	[bflag:$0x3] =	sbarrier.arrive $0xFFFF;
	s2 =	simm.s32 @!p0 $0x1C09  }
0x1b9: {  	[timem:s3], [sflag:s2] =	dma.local @!p0 [hbm:s0], s1  }
0x1ba: {  	s0 =	simm.s32 @!p0 $0x9  }
0x1bb: {  	_ =	swait.ge @!p0 [sflag:s0], s1  }
0x1bc: {  	s1 =	ssub.s32 @!p0 $0x0, s1;
	[sflag:s0] =	ssyncset.done @!p0 $0x0  }
0x1bd: {  	[sflag:s0] =	ssyncadd.s32 @!p0 s1  }
0x1be: {  	[bflag:$0x3] =	sbarrier.arrive $0xFFFF  }
0x1bf: {  	_ =	shalt  }

</sc_bundles>
